<compile_context>
chip_gen: v7x
topology: tpu7x:2x2x1
jax: 0.10.2.dev20260603
libtpu: 0.0.44.dev20260713+nightly
codegen_flags: <defaults>
</compile_context>

<pallas_src>
import functools

import jax
import jax.numpy as jnp
from jax import lax
from jax.experimental import pallas as pl
from jax.experimental.pallas import tpu as pltpu
from jax.experimental.pallas import tpu_sc as plsc

_BATCH = 4096
_HIST = 50
_EMB = 32
_NW = 32
_BT = _BATCH // _NW
_NBUF = 3


def _make_sc_gather():
    mesh = plsc.VectorSubcoreMesh(core_axis_name="c", subcore_axis_name="s")

    @functools.partial(
        pl.kernel,
        mesh=mesh,
        out_type=jax.ShapeDtypeStruct((_BATCH, _HIST, _EMB), jnp.float32),
        scratch_types=[
            pltpu.VMEM((_HIST, _BT), jnp.int32),
            pltpu.VMEM((_NBUF, _BT, _EMB), jnp.float32),
        ]
        + [pltpu.SemaphoreType.DMA] * (2 * _NBUF),
        compiler_params=pltpu.CompilerParams(
            use_tc_tiling_on_sc=False, needs_layout_passes=False
        ),
    )
    def sc_gather(idx_hbm, tab_hbm, out_hbm, idx_v, rows_v, *sems):
        gsem = sems[:_NBUF]
        wsem = sems[_NBUF:]
        w = lax.axis_index("s") * 2 + lax.axis_index("c")
        pltpu.sync_copy(idx_hbm.at[:, pl.ds(w * _BT, _BT)], idx_v)

        def gather(h):
            pltpu.async_copy(
                tab_hbm.at[idx_v.at[h]], rows_v.at[h % _NBUF], gsem[h % _NBUF]
            )

        def wait_gather(h):
            pltpu.make_async_copy(
                tab_hbm.at[idx_v.at[h]], rows_v.at[h % _NBUF], gsem[h % _NBUF]
            ).wait()

        def write(h):
            pltpu.async_copy(
                rows_v.at[h % _NBUF],
                out_hbm.at[pl.ds(w * _BT, _BT), h],
                wsem[h % _NBUF],
            )

        def wait_write(h):
            pltpu.make_async_copy(
                rows_v.at[h % _NBUF],
                out_hbm.at[pl.ds(w * _BT, _BT), h],
                wsem[h % _NBUF],
            ).wait()

        gather(0)
        gather(1)
        for h in range(_HIST):
            if h + 2 < _HIST:
                if h >= 1:
                    wait_write(h - 1)
                gather(h + 2)
            wait_gather(h)
            write(h)
        wait_write(_HIST - 2)
        wait_write(_HIST - 1)

    return sc_gather


def kernel(x, table):
    idx = x.T.reshape(_HIST, _BATCH).astype(jnp.int32)
    return _make_sc_gather()(idx, table)

# --- scband reference (transcript-rebuilt; emitter-appended) ---
"""Pipeline reference for scband-embedding-11261404250813 (READ-ONLY COPY).

The authoritative reference and input builder live on the scoring server;
editing this copy changes nothing except your own understanding.
"""

import jax, jax.numpy as jnp
import numpy as np

VOCAB = 1000000
EMB_DIM = 32
BATCH = 4096
HIST = 50

def setup_inputs(seed: int = 0) -> dict:
    key = jax.random.key(seed)
    k_idx, k_tab = jax.random.split(key)
    x = jax.random.randint(k_idx, (BATCH, HIST), 0, VOCAB, dtype=jnp.int64 if jax.config.read('jax_enable_x64') else jnp.int32)
    table = jax.random.normal(k_tab, (VOCAB, EMB_DIM), dtype=jnp.float32) * 0.02
    return {"x": x, "table": table}

def reference(x, table):
    # Embedding lookup: gather rows of the table by index.
    return jnp.take(table, x, axis=0)

if __name__ == "__main__":
    import jax
    _d = setup_inputs()
    print(jax.jit(kernel)(*tuple(_d.values())))

</pallas_src>

<mosaic_0001>
#map = affine_map<(d0, d1) -> (0, 0)>
#map1 = affine_map<(d0, d1) -> (0, 0, 0)>
module attributes {stable_mosaic.version = 14 : i64} {
  func.func @sc_gather(%arg0: i32, %arg1: i32, %arg2: memref<50x4096xi32, #tpu.memory_space<hbm>>, %arg3: memref<1000000x32xf32, #tpu.memory_space<hbm>>, %arg4: memref<4096x50x32xf32, #tpu.memory_space<hbm>>, %arg5: memref<50x128xi32, #tpu.memory_space<vmem>>, %arg6: memref<3x128x32xf32, #tpu.memory_space<vmem>>, %arg7: memref<!tpu.dma_semaphore, #tpu.memory_space<semaphore_mem>>, %arg8: memref<!tpu.dma_semaphore, #tpu.memory_space<semaphore_mem>>, %arg9: memref<!tpu.dma_semaphore, #tpu.memory_space<semaphore_mem>>, %arg10: memref<!tpu.dma_semaphore, #tpu.memory_space<semaphore_mem>>, %arg11: memref<!tpu.dma_semaphore, #tpu.memory_space<semaphore_mem>>, %arg12: memref<!tpu.dma_semaphore, #tpu.memory_space<semaphore_mem>>) attributes {dimension_semantics = [#tpu.dimension_semantics<core_parallel>, #tpu.dimension_semantics<subcore_parallel>], iteration_bounds = array<i64: 2, 16>, scalar_prefetch = 0 : i64, scratch_operands = 8 : i64, tpu.core_type = #tpu.core_type<sc_vector_subcore>, window_params = [{transform_indices = #map}, {transform_indices = #map}, {transform_indices = #map1}]} {
    %mul3A = arith.constant 2 : i32
    %mul3A_0 = arith.muli %arg1, %mul3A : i32
    %add3A = arith.addi %mul3A_0, %arg0 : i32
    %mul3A_1 = arith.constant 128 : i32
    %mul3A_2 = arith.muli %add3A, %mul3A_1 : i32
    "tpu.region"() ({
      %run_scoped3A = tpu.sem_alloc : memref<!tpu.dma_semaphore, #tpu.memory_space<semaphore_mem>>
      %dma_start3A_2983 = arith.constant 0 : i32
      %dma_start3A_2984 = tpu.memref_slice %arg2[%dma_start3A_2983, %mul3A_2] : memref<50x4096xi32, #tpu.memory_space<hbm>> -> memref<50x128xi32, #tpu.memory_space<hbm>>
      %dma_start3A_2985 = arith.constant 0 : i32
      %dma_start3A_2986 = tpu.memref_slice %arg2[%dma_start3A_2985, %mul3A_2] : memref<50x4096xi32, #tpu.memory_space<hbm>> -> memref<50x128xi32, #tpu.memory_space<hbm>>
      tpu.enqueue_dma source(%dma_start3A_2986 : memref<50x128xi32, #tpu.memory_space<hbm>>) target(%arg5 : memref<50x128xi32, #tpu.memory_space<vmem>>) target_semaphore(%run_scoped3A : memref<!tpu.dma_semaphore, #tpu.memory_space<semaphore_mem>>)
      %dma_wait3A_2987 = arith.constant 0 : i32
      %dma_wait3A_2988 = tpu.memref_slice %arg2[%dma_wait3A_2987, %mul3A_2] : memref<50x4096xi32, #tpu.memory_space<hbm>> -> memref<50x128xi32, #tpu.memory_space<hbm>>
      %dma_wait3A_2989 = arith.constant 0 : i32
      %dma_wait3A_2990 = tpu.memref_slice %arg2[%dma_wait3A_2989, %mul3A_2] : memref<50x4096xi32, #tpu.memory_space<hbm>> -> memref<50x128xi32, #tpu.memory_space<hbm>>
      tpu.wait_dma2 semaphore(%run_scoped3A : memref<!tpu.dma_semaphore, #tpu.memory_space<semaphore_mem>>) src(%dma_wait3A_2990 : memref<50x128xi32, #tpu.memory_space<hbm>>) dst(%arg5 : memref<50x128xi32, #tpu.memory_space<vmem>>)
      tpu.yield
    }) : () -> ()
    %dma_start3A = arith.constant 0 : i32
    %dma_start3A_3 = arith.constant 0 : i32
    %dma_start3A_4 = arith.constant 0 : i32
    %dma_start3A_5 = arith.constant 0 : i32
    %dma_start3A_6 = tpu.memref_slice %arg6[%dma_start3A_3, %dma_start3A_4, %dma_start3A_5] : memref<3x128x32xf32, #tpu.memory_space<vmem>> -> memref<1x128x32xf32, #tpu.memory_space<vmem>>
    %dma_start3A_7 = tpu.memref_squeeze %dma_start3A_6 : memref<1x128x32xf32, #tpu.memory_space<vmem>> -> memref<128x32xf32, #tpu.memory_space<vmem>>
    %dma_start3A_8 = arith.constant 0 : i32
    %dma_start3A_9 = tpu.memref_slice %arg5[%dma_start3A, %dma_start3A_8] : memref<50x128xi32, #tpu.memory_space<vmem>> -> memref<1x128xi32, #tpu.memory_space<vmem>>
    %dma_start3A_10 = tpu.memref_squeeze %dma_start3A_9 : memref<1x128xi32, #tpu.memory_space<vmem>> -> memref<128xi32, #tpu.memory_space<vmem>>
    %dma_start3A_11 = arith.constant 0 : i32
    %dma_start3A_12 = arith.constant 0 : i32
    %dma_start3A_13 = tpu.memref_slice %arg3[%dma_start3A_11, %dma_start3A_12] : memref<1000000x32xf32, #tpu.memory_space<hbm>> -> memref<1000000x32xf32, #tpu.memory_space<hbm>>
    tpu.enqueue_indirect_dma source(%dma_start3A_13 : memref<1000000x32xf32, #tpu.memory_space<hbm>>) target(%dma_start3A_7 : memref<128x32xf32, #tpu.memory_space<vmem>>) offsets(%dma_start3A_10 : memref<128xi32, #tpu.memory_space<vmem>>) semaphore(%arg7 : memref<!tpu.dma_semaphore, #tpu.memory_space<semaphore_mem>>)
    %dma_start3A_14 = arith.constant 1 : i32
    %dma_start3A_15 = arith.constant 1 : i32
    %dma_start3A_16 = arith.constant 0 : i32
    %dma_start3A_17 = arith.constant 0 : i32
    %dma_start3A_18 = tpu.memref_slice %arg6[%dma_start3A_15, %dma_start3A_16, %dma_start3A_17] : memref<3x128x32xf32, #tpu.memory_space<vmem>> -> memref<1x128x32xf32, #tpu.memory_space<vmem>>
    %dma_start3A_19 = tpu.memref_squeeze %dma_start3A_18 : memref<1x128x32xf32, #tpu.memory_space<vmem>> -> memref<128x32xf32, #tpu.memory_space<vmem>>
    %dma_start3A_20 = arith.constant 0 : i32
    %dma_start3A_21 = tpu.memref_slice %arg5[%dma_start3A_14, %dma_start3A_20] : memref<50x128xi32, #tpu.memory_space<vmem>> -> memref<1x128xi32, #tpu.memory_space<vmem>>
    %dma_start3A_22 = tpu.memref_squeeze %dma_start3A_21 : memref<1x128xi32, #tpu.memory_space<vmem>> -> memref<128xi32, #tpu.memory_space<vmem>>
    %dma_start3A_23 = arith.constant 0 : i32
    %dma_start3A_24 = arith.constant 0 : i32
    %dma_start3A_25 = tpu.memref_slice %arg3[%dma_start3A_23, %dma_start3A_24] : memref<1000000x32xf32, #tpu.memory_space<hbm>> -> memref<1000000x32xf32, #tpu.memory_space<hbm>>
    tpu.enqueue_indirect_dma source(%dma_start3A_25 : memref<1000000x32xf32, #tpu.memory_space<hbm>>) target(%dma_start3A_19 : memref<128x32xf32, #tpu.memory_space<vmem>>) offsets(%dma_start3A_22 : memref<128xi32, #tpu.memory_space<vmem>>) semaphore(%arg8 : memref<!tpu.dma_semaphore, #tpu.memory_space<semaphore_mem>>)
    %dma_start3A_26 = arith.constant 2 : i32
    %dma_start3A_27 = arith.constant 2 : i32
    %dma_start3A_28 = arith.constant 0 : i32
    %dma_start3A_29 = arith.constant 0 : i32
    %dma_start3A_30 = tpu.memref_slice %arg6[%dma_start3A_27, %dma_start3A_28, %dma_start3A_29] : memref<3x128x32xf32, #tpu.memory_space<vmem>> -> memref<1x128x32xf32, #tpu.memory_space<vmem>>
    %dma_start3A_31 = tpu.memref_squeeze %dma_start3A_30 : memref<1x128x32xf32, #tpu.memory_space<vmem>> -> memref<128x32xf32, #tpu.memory_space<vmem>>
    %dma_start3A_32 = arith.constant 0 : i32
    %dma_start3A_33 = tpu.memref_slice %arg5[%dma_start3A_26, %dma_start3A_32] : memref<50x128xi32, #tpu.memory_space<vmem>> -> memref<1x128xi32, #tpu.memory_space<vmem>>
    %dma_start3A_34 = tpu.memref_squeeze %dma_start3A_33 : memref<1x128xi32, #tpu.memory_space<vmem>> -> memref<128xi32, #tpu.memory_space<vmem>>
    %dma_start3A_35 = arith.constant 0 : i32
    %dma_start3A_36 = arith.constant 0 : i32
    %dma_start3A_37 = tpu.memref_slice %arg3[%dma_start3A_35, %dma_start3A_36] : memref<1000000x32xf32, #tpu.memory_space<hbm>> -> memref<1000000x32xf32, #tpu.memory_space<hbm>>
    tpu.enqueue_indirect_dma source(%dma_start3A_37 : memref<1000000x32xf32, #tpu.memory_space<hbm>>) target(%dma_start3A_31 : memref<128x32xf32, #tpu.memory_space<vmem>>) offsets(%dma_start3A_34 : memref<128xi32, #tpu.memory_space<vmem>>) semaphore(%arg9 : memref<!tpu.dma_semaphore, #tpu.memory_space<semaphore_mem>>)
    %dma_wait3A = arith.constant 0 : i32
    %dma_wait3A_38 = arith.constant 0 : i32
    %dma_wait3A_39 = arith.constant 0 : i32
    %dma_wait3A_40 = arith.constant 0 : i32
    %dma_wait3A_41 = tpu.memref_slice %arg6[%dma_wait3A_38, %dma_wait3A_39, %dma_wait3A_40] : memref<3x128x32xf32, #tpu.memory_space<vmem>> -> memref<1x128x32xf32, #tpu.memory_space<vmem>>
    %dma_wait3A_42 = tpu.memref_squeeze %dma_wait3A_41 : memref<1x128x32xf32, #tpu.memory_space<vmem>> -> memref<128x32xf32, #tpu.memory_space<vmem>>
    %dma_wait3A_43 = arith.constant 0 : i32
    %dma_wait3A_44 = tpu.memref_slice %arg5[%dma_wait3A, %dma_wait3A_43] : memref<50x128xi32, #tpu.memory_space<vmem>> -> memref<1x128xi32, #tpu.memory_space<vmem>>
    %dma_wait3A_45 = tpu.memref_squeeze %dma_wait3A_44 : memref<1x128xi32, #tpu.memory_space<vmem>> -> memref<128xi32, #tpu.memory_space<vmem>>
    %dma_wait3A_46 = arith.constant 0 : i32
    %dma_wait3A_47 = arith.constant 0 : i32
    %dma_wait3A_48 = tpu.memref_slice %arg3[%dma_wait3A_46, %dma_wait3A_47] : memref<1000000x32xf32, #tpu.memory_space<hbm>> -> memref<1000000x32xf32, #tpu.memory_space<hbm>>
    tpu.wait_indirect_dma semaphore(%arg7 : memref<!tpu.dma_semaphore, #tpu.memory_space<semaphore_mem>>) src(%dma_wait3A_48 : memref<1000000x32xf32, #tpu.memory_space<hbm>>) dst(%dma_wait3A_42 : memref<128x32xf32, #tpu.memory_space<vmem>>)
    %mul3A_49 = arith.constant 128 : i32
    %mul3A_50 = arith.muli %add3A, %mul3A_49 : i32
    %dma_start3A_51 = arith.constant 0 : i32
    %dma_start3A_52 = arith.constant 0 : i32
    %dma_start3A_53 = arith.constant 0 : i32
    %dma_start3A_54 = arith.constant 0 : i32
    %dma_start3A_55 = tpu.memref_slice %arg6[%dma_start3A_51, %dma_start3A_53, %dma_start3A_54] : memref<3x128x32xf32, #tpu.memory_space<vmem>> -> memref<1x128x32xf32, #tpu.memory_space<vmem>>
    %dma_start3A_56 = tpu.memref_squeeze %dma_start3A_55 : memref<1x128x32xf32, #tpu.memory_space<vmem>> -> memref<128x32xf32, #tpu.memory_space<vmem>>
    %dma_start3A_57 = arith.constant 0 : i32
    %dma_start3A_58 = tpu.memref_slice %arg4[%mul3A_50, %dma_start3A_52, %dma_start3A_57] : memref<4096x50x32xf32, #tpu.memory_space<hbm>> -> memref<128x1x32xf32, #tpu.memory_space<hbm>>
    %dma_start3A_59 = tpu.memref_squeeze %dma_start3A_58 : memref<128x1x32xf32, #tpu.memory_space<hbm>> -> memref<128x32xf32, #tpu.memory_space<hbm>>
    %dma_start3A_60 = arith.constant 0 : i32
    %dma_start3A_61 = tpu.memref_slice %arg4[%mul3A_50, %dma_start3A_52, %dma_start3A_60] : memref<4096x50x32xf32, #tpu.memory_space<hbm>> -> memref<128x1x32xf32, #tpu.memory_space<hbm>>
    %dma_start3A_62 = tpu.memref_squeeze %dma_start3A_61 : memref<128x1x32xf32, #tpu.memory_space<hbm>> -> memref<128x32xf32, #tpu.memory_space<hbm>>
    %dma_start3A_63 = arith.constant 0 : i32
    %dma_start3A_64 = arith.constant 0 : i32
    %dma_start3A_65 = tpu.memref_slice %arg6[%dma_start3A_51, %dma_start3A_63, %dma_start3A_64] : memref<3x128x32xf32, #tpu.memory_space<vmem>> -> memref<1x128x32xf32, #tpu.memory_space<vmem>>
    %dma_start3A_66 = tpu.memref_squeeze %dma_start3A_65 : memref<1x128x32xf32, #tpu.memory_space<vmem>> -> memref<128x32xf32, #tpu.memory_space<vmem>>
    tpu.enqueue_dma source(%dma_start3A_66 : memref<128x32xf32, #tpu.memory_space<vmem>>) target(%dma_start3A_62 : memref<128x32xf32, #tpu.memory_space<hbm>>) target_semaphore(%arg10 : memref<!tpu.dma_semaphore, #tpu.memory_space<semaphore_mem>>)
    %mul3A_67 = arith.constant 128 : i32
    %mul3A_68 = arith.muli %add3A, %mul3A_67 : i32
    %dma_wait3A_69 = arith.constant 0 : i32
    %dma_wait3A_70 = arith.constant 0 : i32
    %dma_wait3A_71 = arith.constant 0 : i32
    %dma_wait3A_72 = arith.constant 0 : i32
    %dma_wait3A_73 = tpu.memref_slice %arg6[%dma_wait3A_69, %dma_wait3A_71, %dma_wait3A_72] : memref<3x128x32xf32, #tpu.memory_space<vmem>> -> memref<1x128x32xf32, #tpu.memory_space<vmem>>
    %dma_wait3A_74 = tpu.memref_squeeze %dma_wait3A_73 : memref<1x128x32xf32, #tpu.memory_space<vmem>> -> memref<128x32xf32, #tpu.memory_space<vmem>>
    %dma_wait3A_75 = arith.constant 0 : i32
    %dma_wait3A_76 = tpu.memref_slice %arg4[%mul3A_68, %dma_wait3A_70, %dma_wait3A_75] : memref<4096x50x32xf32, #tpu.memory_space<hbm>> -> memref<128x1x32xf32, #tpu.memory_space<hbm>>
    %dma_wait3A_77 = tpu.memref_squeeze %dma_wait3A_76 : memref<128x1x32xf32, #tpu.memory_space<hbm>> -> memref<128x32xf32, #tpu.memory_space<hbm>>
    %dma_wait3A_78 = arith.constant 0 : i32
    %dma_wait3A_79 = tpu.memref_slice %arg4[%mul3A_68, %dma_wait3A_70, %dma_wait3A_78] : memref<4096x50x32xf32, #tpu.memory_space<hbm>> -> memref<128x1x32xf32, #tpu.memory_space<hbm>>
    %dma_wait3A_80 = tpu.memref_squeeze %dma_wait3A_79 : memref<128x1x32xf32, #tpu.memory_space<hbm>> -> memref<128x32xf32, #tpu.memory_space<hbm>>
    %dma_wait3A_81 = arith.constant 0 : i32
    %dma_wait3A_82 = arith.constant 0 : i32
    %dma_wait3A_83 = tpu.memref_slice %arg6[%dma_wait3A_69, %dma_wait3A_81, %dma_wait3A_82] : memref<3x128x32xf32, #tpu.memory_space<vmem>> -> memref<1x128x32xf32, #tpu.memory_space<vmem>>
    %dma_wait3A_84 = tpu.memref_squeeze %dma_wait3A_83 : memref<1x128x32xf32, #tpu.memory_space<vmem>> -> memref<128x32xf32, #tpu.memory_space<vmem>>
    tpu.wait_dma2 semaphore(%arg10 : memref<!tpu.dma_semaphore, #tpu.memory_space<semaphore_mem>>) src(%dma_wait3A_84 : memref<128x32xf32, #tpu.memory_space<vmem>>) dst(%dma_wait3A_80 : memref<128x32xf32, #tpu.memory_space<hbm>>)
    %dma_start3A_85 = arith.constant 3 : i32
    %dma_start3A_86 = arith.constant 0 : i32
    %dma_start3A_87 = arith.constant 0 : i32
    %dma_start3A_88 = arith.constant 0 : i32
    %dma_start3A_89 = tpu.memref_slice %arg6[%dma_start3A_86, %dma_start3A_87, %dma_start3A_88] : memref<3x128x32xf32, #tpu.memory_space<vmem>> -> memref<1x128x32xf32, #tpu.memory_space<vmem>>
    %dma_start3A_90 = tpu.memref_squeeze %dma_start3A_89 : memref<1x128x32xf32, #tpu.memory_space<vmem>> -> memref<128x32xf32, #tpu.memory_space<vmem>>
    %dma_start3A_91 = arith.constant 0 : i32
    %dma_start3A_92 = tpu.memref_slice %arg5[%dma_start3A_85, %dma_start3A_91] : memref<50x128xi32, #tpu.memory_space<vmem>> -> memref<1x128xi32, #tpu.memory_space<vmem>>
    %dma_start3A_93 = tpu.memref_squeeze %dma_start3A_92 : memref<1x128xi32, #tpu.memory_space<vmem>> -> memref<128xi32, #tpu.memory_space<vmem>>
    %dma_start3A_94 = arith.constant 0 : i32
    %dma_start3A_95 = arith.constant 0 : i32
    %dma_start3A_96 = tpu.memref_slice %arg3[%dma_start3A_94, %dma_start3A_95] : memref<1000000x32xf32, #tpu.memory_space<hbm>> -> memref<1000000x32xf32, #tpu.memory_space<hbm>>
    tpu.enqueue_indirect_dma source(%dma_start3A_96 : memref<1000000x32xf32, #tpu.memory_space<hbm>>) target(%dma_start3A_90 : memref<128x32xf32, #tpu.memory_space<vmem>>) offsets(%dma_start3A_93 : memref<128xi32, #tpu.memory_space<vmem>>) semaphore(%arg7 : memref<!tpu.dma_semaphore, #tpu.memory_space<semaphore_mem>>)
    %dma_wait3A_97 = arith.constant 1 : i32
    %dma_wait3A_98 = arith.constant 1 : i32
    %dma_wait3A_99 = arith.constant 0 : i32
    %dma_wait3A_100 = arith.constant 0 : i32
    %dma_wait3A_101 = tpu.memref_slice %arg6[%dma_wait3A_98, %dma_wait3A_99, %dma_wait3A_100] : memref<3x128x32xf32, #tpu.memory_space<vmem>> -> memref<1x128x32xf32, #tpu.memory_space<vmem>>
    %dma_wait3A_102 = tpu.memref_squeeze %dma_wait3A_101 : memref<1x128x32xf32, #tpu.memory_space<vmem>> -> memref<128x32xf32, #tpu.memory_space<vmem>>
    %dma_wait3A_103 = arith.constant 0 : i32
    %dma_wait3A_104 = tpu.memref_slice %arg5[%dma_wait3A_97, %dma_wait3A_103] : memref<50x128xi32, #tpu.memory_space<vmem>> -> memref<1x128xi32, #tpu.memory_space<vmem>>
    %dma_wait3A_105 = tpu.memref_squeeze %dma_wait3A_104 : memref<1x128xi32, #tpu.memory_space<vmem>> -> memref<128xi32, #tpu.memory_space<vmem>>
    %dma_wait3A_106 = arith.constant 0 : i32
    %dma_wait3A_107 = arith.constant 0 : i32
    %dma_wait3A_108 = tpu.memref_slice %arg3[%dma_wait3A_106, %dma_wait3A_107] : memref<1000000x32xf32, #tpu.memory_space<hbm>> -> memref<1000000x32xf32, #tpu.memory_space<hbm>>
    tpu.wait_indirect_dma semaphore(%arg8 : memref<!tpu.dma_semaphore, #tpu.memory_space<semaphore_mem>>) src(%dma_wait3A_108 : memref<1000000x32xf32, #tpu.memory_space<hbm>>) dst(%dma_wait3A_102 : memref<128x32xf32, #tpu.memory_space<vmem>>)
    %mul3A_109 = arith.constant 128 : i32
    %mul3A_110 = arith.muli %add3A, %mul3A_109 : i32
    %dma_start3A_111 = arith.constant 1 : i32
    %dma_start3A_112 = arith.constant 1 : i32
    %dma_start3A_113 = arith.constant 0 : i32
    %dma_start3A_114 = arith.constant 0 : i32
    %dma_start3A_115 = tpu.memref_slice %arg6[%dma_start3A_111, %dma_start3A_113, %dma_start3A_114] : memref<3x128x32xf32, #tpu.memory_space<vmem>> -> memref<1x128x32xf32, #tpu.memory_space<vmem>>
    %dma_start3A_116 = tpu.memref_squeeze %dma_start3A_115 : memref<1x128x32xf32, #tpu.memory_space<vmem>> -> memref<128x32xf32, #tpu.memory_space<vmem>>
    %dma_start3A_117 = arith.constant 0 : i32
    %dma_start3A_118 = tpu.memref_slice %arg4[%mul3A_110, %dma_start3A_112, %dma_start3A_117] : memref<4096x50x32xf32, #tpu.memory_space<hbm>> -> memref<128x1x32xf32, #tpu.memory_space<hbm>>
    %dma_start3A_119 = tpu.memref_squeeze %dma_start3A_118 : memref<128x1x32xf32, #tpu.memory_space<hbm>> -> memref<128x32xf32, #tpu.memory_space<hbm>>
    %dma_start3A_120 = arith.constant 0 : i32
    %dma_start3A_121 = tpu.memref_slice %arg4[%mul3A_110, %dma_start3A_112, %dma_start3A_120] : memref<4096x50x32xf32, #tpu.memory_space<hbm>> -> memref<128x1x32xf32, #tpu.memory_space<hbm>>
    %dma_start3A_122 = tpu.memref_squeeze %dma_start3A_121 : memref<128x1x32xf32, #tpu.memory_space<hbm>> -> memref<128x32xf32, #tpu.memory_space<hbm>>
    %dma_start3A_123 = arith.constant 0 : i32
    %dma_start3A_124 = arith.constant 0 : i32
    %dma_start3A_125 = tpu.memref_slice %arg6[%dma_start3A_111, %dma_start3A_123, %dma_start3A_124] : memref<3x128x32xf32, #tpu.memory_space<vmem>> -> memref<1x128x32xf32, #tpu.memory_space<vmem>>
    %dma_start3A_126 = tpu.memref_squeeze %dma_start3A_125 : memref<1x128x32xf32, #tpu.memory_space<vmem>> -> memref<128x32xf32, #tpu.memory_space<vmem>>
    tpu.enqueue_dma source(%dma_start3A_126 : memref<128x32xf32, #tpu.memory_space<vmem>>) target(%dma_start3A_122 : memref<128x32xf32, #tpu.memory_space<hbm>>) target_semaphore(%arg11 : memref<!tpu.dma_semaphore, #tpu.memory_space<semaphore_mem>>)
    %mul3A_127 = arith.constant 128 : i32
    %mul3A_128 = arith.muli %add3A, %mul3A_127 : i32
    %dma_wait3A_129 = arith.constant 1 : i32
    %dma_wait3A_130 = arith.constant 1 : i32
    %dma_wait3A_131 = arith.constant 0 : i32
    %dma_wait3A_132 = arith.constant 0 : i32
    %dma_wait3A_133 = tpu.memref_slice %arg6[%dma_wait3A_129, %dma_wait3A_131, %dma_wait3A_132] : memref<3x128x32xf32, #tpu.memory_space<vmem>> -> memref<1x128x32xf32, #tpu.memory_space<vmem>>
    %dma_wait3A_134 = tpu.memref_squeeze %dma_wait3A_133 : memref<1x128x32xf32, #tpu.memory_space<vmem>> -> memref<128x32xf32, #tpu.memory_space<vmem>>
    %dma_wait3A_135 = arith.constant 0 : i32
    %dma_wait3A_136 = tpu.memref_slice %arg4[%mul3A_128, %dma_wait3A_130, %dma_wait3A_135] : memref<4096x50x32xf32, #tpu.memory_space<hbm>> -> memref<128x1x32xf32, #tpu.memory_space<hbm>>
    %dma_wait3A_137 = tpu.memref_squeeze %dma_wait3A_136 : memref<128x1x32xf32, #tpu.memory_space<hbm>> -> memref<128x32xf32, #tpu.memory_space<hbm>>
    %dma_wait3A_138 = arith.constant 0 : i32
    %dma_wait3A_139 = tpu.memref_slice %arg4[%mul3A_128, %dma_wait3A_130, %dma_wait3A_138] : memref<4096x50x32xf32, #tpu.memory_space<hbm>> -> memref<128x1x32xf32, #tpu.memory_space<hbm>>
    %dma_wait3A_140 = tpu.memref_squeeze %dma_wait3A_139 : memref<128x1x32xf32, #tpu.memory_space<hbm>> -> memref<128x32xf32, #tpu.memory_space<hbm>>
    %dma_wait3A_141 = arith.constant 0 : i32
    %dma_wait3A_142 = arith.constant 0 : i32
    %dma_wait3A_143 = tpu.memref_slice %arg6[%dma_wait3A_129, %dma_wait3A_141, %dma_wait3A_142] : memref<3x128x32xf32, #tpu.memory_space<vmem>> -> memref<1x128x32xf32, #tpu.memory_space<vmem>>
    %dma_wait3A_144 = tpu.memref_squeeze %dma_wait3A_143 : memref<1x128x32xf32, #tpu.memory_space<vmem>> -> memref<128x32xf32, #tpu.memory_space<vmem>>
    tpu.wait_dma2 semaphore(%arg11 : memref<!tpu.dma_semaphore, #tpu.memory_space<semaphore_mem>>) src(%dma_wait3A_144 : memref<128x32xf32, #tpu.memory_space<vmem>>) dst(%dma_wait3A_140 : memref<128x32xf32, #tpu.memory_space<hbm>>)
    %dma_start3A_145 = arith.constant 4 : i32
    %dma_start3A_146 = arith.constant 1 : i32
    %dma_start3A_147 = arith.constant 0 : i32
    %dma_start3A_148 = arith.constant 0 : i32
    %dma_start3A_149 = tpu.memref_slice %arg6[%dma_start3A_146, %dma_start3A_147, %dma_start3A_148] : memref<3x128x32xf32, #tpu.memory_space<vmem>> -> memref<1x128x32xf32, #tpu.memory_space<vmem>>
    %dma_start3A_150 = tpu.memref_squeeze %dma_start3A_149 : memref<1x128x32xf32, #tpu.memory_space<vmem>> -> memref<128x32xf32, #tpu.memory_space<vmem>>
    %dma_start3A_151 = arith.constant 0 : i32
    %dma_start3A_152 = tpu.memref_slice %arg5[%dma_start3A_145, %dma_start3A_151] : memref<50x128xi32, #tpu.memory_space<vmem>> -> memref<1x128xi32, #tpu.memory_space<vmem>>
    %dma_start3A_153 = tpu.memref_squeeze %dma_start3A_152 : memref<1x128xi32, #tpu.memory_space<vmem>> -> memref<128xi32, #tpu.memory_space<vmem>>
    %dma_start3A_154 = arith.constant 0 : i32
    %dma_start3A_155 = arith.constant 0 : i32
    %dma_start3A_156 = tpu.memref_slice %arg3[%dma_start3A_154, %dma_start3A_155] : memref<1000000x32xf32, #tpu.memory_space<hbm>> -> memref<1000000x32xf32, #tpu.memory_space<hbm>>
    tpu.enqueue_indirect_dma source(%dma_start3A_156 : memref<1000000x32xf32, #tpu.memory_space<hbm>>) target(%dma_start3A_150 : memref<128x32xf32, #tpu.memory_space<vmem>>) offsets(%dma_start3A_153 : memref<128xi32, #tpu.memory_space<vmem>>) semaphore(%arg8 : memref<!tpu.dma_semaphore, #tpu.memory_space<semaphore_mem>>)
    %dma_wait3A_157 = arith.constant 2 : i32
    %dma_wait3A_158 = arith.constant 2 : i32
    %dma_wait3A_159 = arith.constant 0 : i32
    %dma_wait3A_160 = arith.constant 0 : i32
    %dma_wait3A_161 = tpu.memref_slice %arg6[%dma_wait3A_158, %dma_wait3A_159, %dma_wait3A_160] : memref<3x128x32xf32, #tpu.memory_space<vmem>> -> memref<1x128x32xf32, #tpu.memory_space<vmem>>
    %dma_wait3A_162 = tpu.memref_squeeze %dma_wait3A_161 : memref<1x128x32xf32, #tpu.memory_space<vmem>> -> memref<128x32xf32, #tpu.memory_space<vmem>>
    %dma_wait3A_163 = arith.constant 0 : i32
    %dma_wait3A_164 = tpu.memref_slice %arg5[%dma_wait3A_157, %dma_wait3A_163] : memref<50x128xi32, #tpu.memory_space<vmem>> -> memref<1x128xi32, #tpu.memory_space<vmem>>
    %dma_wait3A_165 = tpu.memref_squeeze %dma_wait3A_164 : memref<1x128xi32, #tpu.memory_space<vmem>> -> memref<128xi32, #tpu.memory_space<vmem>>
    %dma_wait3A_166 = arith.constant 0 : i32
    %dma_wait3A_167 = arith.constant 0 : i32
    %dma_wait3A_168 = tpu.memref_slice %arg3[%dma_wait3A_166, %dma_wait3A_167] : memref<1000000x32xf32, #tpu.memory_space<hbm>> -> memref<1000000x32xf32, #tpu.memory_space<hbm>>
    tpu.wait_indirect_dma semaphore(%arg9 : memref<!tpu.dma_semaphore, #tpu.memory_space<semaphore_mem>>) src(%dma_wait3A_168 : memref<1000000x32xf32, #tpu.memory_space<hbm>>) dst(%dma_wait3A_162 : memref<128x32xf32, #tpu.memory_space<vmem>>)
    %mul3A_169 = arith.constant 128 : i32
    %mul3A_170 = arith.muli %add3A, %mul3A_169 : i32
    %dma_start3A_171 = arith.constant 2 : i32
    %dma_start3A_172 = arith.constant 2 : i32
    %dma_start3A_173 = arith.constant 0 : i32
    %dma_start3A_174 = arith.constant 0 : i32
    %dma_start3A_175 = tpu.memref_slice %arg6[%dma_start3A_171, %dma_start3A_173, %dma_start3A_174] : memref<3x128x32xf32, #tpu.memory_space<vmem>> -> memref<1x128x32xf32, #tpu.memory_space<vmem>>
    %dma_start3A_176 = tpu.memref_squeeze %dma_start3A_175 : memref<1x128x32xf32, #tpu.memory_space<vmem>> -> memref<128x32xf32, #tpu.memory_space<vmem>>
    %dma_start3A_177 = arith.constant 0 : i32
    %dma_start3A_178 = tpu.memref_slice %arg4[%mul3A_170, %dma_start3A_172, %dma_start3A_177] : memref<4096x50x32xf32, #tpu.memory_space<hbm>> -> memref<128x1x32xf32, #tpu.memory_space<hbm>>
    %dma_start3A_179 = tpu.memref_squeeze %dma_start3A_178 : memref<128x1x32xf32, #tpu.memory_space<hbm>> -> memref<128x32xf32, #tpu.memory_space<hbm>>
    %dma_start3A_180 = arith.constant 0 : i32
    %dma_start3A_181 = tpu.memref_slice %arg4[%mul3A_170, %dma_start3A_172, %dma_start3A_180] : memref<4096x50x32xf32, #tpu.memory_space<hbm>> -> memref<128x1x32xf32, #tpu.memory_space<hbm>>
    %dma_start3A_182 = tpu.memref_squeeze %dma_start3A_181 : memref<128x1x32xf32, #tpu.memory_space<hbm>> -> memref<128x32xf32, #tpu.memory_space<hbm>>
    %dma_start3A_183 = arith.constant 0 : i32
    %dma_start3A_184 = arith.constant 0 : i32
    %dma_start3A_185 = tpu.memref_slice %arg6[%dma_start3A_171, %dma_start3A_183, %dma_start3A_184] : memref<3x128x32xf32, #tpu.memory_space<vmem>> -> memref<1x128x32xf32, #tpu.memory_space<vmem>>
    %dma_start3A_186 = tpu.memref_squeeze %dma_start3A_185 : memref<1x128x32xf32, #tpu.memory_space<vmem>> -> memref<128x32xf32, #tpu.memory_space<vmem>>
    tpu.enqueue_dma source(%dma_start3A_186 : memref<128x32xf32, #tpu.memory_space<vmem>>) target(%dma_start3A_182 : memref<128x32xf32, #tpu.memory_space<hbm>>) target_semaphore(%arg12 : memref<!tpu.dma_semaphore, #tpu.memory_space<semaphore_mem>>)
    %mul3A_187 = arith.constant 128 : i32
    %mul3A_188 = arith.muli %add3A, %mul3A_187 : i32
    %dma_wait3A_189 = arith.constant 2 : i32
    %dma_wait3A_190 = arith.constant 2 : i32
    %dma_wait3A_191 = arith.constant 0 : i32
    %dma_wait3A_192 = arith.constant 0 : i32
    %dma_wait3A_193 = tpu.memref_slice %arg6[%dma_wait3A_189, %dma_wait3A_191, %dma_wait3A_192] : memref<3x128x32xf32, #tpu.memory_space<vmem>> -> memref<1x128x32xf32, #tpu.memory_space<vmem>>
    %dma_wait3A_194 = tpu.memref_squeeze %dma_wait3A_193 : memref<1x128x32xf32, #tpu.memory_space<vmem>> -> memref<128x32xf32, #tpu.memory_space<vmem>>
    %dma_wait3A_195 = arith.constant 0 : i32
    %dma_wait3A_196 = tpu.memref_slice %arg4[%mul3A_188, %dma_wait3A_190, %dma_wait3A_195] : memref<4096x50x32xf32, #tpu.memory_space<hbm>> -> memref<128x1x32xf32, #tpu.memory_space<hbm>>
    %dma_wait3A_197 = tpu.memref_squeeze %dma_wait3A_196 : memref<128x1x32xf32, #tpu.memory_space<hbm>> -> memref<128x32xf32, #tpu.memory_space<hbm>>
    %dma_wait3A_198 = arith.constant 0 : i32
    %dma_wait3A_199 = tpu.memref_slice %arg4[%mul3A_188, %dma_wait3A_190, %dma_wait3A_198] : memref<4096x50x32xf32, #tpu.memory_space<hbm>> -> memref<128x1x32xf32, #tpu.memory_space<hbm>>
    %dma_wait3A_200 = tpu.memref_squeeze %dma_wait3A_199 : memref<128x1x32xf32, #tpu.memory_space<hbm>> -> memref<128x32xf32, #tpu.memory_space<hbm>>
    %dma_wait3A_201 = arith.constant 0 : i32
    %dma_wait3A_202 = arith.constant 0 : i32
    %dma_wait3A_203 = tpu.memref_slice %arg6[%dma_wait3A_189, %dma_wait3A_201, %dma_wait3A_202] : memref<3x128x32xf32, #tpu.memory_space<vmem>> -> memref<1x128x32xf32, #tpu.memory_space<vmem>>
    %dma_wait3A_204 = tpu.memref_squeeze %dma_wait3A_203 : memref<1x128x32xf32, #tpu.memory_space<vmem>> -> memref<128x32xf32, #tpu.memory_space<vmem>>
    tpu.wait_dma2 semaphore(%arg12 : memref<!tpu.dma_semaphore, #tpu.memory_space<semaphore_mem>>) src(%dma_wait3A_204 : memref<128x32xf32, #tpu.memory_space<vmem>>) dst(%dma_wait3A_200 : memref<128x32xf32, #tpu.memory_space<hbm>>)
    %dma_start3A_205 = arith.constant 5 : i32
    %dma_start3A_206 = arith.constant 2 : i32
    %dma_start3A_207 = arith.constant 0 : i32
    %dma_start3A_208 = arith.constant 0 : i32
    %dma_start3A_209 = tpu.memref_slice %arg6[%dma_start3A_206, %dma_start3A_207, %dma_start3A_208] : memref<3x128x32xf32, #tpu.memory_space<vmem>> -> memref<1x128x32xf32, #tpu.memory_space<vmem>>
    %dma_start3A_210 = tpu.memref_squeeze %dma_start3A_209 : memref<1x128x32xf32, #tpu.memory_space<vmem>> -> memref<128x32xf32, #tpu.memory_space<vmem>>
    %dma_start3A_211 = arith.constant 0 : i32
    %dma_start3A_212 = tpu.memref_slice %arg5[%dma_start3A_205, %dma_start3A_211] : memref<50x128xi32, #tpu.memory_space<vmem>> -> memref<1x128xi32, #tpu.memory_space<vmem>>
    %dma_start3A_213 = tpu.memref_squeeze %dma_start3A_212 : memref<1x128xi32, #tpu.memory_space<vmem>> -> memref<128xi32, #tpu.memory_space<vmem>>
    %dma_start3A_214 = arith.constant 0 : i32
    %dma_start3A_215 = arith.constant 0 : i32
    %dma_start3A_216 = tpu.memref_slice %arg3[%dma_start3A_214, %dma_start3A_215] : memref<1000000x32xf32, #tpu.memory_space<hbm>> -> memref<1000000x32xf32, #tpu.memory_space<hbm>>
    tpu.enqueue_indirect_dma source(%dma_start3A_216 : memref<1000000x32xf32, #tpu.memory_space<hbm>>) target(%dma_start3A_210 : memref<128x32xf32, #tpu.memory_space<vmem>>) offsets(%dma_start3A_213 : memref<128xi32, #tpu.memory_space<vmem>>) semaphore(%arg9 : memref<!tpu.dma_semaphore, #tpu.memory_space<semaphore_mem>>)
    %dma_wait3A_217 = arith.constant 3 : i32
    %dma_wait3A_218 = arith.constant 0 : i32
    %dma_wait3A_219 = arith.constant 0 : i32
    %dma_wait3A_220 = arith.constant 0 : i32
    %dma_wait3A_221 = tpu.memref_slice %arg6[%dma_wait3A_218, %dma_wait3A_219, %dma_wait3A_220] : memref<3x128x32xf32, #tpu.memory_space<vmem>> -> memref<1x128x32xf32, #tpu.memory_space<vmem>>
    %dma_wait3A_222 = tpu.memref_squeeze %dma_wait3A_221 : memref<1x128x32xf32, #tpu.memory_space<vmem>> -> memref<128x32xf32, #tpu.memory_space<vmem>>
    %dma_wait3A_223 = arith.constant 0 : i32
    %dma_wait3A_224 = tpu.memref_slice %arg5[%dma_wait3A_217, %dma_wait3A_223] : memref<50x128xi32, #tpu.memory_space<vmem>> -> memref<1x128xi32, #tpu.memory_space<vmem>>
    %dma_wait3A_225 = tpu.memref_squeeze %dma_wait3A_224 : memref<1x128xi32, #tpu.memory_space<vmem>> -> memref<128xi32, #tpu.memory_space<vmem>>
    %dma_wait3A_226 = arith.constant 0 : i32
    %dma_wait3A_227 = arith.constant 0 : i32
    %dma_wait3A_228 = tpu.memref_slice %arg3[%dma_wait3A_226, %dma_wait3A_227] : memref<1000000x32xf32, #tpu.memory_space<hbm>> -> memref<1000000x32xf32, #tpu.memory_space<hbm>>
    tpu.wait_indirect_dma semaphore(%arg7 : memref<!tpu.dma_semaphore, #tpu.memory_space<semaphore_mem>>) src(%dma_wait3A_228 : memref<1000000x32xf32, #tpu.memory_space<hbm>>) dst(%dma_wait3A_222 : memref<128x32xf32, #tpu.memory_space<vmem>>)
    %mul3A_229 = arith.constant 128 : i32
    %mul3A_230 = arith.muli %add3A, %mul3A_229 : i32
    %dma_start3A_231 = arith.constant 0 : i32
    %dma_start3A_232 = arith.constant 3 : i32
    %dma_start3A_233 = arith.constant 0 : i32
    %dma_start3A_234 = arith.constant 0 : i32
    %dma_start3A_235 = tpu.memref_slice %arg6[%dma_start3A_231, %dma_start3A_233, %dma_start3A_234] : memref<3x128x32xf32, #tpu.memory_space<vmem>> -> memref<1x128x32xf32, #tpu.memory_space<vmem>>
    %dma_start3A_236 = tpu.memref_squeeze %dma_start3A_235 : memref<1x128x32xf32, #tpu.memory_space<vmem>> -> memref<128x32xf32, #tpu.memory_space<vmem>>
    %dma_start3A_237 = arith.constant 0 : i32
    %dma_start3A_238 = tpu.memref_slice %arg4[%mul3A_230, %dma_start3A_232, %dma_start3A_237] : memref<4096x50x32xf32, #tpu.memory_space<hbm>> -> memref<128x1x32xf32, #tpu.memory_space<hbm>>
    %dma_start3A_239 = tpu.memref_squeeze %dma_start3A_238 : memref<128x1x32xf32, #tpu.memory_space<hbm>> -> memref<128x32xf32, #tpu.memory_space<hbm>>
    %dma_start3A_240 = arith.constant 0 : i32
    %dma_start3A_241 = tpu.memref_slice %arg4[%mul3A_230, %dma_start3A_232, %dma_start3A_240] : memref<4096x50x32xf32, #tpu.memory_space<hbm>> -> memref<128x1x32xf32, #tpu.memory_space<hbm>>
    %dma_start3A_242 = tpu.memref_squeeze %dma_start3A_241 : memref<128x1x32xf32, #tpu.memory_space<hbm>> -> memref<128x32xf32, #tpu.memory_space<hbm>>
    %dma_start3A_243 = arith.constant 0 : i32
    %dma_start3A_244 = arith.constant 0 : i32
    %dma_start3A_245 = tpu.memref_slice %arg6[%dma_start3A_231, %dma_start3A_243, %dma_start3A_244] : memref<3x128x32xf32, #tpu.memory_space<vmem>> -> memref<1x128x32xf32, #tpu.memory_space<vmem>>
    %dma_start3A_246 = tpu.memref_squeeze %dma_start3A_245 : memref<1x128x32xf32, #tpu.memory_space<vmem>> -> memref<128x32xf32, #tpu.memory_space<vmem>>
    tpu.enqueue_dma source(%dma_start3A_246 : memref<128x32xf32, #tpu.memory_space<vmem>>) target(%dma_start3A_242 : memref<128x32xf32, #tpu.memory_space<hbm>>) target_semaphore(%arg10 : memref<!tpu.dma_semaphore, #tpu.memory_space<semaphore_mem>>)
    %mul3A_247 = arith.constant 128 : i32
    %mul3A_248 = arith.muli %add3A, %mul3A_247 : i32
    %dma_wait3A_249 = arith.constant 0 : i32
    %dma_wait3A_250 = arith.constant 3 : i32
    %dma_wait3A_251 = arith.constant 0 : i32
    %dma_wait3A_252 = arith.constant 0 : i32
    %dma_wait3A_253 = tpu.memref_slice %arg6[%dma_wait3A_249, %dma_wait3A_251, %dma_wait3A_252] : memref<3x128x32xf32, #tpu.memory_space<vmem>> -> memref<1x128x32xf32, #tpu.memory_space<vmem>>
    %dma_wait3A_254 = tpu.memref_squeeze %dma_wait3A_253 : memref<1x128x32xf32, #tpu.memory_space<vmem>> -> memref<128x32xf32, #tpu.memory_space<vmem>>
    %dma_wait3A_255 = arith.constant 0 : i32
    %dma_wait3A_256 = tpu.memref_slice %arg4[%mul3A_248, %dma_wait3A_250, %dma_wait3A_255] : memref<4096x50x32xf32, #tpu.memory_space<hbm>> -> memref<128x1x32xf32, #tpu.memory_space<hbm>>
    %dma_wait3A_257 = tpu.memref_squeeze %dma_wait3A_256 : memref<128x1x32xf32, #tpu.memory_space<hbm>> -> memref<128x32xf32, #tpu.memory_space<hbm>>
    %dma_wait3A_258 = arith.constant 0 : i32
    %dma_wait3A_259 = tpu.memref_slice %arg4[%mul3A_248, %dma_wait3A_250, %dma_wait3A_258] : memref<4096x50x32xf32, #tpu.memory_space<hbm>> -> memref<128x1x32xf32, #tpu.memory_space<hbm>>
    %dma_wait3A_260 = tpu.memref_squeeze %dma_wait3A_259 : memref<128x1x32xf32, #tpu.memory_space<hbm>> -> memref<128x32xf32, #tpu.memory_space<hbm>>
    %dma_wait3A_261 = arith.constant 0 : i32
    %dma_wait3A_262 = arith.constant 0 : i32
    %dma_wait3A_263 = tpu.memref_slice %arg6[%dma_wait3A_249, %dma_wait3A_261, %dma_wait3A_262] : memref<3x128x32xf32, #tpu.memory_space<vmem>> -> memref<1x128x32xf32, #tpu.memory_space<vmem>>
    %dma_wait3A_264 = tpu.memref_squeeze %dma_wait3A_263 : memref<1x128x32xf32, #tpu.memory_space<vmem>> -> memref<128x32xf32, #tpu.memory_space<vmem>>
    tpu.wait_dma2 semaphore(%arg10 : memref<!tpu.dma_semaphore, #tpu.memory_space<semaphore_mem>>) src(%dma_wait3A_264 : memref<128x32xf32, #tpu.memory_space<vmem>>) dst(%dma_wait3A_260 : memref<128x32xf32, #tpu.memory_space<hbm>>)
    %dma_start3A_265 = arith.constant 6 : i32
    %dma_start3A_266 = arith.constant 0 : i32
    %dma_start3A_267 = arith.constant 0 : i32
    %dma_start3A_268 = arith.constant 0 : i32
    %dma_start3A_269 = tpu.memref_slice %arg6[%dma_start3A_266, %dma_start3A_267, %dma_start3A_268] : memref<3x128x32xf32, #tpu.memory_space<vmem>> -> memref<1x128x32xf32, #tpu.memory_space<vmem>>
    %dma_start3A_270 = tpu.memref_squeeze %dma_start3A_269 : memref<1x128x32xf32, #tpu.memory_space<vmem>> -> memref<128x32xf32, #tpu.memory_space<vmem>>
    %dma_start3A_271 = arith.constant 0 : i32
    %dma_start3A_272 = tpu.memref_slice %arg5[%dma_start3A_265, %dma_start3A_271] : memref<50x128xi32, #tpu.memory_space<vmem>> -> memref<1x128xi32, #tpu.memory_space<vmem>>
    %dma_start3A_273 = tpu.memref_squeeze %dma_start3A_272 : memref<1x128xi32, #tpu.memory_space<vmem>> -> memref<128xi32, #tpu.memory_space<vmem>>
    %dma_start3A_274 = arith.constant 0 : i32
    %dma_start3A_275 = arith.constant 0 : i32
    %dma_start3A_276 = tpu.memref_slice %arg3[%dma_start3A_274, %dma_start3A_275] : memref<1000000x32xf32, #tpu.memory_space<hbm>> -> memref<1000000x32xf32, #tpu.memory_space<hbm>>
    tpu.enqueue_indirect_dma source(%dma_start3A_276 : memref<1000000x32xf32, #tpu.memory_space<hbm>>) target(%dma_start3A_270 : memref<128x32xf32, #tpu.memory_space<vmem>>) offsets(%dma_start3A_273 : memref<128xi32, #tpu.memory_space<vmem>>) semaphore(%arg7 : memref<!tpu.dma_semaphore, #tpu.memory_space<semaphore_mem>>)
    %dma_wait3A_277 = arith.constant 4 : i32
    %dma_wait3A_278 = arith.constant 1 : i32
    %dma_wait3A_279 = arith.constant 0 : i32
    %dma_wait3A_280 = arith.constant 0 : i32
    %dma_wait3A_281 = tpu.memref_slice %arg6[%dma_wait3A_278, %dma_wait3A_279, %dma_wait3A_280] : memref<3x128x32xf32, #tpu.memory_space<vmem>> -> memref<1x128x32xf32, #tpu.memory_space<vmem>>
    %dma_wait3A_282 = tpu.memref_squeeze %dma_wait3A_281 : memref<1x128x32xf32, #tpu.memory_space<vmem>> -> memref<128x32xf32, #tpu.memory_space<vmem>>
    %dma_wait3A_283 = arith.constant 0 : i32
    %dma_wait3A_284 = tpu.memref_slice %arg5[%dma_wait3A_277, %dma_wait3A_283] : memref<50x128xi32, #tpu.memory_space<vmem>> -> memref<1x128xi32, #tpu.memory_space<vmem>>
    %dma_wait3A_285 = tpu.memref_squeeze %dma_wait3A_284 : memref<1x128xi32, #tpu.memory_space<vmem>> -> memref<128xi32, #tpu.memory_space<vmem>>
    %dma_wait3A_286 = arith.constant 0 : i32
    %dma_wait3A_287 = arith.constant 0 : i32
    %dma_wait3A_288 = tpu.memref_slice %arg3[%dma_wait3A_286, %dma_wait3A_287] : memref<1000000x32xf32, #tpu.memory_space<hbm>> -> memref<1000000x32xf32, #tpu.memory_space<hbm>>
    tpu.wait_indirect_dma semaphore(%arg8 : memref<!tpu.dma_semaphore, #tpu.memory_space<semaphore_mem>>) src(%dma_wait3A_288 : memref<1000000x32xf32, #tpu.memory_space<hbm>>) dst(%dma_wait3A_282 : memref<128x32xf32, #tpu.memory_space<vmem>>)
    %mul3A_289 = arith.constant 128 : i32
    %mul3A_290 = arith.muli %add3A, %mul3A_289 : i32
    %dma_start3A_291 = arith.constant 1 : i32
    %dma_start3A_292 = arith.constant 4 : i32
    %dma_start3A_293 = arith.constant 0 : i32
    %dma_start3A_294 = arith.constant 0 : i32
    %dma_start3A_295 = tpu.memref_slice %arg6[%dma_start3A_291, %dma_start3A_293, %dma_start3A_294] : memref<3x128x32xf32, #tpu.memory_space<vmem>> -> memref<1x128x32xf32, #tpu.memory_space<vmem>>
    %dma_start3A_296 = tpu.memref_squeeze %dma_start3A_295 : memref<1x128x32xf32, #tpu.memory_space<vmem>> -> memref<128x32xf32, #tpu.memory_space<vmem>>
    %dma_start3A_297 = arith.constant 0 : i32
    %dma_start3A_298 = tpu.memref_slice %arg4[%mul3A_290, %dma_start3A_292, %dma_start3A_297] : memref<4096x50x32xf32, #tpu.memory_space<hbm>> -> memref<128x1x32xf32, #tpu.memory_space<hbm>>
    %dma_start3A_299 = tpu.memref_squeeze %dma_start3A_298 : memref<128x1x32xf32, #tpu.memory_space<hbm>> -> memref<128x32xf32, #tpu.memory_space<hbm>>
    %dma_start3A_300 = arith.constant 0 : i32
    %dma_start3A_301 = tpu.memref_slice %arg4[%mul3A_290, %dma_start3A_292, %dma_start3A_300] : memref<4096x50x32xf32, #tpu.memory_space<hbm>> -> memref<128x1x32xf32, #tpu.memory_space<hbm>>
    %dma_start3A_302 = tpu.memref_squeeze %dma_start3A_301 : memref<128x1x32xf32, #tpu.memory_space<hbm>> -> memref<128x32xf32, #tpu.memory_space<hbm>>
    %dma_start3A_303 = arith.constant 0 : i32
    %dma_start3A_304 = arith.constant 0 : i32
    %dma_start3A_305 = tpu.memref_slice %arg6[%dma_start3A_291, %dma_start3A_303, %dma_start3A_304] : memref<3x128x32xf32, #tpu.memory_space<vmem>> -> memref<1x128x32xf32, #tpu.memory_space<vmem>>
    %dma_start3A_306 = tpu.memref_squeeze %dma_start3A_305 : memref<1x128x32xf32, #tpu.memory_space<vmem>> -> memref<128x32xf32, #tpu.memory_space<vmem>>
    tpu.enqueue_dma source(%dma_start3A_306 : memref<128x32xf32, #tpu.memory_space<vmem>>) target(%dma_start3A_302 : memref<128x32xf32, #tpu.memory_space<hbm>>) target_semaphore(%arg11 : memref<!tpu.dma_semaphore, #tpu.memory_space<semaphore_mem>>)
    %mul3A_307 = arith.constant 128 : i32
    %mul3A_308 = arith.muli %add3A, %mul3A_307 : i32
    %dma_wait3A_309 = arith.constant 1 : i32
    %dma_wait3A_310 = arith.constant 4 : i32
    %dma_wait3A_311 = arith.constant 0 : i32
    %dma_wait3A_312 = arith.constant 0 : i32
    %dma_wait3A_313 = tpu.memref_slice %arg6[%dma_wait3A_309, %dma_wait3A_311, %dma_wait3A_312] : memref<3x128x32xf32, #tpu.memory_space<vmem>> -> memref<1x128x32xf32, #tpu.memory_space<vmem>>
    %dma_wait3A_314 = tpu.memref_squeeze %dma_wait3A_313 : memref<1x128x32xf32, #tpu.memory_space<vmem>> -> memref<128x32xf32, #tpu.memory_space<vmem>>
    %dma_wait3A_315 = arith.constant 0 : i32
    %dma_wait3A_316 = tpu.memref_slice %arg4[%mul3A_308, %dma_wait3A_310, %dma_wait3A_315] : memref<4096x50x32xf32, #tpu.memory_space<hbm>> -> memref<128x1x32xf32, #tpu.memory_space<hbm>>
    %dma_wait3A_317 = tpu.memref_squeeze %dma_wait3A_316 : memref<128x1x32xf32, #tpu.memory_space<hbm>> -> memref<128x32xf32, #tpu.memory_space<hbm>>
    %dma_wait3A_318 = arith.constant 0 : i32
    %dma_wait3A_319 = tpu.memref_slice %arg4[%mul3A_308, %dma_wait3A_310, %dma_wait3A_318] : memref<4096x50x32xf32, #tpu.memory_space<hbm>> -> memref<128x1x32xf32, #tpu.memory_space<hbm>>
    %dma_wait3A_320 = tpu.memref_squeeze %dma_wait3A_319 : memref<128x1x32xf32, #tpu.memory_space<hbm>> -> memref<128x32xf32, #tpu.memory_space<hbm>>
    %dma_wait3A_321 = arith.constant 0 : i32
    %dma_wait3A_322 = arith.constant 0 : i32
    %dma_wait3A_323 = tpu.memref_slice %arg6[%dma_wait3A_309, %dma_wait3A_321, %dma_wait3A_322] : memref<3x128x32xf32, #tpu.memory_space<vmem>> -> memref<1x128x32xf32, #tpu.memory_space<vmem>>
    %dma_wait3A_324 = tpu.memref_squeeze %dma_wait3A_323 : memref<1x128x32xf32, #tpu.memory_space<vmem>> -> memref<128x32xf32, #tpu.memory_space<vmem>>
    tpu.wait_dma2 semaphore(%arg11 : memref<!tpu.dma_semaphore, #tpu.memory_space<semaphore_mem>>) src(%dma_wait3A_324 : memref<128x32xf32, #tpu.memory_space<vmem>>) dst(%dma_wait3A_320 : memref<128x32xf32, #tpu.memory_space<hbm>>)
    %dma_start3A_325 = arith.constant 7 : i32
    %dma_start3A_326 = arith.constant 1 : i32
    %dma_start3A_327 = arith.constant 0 : i32
    %dma_start3A_328 = arith.constant 0 : i32
    %dma_start3A_329 = tpu.memref_slice %arg6[%dma_start3A_326, %dma_start3A_327, %dma_start3A_328] : memref<3x128x32xf32, #tpu.memory_space<vmem>> -> memref<1x128x32xf32, #tpu.memory_space<vmem>>
    %dma_start3A_330 = tpu.memref_squeeze %dma_start3A_329 : memref<1x128x32xf32, #tpu.memory_space<vmem>> -> memref<128x32xf32, #tpu.memory_space<vmem>>
    %dma_start3A_331 = arith.constant 0 : i32
    %dma_start3A_332 = tpu.memref_slice %arg5[%dma_start3A_325, %dma_start3A_331] : memref<50x128xi32, #tpu.memory_space<vmem>> -> memref<1x128xi32, #tpu.memory_space<vmem>>
    %dma_start3A_333 = tpu.memref_squeeze %dma_start3A_332 : memref<1x128xi32, #tpu.memory_space<vmem>> -> memref<128xi32, #tpu.memory_space<vmem>>
    %dma_start3A_334 = arith.constant 0 : i32
    %dma_start3A_335 = arith.constant 0 : i32
    %dma_start3A_336 = tpu.memref_slice %arg3[%dma_start3A_334, %dma_start3A_335] : memref<1000000x32xf32, #tpu.memory_space<hbm>> -> memref<1000000x32xf32, #tpu.memory_space<hbm>>
    tpu.enqueue_indirect_dma source(%dma_start3A_336 : memref<1000000x32xf32, #tpu.memory_space<hbm>>) target(%dma_start3A_330 : memref<128x32xf32, #tpu.memory_space<vmem>>) offsets(%dma_start3A_333 : memref<128xi32, #tpu.memory_space<vmem>>) semaphore(%arg8 : memref<!tpu.dma_semaphore, #tpu.memory_space<semaphore_mem>>)
    %dma_wait3A_337 = arith.constant 5 : i32
    %dma_wait3A_338 = arith.constant 2 : i32
    %dma_wait3A_339 = arith.constant 0 : i32
    %dma_wait3A_340 = arith.constant 0 : i32
    %dma_wait3A_341 = tpu.memref_slice %arg6[%dma_wait3A_338, %dma_wait3A_339, %dma_wait3A_340] : memref<3x128x32xf32, #tpu.memory_space<vmem>> -> memref<1x128x32xf32, #tpu.memory_space<vmem>>
    %dma_wait3A_342 = tpu.memref_squeeze %dma_wait3A_341 : memref<1x128x32xf32, #tpu.memory_space<vmem>> -> memref<128x32xf32, #tpu.memory_space<vmem>>
    %dma_wait3A_343 = arith.constant 0 : i32
    %dma_wait3A_344 = tpu.memref_slice %arg5[%dma_wait3A_337, %dma_wait3A_343] : memref<50x128xi32, #tpu.memory_space<vmem>> -> memref<1x128xi32, #tpu.memory_space<vmem>>
    %dma_wait3A_345 = tpu.memref_squeeze %dma_wait3A_344 : memref<1x128xi32, #tpu.memory_space<vmem>> -> memref<128xi32, #tpu.memory_space<vmem>>
    %dma_wait3A_346 = arith.constant 0 : i32
    %dma_wait3A_347 = arith.constant 0 : i32
    %dma_wait3A_348 = tpu.memref_slice %arg3[%dma_wait3A_346, %dma_wait3A_347] : memref<1000000x32xf32, #tpu.memory_space<hbm>> -> memref<1000000x32xf32, #tpu.memory_space<hbm>>
    tpu.wait_indirect_dma semaphore(%arg9 : memref<!tpu.dma_semaphore, #tpu.memory_space<semaphore_mem>>) src(%dma_wait3A_348 : memref<1000000x32xf32, #tpu.memory_space<hbm>>) dst(%dma_wait3A_342 : memref<128x32xf32, #tpu.memory_space<vmem>>)
    %mul3A_349 = arith.constant 128 : i32
    %mul3A_350 = arith.muli %add3A, %mul3A_349 : i32
    %dma_start3A_351 = arith.constant 2 : i32
    %dma_start3A_352 = arith.constant 5 : i32
    %dma_start3A_353 = arith.constant 0 : i32
    %dma_start3A_354 = arith.constant 0 : i32
    %dma_start3A_355 = tpu.memref_slice %arg6[%dma_start3A_351, %dma_start3A_353, %dma_start3A_354] : memref<3x128x32xf32, #tpu.memory_space<vmem>> -> memref<1x128x32xf32, #tpu.memory_space<vmem>>
    %dma_start3A_356 = tpu.memref_squeeze %dma_start3A_355 : memref<1x128x32xf32, #tpu.memory_space<vmem>> -> memref<128x32xf32, #tpu.memory_space<vmem>>
    %dma_start3A_357 = arith.constant 0 : i32
    %dma_start3A_358 = tpu.memref_slice %arg4[%mul3A_350, %dma_start3A_352, %dma_start3A_357] : memref<4096x50x32xf32, #tpu.memory_space<hbm>> -> memref<128x1x32xf32, #tpu.memory_space<hbm>>
    %dma_start3A_359 = tpu.memref_squeeze %dma_start3A_358 : memref<128x1x32xf32, #tpu.memory_space<hbm>> -> memref<128x32xf32, #tpu.memory_space<hbm>>
    %dma_start3A_360 = arith.constant 0 : i32
    %dma_start3A_361 = tpu.memref_slice %arg4[%mul3A_350, %dma_start3A_352, %dma_start3A_360] : memref<4096x50x32xf32, #tpu.memory_space<hbm>> -> memref<128x1x32xf32, #tpu.memory_space<hbm>>
    %dma_start3A_362 = tpu.memref_squeeze %dma_start3A_361 : memref<128x1x32xf32, #tpu.memory_space<hbm>> -> memref<128x32xf32, #tpu.memory_space<hbm>>
    %dma_start3A_363 = arith.constant 0 : i32
    %dma_start3A_364 = arith.constant 0 : i32
    %dma_start3A_365 = tpu.memref_slice %arg6[%dma_start3A_351, %dma_start3A_363, %dma_start3A_364] : memref<3x128x32xf32, #tpu.memory_space<vmem>> -> memref<1x128x32xf32, #tpu.memory_space<vmem>>
    %dma_start3A_366 = tpu.memref_squeeze %dma_start3A_365 : memref<1x128x32xf32, #tpu.memory_space<vmem>> -> memref<128x32xf32, #tpu.memory_space<vmem>>
    tpu.enqueue_dma source(%dma_start3A_366 : memref<128x32xf32, #tpu.memory_space<vmem>>) target(%dma_start3A_362 : memref<128x32xf32, #tpu.memory_space<hbm>>) target_semaphore(%arg12 : memref<!tpu.dma_semaphore, #tpu.memory_space<semaphore_mem>>)
    %mul3A_367 = arith.constant 128 : i32
    %mul3A_368 = arith.muli %add3A, %mul3A_367 : i32
    %dma_wait3A_369 = arith.constant 2 : i32
    %dma_wait3A_370 = arith.constant 5 : i32
    %dma_wait3A_371 = arith.constant 0 : i32
    %dma_wait3A_372 = arith.constant 0 : i32
    %dma_wait3A_373 = tpu.memref_slice %arg6[%dma_wait3A_369, %dma_wait3A_371, %dma_wait3A_372] : memref<3x128x32xf32, #tpu.memory_space<vmem>> -> memref<1x128x32xf32, #tpu.memory_space<vmem>>
    %dma_wait3A_374 = tpu.memref_squeeze %dma_wait3A_373 : memref<1x128x32xf32, #tpu.memory_space<vmem>> -> memref<128x32xf32, #tpu.memory_space<vmem>>
    %dma_wait3A_375 = arith.constant 0 : i32
    %dma_wait3A_376 = tpu.memref_slice %arg4[%mul3A_368, %dma_wait3A_370, %dma_wait3A_375] : memref<4096x50x32xf32, #tpu.memory_space<hbm>> -> memref<128x1x32xf32, #tpu.memory_space<hbm>>
    %dma_wait3A_377 = tpu.memref_squeeze %dma_wait3A_376 : memref<128x1x32xf32, #tpu.memory_space<hbm>> -> memref<128x32xf32, #tpu.memory_space<hbm>>
    %dma_wait3A_378 = arith.constant 0 : i32
    %dma_wait3A_379 = tpu.memref_slice %arg4[%mul3A_368, %dma_wait3A_370, %dma_wait3A_378] : memref<4096x50x32xf32, #tpu.memory_space<hbm>> -> memref<128x1x32xf32, #tpu.memory_space<hbm>>
    %dma_wait3A_380 = tpu.memref_squeeze %dma_wait3A_379 : memref<128x1x32xf32, #tpu.memory_space<hbm>> -> memref<128x32xf32, #tpu.memory_space<hbm>>
    %dma_wait3A_381 = arith.constant 0 : i32
    %dma_wait3A_382 = arith.constant 0 : i32
    %dma_wait3A_383 = tpu.memref_slice %arg6[%dma_wait3A_369, %dma_wait3A_381, %dma_wait3A_382] : memref<3x128x32xf32, #tpu.memory_space<vmem>> -> memref<1x128x32xf32, #tpu.memory_space<vmem>>
    %dma_wait3A_384 = tpu.memref_squeeze %dma_wait3A_383 : memref<1x128x32xf32, #tpu.memory_space<vmem>> -> memref<128x32xf32, #tpu.memory_space<vmem>>
    tpu.wait_dma2 semaphore(%arg12 : memref<!tpu.dma_semaphore, #tpu.memory_space<semaphore_mem>>) src(%dma_wait3A_384 : memref<128x32xf32, #tpu.memory_space<vmem>>) dst(%dma_wait3A_380 : memref<128x32xf32, #tpu.memory_space<hbm>>)
    %dma_start3A_385 = arith.constant 8 : i32
    %dma_start3A_386 = arith.constant 2 : i32
    %dma_start3A_387 = arith.constant 0 : i32
    %dma_start3A_388 = arith.constant 0 : i32
    %dma_start3A_389 = tpu.memref_slice %arg6[%dma_start3A_386, %dma_start3A_387, %dma_start3A_388] : memref<3x128x32xf32, #tpu.memory_space<vmem>> -> memref<1x128x32xf32, #tpu.memory_space<vmem>>
    %dma_start3A_390 = tpu.memref_squeeze %dma_start3A_389 : memref<1x128x32xf32, #tpu.memory_space<vmem>> -> memref<128x32xf32, #tpu.memory_space<vmem>>
    %dma_start3A_391 = arith.constant 0 : i32
    %dma_start3A_392 = tpu.memref_slice %arg5[%dma_start3A_385, %dma_start3A_391] : memref<50x128xi32, #tpu.memory_space<vmem>> -> memref<1x128xi32, #tpu.memory_space<vmem>>
    %dma_start3A_393 = tpu.memref_squeeze %dma_start3A_392 : memref<1x128xi32, #tpu.memory_space<vmem>> -> memref<128xi32, #tpu.memory_space<vmem>>
    %dma_start3A_394 = arith.constant 0 : i32
    %dma_start3A_395 = arith.constant 0 : i32
    %dma_start3A_396 = tpu.memref_slice %arg3[%dma_start3A_394, %dma_start3A_395] : memref<1000000x32xf32, #tpu.memory_space<hbm>> -> memref<1000000x32xf32, #tpu.memory_space<hbm>>
    tpu.enqueue_indirect_dma source(%dma_start3A_396 : memref<1000000x32xf32, #tpu.memory_space<hbm>>) target(%dma_start3A_390 : memref<128x32xf32, #tpu.memory_space<vmem>>) offsets(%dma_start3A_393 : memref<128xi32, #tpu.memory_space<vmem>>) semaphore(%arg9 : memref<!tpu.dma_semaphore, #tpu.memory_space<semaphore_mem>>)
    %dma_wait3A_397 = arith.constant 6 : i32
    %dma_wait3A_398 = arith.constant 0 : i32
    %dma_wait3A_399 = arith.constant 0 : i32
    %dma_wait3A_400 = arith.constant 0 : i32
    %dma_wait3A_401 = tpu.memref_slice %arg6[%dma_wait3A_398, %dma_wait3A_399, %dma_wait3A_400] : memref<3x128x32xf32, #tpu.memory_space<vmem>> -> memref<1x128x32xf32, #tpu.memory_space<vmem>>
    %dma_wait3A_402 = tpu.memref_squeeze %dma_wait3A_401 : memref<1x128x32xf32, #tpu.memory_space<vmem>> -> memref<128x32xf32, #tpu.memory_space<vmem>>
    %dma_wait3A_403 = arith.constant 0 : i32
    %dma_wait3A_404 = tpu.memref_slice %arg5[%dma_wait3A_397, %dma_wait3A_403] : memref<50x128xi32, #tpu.memory_space<vmem>> -> memref<1x128xi32, #tpu.memory_space<vmem>>
    %dma_wait3A_405 = tpu.memref_squeeze %dma_wait3A_404 : memref<1x128xi32, #tpu.memory_space<vmem>> -> memref<128xi32, #tpu.memory_space<vmem>>
    %dma_wait3A_406 = arith.constant 0 : i32
    %dma_wait3A_407 = arith.constant 0 : i32
    %dma_wait3A_408 = tpu.memref_slice %arg3[%dma_wait3A_406, %dma_wait3A_407] : memref<1000000x32xf32, #tpu.memory_space<hbm>> -> memref<1000000x32xf32, #tpu.memory_space<hbm>>
    tpu.wait_indirect_dma semaphore(%arg7 : memref<!tpu.dma_semaphore, #tpu.memory_space<semaphore_mem>>) src(%dma_wait3A_408 : memref<1000000x32xf32, #tpu.memory_space<hbm>>) dst(%dma_wait3A_402 : memref<128x32xf32, #tpu.memory_space<vmem>>)
    %mul3A_409 = arith.constant 128 : i32
    %mul3A_410 = arith.muli %add3A, %mul3A_409 : i32
    %dma_start3A_411 = arith.constant 0 : i32
    %dma_start3A_412 = arith.constant 6 : i32
    %dma_start3A_413 = arith.constant 0 : i32
    %dma_start3A_414 = arith.constant 0 : i32
    %dma_start3A_415 = tpu.memref_slice %arg6[%dma_start3A_411, %dma_start3A_413, %dma_start3A_414] : memref<3x128x32xf32, #tpu.memory_space<vmem>> -> memref<1x128x32xf32, #tpu.memory_space<vmem>>
    %dma_start3A_416 = tpu.memref_squeeze %dma_start3A_415 : memref<1x128x32xf32, #tpu.memory_space<vmem>> -> memref<128x32xf32, #tpu.memory_space<vmem>>
    %dma_start3A_417 = arith.constant 0 : i32
    %dma_start3A_418 = tpu.memref_slice %arg4[%mul3A_410, %dma_start3A_412, %dma_start3A_417] : memref<4096x50x32xf32, #tpu.memory_space<hbm>> -> memref<128x1x32xf32, #tpu.memory_space<hbm>>
    %dma_start3A_419 = tpu.memref_squeeze %dma_start3A_418 : memref<128x1x32xf32, #tpu.memory_space<hbm>> -> memref<128x32xf32, #tpu.memory_space<hbm>>
    %dma_start3A_420 = arith.constant 0 : i32
    %dma_start3A_421 = tpu.memref_slice %arg4[%mul3A_410, %dma_start3A_412, %dma_start3A_420] : memref<4096x50x32xf32, #tpu.memory_space<hbm>> -> memref<128x1x32xf32, #tpu.memory_space<hbm>>
    %dma_start3A_422 = tpu.memref_squeeze %dma_start3A_421 : memref<128x1x32xf32, #tpu.memory_space<hbm>> -> memref<128x32xf32, #tpu.memory_space<hbm>>
    %dma_start3A_423 = arith.constant 0 : i32
    %dma_start3A_424 = arith.constant 0 : i32
    %dma_start3A_425 = tpu.memref_slice %arg6[%dma_start3A_411, %dma_start3A_423, %dma_start3A_424] : memref<3x128x32xf32, #tpu.memory_space<vmem>> -> memref<1x128x32xf32, #tpu.memory_space<vmem>>
    %dma_start3A_426 = tpu.memref_squeeze %dma_start3A_425 : memref<1x128x32xf32, #tpu.memory_space<vmem>> -> memref<128x32xf32, #tpu.memory_space<vmem>>
    tpu.enqueue_dma source(%dma_start3A_426 : memref<128x32xf32, #tpu.memory_space<vmem>>) target(%dma_start3A_422 : memref<128x32xf32, #tpu.memory_space<hbm>>) target_semaphore(%arg10 : memref<!tpu.dma_semaphore, #tpu.memory_space<semaphore_mem>>)
    %mul3A_427 = arith.constant 128 : i32
    %mul3A_428 = arith.muli %add3A, %mul3A_427 : i32
    %dma_wait3A_429 = arith.constant 0 : i32
    %dma_wait3A_430 = arith.constant 6 : i32
    %dma_wait3A_431 = arith.constant 0 : i32
    %dma_wait3A_432 = arith.constant 0 : i32
    %dma_wait3A_433 = tpu.memref_slice %arg6[%dma_wait3A_429, %dma_wait3A_431, %dma_wait3A_432] : memref<3x128x32xf32, #tpu.memory_space<vmem>> -> memref<1x128x32xf32, #tpu.memory_space<vmem>>
    %dma_wait3A_434 = tpu.memref_squeeze %dma_wait3A_433 : memref<1x128x32xf32, #tpu.memory_space<vmem>> -> memref<128x32xf32, #tpu.memory_space<vmem>>
    %dma_wait3A_435 = arith.constant 0 : i32
    %dma_wait3A_436 = tpu.memref_slice %arg4[%mul3A_428, %dma_wait3A_430, %dma_wait3A_435] : memref<4096x50x32xf32, #tpu.memory_space<hbm>> -> memref<128x1x32xf32, #tpu.memory_space<hbm>>
    %dma_wait3A_437 = tpu.memref_squeeze %dma_wait3A_436 : memref<128x1x32xf32, #tpu.memory_space<hbm>> -> memref<128x32xf32, #tpu.memory_space<hbm>>
    %dma_wait3A_438 = arith.constant 0 : i32
    %dma_wait3A_439 = tpu.memref_slice %arg4[%mul3A_428, %dma_wait3A_430, %dma_wait3A_438] : memref<4096x50x32xf32, #tpu.memory_space<hbm>> -> memref<128x1x32xf32, #tpu.memory_space<hbm>>
    %dma_wait3A_440 = tpu.memref_squeeze %dma_wait3A_439 : memref<128x1x32xf32, #tpu.memory_space<hbm>> -> memref<128x32xf32, #tpu.memory_space<hbm>>
    %dma_wait3A_441 = arith.constant 0 : i32
    %dma_wait3A_442 = arith.constant 0 : i32
    %dma_wait3A_443 = tpu.memref_slice %arg6[%dma_wait3A_429, %dma_wait3A_441, %dma_wait3A_442] : memref<3x128x32xf32, #tpu.memory_space<vmem>> -> memref<1x128x32xf32, #tpu.memory_space<vmem>>
    %dma_wait3A_444 = tpu.memref_squeeze %dma_wait3A_443 : memref<1x128x32xf32, #tpu.memory_space<vmem>> -> memref<128x32xf32, #tpu.memory_space<vmem>>
    tpu.wait_dma2 semaphore(%arg10 : memref<!tpu.dma_semaphore, #tpu.memory_space<semaphore_mem>>) src(%dma_wait3A_444 : memref<128x32xf32, #tpu.memory_space<vmem>>) dst(%dma_wait3A_440 : memref<128x32xf32, #tpu.memory_space<hbm>>)
    %dma_start3A_445 = arith.constant 9 : i32
    %dma_start3A_446 = arith.constant 0 : i32
    %dma_start3A_447 = arith.constant 0 : i32
    %dma_start3A_448 = arith.constant 0 : i32
    %dma_start3A_449 = tpu.memref_slice %arg6[%dma_start3A_446, %dma_start3A_447, %dma_start3A_448] : memref<3x128x32xf32, #tpu.memory_space<vmem>> -> memref<1x128x32xf32, #tpu.memory_space<vmem>>
    %dma_start3A_450 = tpu.memref_squeeze %dma_start3A_449 : memref<1x128x32xf32, #tpu.memory_space<vmem>> -> memref<128x32xf32, #tpu.memory_space<vmem>>
    %dma_start3A_451 = arith.constant 0 : i32
    %dma_start3A_452 = tpu.memref_slice %arg5[%dma_start3A_445, %dma_start3A_451] : memref<50x128xi32, #tpu.memory_space<vmem>> -> memref<1x128xi32, #tpu.memory_space<vmem>>
    %dma_start3A_453 = tpu.memref_squeeze %dma_start3A_452 : memref<1x128xi32, #tpu.memory_space<vmem>> -> memref<128xi32, #tpu.memory_space<vmem>>
    %dma_start3A_454 = arith.constant 0 : i32
    %dma_start3A_455 = arith.constant 0 : i32
    %dma_start3A_456 = tpu.memref_slice %arg3[%dma_start3A_454, %dma_start3A_455] : memref<1000000x32xf32, #tpu.memory_space<hbm>> -> memref<1000000x32xf32, #tpu.memory_space<hbm>>
    tpu.enqueue_indirect_dma source(%dma_start3A_456 : memref<1000000x32xf32, #tpu.memory_space<hbm>>) target(%dma_start3A_450 : memref<128x32xf32, #tpu.memory_space<vmem>>) offsets(%dma_start3A_453 : memref<128xi32, #tpu.memory_space<vmem>>) semaphore(%arg7 : memref<!tpu.dma_semaphore, #tpu.memory_space<semaphore_mem>>)
    %dma_wait3A_457 = arith.constant 7 : i32
    %dma_wait3A_458 = arith.constant 1 : i32
    %dma_wait3A_459 = arith.constant 0 : i32
    %dma_wait3A_460 = arith.constant 0 : i32
    %dma_wait3A_461 = tpu.memref_slice %arg6[%dma_wait3A_458, %dma_wait3A_459, %dma_wait3A_460] : memref<3x128x32xf32, #tpu.memory_space<vmem>> -> memref<1x128x32xf32, #tpu.memory_space<vmem>>
    %dma_wait3A_462 = tpu.memref_squeeze %dma_wait3A_461 : memref<1x128x32xf32, #tpu.memory_space<vmem>> -> memref<128x32xf32, #tpu.memory_space<vmem>>
    %dma_wait3A_463 = arith.constant 0 : i32
    %dma_wait3A_464 = tpu.memref_slice %arg5[%dma_wait3A_457, %dma_wait3A_463] : memref<50x128xi32, #tpu.memory_space<vmem>> -> memref<1x128xi32, #tpu.memory_space<vmem>>
    %dma_wait3A_465 = tpu.memref_squeeze %dma_wait3A_464 : memref<1x128xi32, #tpu.memory_space<vmem>> -> memref<128xi32, #tpu.memory_space<vmem>>
    %dma_wait3A_466 = arith.constant 0 : i32
    %dma_wait3A_467 = arith.constant 0 : i32
    %dma_wait3A_468 = tpu.memref_slice %arg3[%dma_wait3A_466, %dma_wait3A_467] : memref<1000000x32xf32, #tpu.memory_space<hbm>> -> memref<1000000x32xf32, #tpu.memory_space<hbm>>
    tpu.wait_indirect_dma semaphore(%arg8 : memref<!tpu.dma_semaphore, #tpu.memory_space<semaphore_mem>>) src(%dma_wait3A_468 : memref<1000000x32xf32, #tpu.memory_space<hbm>>) dst(%dma_wait3A_462 : memref<128x32xf32, #tpu.memory_space<vmem>>)
    %mul3A_469 = arith.constant 128 : i32
    %mul3A_470 = arith.muli %add3A, %mul3A_469 : i32
    %dma_start3A_471 = arith.constant 1 : i32
    %dma_start3A_472 = arith.constant 7 : i32
    %dma_start3A_473 = arith.constant 0 : i32
    %dma_start3A_474 = arith.constant 0 : i32
    %dma_start3A_475 = tpu.memref_slice %arg6[%dma_start3A_471, %dma_start3A_473, %dma_start3A_474] : memref<3x128x32xf32, #tpu.memory_space<vmem>> -> memref<1x128x32xf32, #tpu.memory_space<vmem>>
    %dma_start3A_476 = tpu.memref_squeeze %dma_start3A_475 : memref<1x128x32xf32, #tpu.memory_space<vmem>> -> memref<128x32xf32, #tpu.memory_space<vmem>>
    %dma_start3A_477 = arith.constant 0 : i32
    %dma_start3A_478 = tpu.memref_slice %arg4[%mul3A_470, %dma_start3A_472, %dma_start3A_477] : memref<4096x50x32xf32, #tpu.memory_space<hbm>> -> memref<128x1x32xf32, #tpu.memory_space<hbm>>
    %dma_start3A_479 = tpu.memref_squeeze %dma_start3A_478 : memref<128x1x32xf32, #tpu.memory_space<hbm>> -> memref<128x32xf32, #tpu.memory_space<hbm>>
    %dma_start3A_480 = arith.constant 0 : i32
    %dma_start3A_481 = tpu.memref_slice %arg4[%mul3A_470, %dma_start3A_472, %dma_start3A_480] : memref<4096x50x32xf32, #tpu.memory_space<hbm>> -> memref<128x1x32xf32, #tpu.memory_space<hbm>>
    %dma_start3A_482 = tpu.memref_squeeze %dma_start3A_481 : memref<128x1x32xf32, #tpu.memory_space<hbm>> -> memref<128x32xf32, #tpu.memory_space<hbm>>
    %dma_start3A_483 = arith.constant 0 : i32
    %dma_start3A_484 = arith.constant 0 : i32
    %dma_start3A_485 = tpu.memref_slice %arg6[%dma_start3A_471, %dma_start3A_483, %dma_start3A_484] : memref<3x128x32xf32, #tpu.memory_space<vmem>> -> memref<1x128x32xf32, #tpu.memory_space<vmem>>
    %dma_start3A_486 = tpu.memref_squeeze %dma_start3A_485 : memref<1x128x32xf32, #tpu.memory_space<vmem>> -> memref<128x32xf32, #tpu.memory_space<vmem>>
    tpu.enqueue_dma source(%dma_start3A_486 : memref<128x32xf32, #tpu.memory_space<vmem>>) target(%dma_start3A_482 : memref<128x32xf32, #tpu.memory_space<hbm>>) target_semaphore(%arg11 : memref<!tpu.dma_semaphore, #tpu.memory_space<semaphore_mem>>)
    %mul3A_487 = arith.constant 128 : i32
    %mul3A_488 = arith.muli %add3A, %mul3A_487 : i32
    %dma_wait3A_489 = arith.constant 1 : i32
    %dma_wait3A_490 = arith.constant 7 : i32
    %dma_wait3A_491 = arith.constant 0 : i32
    %dma_wait3A_492 = arith.constant 0 : i32
    %dma_wait3A_493 = tpu.memref_slice %arg6[%dma_wait3A_489, %dma_wait3A_491, %dma_wait3A_492] : memref<3x128x32xf32, #tpu.memory_space<vmem>> -> memref<1x128x32xf32, #tpu.memory_space<vmem>>
    %dma_wait3A_494 = tpu.memref_squeeze %dma_wait3A_493 : memref<1x128x32xf32, #tpu.memory_space<vmem>> -> memref<128x32xf32, #tpu.memory_space<vmem>>
    %dma_wait3A_495 = arith.constant 0 : i32
    %dma_wait3A_496 = tpu.memref_slice %arg4[%mul3A_488, %dma_wait3A_490, %dma_wait3A_495] : memref<4096x50x32xf32, #tpu.memory_space<hbm>> -> memref<128x1x32xf32, #tpu.memory_space<hbm>>
    %dma_wait3A_497 = tpu.memref_squeeze %dma_wait3A_496 : memref<128x1x32xf32, #tpu.memory_space<hbm>> -> memref<128x32xf32, #tpu.memory_space<hbm>>
    %dma_wait3A_498 = arith.constant 0 : i32
    %dma_wait3A_499 = tpu.memref_slice %arg4[%mul3A_488, %dma_wait3A_490, %dma_wait3A_498] : memref<4096x50x32xf32, #tpu.memory_space<hbm>> -> memref<128x1x32xf32, #tpu.memory_space<hbm>>
    %dma_wait3A_500 = tpu.memref_squeeze %dma_wait3A_499 : memref<128x1x32xf32, #tpu.memory_space<hbm>> -> memref<128x32xf32, #tpu.memory_space<hbm>>
    %dma_wait3A_501 = arith.constant 0 : i32
    %dma_wait3A_502 = arith.constant 0 : i32
    %dma_wait3A_503 = tpu.memref_slice %arg6[%dma_wait3A_489, %dma_wait3A_501, %dma_wait3A_502] : memref<3x128x32xf32, #tpu.memory_space<vmem>> -> memref<1x128x32xf32, #tpu.memory_space<vmem>>
    %dma_wait3A_504 = tpu.memref_squeeze %dma_wait3A_503 : memref<1x128x32xf32, #tpu.memory_space<vmem>> -> memref<128x32xf32, #tpu.memory_space<vmem>>
    tpu.wait_dma2 semaphore(%arg11 : memref<!tpu.dma_semaphore, #tpu.memory_space<semaphore_mem>>) src(%dma_wait3A_504 : memref<128x32xf32, #tpu.memory_space<vmem>>) dst(%dma_wait3A_500 : memref<128x32xf32, #tpu.memory_space<hbm>>)
    %dma_start3A_505 = arith.constant 10 : i32
    %dma_start3A_506 = arith.constant 1 : i32
    %dma_start3A_507 = arith.constant 0 : i32
    %dma_start3A_508 = arith.constant 0 : i32
    %dma_start3A_509 = tpu.memref_slice %arg6[%dma_start3A_506, %dma_start3A_507, %dma_start3A_508] : memref<3x128x32xf32, #tpu.memory_space<vmem>> -> memref<1x128x32xf32, #tpu.memory_space<vmem>>
    %dma_start3A_510 = tpu.memref_squeeze %dma_start3A_509 : memref<1x128x32xf32, #tpu.memory_space<vmem>> -> memref<128x32xf32, #tpu.memory_space<vmem>>
    %dma_start3A_511 = arith.constant 0 : i32
    %dma_start3A_512 = tpu.memref_slice %arg5[%dma_start3A_505, %dma_start3A_511] : memref<50x128xi32, #tpu.memory_space<vmem>> -> memref<1x128xi32, #tpu.memory_space<vmem>>
    %dma_start3A_513 = tpu.memref_squeeze %dma_start3A_512 : memref<1x128xi32, #tpu.memory_space<vmem>> -> memref<128xi32, #tpu.memory_space<vmem>>
    %dma_start3A_514 = arith.constant 0 : i32
    %dma_start3A_515 = arith.constant 0 : i32
    %dma_start3A_516 = tpu.memref_slice %arg3[%dma_start3A_514, %dma_start3A_515] : memref<1000000x32xf32, #tpu.memory_space<hbm>> -> memref<1000000x32xf32, #tpu.memory_space<hbm>>
    tpu.enqueue_indirect_dma source(%dma_start3A_516 : memref<1000000x32xf32, #tpu.memory_space<hbm>>) target(%dma_start3A_510 : memref<128x32xf32, #tpu.memory_space<vmem>>) offsets(%dma_start3A_513 : memref<128xi32, #tpu.memory_space<vmem>>) semaphore(%arg8 : memref<!tpu.dma_semaphore, #tpu.memory_space<semaphore_mem>>)
    %dma_wait3A_517 = arith.constant 8 : i32
    %dma_wait3A_518 = arith.constant 2 : i32
    %dma_wait3A_519 = arith.constant 0 : i32
    %dma_wait3A_520 = arith.constant 0 : i32
    %dma_wait3A_521 = tpu.memref_slice %arg6[%dma_wait3A_518, %dma_wait3A_519, %dma_wait3A_520] : memref<3x128x32xf32, #tpu.memory_space<vmem>> -> memref<1x128x32xf32, #tpu.memory_space<vmem>>
    %dma_wait3A_522 = tpu.memref_squeeze %dma_wait3A_521 : memref<1x128x32xf32, #tpu.memory_space<vmem>> -> memref<128x32xf32, #tpu.memory_space<vmem>>
    %dma_wait3A_523 = arith.constant 0 : i32
    %dma_wait3A_524 = tpu.memref_slice %arg5[%dma_wait3A_517, %dma_wait3A_523] : memref<50x128xi32, #tpu.memory_space<vmem>> -> memref<1x128xi32, #tpu.memory_space<vmem>>
    %dma_wait3A_525 = tpu.memref_squeeze %dma_wait3A_524 : memref<1x128xi32, #tpu.memory_space<vmem>> -> memref<128xi32, #tpu.memory_space<vmem>>
    %dma_wait3A_526 = arith.constant 0 : i32
    %dma_wait3A_527 = arith.constant 0 : i32
    %dma_wait3A_528 = tpu.memref_slice %arg3[%dma_wait3A_526, %dma_wait3A_527] : memref<1000000x32xf32, #tpu.memory_space<hbm>> -> memref<1000000x32xf32, #tpu.memory_space<hbm>>
    tpu.wait_indirect_dma semaphore(%arg9 : memref<!tpu.dma_semaphore, #tpu.memory_space<semaphore_mem>>) src(%dma_wait3A_528 : memref<1000000x32xf32, #tpu.memory_space<hbm>>) dst(%dma_wait3A_522 : memref<128x32xf32, #tpu.memory_space<vmem>>)
    %mul3A_529 = arith.constant 128 : i32
    %mul3A_530 = arith.muli %add3A, %mul3A_529 : i32
    %dma_start3A_531 = arith.constant 2 : i32
    %dma_start3A_532 = arith.constant 8 : i32
    %dma_start3A_533 = arith.constant 0 : i32
    %dma_start3A_534 = arith.constant 0 : i32
    %dma_start3A_535 = tpu.memref_slice %arg6[%dma_start3A_531, %dma_start3A_533, %dma_start3A_534] : memref<3x128x32xf32, #tpu.memory_space<vmem>> -> memref<1x128x32xf32, #tpu.memory_space<vmem>>
    %dma_start3A_536 = tpu.memref_squeeze %dma_start3A_535 : memref<1x128x32xf32, #tpu.memory_space<vmem>> -> memref<128x32xf32, #tpu.memory_space<vmem>>
    %dma_start3A_537 = arith.constant 0 : i32
    %dma_start3A_538 = tpu.memref_slice %arg4[%mul3A_530, %dma_start3A_532, %dma_start3A_537] : memref<4096x50x32xf32, #tpu.memory_space<hbm>> -> memref<128x1x32xf32, #tpu.memory_space<hbm>>
    %dma_start3A_539 = tpu.memref_squeeze %dma_start3A_538 : memref<128x1x32xf32, #tpu.memory_space<hbm>> -> memref<128x32xf32, #tpu.memory_space<hbm>>
    %dma_start3A_540 = arith.constant 0 : i32
    %dma_start3A_541 = tpu.memref_slice %arg4[%mul3A_530, %dma_start3A_532, %dma_start3A_540] : memref<4096x50x32xf32, #tpu.memory_space<hbm>> -> memref<128x1x32xf32, #tpu.memory_space<hbm>>
    %dma_start3A_542 = tpu.memref_squeeze %dma_start3A_541 : memref<128x1x32xf32, #tpu.memory_space<hbm>> -> memref<128x32xf32, #tpu.memory_space<hbm>>
    %dma_start3A_543 = arith.constant 0 : i32
    %dma_start3A_544 = arith.constant 0 : i32
    %dma_start3A_545 = tpu.memref_slice %arg6[%dma_start3A_531, %dma_start3A_543, %dma_start3A_544] : memref<3x128x32xf32, #tpu.memory_space<vmem>> -> memref<1x128x32xf32, #tpu.memory_space<vmem>>
    %dma_start3A_546 = tpu.memref_squeeze %dma_start3A_545 : memref<1x128x32xf32, #tpu.memory_space<vmem>> -> memref<128x32xf32, #tpu.memory_space<vmem>>
    tpu.enqueue_dma source(%dma_start3A_546 : memref<128x32xf32, #tpu.memory_space<vmem>>) target(%dma_start3A_542 : memref<128x32xf32, #tpu.memory_space<hbm>>) target_semaphore(%arg12 : memref<!tpu.dma_semaphore, #tpu.memory_space<semaphore_mem>>)
    %mul3A_547 = arith.constant 128 : i32
    %mul3A_548 = arith.muli %add3A, %mul3A_547 : i32
    %dma_wait3A_549 = arith.constant 2 : i32
    %dma_wait3A_550 = arith.constant 8 : i32
    %dma_wait3A_551 = arith.constant 0 : i32
    %dma_wait3A_552 = arith.constant 0 : i32
    %dma_wait3A_553 = tpu.memref_slice %arg6[%dma_wait3A_549, %dma_wait3A_551, %dma_wait3A_552] : memref<3x128x32xf32, #tpu.memory_space<vmem>> -> memref<1x128x32xf32, #tpu.memory_space<vmem>>
    %dma_wait3A_554 = tpu.memref_squeeze %dma_wait3A_553 : memref<1x128x32xf32, #tpu.memory_space<vmem>> -> memref<128x32xf32, #tpu.memory_space<vmem>>
    %dma_wait3A_555 = arith.constant 0 : i32
    %dma_wait3A_556 = tpu.memref_slice %arg4[%mul3A_548, %dma_wait3A_550, %dma_wait3A_555] : memref<4096x50x32xf32, #tpu.memory_space<hbm>> -> memref<128x1x32xf32, #tpu.memory_space<hbm>>
    %dma_wait3A_557 = tpu.memref_squeeze %dma_wait3A_556 : memref<128x1x32xf32, #tpu.memory_space<hbm>> -> memref<128x32xf32, #tpu.memory_space<hbm>>
    %dma_wait3A_558 = arith.constant 0 : i32
    %dma_wait3A_559 = tpu.memref_slice %arg4[%mul3A_548, %dma_wait3A_550, %dma_wait3A_558] : memref<4096x50x32xf32, #tpu.memory_space<hbm>> -> memref<128x1x32xf32, #tpu.memory_space<hbm>>
    %dma_wait3A_560 = tpu.memref_squeeze %dma_wait3A_559 : memref<128x1x32xf32, #tpu.memory_space<hbm>> -> memref<128x32xf32, #tpu.memory_space<hbm>>
    %dma_wait3A_561 = arith.constant 0 : i32
    %dma_wait3A_562 = arith.constant 0 : i32
    %dma_wait3A_563 = tpu.memref_slice %arg6[%dma_wait3A_549, %dma_wait3A_561, %dma_wait3A_562] : memref<3x128x32xf32, #tpu.memory_space<vmem>> -> memref<1x128x32xf32, #tpu.memory_space<vmem>>
    %dma_wait3A_564 = tpu.memref_squeeze %dma_wait3A_563 : memref<1x128x32xf32, #tpu.memory_space<vmem>> -> memref<128x32xf32, #tpu.memory_space<vmem>>
    tpu.wait_dma2 semaphore(%arg12 : memref<!tpu.dma_semaphore, #tpu.memory_space<semaphore_mem>>) src(%dma_wait3A_564 : memref<128x32xf32, #tpu.memory_space<vmem>>) dst(%dma_wait3A_560 : memref<128x32xf32, #tpu.memory_space<hbm>>)
    %dma_start3A_565 = arith.constant 11 : i32
    %dma_start3A_566 = arith.constant 2 : i32
    %dma_start3A_567 = arith.constant 0 : i32
    %dma_start3A_568 = arith.constant 0 : i32
    %dma_start3A_569 = tpu.memref_slice %arg6[%dma_start3A_566, %dma_start3A_567, %dma_start3A_568] : memref<3x128x32xf32, #tpu.memory_space<vmem>> -> memref<1x128x32xf32, #tpu.memory_space<vmem>>
    %dma_start3A_570 = tpu.memref_squeeze %dma_start3A_569 : memref<1x128x32xf32, #tpu.memory_space<vmem>> -> memref<128x32xf32, #tpu.memory_space<vmem>>
    %dma_start3A_571 = arith.constant 0 : i32
    %dma_start3A_572 = tpu.memref_slice %arg5[%dma_start3A_565, %dma_start3A_571] : memref<50x128xi32, #tpu.memory_space<vmem>> -> memref<1x128xi32, #tpu.memory_space<vmem>>
    %dma_start3A_573 = tpu.memref_squeeze %dma_start3A_572 : memref<1x128xi32, #tpu.memory_space<vmem>> -> memref<128xi32, #tpu.memory_space<vmem>>
    %dma_start3A_574 = arith.constant 0 : i32
    %dma_start3A_575 = arith.constant 0 : i32
    %dma_start3A_576 = tpu.memref_slice %arg3[%dma_start3A_574, %dma_start3A_575] : memref<1000000x32xf32, #tpu.memory_space<hbm>> -> memref<1000000x32xf32, #tpu.memory_space<hbm>>
    tpu.enqueue_indirect_dma source(%dma_start3A_576 : memref<1000000x32xf32, #tpu.memory_space<hbm>>) target(%dma_start3A_570 : memref<128x32xf32, #tpu.memory_space<vmem>>) offsets(%dma_start3A_573 : memref<128xi32, #tpu.memory_space<vmem>>) semaphore(%arg9 : memref<!tpu.dma_semaphore, #tpu.memory_space<semaphore_mem>>)
    %dma_wait3A_577 = arith.constant 9 : i32
    %dma_wait3A_578 = arith.constant 0 : i32
    %dma_wait3A_579 = arith.constant 0 : i32
    %dma_wait3A_580 = arith.constant 0 : i32
    %dma_wait3A_581 = tpu.memref_slice %arg6[%dma_wait3A_578, %dma_wait3A_579, %dma_wait3A_580] : memref<3x128x32xf32, #tpu.memory_space<vmem>> -> memref<1x128x32xf32, #tpu.memory_space<vmem>>
    %dma_wait3A_582 = tpu.memref_squeeze %dma_wait3A_581 : memref<1x128x32xf32, #tpu.memory_space<vmem>> -> memref<128x32xf32, #tpu.memory_space<vmem>>
    %dma_wait3A_583 = arith.constant 0 : i32
    %dma_wait3A_584 = tpu.memref_slice %arg5[%dma_wait3A_577, %dma_wait3A_583] : memref<50x128xi32, #tpu.memory_space<vmem>> -> memref<1x128xi32, #tpu.memory_space<vmem>>
    %dma_wait3A_585 = tpu.memref_squeeze %dma_wait3A_584 : memref<1x128xi32, #tpu.memory_space<vmem>> -> memref<128xi32, #tpu.memory_space<vmem>>
    %dma_wait3A_586 = arith.constant 0 : i32
    %dma_wait3A_587 = arith.constant 0 : i32
    %dma_wait3A_588 = tpu.memref_slice %arg3[%dma_wait3A_586, %dma_wait3A_587] : memref<1000000x32xf32, #tpu.memory_space<hbm>> -> memref<1000000x32xf32, #tpu.memory_space<hbm>>
    tpu.wait_indirect_dma semaphore(%arg7 : memref<!tpu.dma_semaphore, #tpu.memory_space<semaphore_mem>>) src(%dma_wait3A_588 : memref<1000000x32xf32, #tpu.memory_space<hbm>>) dst(%dma_wait3A_582 : memref<128x32xf32, #tpu.memory_space<vmem>>)
    %mul3A_589 = arith.constant 128 : i32
    %mul3A_590 = arith.muli %add3A, %mul3A_589 : i32
    %dma_start3A_591 = arith.constant 0 : i32
    %dma_start3A_592 = arith.constant 9 : i32
    %dma_start3A_593 = arith.constant 0 : i32
    %dma_start3A_594 = arith.constant 0 : i32
    %dma_start3A_595 = tpu.memref_slice %arg6[%dma_start3A_591, %dma_start3A_593, %dma_start3A_594] : memref<3x128x32xf32, #tpu.memory_space<vmem>> -> memref<1x128x32xf32, #tpu.memory_space<vmem>>
    %dma_start3A_596 = tpu.memref_squeeze %dma_start3A_595 : memref<1x128x32xf32, #tpu.memory_space<vmem>> -> memref<128x32xf32, #tpu.memory_space<vmem>>
    %dma_start3A_597 = arith.constant 0 : i32
    %dma_start3A_598 = tpu.memref_slice %arg4[%mul3A_590, %dma_start3A_592, %dma_start3A_597] : memref<4096x50x32xf32, #tpu.memory_space<hbm>> -> memref<128x1x32xf32, #tpu.memory_space<hbm>>
    %dma_start3A_599 = tpu.memref_squeeze %dma_start3A_598 : memref<128x1x32xf32, #tpu.memory_space<hbm>> -> memref<128x32xf32, #tpu.memory_space<hbm>>
    %dma_start3A_600 = arith.constant 0 : i32
    %dma_start3A_601 = tpu.memref_slice %arg4[%mul3A_590, %dma_start3A_592, %dma_start3A_600] : memref<4096x50x32xf32, #tpu.memory_space<hbm>> -> memref<128x1x32xf32, #tpu.memory_space<hbm>>
    %dma_start3A_602 = tpu.memref_squeeze %dma_start3A_601 : memref<128x1x32xf32, #tpu.memory_space<hbm>> -> memref<128x32xf32, #tpu.memory_space<hbm>>
    %dma_start3A_603 = arith.constant 0 : i32
    %dma_start3A_604 = arith.constant 0 : i32
    %dma_start3A_605 = tpu.memref_slice %arg6[%dma_start3A_591, %dma_start3A_603, %dma_start3A_604] : memref<3x128x32xf32, #tpu.memory_space<vmem>> -> memref<1x128x32xf32, #tpu.memory_space<vmem>>
    %dma_start3A_606 = tpu.memref_squeeze %dma_start3A_605 : memref<1x128x32xf32, #tpu.memory_space<vmem>> -> memref<128x32xf32, #tpu.memory_space<vmem>>
    tpu.enqueue_dma source(%dma_start3A_606 : memref<128x32xf32, #tpu.memory_space<vmem>>) target(%dma_start3A_602 : memref<128x32xf32, #tpu.memory_space<hbm>>) target_semaphore(%arg10 : memref<!tpu.dma_semaphore, #tpu.memory_space<semaphore_mem>>)
    %mul3A_607 = arith.constant 128 : i32
    %mul3A_608 = arith.muli %add3A, %mul3A_607 : i32
    %dma_wait3A_609 = arith.constant 0 : i32
    %dma_wait3A_610 = arith.constant 9 : i32
    %dma_wait3A_611 = arith.constant 0 : i32
    %dma_wait3A_612 = arith.constant 0 : i32
    %dma_wait3A_613 = tpu.memref_slice %arg6[%dma_wait3A_609, %dma_wait3A_611, %dma_wait3A_612] : memref<3x128x32xf32, #tpu.memory_space<vmem>> -> memref<1x128x32xf32, #tpu.memory_space<vmem>>
    %dma_wait3A_614 = tpu.memref_squeeze %dma_wait3A_613 : memref<1x128x32xf32, #tpu.memory_space<vmem>> -> memref<128x32xf32, #tpu.memory_space<vmem>>
    %dma_wait3A_615 = arith.constant 0 : i32
    %dma_wait3A_616 = tpu.memref_slice %arg4[%mul3A_608, %dma_wait3A_610, %dma_wait3A_615] : memref<4096x50x32xf32, #tpu.memory_space<hbm>> -> memref<128x1x32xf32, #tpu.memory_space<hbm>>
    %dma_wait3A_617 = tpu.memref_squeeze %dma_wait3A_616 : memref<128x1x32xf32, #tpu.memory_space<hbm>> -> memref<128x32xf32, #tpu.memory_space<hbm>>
    %dma_wait3A_618 = arith.constant 0 : i32
    %dma_wait3A_619 = tpu.memref_slice %arg4[%mul3A_608, %dma_wait3A_610, %dma_wait3A_618] : memref<4096x50x32xf32, #tpu.memory_space<hbm>> -> memref<128x1x32xf32, #tpu.memory_space<hbm>>
    %dma_wait3A_620 = tpu.memref_squeeze %dma_wait3A_619 : memref<128x1x32xf32, #tpu.memory_space<hbm>> -> memref<128x32xf32, #tpu.memory_space<hbm>>
    %dma_wait3A_621 = arith.constant 0 : i32
    %dma_wait3A_622 = arith.constant 0 : i32
    %dma_wait3A_623 = tpu.memref_slice %arg6[%dma_wait3A_609, %dma_wait3A_621, %dma_wait3A_622] : memref<3x128x32xf32, #tpu.memory_space<vmem>> -> memref<1x128x32xf32, #tpu.memory_space<vmem>>
    %dma_wait3A_624 = tpu.memref_squeeze %dma_wait3A_623 : memref<1x128x32xf32, #tpu.memory_space<vmem>> -> memref<128x32xf32, #tpu.memory_space<vmem>>
    tpu.wait_dma2 semaphore(%arg10 : memref<!tpu.dma_semaphore, #tpu.memory_space<semaphore_mem>>) src(%dma_wait3A_624 : memref<128x32xf32, #tpu.memory_space<vmem>>) dst(%dma_wait3A_620 : memref<128x32xf32, #tpu.memory_space<hbm>>)
    %dma_start3A_625 = arith.constant 12 : i32
    %dma_start3A_626 = arith.constant 0 : i32
    %dma_start3A_627 = arith.constant 0 : i32
    %dma_start3A_628 = arith.constant 0 : i32
    %dma_start3A_629 = tpu.memref_slice %arg6[%dma_start3A_626, %dma_start3A_627, %dma_start3A_628] : memref<3x128x32xf32, #tpu.memory_space<vmem>> -> memref<1x128x32xf32, #tpu.memory_space<vmem>>
    %dma_start3A_630 = tpu.memref_squeeze %dma_start3A_629 : memref<1x128x32xf32, #tpu.memory_space<vmem>> -> memref<128x32xf32, #tpu.memory_space<vmem>>
    %dma_start3A_631 = arith.constant 0 : i32
    %dma_start3A_632 = tpu.memref_slice %arg5[%dma_start3A_625, %dma_start3A_631] : memref<50x128xi32, #tpu.memory_space<vmem>> -> memref<1x128xi32, #tpu.memory_space<vmem>>
    %dma_start3A_633 = tpu.memref_squeeze %dma_start3A_632 : memref<1x128xi32, #tpu.memory_space<vmem>> -> memref<128xi32, #tpu.memory_space<vmem>>
    %dma_start3A_634 = arith.constant 0 : i32
    %dma_start3A_635 = arith.constant 0 : i32
    %dma_start3A_636 = tpu.memref_slice %arg3[%dma_start3A_634, %dma_start3A_635] : memref<1000000x32xf32, #tpu.memory_space<hbm>> -> memref<1000000x32xf32, #tpu.memory_space<hbm>>
    tpu.enqueue_indirect_dma source(%dma_start3A_636 : memref<1000000x32xf32, #tpu.memory_space<hbm>>) target(%dma_start3A_630 : memref<128x32xf32, #tpu.memory_space<vmem>>) offsets(%dma_start3A_633 : memref<128xi32, #tpu.memory_space<vmem>>) semaphore(%arg7 : memref<!tpu.dma_semaphore, #tpu.memory_space<semaphore_mem>>)
    %dma_wait3A_637 = arith.constant 10 : i32
    %dma_wait3A_638 = arith.constant 1 : i32
    %dma_wait3A_639 = arith.constant 0 : i32
    %dma_wait3A_640 = arith.constant 0 : i32
    %dma_wait3A_641 = tpu.memref_slice %arg6[%dma_wait3A_638, %dma_wait3A_639, %dma_wait3A_640] : memref<3x128x32xf32, #tpu.memory_space<vmem>> -> memref<1x128x32xf32, #tpu.memory_space<vmem>>
    %dma_wait3A_642 = tpu.memref_squeeze %dma_wait3A_641 : memref<1x128x32xf32, #tpu.memory_space<vmem>> -> memref<128x32xf32, #tpu.memory_space<vmem>>
    %dma_wait3A_643 = arith.constant 0 : i32
    %dma_wait3A_644 = tpu.memref_slice %arg5[%dma_wait3A_637, %dma_wait3A_643] : memref<50x128xi32, #tpu.memory_space<vmem>> -> memref<1x128xi32, #tpu.memory_space<vmem>>
    %dma_wait3A_645 = tpu.memref_squeeze %dma_wait3A_644 : memref<1x128xi32, #tpu.memory_space<vmem>> -> memref<128xi32, #tpu.memory_space<vmem>>
    %dma_wait3A_646 = arith.constant 0 : i32
    %dma_wait3A_647 = arith.constant 0 : i32
    %dma_wait3A_648 = tpu.memref_slice %arg3[%dma_wait3A_646, %dma_wait3A_647] : memref<1000000x32xf32, #tpu.memory_space<hbm>> -> memref<1000000x32xf32, #tpu.memory_space<hbm>>
    tpu.wait_indirect_dma semaphore(%arg8 : memref<!tpu.dma_semaphore, #tpu.memory_space<semaphore_mem>>) src(%dma_wait3A_648 : memref<1000000x32xf32, #tpu.memory_space<hbm>>) dst(%dma_wait3A_642 : memref<128x32xf32, #tpu.memory_space<vmem>>)
    %mul3A_649 = arith.constant 128 : i32
    %mul3A_650 = arith.muli %add3A, %mul3A_649 : i32
    %dma_start3A_651 = arith.constant 1 : i32
    %dma_start3A_652 = arith.constant 10 : i32
    %dma_start3A_653 = arith.constant 0 : i32
    %dma_start3A_654 = arith.constant 0 : i32
    %dma_start3A_655 = tpu.memref_slice %arg6[%dma_start3A_651, %dma_start3A_653, %dma_start3A_654] : memref<3x128x32xf32, #tpu.memory_space<vmem>> -> memref<1x128x32xf32, #tpu.memory_space<vmem>>
    %dma_start3A_656 = tpu.memref_squeeze %dma_start3A_655 : memref<1x128x32xf32, #tpu.memory_space<vmem>> -> memref<128x32xf32, #tpu.memory_space<vmem>>
    %dma_start3A_657 = arith.constant 0 : i32
    %dma_start3A_658 = tpu.memref_slice %arg4[%mul3A_650, %dma_start3A_652, %dma_start3A_657] : memref<4096x50x32xf32, #tpu.memory_space<hbm>> -> memref<128x1x32xf32, #tpu.memory_space<hbm>>
    %dma_start3A_659 = tpu.memref_squeeze %dma_start3A_658 : memref<128x1x32xf32, #tpu.memory_space<hbm>> -> memref<128x32xf32, #tpu.memory_space<hbm>>
    %dma_start3A_660 = arith.constant 0 : i32
    %dma_start3A_661 = tpu.memref_slice %arg4[%mul3A_650, %dma_start3A_652, %dma_start3A_660] : memref<4096x50x32xf32, #tpu.memory_space<hbm>> -> memref<128x1x32xf32, #tpu.memory_space<hbm>>
    %dma_start3A_662 = tpu.memref_squeeze %dma_start3A_661 : memref<128x1x32xf32, #tpu.memory_space<hbm>> -> memref<128x32xf32, #tpu.memory_space<hbm>>
    %dma_start3A_663 = arith.constant 0 : i32
    %dma_start3A_664 = arith.constant 0 : i32
    %dma_start3A_665 = tpu.memref_slice %arg6[%dma_start3A_651, %dma_start3A_663, %dma_start3A_664] : memref<3x128x32xf32, #tpu.memory_space<vmem>> -> memref<1x128x32xf32, #tpu.memory_space<vmem>>
    %dma_start3A_666 = tpu.memref_squeeze %dma_start3A_665 : memref<1x128x32xf32, #tpu.memory_space<vmem>> -> memref<128x32xf32, #tpu.memory_space<vmem>>
    tpu.enqueue_dma source(%dma_start3A_666 : memref<128x32xf32, #tpu.memory_space<vmem>>) target(%dma_start3A_662 : memref<128x32xf32, #tpu.memory_space<hbm>>) target_semaphore(%arg11 : memref<!tpu.dma_semaphore, #tpu.memory_space<semaphore_mem>>)
    %mul3A_667 = arith.constant 128 : i32
    %mul3A_668 = arith.muli %add3A, %mul3A_667 : i32
    %dma_wait3A_669 = arith.constant 1 : i32
    %dma_wait3A_670 = arith.constant 10 : i32
    %dma_wait3A_671 = arith.constant 0 : i32
    %dma_wait3A_672 = arith.constant 0 : i32
    %dma_wait3A_673 = tpu.memref_slice %arg6[%dma_wait3A_669, %dma_wait3A_671, %dma_wait3A_672] : memref<3x128x32xf32, #tpu.memory_space<vmem>> -> memref<1x128x32xf32, #tpu.memory_space<vmem>>
    %dma_wait3A_674 = tpu.memref_squeeze %dma_wait3A_673 : memref<1x128x32xf32, #tpu.memory_space<vmem>> -> memref<128x32xf32, #tpu.memory_space<vmem>>
    %dma_wait3A_675 = arith.constant 0 : i32
    %dma_wait3A_676 = tpu.memref_slice %arg4[%mul3A_668, %dma_wait3A_670, %dma_wait3A_675] : memref<4096x50x32xf32, #tpu.memory_space<hbm>> -> memref<128x1x32xf32, #tpu.memory_space<hbm>>
    %dma_wait3A_677 = tpu.memref_squeeze %dma_wait3A_676 : memref<128x1x32xf32, #tpu.memory_space<hbm>> -> memref<128x32xf32, #tpu.memory_space<hbm>>
    %dma_wait3A_678 = arith.constant 0 : i32
    %dma_wait3A_679 = tpu.memref_slice %arg4[%mul3A_668, %dma_wait3A_670, %dma_wait3A_678] : memref<4096x50x32xf32, #tpu.memory_space<hbm>> -> memref<128x1x32xf32, #tpu.memory_space<hbm>>
    %dma_wait3A_680 = tpu.memref_squeeze %dma_wait3A_679 : memref<128x1x32xf32, #tpu.memory_space<hbm>> -> memref<128x32xf32, #tpu.memory_space<hbm>>
    %dma_wait3A_681 = arith.constant 0 : i32
    %dma_wait3A_682 = arith.constant 0 : i32
    %dma_wait3A_683 = tpu.memref_slice %arg6[%dma_wait3A_669, %dma_wait3A_681, %dma_wait3A_682] : memref<3x128x32xf32, #tpu.memory_space<vmem>> -> memref<1x128x32xf32, #tpu.memory_space<vmem>>
    %dma_wait3A_684 = tpu.memref_squeeze %dma_wait3A_683 : memref<1x128x32xf32, #tpu.memory_space<vmem>> -> memref<128x32xf32, #tpu.memory_space<vmem>>
    tpu.wait_dma2 semaphore(%arg11 : memref<!tpu.dma_semaphore, #tpu.memory_space<semaphore_mem>>) src(%dma_wait3A_684 : memref<128x32xf32, #tpu.memory_space<vmem>>) dst(%dma_wait3A_680 : memref<128x32xf32, #tpu.memory_space<hbm>>)
    %dma_start3A_685 = arith.constant 13 : i32
    %dma_start3A_686 = arith.constant 1 : i32
    %dma_start3A_687 = arith.constant 0 : i32
    %dma_start3A_688 = arith.constant 0 : i32
    %dma_start3A_689 = tpu.memref_slice %arg6[%dma_start3A_686, %dma_start3A_687, %dma_start3A_688] : memref<3x128x32xf32, #tpu.memory_space<vmem>> -> memref<1x128x32xf32, #tpu.memory_space<vmem>>
    %dma_start3A_690 = tpu.memref_squeeze %dma_start3A_689 : memref<1x128x32xf32, #tpu.memory_space<vmem>> -> memref<128x32xf32, #tpu.memory_space<vmem>>
    %dma_start3A_691 = arith.constant 0 : i32
    %dma_start3A_692 = tpu.memref_slice %arg5[%dma_start3A_685, %dma_start3A_691] : memref<50x128xi32, #tpu.memory_space<vmem>> -> memref<1x128xi32, #tpu.memory_space<vmem>>
    %dma_start3A_693 = tpu.memref_squeeze %dma_start3A_692 : memref<1x128xi32, #tpu.memory_space<vmem>> -> memref<128xi32, #tpu.memory_space<vmem>>
    %dma_start3A_694 = arith.constant 0 : i32
    %dma_start3A_695 = arith.constant 0 : i32
    %dma_start3A_696 = tpu.memref_slice %arg3[%dma_start3A_694, %dma_start3A_695] : memref<1000000x32xf32, #tpu.memory_space<hbm>> -> memref<1000000x32xf32, #tpu.memory_space<hbm>>
    tpu.enqueue_indirect_dma source(%dma_start3A_696 : memref<1000000x32xf32, #tpu.memory_space<hbm>>) target(%dma_start3A_690 : memref<128x32xf32, #tpu.memory_space<vmem>>) offsets(%dma_start3A_693 : memref<128xi32, #tpu.memory_space<vmem>>) semaphore(%arg8 : memref<!tpu.dma_semaphore, #tpu.memory_space<semaphore_mem>>)
    %dma_wait3A_697 = arith.constant 11 : i32
    %dma_wait3A_698 = arith.constant 2 : i32
    %dma_wait3A_699 = arith.constant 0 : i32
    %dma_wait3A_700 = arith.constant 0 : i32
    %dma_wait3A_701 = tpu.memref_slice %arg6[%dma_wait3A_698, %dma_wait3A_699, %dma_wait3A_700] : memref<3x128x32xf32, #tpu.memory_space<vmem>> -> memref<1x128x32xf32, #tpu.memory_space<vmem>>
    %dma_wait3A_702 = tpu.memref_squeeze %dma_wait3A_701 : memref<1x128x32xf32, #tpu.memory_space<vmem>> -> memref<128x32xf32, #tpu.memory_space<vmem>>
    %dma_wait3A_703 = arith.constant 0 : i32
    %dma_wait3A_704 = tpu.memref_slice %arg5[%dma_wait3A_697, %dma_wait3A_703] : memref<50x128xi32, #tpu.memory_space<vmem>> -> memref<1x128xi32, #tpu.memory_space<vmem>>
    %dma_wait3A_705 = tpu.memref_squeeze %dma_wait3A_704 : memref<1x128xi32, #tpu.memory_space<vmem>> -> memref<128xi32, #tpu.memory_space<vmem>>
    %dma_wait3A_706 = arith.constant 0 : i32
    %dma_wait3A_707 = arith.constant 0 : i32
    %dma_wait3A_708 = tpu.memref_slice %arg3[%dma_wait3A_706, %dma_wait3A_707] : memref<1000000x32xf32, #tpu.memory_space<hbm>> -> memref<1000000x32xf32, #tpu.memory_space<hbm>>
    tpu.wait_indirect_dma semaphore(%arg9 : memref<!tpu.dma_semaphore, #tpu.memory_space<semaphore_mem>>) src(%dma_wait3A_708 : memref<1000000x32xf32, #tpu.memory_space<hbm>>) dst(%dma_wait3A_702 : memref<128x32xf32, #tpu.memory_space<vmem>>)
    %mul3A_709 = arith.constant 128 : i32
    %mul3A_710 = arith.muli %add3A, %mul3A_709 : i32
    %dma_start3A_711 = arith.constant 2 : i32
    %dma_start3A_712 = arith.constant 11 : i32
    %dma_start3A_713 = arith.constant 0 : i32
    %dma_start3A_714 = arith.constant 0 : i32
    %dma_start3A_715 = tpu.memref_slice %arg6[%dma_start3A_711, %dma_start3A_713, %dma_start3A_714] : memref<3x128x32xf32, #tpu.memory_space<vmem>> -> memref<1x128x32xf32, #tpu.memory_space<vmem>>
    %dma_start3A_716 = tpu.memref_squeeze %dma_start3A_715 : memref<1x128x32xf32, #tpu.memory_space<vmem>> -> memref<128x32xf32, #tpu.memory_space<vmem>>
    %dma_start3A_717 = arith.constant 0 : i32
    %dma_start3A_718 = tpu.memref_slice %arg4[%mul3A_710, %dma_start3A_712, %dma_start3A_717] : memref<4096x50x32xf32, #tpu.memory_space<hbm>> -> memref<128x1x32xf32, #tpu.memory_space<hbm>>
    %dma_start3A_719 = tpu.memref_squeeze %dma_start3A_718 : memref<128x1x32xf32, #tpu.memory_space<hbm>> -> memref<128x32xf32, #tpu.memory_space<hbm>>
    %dma_start3A_720 = arith.constant 0 : i32
    %dma_start3A_721 = tpu.memref_slice %arg4[%mul3A_710, %dma_start3A_712, %dma_start3A_720] : memref<4096x50x32xf32, #tpu.memory_space<hbm>> -> memref<128x1x32xf32, #tpu.memory_space<hbm>>
    %dma_start3A_722 = tpu.memref_squeeze %dma_start3A_721 : memref<128x1x32xf32, #tpu.memory_space<hbm>> -> memref<128x32xf32, #tpu.memory_space<hbm>>
    %dma_start3A_723 = arith.constant 0 : i32
    %dma_start3A_724 = arith.constant 0 : i32
    %dma_start3A_725 = tpu.memref_slice %arg6[%dma_start3A_711, %dma_start3A_723, %dma_start3A_724] : memref<3x128x32xf32, #tpu.memory_space<vmem>> -> memref<1x128x32xf32, #tpu.memory_space<vmem>>
    %dma_start3A_726 = tpu.memref_squeeze %dma_start3A_725 : memref<1x128x32xf32, #tpu.memory_space<vmem>> -> memref<128x32xf32, #tpu.memory_space<vmem>>
    tpu.enqueue_dma source(%dma_start3A_726 : memref<128x32xf32, #tpu.memory_space<vmem>>) target(%dma_start3A_722 : memref<128x32xf32, #tpu.memory_space<hbm>>) target_semaphore(%arg12 : memref<!tpu.dma_semaphore, #tpu.memory_space<semaphore_mem>>)
    %mul3A_727 = arith.constant 128 : i32
    %mul3A_728 = arith.muli %add3A, %mul3A_727 : i32
    %dma_wait3A_729 = arith.constant 2 : i32
    %dma_wait3A_730 = arith.constant 11 : i32
    %dma_wait3A_731 = arith.constant 0 : i32
    %dma_wait3A_732 = arith.constant 0 : i32
    %dma_wait3A_733 = tpu.memref_slice %arg6[%dma_wait3A_729, %dma_wait3A_731, %dma_wait3A_732] : memref<3x128x32xf32, #tpu.memory_space<vmem>> -> memref<1x128x32xf32, #tpu.memory_space<vmem>>
    %dma_wait3A_734 = tpu.memref_squeeze %dma_wait3A_733 : memref<1x128x32xf32, #tpu.memory_space<vmem>> -> memref<128x32xf32, #tpu.memory_space<vmem>>
    %dma_wait3A_735 = arith.constant 0 : i32
    %dma_wait3A_736 = tpu.memref_slice %arg4[%mul3A_728, %dma_wait3A_730, %dma_wait3A_735] : memref<4096x50x32xf32, #tpu.memory_space<hbm>> -> memref<128x1x32xf32, #tpu.memory_space<hbm>>
    %dma_wait3A_737 = tpu.memref_squeeze %dma_wait3A_736 : memref<128x1x32xf32, #tpu.memory_space<hbm>> -> memref<128x32xf32, #tpu.memory_space<hbm>>
    %dma_wait3A_738 = arith.constant 0 : i32
    %dma_wait3A_739 = tpu.memref_slice %arg4[%mul3A_728, %dma_wait3A_730, %dma_wait3A_738] : memref<4096x50x32xf32, #tpu.memory_space<hbm>> -> memref<128x1x32xf32, #tpu.memory_space<hbm>>
    %dma_wait3A_740 = tpu.memref_squeeze %dma_wait3A_739 : memref<128x1x32xf32, #tpu.memory_space<hbm>> -> memref<128x32xf32, #tpu.memory_space<hbm>>
    %dma_wait3A_741 = arith.constant 0 : i32
    %dma_wait3A_742 = arith.constant 0 : i32
    %dma_wait3A_743 = tpu.memref_slice %arg6[%dma_wait3A_729, %dma_wait3A_741, %dma_wait3A_742] : memref<3x128x32xf32, #tpu.memory_space<vmem>> -> memref<1x128x32xf32, #tpu.memory_space<vmem>>
    %dma_wait3A_744 = tpu.memref_squeeze %dma_wait3A_743 : memref<1x128x32xf32, #tpu.memory_space<vmem>> -> memref<128x32xf32, #tpu.memory_space<vmem>>
    tpu.wait_dma2 semaphore(%arg12 : memref<!tpu.dma_semaphore, #tpu.memory_space<semaphore_mem>>) src(%dma_wait3A_744 : memref<128x32xf32, #tpu.memory_space<vmem>>) dst(%dma_wait3A_740 : memref<128x32xf32, #tpu.memory_space<hbm>>)
    %dma_start3A_745 = arith.constant 14 : i32
    %dma_start3A_746 = arith.constant 2 : i32
    %dma_start3A_747 = arith.constant 0 : i32
    %dma_start3A_748 = arith.constant 0 : i32
    %dma_start3A_749 = tpu.memref_slice %arg6[%dma_start3A_746, %dma_start3A_747, %dma_start3A_748] : memref<3x128x32xf32, #tpu.memory_space<vmem>> -> memref<1x128x32xf32, #tpu.memory_space<vmem>>
    %dma_start3A_750 = tpu.memref_squeeze %dma_start3A_749 : memref<1x128x32xf32, #tpu.memory_space<vmem>> -> memref<128x32xf32, #tpu.memory_space<vmem>>
    %dma_start3A_751 = arith.constant 0 : i32
    %dma_start3A_752 = tpu.memref_slice %arg5[%dma_start3A_745, %dma_start3A_751] : memref<50x128xi32, #tpu.memory_space<vmem>> -> memref<1x128xi32, #tpu.memory_space<vmem>>
    %dma_start3A_753 = tpu.memref_squeeze %dma_start3A_752 : memref<1x128xi32, #tpu.memory_space<vmem>> -> memref<128xi32, #tpu.memory_space<vmem>>
    %dma_start3A_754 = arith.constant 0 : i32
    %dma_start3A_755 = arith.constant 0 : i32
    %dma_start3A_756 = tpu.memref_slice %arg3[%dma_start3A_754, %dma_start3A_755] : memref<1000000x32xf32, #tpu.memory_space<hbm>> -> memref<1000000x32xf32, #tpu.memory_space<hbm>>
    tpu.enqueue_indirect_dma source(%dma_start3A_756 : memref<1000000x32xf32, #tpu.memory_space<hbm>>) target(%dma_start3A_750 : memref<128x32xf32, #tpu.memory_space<vmem>>) offsets(%dma_start3A_753 : memref<128xi32, #tpu.memory_space<vmem>>) semaphore(%arg9 : memref<!tpu.dma_semaphore, #tpu.memory_space<semaphore_mem>>)
    %dma_wait3A_757 = arith.constant 12 : i32
    %dma_wait3A_758 = arith.constant 0 : i32
    %dma_wait3A_759 = arith.constant 0 : i32
    %dma_wait3A_760 = arith.constant 0 : i32
    %dma_wait3A_761 = tpu.memref_slice %arg6[%dma_wait3A_758, %dma_wait3A_759, %dma_wait3A_760] : memref<3x128x32xf32, #tpu.memory_space<vmem>> -> memref<1x128x32xf32, #tpu.memory_space<vmem>>
    %dma_wait3A_762 = tpu.memref_squeeze %dma_wait3A_761 : memref<1x128x32xf32, #tpu.memory_space<vmem>> -> memref<128x32xf32, #tpu.memory_space<vmem>>
    %dma_wait3A_763 = arith.constant 0 : i32
    %dma_wait3A_764 = tpu.memref_slice %arg5[%dma_wait3A_757, %dma_wait3A_763] : memref<50x128xi32, #tpu.memory_space<vmem>> -> memref<1x128xi32, #tpu.memory_space<vmem>>
    %dma_wait3A_765 = tpu.memref_squeeze %dma_wait3A_764 : memref<1x128xi32, #tpu.memory_space<vmem>> -> memref<128xi32, #tpu.memory_space<vmem>>
    %dma_wait3A_766 = arith.constant 0 : i32
    %dma_wait3A_767 = arith.constant 0 : i32
    %dma_wait3A_768 = tpu.memref_slice %arg3[%dma_wait3A_766, %dma_wait3A_767] : memref<1000000x32xf32, #tpu.memory_space<hbm>> -> memref<1000000x32xf32, #tpu.memory_space<hbm>>
    tpu.wait_indirect_dma semaphore(%arg7 : memref<!tpu.dma_semaphore, #tpu.memory_space<semaphore_mem>>) src(%dma_wait3A_768 : memref<1000000x32xf32, #tpu.memory_space<hbm>>) dst(%dma_wait3A_762 : memref<128x32xf32, #tpu.memory_space<vmem>>)
    %mul3A_769 = arith.constant 128 : i32
    %mul3A_770 = arith.muli %add3A, %mul3A_769 : i32
    %dma_start3A_771 = arith.constant 0 : i32
    %dma_start3A_772 = arith.constant 12 : i32
    %dma_start3A_773 = arith.constant 0 : i32
    %dma_start3A_774 = arith.constant 0 : i32
    %dma_start3A_775 = tpu.memref_slice %arg6[%dma_start3A_771, %dma_start3A_773, %dma_start3A_774] : memref<3x128x32xf32, #tpu.memory_space<vmem>> -> memref<1x128x32xf32, #tpu.memory_space<vmem>>
    %dma_start3A_776 = tpu.memref_squeeze %dma_start3A_775 : memref<1x128x32xf32, #tpu.memory_space<vmem>> -> memref<128x32xf32, #tpu.memory_space<vmem>>
    %dma_start3A_777 = arith.constant 0 : i32
    %dma_start3A_778 = tpu.memref_slice %arg4[%mul3A_770, %dma_start3A_772, %dma_start3A_777] : memref<4096x50x32xf32, #tpu.memory_space<hbm>> -> memref<128x1x32xf32, #tpu.memory_space<hbm>>
    %dma_start3A_779 = tpu.memref_squeeze %dma_start3A_778 : memref<128x1x32xf32, #tpu.memory_space<hbm>> -> memref<128x32xf32, #tpu.memory_space<hbm>>
    %dma_start3A_780 = arith.constant 0 : i32
    %dma_start3A_781 = tpu.memref_slice %arg4[%mul3A_770, %dma_start3A_772, %dma_start3A_780] : memref<4096x50x32xf32, #tpu.memory_space<hbm>> -> memref<128x1x32xf32, #tpu.memory_space<hbm>>
    %dma_start3A_782 = tpu.memref_squeeze %dma_start3A_781 : memref<128x1x32xf32, #tpu.memory_space<hbm>> -> memref<128x32xf32, #tpu.memory_space<hbm>>
    %dma_start3A_783 = arith.constant 0 : i32
    %dma_start3A_784 = arith.constant 0 : i32
    %dma_start3A_785 = tpu.memref_slice %arg6[%dma_start3A_771, %dma_start3A_783, %dma_start3A_784] : memref<3x128x32xf32, #tpu.memory_space<vmem>> -> memref<1x128x32xf32, #tpu.memory_space<vmem>>
    %dma_start3A_786 = tpu.memref_squeeze %dma_start3A_785 : memref<1x128x32xf32, #tpu.memory_space<vmem>> -> memref<128x32xf32, #tpu.memory_space<vmem>>
    tpu.enqueue_dma source(%dma_start3A_786 : memref<128x32xf32, #tpu.memory_space<vmem>>) target(%dma_start3A_782 : memref<128x32xf32, #tpu.memory_space<hbm>>) target_semaphore(%arg10 : memref<!tpu.dma_semaphore, #tpu.memory_space<semaphore_mem>>)
    %mul3A_787 = arith.constant 128 : i32
    %mul3A_788 = arith.muli %add3A, %mul3A_787 : i32
    %dma_wait3A_789 = arith.constant 0 : i32
    %dma_wait3A_790 = arith.constant 12 : i32
    %dma_wait3A_791 = arith.constant 0 : i32
    %dma_wait3A_792 = arith.constant 0 : i32
    %dma_wait3A_793 = tpu.memref_slice %arg6[%dma_wait3A_789, %dma_wait3A_791, %dma_wait3A_792] : memref<3x128x32xf32, #tpu.memory_space<vmem>> -> memref<1x128x32xf32, #tpu.memory_space<vmem>>
    %dma_wait3A_794 = tpu.memref_squeeze %dma_wait3A_793 : memref<1x128x32xf32, #tpu.memory_space<vmem>> -> memref<128x32xf32, #tpu.memory_space<vmem>>
    %dma_wait3A_795 = arith.constant 0 : i32
    %dma_wait3A_796 = tpu.memref_slice %arg4[%mul3A_788, %dma_wait3A_790, %dma_wait3A_795] : memref<4096x50x32xf32, #tpu.memory_space<hbm>> -> memref<128x1x32xf32, #tpu.memory_space<hbm>>
    %dma_wait3A_797 = tpu.memref_squeeze %dma_wait3A_796 : memref<128x1x32xf32, #tpu.memory_space<hbm>> -> memref<128x32xf32, #tpu.memory_space<hbm>>
    %dma_wait3A_798 = arith.constant 0 : i32
    %dma_wait3A_799 = tpu.memref_slice %arg4[%mul3A_788, %dma_wait3A_790, %dma_wait3A_798] : memref<4096x50x32xf32, #tpu.memory_space<hbm>> -> memref<128x1x32xf32, #tpu.memory_space<hbm>>
    %dma_wait3A_800 = tpu.memref_squeeze %dma_wait3A_799 : memref<128x1x32xf32, #tpu.memory_space<hbm>> -> memref<128x32xf32, #tpu.memory_space<hbm>>
    %dma_wait3A_801 = arith.constant 0 : i32
    %dma_wait3A_802 = arith.constant 0 : i32
    %dma_wait3A_803 = tpu.memref_slice %arg6[%dma_wait3A_789, %dma_wait3A_801, %dma_wait3A_802] : memref<3x128x32xf32, #tpu.memory_space<vmem>> -> memref<1x128x32xf32, #tpu.memory_space<vmem>>
    %dma_wait3A_804 = tpu.memref_squeeze %dma_wait3A_803 : memref<1x128x32xf32, #tpu.memory_space<vmem>> -> memref<128x32xf32, #tpu.memory_space<vmem>>
    tpu.wait_dma2 semaphore(%arg10 : memref<!tpu.dma_semaphore, #tpu.memory_space<semaphore_mem>>) src(%dma_wait3A_804 : memref<128x32xf32, #tpu.memory_space<vmem>>) dst(%dma_wait3A_800 : memref<128x32xf32, #tpu.memory_space<hbm>>)
    %dma_start3A_805 = arith.constant 15 : i32
    %dma_start3A_806 = arith.constant 0 : i32
    %dma_start3A_807 = arith.constant 0 : i32
    %dma_start3A_808 = arith.constant 0 : i32
    %dma_start3A_809 = tpu.memref_slice %arg6[%dma_start3A_806, %dma_start3A_807, %dma_start3A_808] : memref<3x128x32xf32, #tpu.memory_space<vmem>> -> memref<1x128x32xf32, #tpu.memory_space<vmem>>
    %dma_start3A_810 = tpu.memref_squeeze %dma_start3A_809 : memref<1x128x32xf32, #tpu.memory_space<vmem>> -> memref<128x32xf32, #tpu.memory_space<vmem>>
    %dma_start3A_811 = arith.constant 0 : i32
    %dma_start3A_812 = tpu.memref_slice %arg5[%dma_start3A_805, %dma_start3A_811] : memref<50x128xi32, #tpu.memory_space<vmem>> -> memref<1x128xi32, #tpu.memory_space<vmem>>
    %dma_start3A_813 = tpu.memref_squeeze %dma_start3A_812 : memref<1x128xi32, #tpu.memory_space<vmem>> -> memref<128xi32, #tpu.memory_space<vmem>>
    %dma_start3A_814 = arith.constant 0 : i32
    %dma_start3A_815 = arith.constant 0 : i32
    %dma_start3A_816 = tpu.memref_slice %arg3[%dma_start3A_814, %dma_start3A_815] : memref<1000000x32xf32, #tpu.memory_space<hbm>> -> memref<1000000x32xf32, #tpu.memory_space<hbm>>
    tpu.enqueue_indirect_dma source(%dma_start3A_816 : memref<1000000x32xf32, #tpu.memory_space<hbm>>) target(%dma_start3A_810 : memref<128x32xf32, #tpu.memory_space<vmem>>) offsets(%dma_start3A_813 : memref<128xi32, #tpu.memory_space<vmem>>) semaphore(%arg7 : memref<!tpu.dma_semaphore, #tpu.memory_space<semaphore_mem>>)
    %dma_wait3A_817 = arith.constant 13 : i32
    %dma_wait3A_818 = arith.constant 1 : i32
    %dma_wait3A_819 = arith.constant 0 : i32
    %dma_wait3A_820 = arith.constant 0 : i32
    %dma_wait3A_821 = tpu.memref_slice %arg6[%dma_wait3A_818, %dma_wait3A_819, %dma_wait3A_820] : memref<3x128x32xf32, #tpu.memory_space<vmem>> -> memref<1x128x32xf32, #tpu.memory_space<vmem>>
    %dma_wait3A_822 = tpu.memref_squeeze %dma_wait3A_821 : memref<1x128x32xf32, #tpu.memory_space<vmem>> -> memref<128x32xf32, #tpu.memory_space<vmem>>
    %dma_wait3A_823 = arith.constant 0 : i32
    %dma_wait3A_824 = tpu.memref_slice %arg5[%dma_wait3A_817, %dma_wait3A_823] : memref<50x128xi32, #tpu.memory_space<vmem>> -> memref<1x128xi32, #tpu.memory_space<vmem>>
    %dma_wait3A_825 = tpu.memref_squeeze %dma_wait3A_824 : memref<1x128xi32, #tpu.memory_space<vmem>> -> memref<128xi32, #tpu.memory_space<vmem>>
    %dma_wait3A_826 = arith.constant 0 : i32
    %dma_wait3A_827 = arith.constant 0 : i32
    %dma_wait3A_828 = tpu.memref_slice %arg3[%dma_wait3A_826, %dma_wait3A_827] : memref<1000000x32xf32, #tpu.memory_space<hbm>> -> memref<1000000x32xf32, #tpu.memory_space<hbm>>
    tpu.wait_indirect_dma semaphore(%arg8 : memref<!tpu.dma_semaphore, #tpu.memory_space<semaphore_mem>>) src(%dma_wait3A_828 : memref<1000000x32xf32, #tpu.memory_space<hbm>>) dst(%dma_wait3A_822 : memref<128x32xf32, #tpu.memory_space<vmem>>)
    %mul3A_829 = arith.constant 128 : i32
    %mul3A_830 = arith.muli %add3A, %mul3A_829 : i32
    %dma_start3A_831 = arith.constant 1 : i32
    %dma_start3A_832 = arith.constant 13 : i32
    %dma_start3A_833 = arith.constant 0 : i32
    %dma_start3A_834 = arith.constant 0 : i32
    %dma_start3A_835 = tpu.memref_slice %arg6[%dma_start3A_831, %dma_start3A_833, %dma_start3A_834] : memref<3x128x32xf32, #tpu.memory_space<vmem>> -> memref<1x128x32xf32, #tpu.memory_space<vmem>>
    %dma_start3A_836 = tpu.memref_squeeze %dma_start3A_835 : memref<1x128x32xf32, #tpu.memory_space<vmem>> -> memref<128x32xf32, #tpu.memory_space<vmem>>
    %dma_start3A_837 = arith.constant 0 : i32
    %dma_start3A_838 = tpu.memref_slice %arg4[%mul3A_830, %dma_start3A_832, %dma_start3A_837] : memref<4096x50x32xf32, #tpu.memory_space<hbm>> -> memref<128x1x32xf32, #tpu.memory_space<hbm>>
    %dma_start3A_839 = tpu.memref_squeeze %dma_start3A_838 : memref<128x1x32xf32, #tpu.memory_space<hbm>> -> memref<128x32xf32, #tpu.memory_space<hbm>>
    %dma_start3A_840 = arith.constant 0 : i32
    %dma_start3A_841 = tpu.memref_slice %arg4[%mul3A_830, %dma_start3A_832, %dma_start3A_840] : memref<4096x50x32xf32, #tpu.memory_space<hbm>> -> memref<128x1x32xf32, #tpu.memory_space<hbm>>
    %dma_start3A_842 = tpu.memref_squeeze %dma_start3A_841 : memref<128x1x32xf32, #tpu.memory_space<hbm>> -> memref<128x32xf32, #tpu.memory_space<hbm>>
    %dma_start3A_843 = arith.constant 0 : i32
    %dma_start3A_844 = arith.constant 0 : i32
    %dma_start3A_845 = tpu.memref_slice %arg6[%dma_start3A_831, %dma_start3A_843, %dma_start3A_844] : memref<3x128x32xf32, #tpu.memory_space<vmem>> -> memref<1x128x32xf32, #tpu.memory_space<vmem>>
    %dma_start3A_846 = tpu.memref_squeeze %dma_start3A_845 : memref<1x128x32xf32, #tpu.memory_space<vmem>> -> memref<128x32xf32, #tpu.memory_space<vmem>>
    tpu.enqueue_dma source(%dma_start3A_846 : memref<128x32xf32, #tpu.memory_space<vmem>>) target(%dma_start3A_842 : memref<128x32xf32, #tpu.memory_space<hbm>>) target_semaphore(%arg11 : memref<!tpu.dma_semaphore, #tpu.memory_space<semaphore_mem>>)
    %mul3A_847 = arith.constant 128 : i32
    %mul3A_848 = arith.muli %add3A, %mul3A_847 : i32
    %dma_wait3A_849 = arith.constant 1 : i32
    %dma_wait3A_850 = arith.constant 13 : i32
    %dma_wait3A_851 = arith.constant 0 : i32
    %dma_wait3A_852 = arith.constant 0 : i32
    %dma_wait3A_853 = tpu.memref_slice %arg6[%dma_wait3A_849, %dma_wait3A_851, %dma_wait3A_852] : memref<3x128x32xf32, #tpu.memory_space<vmem>> -> memref<1x128x32xf32, #tpu.memory_space<vmem>>
    %dma_wait3A_854 = tpu.memref_squeeze %dma_wait3A_853 : memref<1x128x32xf32, #tpu.memory_space<vmem>> -> memref<128x32xf32, #tpu.memory_space<vmem>>
    %dma_wait3A_855 = arith.constant 0 : i32
    %dma_wait3A_856 = tpu.memref_slice %arg4[%mul3A_848, %dma_wait3A_850, %dma_wait3A_855] : memref<4096x50x32xf32, #tpu.memory_space<hbm>> -> memref<128x1x32xf32, #tpu.memory_space<hbm>>
    %dma_wait3A_857 = tpu.memref_squeeze %dma_wait3A_856 : memref<128x1x32xf32, #tpu.memory_space<hbm>> -> memref<128x32xf32, #tpu.memory_space<hbm>>
    %dma_wait3A_858 = arith.constant 0 : i32
    %dma_wait3A_859 = tpu.memref_slice %arg4[%mul3A_848, %dma_wait3A_850, %dma_wait3A_858] : memref<4096x50x32xf32, #tpu.memory_space<hbm>> -> memref<128x1x32xf32, #tpu.memory_space<hbm>>
    %dma_wait3A_860 = tpu.memref_squeeze %dma_wait3A_859 : memref<128x1x32xf32, #tpu.memory_space<hbm>> -> memref<128x32xf32, #tpu.memory_space<hbm>>
    %dma_wait3A_861 = arith.constant 0 : i32
    %dma_wait3A_862 = arith.constant 0 : i32
    %dma_wait3A_863 = tpu.memref_slice %arg6[%dma_wait3A_849, %dma_wait3A_861, %dma_wait3A_862] : memref<3x128x32xf32, #tpu.memory_space<vmem>> -> memref<1x128x32xf32, #tpu.memory_space<vmem>>
    %dma_wait3A_864 = tpu.memref_squeeze %dma_wait3A_863 : memref<1x128x32xf32, #tpu.memory_space<vmem>> -> memref<128x32xf32, #tpu.memory_space<vmem>>
    tpu.wait_dma2 semaphore(%arg11 : memref<!tpu.dma_semaphore, #tpu.memory_space<semaphore_mem>>) src(%dma_wait3A_864 : memref<128x32xf32, #tpu.memory_space<vmem>>) dst(%dma_wait3A_860 : memref<128x32xf32, #tpu.memory_space<hbm>>)
    %dma_start3A_865 = arith.constant 16 : i32
    %dma_start3A_866 = arith.constant 1 : i32
    %dma_start3A_867 = arith.constant 0 : i32
    %dma_start3A_868 = arith.constant 0 : i32
    %dma_start3A_869 = tpu.memref_slice %arg6[%dma_start3A_866, %dma_start3A_867, %dma_start3A_868] : memref<3x128x32xf32, #tpu.memory_space<vmem>> -> memref<1x128x32xf32, #tpu.memory_space<vmem>>
    %dma_start3A_870 = tpu.memref_squeeze %dma_start3A_869 : memref<1x128x32xf32, #tpu.memory_space<vmem>> -> memref<128x32xf32, #tpu.memory_space<vmem>>
    %dma_start3A_871 = arith.constant 0 : i32
    %dma_start3A_872 = tpu.memref_slice %arg5[%dma_start3A_865, %dma_start3A_871] : memref<50x128xi32, #tpu.memory_space<vmem>> -> memref<1x128xi32, #tpu.memory_space<vmem>>
    %dma_start3A_873 = tpu.memref_squeeze %dma_start3A_872 : memref<1x128xi32, #tpu.memory_space<vmem>> -> memref<128xi32, #tpu.memory_space<vmem>>
    %dma_start3A_874 = arith.constant 0 : i32
    %dma_start3A_875 = arith.constant 0 : i32
    %dma_start3A_876 = tpu.memref_slice %arg3[%dma_start3A_874, %dma_start3A_875] : memref<1000000x32xf32, #tpu.memory_space<hbm>> -> memref<1000000x32xf32, #tpu.memory_space<hbm>>
    tpu.enqueue_indirect_dma source(%dma_start3A_876 : memref<1000000x32xf32, #tpu.memory_space<hbm>>) target(%dma_start3A_870 : memref<128x32xf32, #tpu.memory_space<vmem>>) offsets(%dma_start3A_873 : memref<128xi32, #tpu.memory_space<vmem>>) semaphore(%arg8 : memref<!tpu.dma_semaphore, #tpu.memory_space<semaphore_mem>>)
    %dma_wait3A_877 = arith.constant 14 : i32
    %dma_wait3A_878 = arith.constant 2 : i32
    %dma_wait3A_879 = arith.constant 0 : i32
    %dma_wait3A_880 = arith.constant 0 : i32
    %dma_wait3A_881 = tpu.memref_slice %arg6[%dma_wait3A_878, %dma_wait3A_879, %dma_wait3A_880] : memref<3x128x32xf32, #tpu.memory_space<vmem>> -> memref<1x128x32xf32, #tpu.memory_space<vmem>>
    %dma_wait3A_882 = tpu.memref_squeeze %dma_wait3A_881 : memref<1x128x32xf32, #tpu.memory_space<vmem>> -> memref<128x32xf32, #tpu.memory_space<vmem>>
    %dma_wait3A_883 = arith.constant 0 : i32
    %dma_wait3A_884 = tpu.memref_slice %arg5[%dma_wait3A_877, %dma_wait3A_883] : memref<50x128xi32, #tpu.memory_space<vmem>> -> memref<1x128xi32, #tpu.memory_space<vmem>>
    %dma_wait3A_885 = tpu.memref_squeeze %dma_wait3A_884 : memref<1x128xi32, #tpu.memory_space<vmem>> -> memref<128xi32, #tpu.memory_space<vmem>>
    %dma_wait3A_886 = arith.constant 0 : i32
    %dma_wait3A_887 = arith.constant 0 : i32
    %dma_wait3A_888 = tpu.memref_slice %arg3[%dma_wait3A_886, %dma_wait3A_887] : memref<1000000x32xf32, #tpu.memory_space<hbm>> -> memref<1000000x32xf32, #tpu.memory_space<hbm>>
    tpu.wait_indirect_dma semaphore(%arg9 : memref<!tpu.dma_semaphore, #tpu.memory_space<semaphore_mem>>) src(%dma_wait3A_888 : memref<1000000x32xf32, #tpu.memory_space<hbm>>) dst(%dma_wait3A_882 : memref<128x32xf32, #tpu.memory_space<vmem>>)
    %mul3A_889 = arith.constant 128 : i32
    %mul3A_890 = arith.muli %add3A, %mul3A_889 : i32
    %dma_start3A_891 = arith.constant 2 : i32
    %dma_start3A_892 = arith.constant 14 : i32
    %dma_start3A_893 = arith.constant 0 : i32
    %dma_start3A_894 = arith.constant 0 : i32
    %dma_start3A_895 = tpu.memref_slice %arg6[%dma_start3A_891, %dma_start3A_893, %dma_start3A_894] : memref<3x128x32xf32, #tpu.memory_space<vmem>> -> memref<1x128x32xf32, #tpu.memory_space<vmem>>
    %dma_start3A_896 = tpu.memref_squeeze %dma_start3A_895 : memref<1x128x32xf32, #tpu.memory_space<vmem>> -> memref<128x32xf32, #tpu.memory_space<vmem>>
    %dma_start3A_897 = arith.constant 0 : i32
    %dma_start3A_898 = tpu.memref_slice %arg4[%mul3A_890, %dma_start3A_892, %dma_start3A_897] : memref<4096x50x32xf32, #tpu.memory_space<hbm>> -> memref<128x1x32xf32, #tpu.memory_space<hbm>>
    %dma_start3A_899 = tpu.memref_squeeze %dma_start3A_898 : memref<128x1x32xf32, #tpu.memory_space<hbm>> -> memref<128x32xf32, #tpu.memory_space<hbm>>
    %dma_start3A_900 = arith.constant 0 : i32
    %dma_start3A_901 = tpu.memref_slice %arg4[%mul3A_890, %dma_start3A_892, %dma_start3A_900] : memref<4096x50x32xf32, #tpu.memory_space<hbm>> -> memref<128x1x32xf32, #tpu.memory_space<hbm>>
    %dma_start3A_902 = tpu.memref_squeeze %dma_start3A_901 : memref<128x1x32xf32, #tpu.memory_space<hbm>> -> memref<128x32xf32, #tpu.memory_space<hbm>>
    %dma_start3A_903 = arith.constant 0 : i32
    %dma_start3A_904 = arith.constant 0 : i32
    %dma_start3A_905 = tpu.memref_slice %arg6[%dma_start3A_891, %dma_start3A_903, %dma_start3A_904] : memref<3x128x32xf32, #tpu.memory_space<vmem>> -> memref<1x128x32xf32, #tpu.memory_space<vmem>>
    %dma_start3A_906 = tpu.memref_squeeze %dma_start3A_905 : memref<1x128x32xf32, #tpu.memory_space<vmem>> -> memref<128x32xf32, #tpu.memory_space<vmem>>
    tpu.enqueue_dma source(%dma_start3A_906 : memref<128x32xf32, #tpu.memory_space<vmem>>) target(%dma_start3A_902 : memref<128x32xf32, #tpu.memory_space<hbm>>) target_semaphore(%arg12 : memref<!tpu.dma_semaphore, #tpu.memory_space<semaphore_mem>>)
    %mul3A_907 = arith.constant 128 : i32
    %mul3A_908 = arith.muli %add3A, %mul3A_907 : i32
    %dma_wait3A_909 = arith.constant 2 : i32
    %dma_wait3A_910 = arith.constant 14 : i32
    %dma_wait3A_911 = arith.constant 0 : i32
    %dma_wait3A_912 = arith.constant 0 : i32
    %dma_wait3A_913 = tpu.memref_slice %arg6[%dma_wait3A_909, %dma_wait3A_911, %dma_wait3A_912] : memref<3x128x32xf32, #tpu.memory_space<vmem>> -> memref<1x128x32xf32, #tpu.memory_space<vmem>>
    %dma_wait3A_914 = tpu.memref_squeeze %dma_wait3A_913 : memref<1x128x32xf32, #tpu.memory_space<vmem>> -> memref<128x32xf32, #tpu.memory_space<vmem>>
    %dma_wait3A_915 = arith.constant 0 : i32
    %dma_wait3A_916 = tpu.memref_slice %arg4[%mul3A_908, %dma_wait3A_910, %dma_wait3A_915] : memref<4096x50x32xf32, #tpu.memory_space<hbm>> -> memref<128x1x32xf32, #tpu.memory_space<hbm>>
    %dma_wait3A_917 = tpu.memref_squeeze %dma_wait3A_916 : memref<128x1x32xf32, #tpu.memory_space<hbm>> -> memref<128x32xf32, #tpu.memory_space<hbm>>
    %dma_wait3A_918 = arith.constant 0 : i32
    %dma_wait3A_919 = tpu.memref_slice %arg4[%mul3A_908, %dma_wait3A_910, %dma_wait3A_918] : memref<4096x50x32xf32, #tpu.memory_space<hbm>> -> memref<128x1x32xf32, #tpu.memory_space<hbm>>
    %dma_wait3A_920 = tpu.memref_squeeze %dma_wait3A_919 : memref<128x1x32xf32, #tpu.memory_space<hbm>> -> memref<128x32xf32, #tpu.memory_space<hbm>>
    %dma_wait3A_921 = arith.constant 0 : i32
    %dma_wait3A_922 = arith.constant 0 : i32
    %dma_wait3A_923 = tpu.memref_slice %arg6[%dma_wait3A_909, %dma_wait3A_921, %dma_wait3A_922] : memref<3x128x32xf32, #tpu.memory_space<vmem>> -> memref<1x128x32xf32, #tpu.memory_space<vmem>>
    %dma_wait3A_924 = tpu.memref_squeeze %dma_wait3A_923 : memref<1x128x32xf32, #tpu.memory_space<vmem>> -> memref<128x32xf32, #tpu.memory_space<vmem>>
    tpu.wait_dma2 semaphore(%arg12 : memref<!tpu.dma_semaphore, #tpu.memory_space<semaphore_mem>>) src(%dma_wait3A_924 : memref<128x32xf32, #tpu.memory_space<vmem>>) dst(%dma_wait3A_920 : memref<128x32xf32, #tpu.memory_space<hbm>>)
    %dma_start3A_925 = arith.constant 17 : i32
    %dma_start3A_926 = arith.constant 2 : i32
    %dma_start3A_927 = arith.constant 0 : i32
    %dma_start3A_928 = arith.constant 0 : i32
    %dma_start3A_929 = tpu.memref_slice %arg6[%dma_start3A_926, %dma_start3A_927, %dma_start3A_928] : memref<3x128x32xf32, #tpu.memory_space<vmem>> -> memref<1x128x32xf32, #tpu.memory_space<vmem>>
    %dma_start3A_930 = tpu.memref_squeeze %dma_start3A_929 : memref<1x128x32xf32, #tpu.memory_space<vmem>> -> memref<128x32xf32, #tpu.memory_space<vmem>>
    %dma_start3A_931 = arith.constant 0 : i32
    %dma_start3A_932 = tpu.memref_slice %arg5[%dma_start3A_925, %dma_start3A_931] : memref<50x128xi32, #tpu.memory_space<vmem>> -> memref<1x128xi32, #tpu.memory_space<vmem>>
    %dma_start3A_933 = tpu.memref_squeeze %dma_start3A_932 : memref<1x128xi32, #tpu.memory_space<vmem>> -> memref<128xi32, #tpu.memory_space<vmem>>
    %dma_start3A_934 = arith.constant 0 : i32
    %dma_start3A_935 = arith.constant 0 : i32
    %dma_start3A_936 = tpu.memref_slice %arg3[%dma_start3A_934, %dma_start3A_935] : memref<1000000x32xf32, #tpu.memory_space<hbm>> -> memref<1000000x32xf32, #tpu.memory_space<hbm>>
    tpu.enqueue_indirect_dma source(%dma_start3A_936 : memref<1000000x32xf32, #tpu.memory_space<hbm>>) target(%dma_start3A_930 : memref<128x32xf32, #tpu.memory_space<vmem>>) offsets(%dma_start3A_933 : memref<128xi32, #tpu.memory_space<vmem>>) semaphore(%arg9 : memref<!tpu.dma_semaphore, #tpu.memory_space<semaphore_mem>>)
    %dma_wait3A_937 = arith.constant 15 : i32
    %dma_wait3A_938 = arith.constant 0 : i32
    %dma_wait3A_939 = arith.constant 0 : i32
    %dma_wait3A_940 = arith.constant 0 : i32
    %dma_wait3A_941 = tpu.memref_slice %arg6[%dma_wait3A_938, %dma_wait3A_939, %dma_wait3A_940] : memref<3x128x32xf32, #tpu.memory_space<vmem>> -> memref<1x128x32xf32, #tpu.memory_space<vmem>>
    %dma_wait3A_942 = tpu.memref_squeeze %dma_wait3A_941 : memref<1x128x32xf32, #tpu.memory_space<vmem>> -> memref<128x32xf32, #tpu.memory_space<vmem>>
    %dma_wait3A_943 = arith.constant 0 : i32
    %dma_wait3A_944 = tpu.memref_slice %arg5[%dma_wait3A_937, %dma_wait3A_943] : memref<50x128xi32, #tpu.memory_space<vmem>> -> memref<1x128xi32, #tpu.memory_space<vmem>>
    %dma_wait3A_945 = tpu.memref_squeeze %dma_wait3A_944 : memref<1x128xi32, #tpu.memory_space<vmem>> -> memref<128xi32, #tpu.memory_space<vmem>>
    %dma_wait3A_946 = arith.constant 0 : i32
    %dma_wait3A_947 = arith.constant 0 : i32
    %dma_wait3A_948 = tpu.memref_slice %arg3[%dma_wait3A_946, %dma_wait3A_947] : memref<1000000x32xf32, #tpu.memory_space<hbm>> -> memref<1000000x32xf32, #tpu.memory_space<hbm>>
    tpu.wait_indirect_dma semaphore(%arg7 : memref<!tpu.dma_semaphore, #tpu.memory_space<semaphore_mem>>) src(%dma_wait3A_948 : memref<1000000x32xf32, #tpu.memory_space<hbm>>) dst(%dma_wait3A_942 : memref<128x32xf32, #tpu.memory_space<vmem>>)
    %mul3A_949 = arith.constant 128 : i32
    %mul3A_950 = arith.muli %add3A, %mul3A_949 : i32
    %dma_start3A_951 = arith.constant 0 : i32
    %dma_start3A_952 = arith.constant 15 : i32
    %dma_start3A_953 = arith.constant 0 : i32
    %dma_start3A_954 = arith.constant 0 : i32
    %dma_start3A_955 = tpu.memref_slice %arg6[%dma_start3A_951, %dma_start3A_953, %dma_start3A_954] : memref<3x128x32xf32, #tpu.memory_space<vmem>> -> memref<1x128x32xf32, #tpu.memory_space<vmem>>
    %dma_start3A_956 = tpu.memref_squeeze %dma_start3A_955 : memref<1x128x32xf32, #tpu.memory_space<vmem>> -> memref<128x32xf32, #tpu.memory_space<vmem>>
    %dma_start3A_957 = arith.constant 0 : i32
    %dma_start3A_958 = tpu.memref_slice %arg4[%mul3A_950, %dma_start3A_952, %dma_start3A_957] : memref<4096x50x32xf32, #tpu.memory_space<hbm>> -> memref<128x1x32xf32, #tpu.memory_space<hbm>>
    %dma_start3A_959 = tpu.memref_squeeze %dma_start3A_958 : memref<128x1x32xf32, #tpu.memory_space<hbm>> -> memref<128x32xf32, #tpu.memory_space<hbm>>
    %dma_start3A_960 = arith.constant 0 : i32
    %dma_start3A_961 = tpu.memref_slice %arg4[%mul3A_950, %dma_start3A_952, %dma_start3A_960] : memref<4096x50x32xf32, #tpu.memory_space<hbm>> -> memref<128x1x32xf32, #tpu.memory_space<hbm>>
    %dma_start3A_962 = tpu.memref_squeeze %dma_start3A_961 : memref<128x1x32xf32, #tpu.memory_space<hbm>> -> memref<128x32xf32, #tpu.memory_space<hbm>>
    %dma_start3A_963 = arith.constant 0 : i32
    %dma_start3A_964 = arith.constant 0 : i32
    %dma_start3A_965 = tpu.memref_slice %arg6[%dma_start3A_951, %dma_start3A_963, %dma_start3A_964] : memref<3x128x32xf32, #tpu.memory_space<vmem>> -> memref<1x128x32xf32, #tpu.memory_space<vmem>>
    %dma_start3A_966 = tpu.memref_squeeze %dma_start3A_965 : memref<1x128x32xf32, #tpu.memory_space<vmem>> -> memref<128x32xf32, #tpu.memory_space<vmem>>
    tpu.enqueue_dma source(%dma_start3A_966 : memref<128x32xf32, #tpu.memory_space<vmem>>) target(%dma_start3A_962 : memref<128x32xf32, #tpu.memory_space<hbm>>) target_semaphore(%arg10 : memref<!tpu.dma_semaphore, #tpu.memory_space<semaphore_mem>>)
    %mul3A_967 = arith.constant 128 : i32
    %mul3A_968 = arith.muli %add3A, %mul3A_967 : i32
    %dma_wait3A_969 = arith.constant 0 : i32
    %dma_wait3A_970 = arith.constant 15 : i32
    %dma_wait3A_971 = arith.constant 0 : i32
    %dma_wait3A_972 = arith.constant 0 : i32
    %dma_wait3A_973 = tpu.memref_slice %arg6[%dma_wait3A_969, %dma_wait3A_971, %dma_wait3A_972] : memref<3x128x32xf32, #tpu.memory_space<vmem>> -> memref<1x128x32xf32, #tpu.memory_space<vmem>>
    %dma_wait3A_974 = tpu.memref_squeeze %dma_wait3A_973 : memref<1x128x32xf32, #tpu.memory_space<vmem>> -> memref<128x32xf32, #tpu.memory_space<vmem>>
    %dma_wait3A_975 = arith.constant 0 : i32
    %dma_wait3A_976 = tpu.memref_slice %arg4[%mul3A_968, %dma_wait3A_970, %dma_wait3A_975] : memref<4096x50x32xf32, #tpu.memory_space<hbm>> -> memref<128x1x32xf32, #tpu.memory_space<hbm>>
    %dma_wait3A_977 = tpu.memref_squeeze %dma_wait3A_976 : memref<128x1x32xf32, #tpu.memory_space<hbm>> -> memref<128x32xf32, #tpu.memory_space<hbm>>
    %dma_wait3A_978 = arith.constant 0 : i32
    %dma_wait3A_979 = tpu.memref_slice %arg4[%mul3A_968, %dma_wait3A_970, %dma_wait3A_978] : memref<4096x50x32xf32, #tpu.memory_space<hbm>> -> memref<128x1x32xf32, #tpu.memory_space<hbm>>
    %dma_wait3A_980 = tpu.memref_squeeze %dma_wait3A_979 : memref<128x1x32xf32, #tpu.memory_space<hbm>> -> memref<128x32xf32, #tpu.memory_space<hbm>>
    %dma_wait3A_981 = arith.constant 0 : i32
    %dma_wait3A_982 = arith.constant 0 : i32
    %dma_wait3A_983 = tpu.memref_slice %arg6[%dma_wait3A_969, %dma_wait3A_981, %dma_wait3A_982] : memref<3x128x32xf32, #tpu.memory_space<vmem>> -> memref<1x128x32xf32, #tpu.memory_space<vmem>>
    %dma_wait3A_984 = tpu.memref_squeeze %dma_wait3A_983 : memref<1x128x32xf32, #tpu.memory_space<vmem>> -> memref<128x32xf32, #tpu.memory_space<vmem>>
    tpu.wait_dma2 semaphore(%arg10 : memref<!tpu.dma_semaphore, #tpu.memory_space<semaphore_mem>>) src(%dma_wait3A_984 : memref<128x32xf32, #tpu.memory_space<vmem>>) dst(%dma_wait3A_980 : memref<128x32xf32, #tpu.memory_space<hbm>>)
    %dma_start3A_985 = arith.constant 18 : i32
    %dma_start3A_986 = arith.constant 0 : i32
    %dma_start3A_987 = arith.constant 0 : i32
    %dma_start3A_988 = arith.constant 0 : i32
    %dma_start3A_989 = tpu.memref_slice %arg6[%dma_start3A_986, %dma_start3A_987, %dma_start3A_988] : memref<3x128x32xf32, #tpu.memory_space<vmem>> -> memref<1x128x32xf32, #tpu.memory_space<vmem>>
    %dma_start3A_990 = tpu.memref_squeeze %dma_start3A_989 : memref<1x128x32xf32, #tpu.memory_space<vmem>> -> memref<128x32xf32, #tpu.memory_space<vmem>>
    %dma_start3A_991 = arith.constant 0 : i32
    %dma_start3A_992 = tpu.memref_slice %arg5[%dma_start3A_985, %dma_start3A_991] : memref<50x128xi32, #tpu.memory_space<vmem>> -> memref<1x128xi32, #tpu.memory_space<vmem>>
    %dma_start3A_993 = tpu.memref_squeeze %dma_start3A_992 : memref<1x128xi32, #tpu.memory_space<vmem>> -> memref<128xi32, #tpu.memory_space<vmem>>
    %dma_start3A_994 = arith.constant 0 : i32
    %dma_start3A_995 = arith.constant 0 : i32
    %dma_start3A_996 = tpu.memref_slice %arg3[%dma_start3A_994, %dma_start3A_995] : memref<1000000x32xf32, #tpu.memory_space<hbm>> -> memref<1000000x32xf32, #tpu.memory_space<hbm>>
    tpu.enqueue_indirect_dma source(%dma_start3A_996 : memref<1000000x32xf32, #tpu.memory_space<hbm>>) target(%dma_start3A_990 : memref<128x32xf32, #tpu.memory_space<vmem>>) offsets(%dma_start3A_993 : memref<128xi32, #tpu.memory_space<vmem>>) semaphore(%arg7 : memref<!tpu.dma_semaphore, #tpu.memory_space<semaphore_mem>>)
    %dma_wait3A_997 = arith.constant 16 : i32
    %dma_wait3A_998 = arith.constant 1 : i32
    %dma_wait3A_999 = arith.constant 0 : i32
    %dma_wait3A_1000 = arith.constant 0 : i32
    %dma_wait3A_1001 = tpu.memref_slice %arg6[%dma_wait3A_998, %dma_wait3A_999, %dma_wait3A_1000] : memref<3x128x32xf32, #tpu.memory_space<vmem>> -> memref<1x128x32xf32, #tpu.memory_space<vmem>>
    %dma_wait3A_1002 = tpu.memref_squeeze %dma_wait3A_1001 : memref<1x128x32xf32, #tpu.memory_space<vmem>> -> memref<128x32xf32, #tpu.memory_space<vmem>>
    %dma_wait3A_1003 = arith.constant 0 : i32
    %dma_wait3A_1004 = tpu.memref_slice %arg5[%dma_wait3A_997, %dma_wait3A_1003] : memref<50x128xi32, #tpu.memory_space<vmem>> -> memref<1x128xi32, #tpu.memory_space<vmem>>
    %dma_wait3A_1005 = tpu.memref_squeeze %dma_wait3A_1004 : memref<1x128xi32, #tpu.memory_space<vmem>> -> memref<128xi32, #tpu.memory_space<vmem>>
    %dma_wait3A_1006 = arith.constant 0 : i32
    %dma_wait3A_1007 = arith.constant 0 : i32
    %dma_wait3A_1008 = tpu.memref_slice %arg3[%dma_wait3A_1006, %dma_wait3A_1007] : memref<1000000x32xf32, #tpu.memory_space<hbm>> -> memref<1000000x32xf32, #tpu.memory_space<hbm>>
    tpu.wait_indirect_dma semaphore(%arg8 : memref<!tpu.dma_semaphore, #tpu.memory_space<semaphore_mem>>) src(%dma_wait3A_1008 : memref<1000000x32xf32, #tpu.memory_space<hbm>>) dst(%dma_wait3A_1002 : memref<128x32xf32, #tpu.memory_space<vmem>>)
    %mul3A_1009 = arith.constant 128 : i32
    %mul3A_1010 = arith.muli %add3A, %mul3A_1009 : i32
    %dma_start3A_1011 = arith.constant 1 : i32
    %dma_start3A_1012 = arith.constant 16 : i32
    %dma_start3A_1013 = arith.constant 0 : i32
    %dma_start3A_1014 = arith.constant 0 : i32
    %dma_start3A_1015 = tpu.memref_slice %arg6[%dma_start3A_1011, %dma_start3A_1013, %dma_start3A_1014] : memref<3x128x32xf32, #tpu.memory_space<vmem>> -> memref<1x128x32xf32, #tpu.memory_space<vmem>>
    %dma_start3A_1016 = tpu.memref_squeeze %dma_start3A_1015 : memref<1x128x32xf32, #tpu.memory_space<vmem>> -> memref<128x32xf32, #tpu.memory_space<vmem>>
    %dma_start3A_1017 = arith.constant 0 : i32
    %dma_start3A_1018 = tpu.memref_slice %arg4[%mul3A_1010, %dma_start3A_1012, %dma_start3A_1017] : memref<4096x50x32xf32, #tpu.memory_space<hbm>> -> memref<128x1x32xf32, #tpu.memory_space<hbm>>
    %dma_start3A_1019 = tpu.memref_squeeze %dma_start3A_1018 : memref<128x1x32xf32, #tpu.memory_space<hbm>> -> memref<128x32xf32, #tpu.memory_space<hbm>>
    %dma_start3A_1020 = arith.constant 0 : i32
    %dma_start3A_1021 = tpu.memref_slice %arg4[%mul3A_1010, %dma_start3A_1012, %dma_start3A_1020] : memref<4096x50x32xf32, #tpu.memory_space<hbm>> -> memref<128x1x32xf32, #tpu.memory_space<hbm>>
    %dma_start3A_1022 = tpu.memref_squeeze %dma_start3A_1021 : memref<128x1x32xf32, #tpu.memory_space<hbm>> -> memref<128x32xf32, #tpu.memory_space<hbm>>
    %dma_start3A_1023 = arith.constant 0 : i32
    %dma_start3A_1024 = arith.constant 0 : i32
    %dma_start3A_1025 = tpu.memref_slice %arg6[%dma_start3A_1011, %dma_start3A_1023, %dma_start3A_1024] : memref<3x128x32xf32, #tpu.memory_space<vmem>> -> memref<1x128x32xf32, #tpu.memory_space<vmem>>
    %dma_start3A_1026 = tpu.memref_squeeze %dma_start3A_1025 : memref<1x128x32xf32, #tpu.memory_space<vmem>> -> memref<128x32xf32, #tpu.memory_space<vmem>>
    tpu.enqueue_dma source(%dma_start3A_1026 : memref<128x32xf32, #tpu.memory_space<vmem>>) target(%dma_start3A_1022 : memref<128x32xf32, #tpu.memory_space<hbm>>) target_semaphore(%arg11 : memref<!tpu.dma_semaphore, #tpu.memory_space<semaphore_mem>>)
    %mul3A_1027 = arith.constant 128 : i32
    %mul3A_1028 = arith.muli %add3A, %mul3A_1027 : i32
    %dma_wait3A_1029 = arith.constant 1 : i32
    %dma_wait3A_1030 = arith.constant 16 : i32
    %dma_wait3A_1031 = arith.constant 0 : i32
    %dma_wait3A_1032 = arith.constant 0 : i32
    %dma_wait3A_1033 = tpu.memref_slice %arg6[%dma_wait3A_1029, %dma_wait3A_1031, %dma_wait3A_1032] : memref<3x128x32xf32, #tpu.memory_space<vmem>> -> memref<1x128x32xf32, #tpu.memory_space<vmem>>
    %dma_wait3A_1034 = tpu.memref_squeeze %dma_wait3A_1033 : memref<1x128x32xf32, #tpu.memory_space<vmem>> -> memref<128x32xf32, #tpu.memory_space<vmem>>
    %dma_wait3A_1035 = arith.constant 0 : i32
    %dma_wait3A_1036 = tpu.memref_slice %arg4[%mul3A_1028, %dma_wait3A_1030, %dma_wait3A_1035] : memref<4096x50x32xf32, #tpu.memory_space<hbm>> -> memref<128x1x32xf32, #tpu.memory_space<hbm>>
    %dma_wait3A_1037 = tpu.memref_squeeze %dma_wait3A_1036 : memref<128x1x32xf32, #tpu.memory_space<hbm>> -> memref<128x32xf32, #tpu.memory_space<hbm>>
    %dma_wait3A_1038 = arith.constant 0 : i32
    %dma_wait3A_1039 = tpu.memref_slice %arg4[%mul3A_1028, %dma_wait3A_1030, %dma_wait3A_1038] : memref<4096x50x32xf32, #tpu.memory_space<hbm>> -> memref<128x1x32xf32, #tpu.memory_space<hbm>>
    %dma_wait3A_1040 = tpu.memref_squeeze %dma_wait3A_1039 : memref<128x1x32xf32, #tpu.memory_space<hbm>> -> memref<128x32xf32, #tpu.memory_space<hbm>>
    %dma_wait3A_1041 = arith.constant 0 : i32
    %dma_wait3A_1042 = arith.constant 0 : i32
    %dma_wait3A_1043 = tpu.memref_slice %arg6[%dma_wait3A_1029, %dma_wait3A_1041, %dma_wait3A_1042] : memref<3x128x32xf32, #tpu.memory_space<vmem>> -> memref<1x128x32xf32, #tpu.memory_space<vmem>>
    %dma_wait3A_1044 = tpu.memref_squeeze %dma_wait3A_1043 : memref<1x128x32xf32, #tpu.memory_space<vmem>> -> memref<128x32xf32, #tpu.memory_space<vmem>>
    tpu.wait_dma2 semaphore(%arg11 : memref<!tpu.dma_semaphore, #tpu.memory_space<semaphore_mem>>) src(%dma_wait3A_1044 : memref<128x32xf32, #tpu.memory_space<vmem>>) dst(%dma_wait3A_1040 : memref<128x32xf32, #tpu.memory_space<hbm>>)
    %dma_start3A_1045 = arith.constant 19 : i32
    %dma_start3A_1046 = arith.constant 1 : i32
    %dma_start3A_1047 = arith.constant 0 : i32
    %dma_start3A_1048 = arith.constant 0 : i32
    %dma_start3A_1049 = tpu.memref_slice %arg6[%dma_start3A_1046, %dma_start3A_1047, %dma_start3A_1048] : memref<3x128x32xf32, #tpu.memory_space<vmem>> -> memref<1x128x32xf32, #tpu.memory_space<vmem>>
    %dma_start3A_1050 = tpu.memref_squeeze %dma_start3A_1049 : memref<1x128x32xf32, #tpu.memory_space<vmem>> -> memref<128x32xf32, #tpu.memory_space<vmem>>
    %dma_start3A_1051 = arith.constant 0 : i32
    %dma_start3A_1052 = tpu.memref_slice %arg5[%dma_start3A_1045, %dma_start3A_1051] : memref<50x128xi32, #tpu.memory_space<vmem>> -> memref<1x128xi32, #tpu.memory_space<vmem>>
    %dma_start3A_1053 = tpu.memref_squeeze %dma_start3A_1052 : memref<1x128xi32, #tpu.memory_space<vmem>> -> memref<128xi32, #tpu.memory_space<vmem>>
    %dma_start3A_1054 = arith.constant 0 : i32
    %dma_start3A_1055 = arith.constant 0 : i32
    %dma_start3A_1056 = tpu.memref_slice %arg3[%dma_start3A_1054, %dma_start3A_1055] : memref<1000000x32xf32, #tpu.memory_space<hbm>> -> memref<1000000x32xf32, #tpu.memory_space<hbm>>
    tpu.enqueue_indirect_dma source(%dma_start3A_1056 : memref<1000000x32xf32, #tpu.memory_space<hbm>>) target(%dma_start3A_1050 : memref<128x32xf32, #tpu.memory_space<vmem>>) offsets(%dma_start3A_1053 : memref<128xi32, #tpu.memory_space<vmem>>) semaphore(%arg8 : memref<!tpu.dma_semaphore, #tpu.memory_space<semaphore_mem>>)
    %dma_wait3A_1057 = arith.constant 17 : i32
    %dma_wait3A_1058 = arith.constant 2 : i32
    %dma_wait3A_1059 = arith.constant 0 : i32
    %dma_wait3A_1060 = arith.constant 0 : i32
    %dma_wait3A_1061 = tpu.memref_slice %arg6[%dma_wait3A_1058, %dma_wait3A_1059, %dma_wait3A_1060] : memref<3x128x32xf32, #tpu.memory_space<vmem>> -> memref<1x128x32xf32, #tpu.memory_space<vmem>>
    %dma_wait3A_1062 = tpu.memref_squeeze %dma_wait3A_1061 : memref<1x128x32xf32, #tpu.memory_space<vmem>> -> memref<128x32xf32, #tpu.memory_space<vmem>>
    %dma_wait3A_1063 = arith.constant 0 : i32
    %dma_wait3A_1064 = tpu.memref_slice %arg5[%dma_wait3A_1057, %dma_wait3A_1063] : memref<50x128xi32, #tpu.memory_space<vmem>> -> memref<1x128xi32, #tpu.memory_space<vmem>>
    %dma_wait3A_1065 = tpu.memref_squeeze %dma_wait3A_1064 : memref<1x128xi32, #tpu.memory_space<vmem>> -> memref<128xi32, #tpu.memory_space<vmem>>
    %dma_wait3A_1066 = arith.constant 0 : i32
    %dma_wait3A_1067 = arith.constant 0 : i32
    %dma_wait3A_1068 = tpu.memref_slice %arg3[%dma_wait3A_1066, %dma_wait3A_1067] : memref<1000000x32xf32, #tpu.memory_space<hbm>> -> memref<1000000x32xf32, #tpu.memory_space<hbm>>
    tpu.wait_indirect_dma semaphore(%arg9 : memref<!tpu.dma_semaphore, #tpu.memory_space<semaphore_mem>>) src(%dma_wait3A_1068 : memref<1000000x32xf32, #tpu.memory_space<hbm>>) dst(%dma_wait3A_1062 : memref<128x32xf32, #tpu.memory_space<vmem>>)
    %mul3A_1069 = arith.constant 128 : i32
    %mul3A_1070 = arith.muli %add3A, %mul3A_1069 : i32
    %dma_start3A_1071 = arith.constant 2 : i32
    %dma_start3A_1072 = arith.constant 17 : i32
    %dma_start3A_1073 = arith.constant 0 : i32
    %dma_start3A_1074 = arith.constant 0 : i32
    %dma_start3A_1075 = tpu.memref_slice %arg6[%dma_start3A_1071, %dma_start3A_1073, %dma_start3A_1074] : memref<3x128x32xf32, #tpu.memory_space<vmem>> -> memref<1x128x32xf32, #tpu.memory_space<vmem>>
    %dma_start3A_1076 = tpu.memref_squeeze %dma_start3A_1075 : memref<1x128x32xf32, #tpu.memory_space<vmem>> -> memref<128x32xf32, #tpu.memory_space<vmem>>
    %dma_start3A_1077 = arith.constant 0 : i32
    %dma_start3A_1078 = tpu.memref_slice %arg4[%mul3A_1070, %dma_start3A_1072, %dma_start3A_1077] : memref<4096x50x32xf32, #tpu.memory_space<hbm>> -> memref<128x1x32xf32, #tpu.memory_space<hbm>>
    %dma_start3A_1079 = tpu.memref_squeeze %dma_start3A_1078 : memref<128x1x32xf32, #tpu.memory_space<hbm>> -> memref<128x32xf32, #tpu.memory_space<hbm>>
    %dma_start3A_1080 = arith.constant 0 : i32
    %dma_start3A_1081 = tpu.memref_slice %arg4[%mul3A_1070, %dma_start3A_1072, %dma_start3A_1080] : memref<4096x50x32xf32, #tpu.memory_space<hbm>> -> memref<128x1x32xf32, #tpu.memory_space<hbm>>
    %dma_start3A_1082 = tpu.memref_squeeze %dma_start3A_1081 : memref<128x1x32xf32, #tpu.memory_space<hbm>> -> memref<128x32xf32, #tpu.memory_space<hbm>>
    %dma_start3A_1083 = arith.constant 0 : i32
    %dma_start3A_1084 = arith.constant 0 : i32
    %dma_start3A_1085 = tpu.memref_slice %arg6[%dma_start3A_1071, %dma_start3A_1083, %dma_start3A_1084] : memref<3x128x32xf32, #tpu.memory_space<vmem>> -> memref<1x128x32xf32, #tpu.memory_space<vmem>>
    %dma_start3A_1086 = tpu.memref_squeeze %dma_start3A_1085 : memref<1x128x32xf32, #tpu.memory_space<vmem>> -> memref<128x32xf32, #tpu.memory_space<vmem>>
    tpu.enqueue_dma source(%dma_start3A_1086 : memref<128x32xf32, #tpu.memory_space<vmem>>) target(%dma_start3A_1082 : memref<128x32xf32, #tpu.memory_space<hbm>>) target_semaphore(%arg12 : memref<!tpu.dma_semaphore, #tpu.memory_space<semaphore_mem>>)
    %mul3A_1087 = arith.constant 128 : i32
    %mul3A_1088 = arith.muli %add3A, %mul3A_1087 : i32
    %dma_wait3A_1089 = arith.constant 2 : i32
    %dma_wait3A_1090 = arith.constant 17 : i32
    %dma_wait3A_1091 = arith.constant 0 : i32
    %dma_wait3A_1092 = arith.constant 0 : i32
    %dma_wait3A_1093 = tpu.memref_slice %arg6[%dma_wait3A_1089, %dma_wait3A_1091, %dma_wait3A_1092] : memref<3x128x32xf32, #tpu.memory_space<vmem>> -> memref<1x128x32xf32, #tpu.memory_space<vmem>>
    %dma_wait3A_1094 = tpu.memref_squeeze %dma_wait3A_1093 : memref<1x128x32xf32, #tpu.memory_space<vmem>> -> memref<128x32xf32, #tpu.memory_space<vmem>>
    %dma_wait3A_1095 = arith.constant 0 : i32
    %dma_wait3A_1096 = tpu.memref_slice %arg4[%mul3A_1088, %dma_wait3A_1090, %dma_wait3A_1095] : memref<4096x50x32xf32, #tpu.memory_space<hbm>> -> memref<128x1x32xf32, #tpu.memory_space<hbm>>
    %dma_wait3A_1097 = tpu.memref_squeeze %dma_wait3A_1096 : memref<128x1x32xf32, #tpu.memory_space<hbm>> -> memref<128x32xf32, #tpu.memory_space<hbm>>
    %dma_wait3A_1098 = arith.constant 0 : i32
    %dma_wait3A_1099 = tpu.memref_slice %arg4[%mul3A_1088, %dma_wait3A_1090, %dma_wait3A_1098] : memref<4096x50x32xf32, #tpu.memory_space<hbm>> -> memref<128x1x32xf32, #tpu.memory_space<hbm>>
    %dma_wait3A_1100 = tpu.memref_squeeze %dma_wait3A_1099 : memref<128x1x32xf32, #tpu.memory_space<hbm>> -> memref<128x32xf32, #tpu.memory_space<hbm>>
    %dma_wait3A_1101 = arith.constant 0 : i32
    %dma_wait3A_1102 = arith.constant 0 : i32
    %dma_wait3A_1103 = tpu.memref_slice %arg6[%dma_wait3A_1089, %dma_wait3A_1101, %dma_wait3A_1102] : memref<3x128x32xf32, #tpu.memory_space<vmem>> -> memref<1x128x32xf32, #tpu.memory_space<vmem>>
    %dma_wait3A_1104 = tpu.memref_squeeze %dma_wait3A_1103 : memref<1x128x32xf32, #tpu.memory_space<vmem>> -> memref<128x32xf32, #tpu.memory_space<vmem>>
    tpu.wait_dma2 semaphore(%arg12 : memref<!tpu.dma_semaphore, #tpu.memory_space<semaphore_mem>>) src(%dma_wait3A_1104 : memref<128x32xf32, #tpu.memory_space<vmem>>) dst(%dma_wait3A_1100 : memref<128x32xf32, #tpu.memory_space<hbm>>)
    %dma_start3A_1105 = arith.constant 20 : i32
    %dma_start3A_1106 = arith.constant 2 : i32
    %dma_start3A_1107 = arith.constant 0 : i32
    %dma_start3A_1108 = arith.constant 0 : i32
    %dma_start3A_1109 = tpu.memref_slice %arg6[%dma_start3A_1106, %dma_start3A_1107, %dma_start3A_1108] : memref<3x128x32xf32, #tpu.memory_space<vmem>> -> memref<1x128x32xf32, #tpu.memory_space<vmem>>
    %dma_start3A_1110 = tpu.memref_squeeze %dma_start3A_1109 : memref<1x128x32xf32, #tpu.memory_space<vmem>> -> memref<128x32xf32, #tpu.memory_space<vmem>>
    %dma_start3A_1111 = arith.constant 0 : i32
    %dma_start3A_1112 = tpu.memref_slice %arg5[%dma_start3A_1105, %dma_start3A_1111] : memref<50x128xi32, #tpu.memory_space<vmem>> -> memref<1x128xi32, #tpu.memory_space<vmem>>
    %dma_start3A_1113 = tpu.memref_squeeze %dma_start3A_1112 : memref<1x128xi32, #tpu.memory_space<vmem>> -> memref<128xi32, #tpu.memory_space<vmem>>
    %dma_start3A_1114 = arith.constant 0 : i32
    %dma_start3A_1115 = arith.constant 0 : i32
    %dma_start3A_1116 = tpu.memref_slice %arg3[%dma_start3A_1114, %dma_start3A_1115] : memref<1000000x32xf32, #tpu.memory_space<hbm>> -> memref<1000000x32xf32, #tpu.memory_space<hbm>>
    tpu.enqueue_indirect_dma source(%dma_start3A_1116 : memref<1000000x32xf32, #tpu.memory_space<hbm>>) target(%dma_start3A_1110 : memref<128x32xf32, #tpu.memory_space<vmem>>) offsets(%dma_start3A_1113 : memref<128xi32, #tpu.memory_space<vmem>>) semaphore(%arg9 : memref<!tpu.dma_semaphore, #tpu.memory_space<semaphore_mem>>)
    %dma_wait3A_1117 = arith.constant 18 : i32
    %dma_wait3A_1118 = arith.constant 0 : i32
    %dma_wait3A_1119 = arith.constant 0 : i32
    %dma_wait3A_1120 = arith.constant 0 : i32
    %dma_wait3A_1121 = tpu.memref_slice %arg6[%dma_wait3A_1118, %dma_wait3A_1119, %dma_wait3A_1120] : memref<3x128x32xf32, #tpu.memory_space<vmem>> -> memref<1x128x32xf32, #tpu.memory_space<vmem>>
    %dma_wait3A_1122 = tpu.memref_squeeze %dma_wait3A_1121 : memref<1x128x32xf32, #tpu.memory_space<vmem>> -> memref<128x32xf32, #tpu.memory_space<vmem>>
    %dma_wait3A_1123 = arith.constant 0 : i32
    %dma_wait3A_1124 = tpu.memref_slice %arg5[%dma_wait3A_1117, %dma_wait3A_1123] : memref<50x128xi32, #tpu.memory_space<vmem>> -> memref<1x128xi32, #tpu.memory_space<vmem>>
    %dma_wait3A_1125 = tpu.memref_squeeze %dma_wait3A_1124 : memref<1x128xi32, #tpu.memory_space<vmem>> -> memref<128xi32, #tpu.memory_space<vmem>>
    %dma_wait3A_1126 = arith.constant 0 : i32
    %dma_wait3A_1127 = arith.constant 0 : i32
    %dma_wait3A_1128 = tpu.memref_slice %arg3[%dma_wait3A_1126, %dma_wait3A_1127] : memref<1000000x32xf32, #tpu.memory_space<hbm>> -> memref<1000000x32xf32, #tpu.memory_space<hbm>>
    tpu.wait_indirect_dma semaphore(%arg7 : memref<!tpu.dma_semaphore, #tpu.memory_space<semaphore_mem>>) src(%dma_wait3A_1128 : memref<1000000x32xf32, #tpu.memory_space<hbm>>) dst(%dma_wait3A_1122 : memref<128x32xf32, #tpu.memory_space<vmem>>)
    %mul3A_1129 = arith.constant 128 : i32
    %mul3A_1130 = arith.muli %add3A, %mul3A_1129 : i32
    %dma_start3A_1131 = arith.constant 0 : i32
    %dma_start3A_1132 = arith.constant 18 : i32
    %dma_start3A_1133 = arith.constant 0 : i32
    %dma_start3A_1134 = arith.constant 0 : i32
    %dma_start3A_1135 = tpu.memref_slice %arg6[%dma_start3A_1131, %dma_start3A_1133, %dma_start3A_1134] : memref<3x128x32xf32, #tpu.memory_space<vmem>> -> memref<1x128x32xf32, #tpu.memory_space<vmem>>
    %dma_start3A_1136 = tpu.memref_squeeze %dma_start3A_1135 : memref<1x128x32xf32, #tpu.memory_space<vmem>> -> memref<128x32xf32, #tpu.memory_space<vmem>>
    %dma_start3A_1137 = arith.constant 0 : i32
    %dma_start3A_1138 = tpu.memref_slice %arg4[%mul3A_1130, %dma_start3A_1132, %dma_start3A_1137] : memref<4096x50x32xf32, #tpu.memory_space<hbm>> -> memref<128x1x32xf32, #tpu.memory_space<hbm>>
    %dma_start3A_1139 = tpu.memref_squeeze %dma_start3A_1138 : memref<128x1x32xf32, #tpu.memory_space<hbm>> -> memref<128x32xf32, #tpu.memory_space<hbm>>
    %dma_start3A_1140 = arith.constant 0 : i32
    %dma_start3A_1141 = tpu.memref_slice %arg4[%mul3A_1130, %dma_start3A_1132, %dma_start3A_1140] : memref<4096x50x32xf32, #tpu.memory_space<hbm>> -> memref<128x1x32xf32, #tpu.memory_space<hbm>>
    %dma_start3A_1142 = tpu.memref_squeeze %dma_start3A_1141 : memref<128x1x32xf32, #tpu.memory_space<hbm>> -> memref<128x32xf32, #tpu.memory_space<hbm>>
    %dma_start3A_1143 = arith.constant 0 : i32
    %dma_start3A_1144 = arith.constant 0 : i32
    %dma_start3A_1145 = tpu.memref_slice %arg6[%dma_start3A_1131, %dma_start3A_1143, %dma_start3A_1144] : memref<3x128x32xf32, #tpu.memory_space<vmem>> -> memref<1x128x32xf32, #tpu.memory_space<vmem>>
    %dma_start3A_1146 = tpu.memref_squeeze %dma_start3A_1145 : memref<1x128x32xf32, #tpu.memory_space<vmem>> -> memref<128x32xf32, #tpu.memory_space<vmem>>
    tpu.enqueue_dma source(%dma_start3A_1146 : memref<128x32xf32, #tpu.memory_space<vmem>>) target(%dma_start3A_1142 : memref<128x32xf32, #tpu.memory_space<hbm>>) target_semaphore(%arg10 : memref<!tpu.dma_semaphore, #tpu.memory_space<semaphore_mem>>)
    %mul3A_1147 = arith.constant 128 : i32
    %mul3A_1148 = arith.muli %add3A, %mul3A_1147 : i32
    %dma_wait3A_1149 = arith.constant 0 : i32
    %dma_wait3A_1150 = arith.constant 18 : i32
    %dma_wait3A_1151 = arith.constant 0 : i32
    %dma_wait3A_1152 = arith.constant 0 : i32
    %dma_wait3A_1153 = tpu.memref_slice %arg6[%dma_wait3A_1149, %dma_wait3A_1151, %dma_wait3A_1152] : memref<3x128x32xf32, #tpu.memory_space<vmem>> -> memref<1x128x32xf32, #tpu.memory_space<vmem>>
    %dma_wait3A_1154 = tpu.memref_squeeze %dma_wait3A_1153 : memref<1x128x32xf32, #tpu.memory_space<vmem>> -> memref<128x32xf32, #tpu.memory_space<vmem>>
    %dma_wait3A_1155 = arith.constant 0 : i32
    %dma_wait3A_1156 = tpu.memref_slice %arg4[%mul3A_1148, %dma_wait3A_1150, %dma_wait3A_1155] : memref<4096x50x32xf32, #tpu.memory_space<hbm>> -> memref<128x1x32xf32, #tpu.memory_space<hbm>>
    %dma_wait3A_1157 = tpu.memref_squeeze %dma_wait3A_1156 : memref<128x1x32xf32, #tpu.memory_space<hbm>> -> memref<128x32xf32, #tpu.memory_space<hbm>>
    %dma_wait3A_1158 = arith.constant 0 : i32
    %dma_wait3A_1159 = tpu.memref_slice %arg4[%mul3A_1148, %dma_wait3A_1150, %dma_wait3A_1158] : memref<4096x50x32xf32, #tpu.memory_space<hbm>> -> memref<128x1x32xf32, #tpu.memory_space<hbm>>
    %dma_wait3A_1160 = tpu.memref_squeeze %dma_wait3A_1159 : memref<128x1x32xf32, #tpu.memory_space<hbm>> -> memref<128x32xf32, #tpu.memory_space<hbm>>
    %dma_wait3A_1161 = arith.constant 0 : i32
    %dma_wait3A_1162 = arith.constant 0 : i32
    %dma_wait3A_1163 = tpu.memref_slice %arg6[%dma_wait3A_1149, %dma_wait3A_1161, %dma_wait3A_1162] : memref<3x128x32xf32, #tpu.memory_space<vmem>> -> memref<1x128x32xf32, #tpu.memory_space<vmem>>
    %dma_wait3A_1164 = tpu.memref_squeeze %dma_wait3A_1163 : memref<1x128x32xf32, #tpu.memory_space<vmem>> -> memref<128x32xf32, #tpu.memory_space<vmem>>
    tpu.wait_dma2 semaphore(%arg10 : memref<!tpu.dma_semaphore, #tpu.memory_space<semaphore_mem>>) src(%dma_wait3A_1164 : memref<128x32xf32, #tpu.memory_space<vmem>>) dst(%dma_wait3A_1160 : memref<128x32xf32, #tpu.memory_space<hbm>>)
    %dma_start3A_1165 = arith.constant 21 : i32
    %dma_start3A_1166 = arith.constant 0 : i32
    %dma_start3A_1167 = arith.constant 0 : i32
    %dma_start3A_1168 = arith.constant 0 : i32
    %dma_start3A_1169 = tpu.memref_slice %arg6[%dma_start3A_1166, %dma_start3A_1167, %dma_start3A_1168] : memref<3x128x32xf32, #tpu.memory_space<vmem>> -> memref<1x128x32xf32, #tpu.memory_space<vmem>>
    %dma_start3A_1170 = tpu.memref_squeeze %dma_start3A_1169 : memref<1x128x32xf32, #tpu.memory_space<vmem>> -> memref<128x32xf32, #tpu.memory_space<vmem>>
    %dma_start3A_1171 = arith.constant 0 : i32
    %dma_start3A_1172 = tpu.memref_slice %arg5[%dma_start3A_1165, %dma_start3A_1171] : memref<50x128xi32, #tpu.memory_space<vmem>> -> memref<1x128xi32, #tpu.memory_space<vmem>>
    %dma_start3A_1173 = tpu.memref_squeeze %dma_start3A_1172 : memref<1x128xi32, #tpu.memory_space<vmem>> -> memref<128xi32, #tpu.memory_space<vmem>>
    %dma_start3A_1174 = arith.constant 0 : i32
    %dma_start3A_1175 = arith.constant 0 : i32
    %dma_start3A_1176 = tpu.memref_slice %arg3[%dma_start3A_1174, %dma_start3A_1175] : memref<1000000x32xf32, #tpu.memory_space<hbm>> -> memref<1000000x32xf32, #tpu.memory_space<hbm>>
    tpu.enqueue_indirect_dma source(%dma_start3A_1176 : memref<1000000x32xf32, #tpu.memory_space<hbm>>) target(%dma_start3A_1170 : memref<128x32xf32, #tpu.memory_space<vmem>>) offsets(%dma_start3A_1173 : memref<128xi32, #tpu.memory_space<vmem>>) semaphore(%arg7 : memref<!tpu.dma_semaphore, #tpu.memory_space<semaphore_mem>>)
    %dma_wait3A_1177 = arith.constant 19 : i32
    %dma_wait3A_1178 = arith.constant 1 : i32
    %dma_wait3A_1179 = arith.constant 0 : i32
    %dma_wait3A_1180 = arith.constant 0 : i32
    %dma_wait3A_1181 = tpu.memref_slice %arg6[%dma_wait3A_1178, %dma_wait3A_1179, %dma_wait3A_1180] : memref<3x128x32xf32, #tpu.memory_space<vmem>> -> memref<1x128x32xf32, #tpu.memory_space<vmem>>
    %dma_wait3A_1182 = tpu.memref_squeeze %dma_wait3A_1181 : memref<1x128x32xf32, #tpu.memory_space<vmem>> -> memref<128x32xf32, #tpu.memory_space<vmem>>
    %dma_wait3A_1183 = arith.constant 0 : i32
    %dma_wait3A_1184 = tpu.memref_slice %arg5[%dma_wait3A_1177, %dma_wait3A_1183] : memref<50x128xi32, #tpu.memory_space<vmem>> -> memref<1x128xi32, #tpu.memory_space<vmem>>
    %dma_wait3A_1185 = tpu.memref_squeeze %dma_wait3A_1184 : memref<1x128xi32, #tpu.memory_space<vmem>> -> memref<128xi32, #tpu.memory_space<vmem>>
    %dma_wait3A_1186 = arith.constant 0 : i32
    %dma_wait3A_1187 = arith.constant 0 : i32
    %dma_wait3A_1188 = tpu.memref_slice %arg3[%dma_wait3A_1186, %dma_wait3A_1187] : memref<1000000x32xf32, #tpu.memory_space<hbm>> -> memref<1000000x32xf32, #tpu.memory_space<hbm>>
    tpu.wait_indirect_dma semaphore(%arg8 : memref<!tpu.dma_semaphore, #tpu.memory_space<semaphore_mem>>) src(%dma_wait3A_1188 : memref<1000000x32xf32, #tpu.memory_space<hbm>>) dst(%dma_wait3A_1182 : memref<128x32xf32, #tpu.memory_space<vmem>>)
    %mul3A_1189 = arith.constant 128 : i32
    %mul3A_1190 = arith.muli %add3A, %mul3A_1189 : i32
    %dma_start3A_1191 = arith.constant 1 : i32
    %dma_start3A_1192 = arith.constant 19 : i32
    %dma_start3A_1193 = arith.constant 0 : i32
    %dma_start3A_1194 = arith.constant 0 : i32
    %dma_start3A_1195 = tpu.memref_slice %arg6[%dma_start3A_1191, %dma_start3A_1193, %dma_start3A_1194] : memref<3x128x32xf32, #tpu.memory_space<vmem>> -> memref<1x128x32xf32, #tpu.memory_space<vmem>>
    %dma_start3A_1196 = tpu.memref_squeeze %dma_start3A_1195 : memref<1x128x32xf32, #tpu.memory_space<vmem>> -> memref<128x32xf32, #tpu.memory_space<vmem>>
    %dma_start3A_1197 = arith.constant 0 : i32
    %dma_start3A_1198 = tpu.memref_slice %arg4[%mul3A_1190, %dma_start3A_1192, %dma_start3A_1197] : memref<4096x50x32xf32, #tpu.memory_space<hbm>> -> memref<128x1x32xf32, #tpu.memory_space<hbm>>
    %dma_start3A_1199 = tpu.memref_squeeze %dma_start3A_1198 : memref<128x1x32xf32, #tpu.memory_space<hbm>> -> memref<128x32xf32, #tpu.memory_space<hbm>>
    %dma_start3A_1200 = arith.constant 0 : i32
    %dma_start3A_1201 = tpu.memref_slice %arg4[%mul3A_1190, %dma_start3A_1192, %dma_start3A_1200] : memref<4096x50x32xf32, #tpu.memory_space<hbm>> -> memref<128x1x32xf32, #tpu.memory_space<hbm>>
    %dma_start3A_1202 = tpu.memref_squeeze %dma_start3A_1201 : memref<128x1x32xf32, #tpu.memory_space<hbm>> -> memref<128x32xf32, #tpu.memory_space<hbm>>
    %dma_start3A_1203 = arith.constant 0 : i32
    %dma_start3A_1204 = arith.constant 0 : i32
    %dma_start3A_1205 = tpu.memref_slice %arg6[%dma_start3A_1191, %dma_start3A_1203, %dma_start3A_1204] : memref<3x128x32xf32, #tpu.memory_space<vmem>> -> memref<1x128x32xf32, #tpu.memory_space<vmem>>
    %dma_start3A_1206 = tpu.memref_squeeze %dma_start3A_1205 : memref<1x128x32xf32, #tpu.memory_space<vmem>> -> memref<128x32xf32, #tpu.memory_space<vmem>>
    tpu.enqueue_dma source(%dma_start3A_1206 : memref<128x32xf32, #tpu.memory_space<vmem>>) target(%dma_start3A_1202 : memref<128x32xf32, #tpu.memory_space<hbm>>) target_semaphore(%arg11 : memref<!tpu.dma_semaphore, #tpu.memory_space<semaphore_mem>>)
    %mul3A_1207 = arith.constant 128 : i32
    %mul3A_1208 = arith.muli %add3A, %mul3A_1207 : i32
    %dma_wait3A_1209 = arith.constant 1 : i32
    %dma_wait3A_1210 = arith.constant 19 : i32
    %dma_wait3A_1211 = arith.constant 0 : i32
    %dma_wait3A_1212 = arith.constant 0 : i32
    %dma_wait3A_1213 = tpu.memref_slice %arg6[%dma_wait3A_1209, %dma_wait3A_1211, %dma_wait3A_1212] : memref<3x128x32xf32, #tpu.memory_space<vmem>> -> memref<1x128x32xf32, #tpu.memory_space<vmem>>
    %dma_wait3A_1214 = tpu.memref_squeeze %dma_wait3A_1213 : memref<1x128x32xf32, #tpu.memory_space<vmem>> -> memref<128x32xf32, #tpu.memory_space<vmem>>
    %dma_wait3A_1215 = arith.constant 0 : i32
    %dma_wait3A_1216 = tpu.memref_slice %arg4[%mul3A_1208, %dma_wait3A_1210, %dma_wait3A_1215] : memref<4096x50x32xf32, #tpu.memory_space<hbm>> -> memref<128x1x32xf32, #tpu.memory_space<hbm>>
    %dma_wait3A_1217 = tpu.memref_squeeze %dma_wait3A_1216 : memref<128x1x32xf32, #tpu.memory_space<hbm>> -> memref<128x32xf32, #tpu.memory_space<hbm>>
    %dma_wait3A_1218 = arith.constant 0 : i32
    %dma_wait3A_1219 = tpu.memref_slice %arg4[%mul3A_1208, %dma_wait3A_1210, %dma_wait3A_1218] : memref<4096x50x32xf32, #tpu.memory_space<hbm>> -> memref<128x1x32xf32, #tpu.memory_space<hbm>>
    %dma_wait3A_1220 = tpu.memref_squeeze %dma_wait3A_1219 : memref<128x1x32xf32, #tpu.memory_space<hbm>> -> memref<128x32xf32, #tpu.memory_space<hbm>>
    %dma_wait3A_1221 = arith.constant 0 : i32
    %dma_wait3A_1222 = arith.constant 0 : i32
    %dma_wait3A_1223 = tpu.memref_slice %arg6[%dma_wait3A_1209, %dma_wait3A_1221, %dma_wait3A_1222] : memref<3x128x32xf32, #tpu.memory_space<vmem>> -> memref<1x128x32xf32, #tpu.memory_space<vmem>>
    %dma_wait3A_1224 = tpu.memref_squeeze %dma_wait3A_1223 : memref<1x128x32xf32, #tpu.memory_space<vmem>> -> memref<128x32xf32, #tpu.memory_space<vmem>>
    tpu.wait_dma2 semaphore(%arg11 : memref<!tpu.dma_semaphore, #tpu.memory_space<semaphore_mem>>) src(%dma_wait3A_1224 : memref<128x32xf32, #tpu.memory_space<vmem>>) dst(%dma_wait3A_1220 : memref<128x32xf32, #tpu.memory_space<hbm>>)
    %dma_start3A_1225 = arith.constant 22 : i32
    %dma_start3A_1226 = arith.constant 1 : i32
    %dma_start3A_1227 = arith.constant 0 : i32
    %dma_start3A_1228 = arith.constant 0 : i32
    %dma_start3A_1229 = tpu.memref_slice %arg6[%dma_start3A_1226, %dma_start3A_1227, %dma_start3A_1228] : memref<3x128x32xf32, #tpu.memory_space<vmem>> -> memref<1x128x32xf32, #tpu.memory_space<vmem>>
    %dma_start3A_1230 = tpu.memref_squeeze %dma_start3A_1229 : memref<1x128x32xf32, #tpu.memory_space<vmem>> -> memref<128x32xf32, #tpu.memory_space<vmem>>
    %dma_start3A_1231 = arith.constant 0 : i32
    %dma_start3A_1232 = tpu.memref_slice %arg5[%dma_start3A_1225, %dma_start3A_1231] : memref<50x128xi32, #tpu.memory_space<vmem>> -> memref<1x128xi32, #tpu.memory_space<vmem>>
    %dma_start3A_1233 = tpu.memref_squeeze %dma_start3A_1232 : memref<1x128xi32, #tpu.memory_space<vmem>> -> memref<128xi32, #tpu.memory_space<vmem>>
    %dma_start3A_1234 = arith.constant 0 : i32
    %dma_start3A_1235 = arith.constant 0 : i32
    %dma_start3A_1236 = tpu.memref_slice %arg3[%dma_start3A_1234, %dma_start3A_1235] : memref<1000000x32xf32, #tpu.memory_space<hbm>> -> memref<1000000x32xf32, #tpu.memory_space<hbm>>
    tpu.enqueue_indirect_dma source(%dma_start3A_1236 : memref<1000000x32xf32, #tpu.memory_space<hbm>>) target(%dma_start3A_1230 : memref<128x32xf32, #tpu.memory_space<vmem>>) offsets(%dma_start3A_1233 : memref<128xi32, #tpu.memory_space<vmem>>) semaphore(%arg8 : memref<!tpu.dma_semaphore, #tpu.memory_space<semaphore_mem>>)
    %dma_wait3A_1237 = arith.constant 20 : i32
    %dma_wait3A_1238 = arith.constant 2 : i32
    %dma_wait3A_1239 = arith.constant 0 : i32
    %dma_wait3A_1240 = arith.constant 0 : i32
    %dma_wait3A_1241 = tpu.memref_slice %arg6[%dma_wait3A_1238, %dma_wait3A_1239, %dma_wait3A_1240] : memref<3x128x32xf32, #tpu.memory_space<vmem>> -> memref<1x128x32xf32, #tpu.memory_space<vmem>>
    %dma_wait3A_1242 = tpu.memref_squeeze %dma_wait3A_1241 : memref<1x128x32xf32, #tpu.memory_space<vmem>> -> memref<128x32xf32, #tpu.memory_space<vmem>>
    %dma_wait3A_1243 = arith.constant 0 : i32
    %dma_wait3A_1244 = tpu.memref_slice %arg5[%dma_wait3A_1237, %dma_wait3A_1243] : memref<50x128xi32, #tpu.memory_space<vmem>> -> memref<1x128xi32, #tpu.memory_space<vmem>>
    %dma_wait3A_1245 = tpu.memref_squeeze %dma_wait3A_1244 : memref<1x128xi32, #tpu.memory_space<vmem>> -> memref<128xi32, #tpu.memory_space<vmem>>
    %dma_wait3A_1246 = arith.constant 0 : i32
    %dma_wait3A_1247 = arith.constant 0 : i32
    %dma_wait3A_1248 = tpu.memref_slice %arg3[%dma_wait3A_1246, %dma_wait3A_1247] : memref<1000000x32xf32, #tpu.memory_space<hbm>> -> memref<1000000x32xf32, #tpu.memory_space<hbm>>
    tpu.wait_indirect_dma semaphore(%arg9 : memref<!tpu.dma_semaphore, #tpu.memory_space<semaphore_mem>>) src(%dma_wait3A_1248 : memref<1000000x32xf32, #tpu.memory_space<hbm>>) dst(%dma_wait3A_1242 : memref<128x32xf32, #tpu.memory_space<vmem>>)
    %mul3A_1249 = arith.constant 128 : i32
    %mul3A_1250 = arith.muli %add3A, %mul3A_1249 : i32
    %dma_start3A_1251 = arith.constant 2 : i32
    %dma_start3A_1252 = arith.constant 20 : i32
    %dma_start3A_1253 = arith.constant 0 : i32
    %dma_start3A_1254 = arith.constant 0 : i32
    %dma_start3A_1255 = tpu.memref_slice %arg6[%dma_start3A_1251, %dma_start3A_1253, %dma_start3A_1254] : memref<3x128x32xf32, #tpu.memory_space<vmem>> -> memref<1x128x32xf32, #tpu.memory_space<vmem>>
    %dma_start3A_1256 = tpu.memref_squeeze %dma_start3A_1255 : memref<1x128x32xf32, #tpu.memory_space<vmem>> -> memref<128x32xf32, #tpu.memory_space<vmem>>
    %dma_start3A_1257 = arith.constant 0 : i32
    %dma_start3A_1258 = tpu.memref_slice %arg4[%mul3A_1250, %dma_start3A_1252, %dma_start3A_1257] : memref<4096x50x32xf32, #tpu.memory_space<hbm>> -> memref<128x1x32xf32, #tpu.memory_space<hbm>>
    %dma_start3A_1259 = tpu.memref_squeeze %dma_start3A_1258 : memref<128x1x32xf32, #tpu.memory_space<hbm>> -> memref<128x32xf32, #tpu.memory_space<hbm>>
    %dma_start3A_1260 = arith.constant 0 : i32
    %dma_start3A_1261 = tpu.memref_slice %arg4[%mul3A_1250, %dma_start3A_1252, %dma_start3A_1260] : memref<4096x50x32xf32, #tpu.memory_space<hbm>> -> memref<128x1x32xf32, #tpu.memory_space<hbm>>
    %dma_start3A_1262 = tpu.memref_squeeze %dma_start3A_1261 : memref<128x1x32xf32, #tpu.memory_space<hbm>> -> memref<128x32xf32, #tpu.memory_space<hbm>>
    %dma_start3A_1263 = arith.constant 0 : i32
    %dma_start3A_1264 = arith.constant 0 : i32
    %dma_start3A_1265 = tpu.memref_slice %arg6[%dma_start3A_1251, %dma_start3A_1263, %dma_start3A_1264] : memref<3x128x32xf32, #tpu.memory_space<vmem>> -> memref<1x128x32xf32, #tpu.memory_space<vmem>>
    %dma_start3A_1266 = tpu.memref_squeeze %dma_start3A_1265 : memref<1x128x32xf32, #tpu.memory_space<vmem>> -> memref<128x32xf32, #tpu.memory_space<vmem>>
    tpu.enqueue_dma source(%dma_start3A_1266 : memref<128x32xf32, #tpu.memory_space<vmem>>) target(%dma_start3A_1262 : memref<128x32xf32, #tpu.memory_space<hbm>>) target_semaphore(%arg12 : memref<!tpu.dma_semaphore, #tpu.memory_space<semaphore_mem>>)
    %mul3A_1267 = arith.constant 128 : i32
    %mul3A_1268 = arith.muli %add3A, %mul3A_1267 : i32
    %dma_wait3A_1269 = arith.constant 2 : i32
    %dma_wait3A_1270 = arith.constant 20 : i32
    %dma_wait3A_1271 = arith.constant 0 : i32
    %dma_wait3A_1272 = arith.constant 0 : i32
    %dma_wait3A_1273 = tpu.memref_slice %arg6[%dma_wait3A_1269, %dma_wait3A_1271, %dma_wait3A_1272] : memref<3x128x32xf32, #tpu.memory_space<vmem>> -> memref<1x128x32xf32, #tpu.memory_space<vmem>>
    %dma_wait3A_1274 = tpu.memref_squeeze %dma_wait3A_1273 : memref<1x128x32xf32, #tpu.memory_space<vmem>> -> memref<128x32xf32, #tpu.memory_space<vmem>>
    %dma_wait3A_1275 = arith.constant 0 : i32
    %dma_wait3A_1276 = tpu.memref_slice %arg4[%mul3A_1268, %dma_wait3A_1270, %dma_wait3A_1275] : memref<4096x50x32xf32, #tpu.memory_space<hbm>> -> memref<128x1x32xf32, #tpu.memory_space<hbm>>
    %dma_wait3A_1277 = tpu.memref_squeeze %dma_wait3A_1276 : memref<128x1x32xf32, #tpu.memory_space<hbm>> -> memref<128x32xf32, #tpu.memory_space<hbm>>
    %dma_wait3A_1278 = arith.constant 0 : i32
    %dma_wait3A_1279 = tpu.memref_slice %arg4[%mul3A_1268, %dma_wait3A_1270, %dma_wait3A_1278] : memref<4096x50x32xf32, #tpu.memory_space<hbm>> -> memref<128x1x32xf32, #tpu.memory_space<hbm>>
    %dma_wait3A_1280 = tpu.memref_squeeze %dma_wait3A_1279 : memref<128x1x32xf32, #tpu.memory_space<hbm>> -> memref<128x32xf32, #tpu.memory_space<hbm>>
    %dma_wait3A_1281 = arith.constant 0 : i32
    %dma_wait3A_1282 = arith.constant 0 : i32
    %dma_wait3A_1283 = tpu.memref_slice %arg6[%dma_wait3A_1269, %dma_wait3A_1281, %dma_wait3A_1282] : memref<3x128x32xf32, #tpu.memory_space<vmem>> -> memref<1x128x32xf32, #tpu.memory_space<vmem>>
    %dma_wait3A_1284 = tpu.memref_squeeze %dma_wait3A_1283 : memref<1x128x32xf32, #tpu.memory_space<vmem>> -> memref<128x32xf32, #tpu.memory_space<vmem>>
    tpu.wait_dma2 semaphore(%arg12 : memref<!tpu.dma_semaphore, #tpu.memory_space<semaphore_mem>>) src(%dma_wait3A_1284 : memref<128x32xf32, #tpu.memory_space<vmem>>) dst(%dma_wait3A_1280 : memref<128x32xf32, #tpu.memory_space<hbm>>)
    %dma_start3A_1285 = arith.constant 23 : i32
    %dma_start3A_1286 = arith.constant 2 : i32
    %dma_start3A_1287 = arith.constant 0 : i32
    %dma_start3A_1288 = arith.constant 0 : i32
    %dma_start3A_1289 = tpu.memref_slice %arg6[%dma_start3A_1286, %dma_start3A_1287, %dma_start3A_1288] : memref<3x128x32xf32, #tpu.memory_space<vmem>> -> memref<1x128x32xf32, #tpu.memory_space<vmem>>
    %dma_start3A_1290 = tpu.memref_squeeze %dma_start3A_1289 : memref<1x128x32xf32, #tpu.memory_space<vmem>> -> memref<128x32xf32, #tpu.memory_space<vmem>>
    %dma_start3A_1291 = arith.constant 0 : i32
    %dma_start3A_1292 = tpu.memref_slice %arg5[%dma_start3A_1285, %dma_start3A_1291] : memref<50x128xi32, #tpu.memory_space<vmem>> -> memref<1x128xi32, #tpu.memory_space<vmem>>
    %dma_start3A_1293 = tpu.memref_squeeze %dma_start3A_1292 : memref<1x128xi32, #tpu.memory_space<vmem>> -> memref<128xi32, #tpu.memory_space<vmem>>
    %dma_start3A_1294 = arith.constant 0 : i32
    %dma_start3A_1295 = arith.constant 0 : i32
    %dma_start3A_1296 = tpu.memref_slice %arg3[%dma_start3A_1294, %dma_start3A_1295] : memref<1000000x32xf32, #tpu.memory_space<hbm>> -> memref<1000000x32xf32, #tpu.memory_space<hbm>>
    tpu.enqueue_indirect_dma source(%dma_start3A_1296 : memref<1000000x32xf32, #tpu.memory_space<hbm>>) target(%dma_start3A_1290 : memref<128x32xf32, #tpu.memory_space<vmem>>) offsets(%dma_start3A_1293 : memref<128xi32, #tpu.memory_space<vmem>>) semaphore(%arg9 : memref<!tpu.dma_semaphore, #tpu.memory_space<semaphore_mem>>)
    %dma_wait3A_1297 = arith.constant 21 : i32
    %dma_wait3A_1298 = arith.constant 0 : i32
    %dma_wait3A_1299 = arith.constant 0 : i32
    %dma_wait3A_1300 = arith.constant 0 : i32
    %dma_wait3A_1301 = tpu.memref_slice %arg6[%dma_wait3A_1298, %dma_wait3A_1299, %dma_wait3A_1300] : memref<3x128x32xf32, #tpu.memory_space<vmem>> -> memref<1x128x32xf32, #tpu.memory_space<vmem>>
    %dma_wait3A_1302 = tpu.memref_squeeze %dma_wait3A_1301 : memref<1x128x32xf32, #tpu.memory_space<vmem>> -> memref<128x32xf32, #tpu.memory_space<vmem>>
    %dma_wait3A_1303 = arith.constant 0 : i32
    %dma_wait3A_1304 = tpu.memref_slice %arg5[%dma_wait3A_1297, %dma_wait3A_1303] : memref<50x128xi32, #tpu.memory_space<vmem>> -> memref<1x128xi32, #tpu.memory_space<vmem>>
    %dma_wait3A_1305 = tpu.memref_squeeze %dma_wait3A_1304 : memref<1x128xi32, #tpu.memory_space<vmem>> -> memref<128xi32, #tpu.memory_space<vmem>>
    %dma_wait3A_1306 = arith.constant 0 : i32
    %dma_wait3A_1307 = arith.constant 0 : i32
    %dma_wait3A_1308 = tpu.memref_slice %arg3[%dma_wait3A_1306, %dma_wait3A_1307] : memref<1000000x32xf32, #tpu.memory_space<hbm>> -> memref<1000000x32xf32, #tpu.memory_space<hbm>>
    tpu.wait_indirect_dma semaphore(%arg7 : memref<!tpu.dma_semaphore, #tpu.memory_space<semaphore_mem>>) src(%dma_wait3A_1308 : memref<1000000x32xf32, #tpu.memory_space<hbm>>) dst(%dma_wait3A_1302 : memref<128x32xf32, #tpu.memory_space<vmem>>)
    %mul3A_1309 = arith.constant 128 : i32
    %mul3A_1310 = arith.muli %add3A, %mul3A_1309 : i32
    %dma_start3A_1311 = arith.constant 0 : i32
    %dma_start3A_1312 = arith.constant 21 : i32
    %dma_start3A_1313 = arith.constant 0 : i32
    %dma_start3A_1314 = arith.constant 0 : i32
    %dma_start3A_1315 = tpu.memref_slice %arg6[%dma_start3A_1311, %dma_start3A_1313, %dma_start3A_1314] : memref<3x128x32xf32, #tpu.memory_space<vmem>> -> memref<1x128x32xf32, #tpu.memory_space<vmem>>
    %dma_start3A_1316 = tpu.memref_squeeze %dma_start3A_1315 : memref<1x128x32xf32, #tpu.memory_space<vmem>> -> memref<128x32xf32, #tpu.memory_space<vmem>>
    %dma_start3A_1317 = arith.constant 0 : i32
    %dma_start3A_1318 = tpu.memref_slice %arg4[%mul3A_1310, %dma_start3A_1312, %dma_start3A_1317] : memref<4096x50x32xf32, #tpu.memory_space<hbm>> -> memref<128x1x32xf32, #tpu.memory_space<hbm>>
    %dma_start3A_1319 = tpu.memref_squeeze %dma_start3A_1318 : memref<128x1x32xf32, #tpu.memory_space<hbm>> -> memref<128x32xf32, #tpu.memory_space<hbm>>
    %dma_start3A_1320 = arith.constant 0 : i32
    %dma_start3A_1321 = tpu.memref_slice %arg4[%mul3A_1310, %dma_start3A_1312, %dma_start3A_1320] : memref<4096x50x32xf32, #tpu.memory_space<hbm>> -> memref<128x1x32xf32, #tpu.memory_space<hbm>>
    %dma_start3A_1322 = tpu.memref_squeeze %dma_start3A_1321 : memref<128x1x32xf32, #tpu.memory_space<hbm>> -> memref<128x32xf32, #tpu.memory_space<hbm>>
    %dma_start3A_1323 = arith.constant 0 : i32
    %dma_start3A_1324 = arith.constant 0 : i32
    %dma_start3A_1325 = tpu.memref_slice %arg6[%dma_start3A_1311, %dma_start3A_1323, %dma_start3A_1324] : memref<3x128x32xf32, #tpu.memory_space<vmem>> -> memref<1x128x32xf32, #tpu.memory_space<vmem>>
    %dma_start3A_1326 = tpu.memref_squeeze %dma_start3A_1325 : memref<1x128x32xf32, #tpu.memory_space<vmem>> -> memref<128x32xf32, #tpu.memory_space<vmem>>
    tpu.enqueue_dma source(%dma_start3A_1326 : memref<128x32xf32, #tpu.memory_space<vmem>>) target(%dma_start3A_1322 : memref<128x32xf32, #tpu.memory_space<hbm>>) target_semaphore(%arg10 : memref<!tpu.dma_semaphore, #tpu.memory_space<semaphore_mem>>)
    %mul3A_1327 = arith.constant 128 : i32
    %mul3A_1328 = arith.muli %add3A, %mul3A_1327 : i32
    %dma_wait3A_1329 = arith.constant 0 : i32
    %dma_wait3A_1330 = arith.constant 21 : i32
    %dma_wait3A_1331 = arith.constant 0 : i32
    %dma_wait3A_1332 = arith.constant 0 : i32
    %dma_wait3A_1333 = tpu.memref_slice %arg6[%dma_wait3A_1329, %dma_wait3A_1331, %dma_wait3A_1332] : memref<3x128x32xf32, #tpu.memory_space<vmem>> -> memref<1x128x32xf32, #tpu.memory_space<vmem>>
    %dma_wait3A_1334 = tpu.memref_squeeze %dma_wait3A_1333 : memref<1x128x32xf32, #tpu.memory_space<vmem>> -> memref<128x32xf32, #tpu.memory_space<vmem>>
    %dma_wait3A_1335 = arith.constant 0 : i32
    %dma_wait3A_1336 = tpu.memref_slice %arg4[%mul3A_1328, %dma_wait3A_1330, %dma_wait3A_1335] : memref<4096x50x32xf32, #tpu.memory_space<hbm>> -> memref<128x1x32xf32, #tpu.memory_space<hbm>>
    %dma_wait3A_1337 = tpu.memref_squeeze %dma_wait3A_1336 : memref<128x1x32xf32, #tpu.memory_space<hbm>> -> memref<128x32xf32, #tpu.memory_space<hbm>>
    %dma_wait3A_1338 = arith.constant 0 : i32
    %dma_wait3A_1339 = tpu.memref_slice %arg4[%mul3A_1328, %dma_wait3A_1330, %dma_wait3A_1338] : memref<4096x50x32xf32, #tpu.memory_space<hbm>> -> memref<128x1x32xf32, #tpu.memory_space<hbm>>
    %dma_wait3A_1340 = tpu.memref_squeeze %dma_wait3A_1339 : memref<128x1x32xf32, #tpu.memory_space<hbm>> -> memref<128x32xf32, #tpu.memory_space<hbm>>
    %dma_wait3A_1341 = arith.constant 0 : i32
    %dma_wait3A_1342 = arith.constant 0 : i32
    %dma_wait3A_1343 = tpu.memref_slice %arg6[%dma_wait3A_1329, %dma_wait3A_1341, %dma_wait3A_1342] : memref<3x128x32xf32, #tpu.memory_space<vmem>> -> memref<1x128x32xf32, #tpu.memory_space<vmem>>
    %dma_wait3A_1344 = tpu.memref_squeeze %dma_wait3A_1343 : memref<1x128x32xf32, #tpu.memory_space<vmem>> -> memref<128x32xf32, #tpu.memory_space<vmem>>
    tpu.wait_dma2 semaphore(%arg10 : memref<!tpu.dma_semaphore, #tpu.memory_space<semaphore_mem>>) src(%dma_wait3A_1344 : memref<128x32xf32, #tpu.memory_space<vmem>>) dst(%dma_wait3A_1340 : memref<128x32xf32, #tpu.memory_space<hbm>>)
    %dma_start3A_1345 = arith.constant 24 : i32
    %dma_start3A_1346 = arith.constant 0 : i32
    %dma_start3A_1347 = arith.constant 0 : i32
    %dma_start3A_1348 = arith.constant 0 : i32
    %dma_start3A_1349 = tpu.memref_slice %arg6[%dma_start3A_1346, %dma_start3A_1347, %dma_start3A_1348] : memref<3x128x32xf32, #tpu.memory_space<vmem>> -> memref<1x128x32xf32, #tpu.memory_space<vmem>>
    %dma_start3A_1350 = tpu.memref_squeeze %dma_start3A_1349 : memref<1x128x32xf32, #tpu.memory_space<vmem>> -> memref<128x32xf32, #tpu.memory_space<vmem>>
    %dma_start3A_1351 = arith.constant 0 : i32
    %dma_start3A_1352 = tpu.memref_slice %arg5[%dma_start3A_1345, %dma_start3A_1351] : memref<50x128xi32, #tpu.memory_space<vmem>> -> memref<1x128xi32, #tpu.memory_space<vmem>>
    %dma_start3A_1353 = tpu.memref_squeeze %dma_start3A_1352 : memref<1x128xi32, #tpu.memory_space<vmem>> -> memref<128xi32, #tpu.memory_space<vmem>>
    %dma_start3A_1354 = arith.constant 0 : i32
    %dma_start3A_1355 = arith.constant 0 : i32
    %dma_start3A_1356 = tpu.memref_slice %arg3[%dma_start3A_1354, %dma_start3A_1355] : memref<1000000x32xf32, #tpu.memory_space<hbm>> -> memref<1000000x32xf32, #tpu.memory_space<hbm>>
    tpu.enqueue_indirect_dma source(%dma_start3A_1356 : memref<1000000x32xf32, #tpu.memory_space<hbm>>) target(%dma_start3A_1350 : memref<128x32xf32, #tpu.memory_space<vmem>>) offsets(%dma_start3A_1353 : memref<128xi32, #tpu.memory_space<vmem>>) semaphore(%arg7 : memref<!tpu.dma_semaphore, #tpu.memory_space<semaphore_mem>>)
    %dma_wait3A_1357 = arith.constant 22 : i32
    %dma_wait3A_1358 = arith.constant 1 : i32
    %dma_wait3A_1359 = arith.constant 0 : i32
    %dma_wait3A_1360 = arith.constant 0 : i32
    %dma_wait3A_1361 = tpu.memref_slice %arg6[%dma_wait3A_1358, %dma_wait3A_1359, %dma_wait3A_1360] : memref<3x128x32xf32, #tpu.memory_space<vmem>> -> memref<1x128x32xf32, #tpu.memory_space<vmem>>
    %dma_wait3A_1362 = tpu.memref_squeeze %dma_wait3A_1361 : memref<1x128x32xf32, #tpu.memory_space<vmem>> -> memref<128x32xf32, #tpu.memory_space<vmem>>
    %dma_wait3A_1363 = arith.constant 0 : i32
    %dma_wait3A_1364 = tpu.memref_slice %arg5[%dma_wait3A_1357, %dma_wait3A_1363] : memref<50x128xi32, #tpu.memory_space<vmem>> -> memref<1x128xi32, #tpu.memory_space<vmem>>
    %dma_wait3A_1365 = tpu.memref_squeeze %dma_wait3A_1364 : memref<1x128xi32, #tpu.memory_space<vmem>> -> memref<128xi32, #tpu.memory_space<vmem>>
    %dma_wait3A_1366 = arith.constant 0 : i32
    %dma_wait3A_1367 = arith.constant 0 : i32
    %dma_wait3A_1368 = tpu.memref_slice %arg3[%dma_wait3A_1366, %dma_wait3A_1367] : memref<1000000x32xf32, #tpu.memory_space<hbm>> -> memref<1000000x32xf32, #tpu.memory_space<hbm>>
    tpu.wait_indirect_dma semaphore(%arg8 : memref<!tpu.dma_semaphore, #tpu.memory_space<semaphore_mem>>) src(%dma_wait3A_1368 : memref<1000000x32xf32, #tpu.memory_space<hbm>>) dst(%dma_wait3A_1362 : memref<128x32xf32, #tpu.memory_space<vmem>>)
    %mul3A_1369 = arith.constant 128 : i32
    %mul3A_1370 = arith.muli %add3A, %mul3A_1369 : i32
    %dma_start3A_1371 = arith.constant 1 : i32
    %dma_start3A_1372 = arith.constant 22 : i32
    %dma_start3A_1373 = arith.constant 0 : i32
    %dma_start3A_1374 = arith.constant 0 : i32
    %dma_start3A_1375 = tpu.memref_slice %arg6[%dma_start3A_1371, %dma_start3A_1373, %dma_start3A_1374] : memref<3x128x32xf32, #tpu.memory_space<vmem>> -> memref<1x128x32xf32, #tpu.memory_space<vmem>>
    %dma_start3A_1376 = tpu.memref_squeeze %dma_start3A_1375 : memref<1x128x32xf32, #tpu.memory_space<vmem>> -> memref<128x32xf32, #tpu.memory_space<vmem>>
    %dma_start3A_1377 = arith.constant 0 : i32
    %dma_start3A_1378 = tpu.memref_slice %arg4[%mul3A_1370, %dma_start3A_1372, %dma_start3A_1377] : memref<4096x50x32xf32, #tpu.memory_space<hbm>> -> memref<128x1x32xf32, #tpu.memory_space<hbm>>
    %dma_start3A_1379 = tpu.memref_squeeze %dma_start3A_1378 : memref<128x1x32xf32, #tpu.memory_space<hbm>> -> memref<128x32xf32, #tpu.memory_space<hbm>>
    %dma_start3A_1380 = arith.constant 0 : i32
    %dma_start3A_1381 = tpu.memref_slice %arg4[%mul3A_1370, %dma_start3A_1372, %dma_start3A_1380] : memref<4096x50x32xf32, #tpu.memory_space<hbm>> -> memref<128x1x32xf32, #tpu.memory_space<hbm>>
    %dma_start3A_1382 = tpu.memref_squeeze %dma_start3A_1381 : memref<128x1x32xf32, #tpu.memory_space<hbm>> -> memref<128x32xf32, #tpu.memory_space<hbm>>
    %dma_start3A_1383 = arith.constant 0 : i32
    %dma_start3A_1384 = arith.constant 0 : i32
    %dma_start3A_1385 = tpu.memref_slice %arg6[%dma_start3A_1371, %dma_start3A_1383, %dma_start3A_1384] : memref<3x128x32xf32, #tpu.memory_space<vmem>> -> memref<1x128x32xf32, #tpu.memory_space<vmem>>
    %dma_start3A_1386 = tpu.memref_squeeze %dma_start3A_1385 : memref<1x128x32xf32, #tpu.memory_space<vmem>> -> memref<128x32xf32, #tpu.memory_space<vmem>>
    tpu.enqueue_dma source(%dma_start3A_1386 : memref<128x32xf32, #tpu.memory_space<vmem>>) target(%dma_start3A_1382 : memref<128x32xf32, #tpu.memory_space<hbm>>) target_semaphore(%arg11 : memref<!tpu.dma_semaphore, #tpu.memory_space<semaphore_mem>>)
    %mul3A_1387 = arith.constant 128 : i32
    %mul3A_1388 = arith.muli %add3A, %mul3A_1387 : i32
    %dma_wait3A_1389 = arith.constant 1 : i32
    %dma_wait3A_1390 = arith.constant 22 : i32
    %dma_wait3A_1391 = arith.constant 0 : i32
    %dma_wait3A_1392 = arith.constant 0 : i32
    %dma_wait3A_1393 = tpu.memref_slice %arg6[%dma_wait3A_1389, %dma_wait3A_1391, %dma_wait3A_1392] : memref<3x128x32xf32, #tpu.memory_space<vmem>> -> memref<1x128x32xf32, #tpu.memory_space<vmem>>
    %dma_wait3A_1394 = tpu.memref_squeeze %dma_wait3A_1393 : memref<1x128x32xf32, #tpu.memory_space<vmem>> -> memref<128x32xf32, #tpu.memory_space<vmem>>
    %dma_wait3A_1395 = arith.constant 0 : i32
    %dma_wait3A_1396 = tpu.memref_slice %arg4[%mul3A_1388, %dma_wait3A_1390, %dma_wait3A_1395] : memref<4096x50x32xf32, #tpu.memory_space<hbm>> -> memref<128x1x32xf32, #tpu.memory_space<hbm>>
    %dma_wait3A_1397 = tpu.memref_squeeze %dma_wait3A_1396 : memref<128x1x32xf32, #tpu.memory_space<hbm>> -> memref<128x32xf32, #tpu.memory_space<hbm>>
    %dma_wait3A_1398 = arith.constant 0 : i32
    %dma_wait3A_1399 = tpu.memref_slice %arg4[%mul3A_1388, %dma_wait3A_1390, %dma_wait3A_1398] : memref<4096x50x32xf32, #tpu.memory_space<hbm>> -> memref<128x1x32xf32, #tpu.memory_space<hbm>>
    %dma_wait3A_1400 = tpu.memref_squeeze %dma_wait3A_1399 : memref<128x1x32xf32, #tpu.memory_space<hbm>> -> memref<128x32xf32, #tpu.memory_space<hbm>>
    %dma_wait3A_1401 = arith.constant 0 : i32
    %dma_wait3A_1402 = arith.constant 0 : i32
    %dma_wait3A_1403 = tpu.memref_slice %arg6[%dma_wait3A_1389, %dma_wait3A_1401, %dma_wait3A_1402] : memref<3x128x32xf32, #tpu.memory_space<vmem>> -> memref<1x128x32xf32, #tpu.memory_space<vmem>>
    %dma_wait3A_1404 = tpu.memref_squeeze %dma_wait3A_1403 : memref<1x128x32xf32, #tpu.memory_space<vmem>> -> memref<128x32xf32, #tpu.memory_space<vmem>>
    tpu.wait_dma2 semaphore(%arg11 : memref<!tpu.dma_semaphore, #tpu.memory_space<semaphore_mem>>) src(%dma_wait3A_1404 : memref<128x32xf32, #tpu.memory_space<vmem>>) dst(%dma_wait3A_1400 : memref<128x32xf32, #tpu.memory_space<hbm>>)
    %dma_start3A_1405 = arith.constant 25 : i32
    %dma_start3A_1406 = arith.constant 1 : i32
    %dma_start3A_1407 = arith.constant 0 : i32
    %dma_start3A_1408 = arith.constant 0 : i32
    %dma_start3A_1409 = tpu.memref_slice %arg6[%dma_start3A_1406, %dma_start3A_1407, %dma_start3A_1408] : memref<3x128x32xf32, #tpu.memory_space<vmem>> -> memref<1x128x32xf32, #tpu.memory_space<vmem>>
    %dma_start3A_1410 = tpu.memref_squeeze %dma_start3A_1409 : memref<1x128x32xf32, #tpu.memory_space<vmem>> -> memref<128x32xf32, #tpu.memory_space<vmem>>
    %dma_start3A_1411 = arith.constant 0 : i32
    %dma_start3A_1412 = tpu.memref_slice %arg5[%dma_start3A_1405, %dma_start3A_1411] : memref<50x128xi32, #tpu.memory_space<vmem>> -> memref<1x128xi32, #tpu.memory_space<vmem>>
    %dma_start3A_1413 = tpu.memref_squeeze %dma_start3A_1412 : memref<1x128xi32, #tpu.memory_space<vmem>> -> memref<128xi32, #tpu.memory_space<vmem>>
    %dma_start3A_1414 = arith.constant 0 : i32
    %dma_start3A_1415 = arith.constant 0 : i32
    %dma_start3A_1416 = tpu.memref_slice %arg3[%dma_start3A_1414, %dma_start3A_1415] : memref<1000000x32xf32, #tpu.memory_space<hbm>> -> memref<1000000x32xf32, #tpu.memory_space<hbm>>
    tpu.enqueue_indirect_dma source(%dma_start3A_1416 : memref<1000000x32xf32, #tpu.memory_space<hbm>>) target(%dma_start3A_1410 : memref<128x32xf32, #tpu.memory_space<vmem>>) offsets(%dma_start3A_1413 : memref<128xi32, #tpu.memory_space<vmem>>) semaphore(%arg8 : memref<!tpu.dma_semaphore, #tpu.memory_space<semaphore_mem>>)
    %dma_wait3A_1417 = arith.constant 23 : i32
    %dma_wait3A_1418 = arith.constant 2 : i32
    %dma_wait3A_1419 = arith.constant 0 : i32
    %dma_wait3A_1420 = arith.constant 0 : i32
    %dma_wait3A_1421 = tpu.memref_slice %arg6[%dma_wait3A_1418, %dma_wait3A_1419, %dma_wait3A_1420] : memref<3x128x32xf32, #tpu.memory_space<vmem>> -> memref<1x128x32xf32, #tpu.memory_space<vmem>>
    %dma_wait3A_1422 = tpu.memref_squeeze %dma_wait3A_1421 : memref<1x128x32xf32, #tpu.memory_space<vmem>> -> memref<128x32xf32, #tpu.memory_space<vmem>>
    %dma_wait3A_1423 = arith.constant 0 : i32
    %dma_wait3A_1424 = tpu.memref_slice %arg5[%dma_wait3A_1417, %dma_wait3A_1423] : memref<50x128xi32, #tpu.memory_space<vmem>> -> memref<1x128xi32, #tpu.memory_space<vmem>>
    %dma_wait3A_1425 = tpu.memref_squeeze %dma_wait3A_1424 : memref<1x128xi32, #tpu.memory_space<vmem>> -> memref<128xi32, #tpu.memory_space<vmem>>
    %dma_wait3A_1426 = arith.constant 0 : i32
    %dma_wait3A_1427 = arith.constant 0 : i32
    %dma_wait3A_1428 = tpu.memref_slice %arg3[%dma_wait3A_1426, %dma_wait3A_1427] : memref<1000000x32xf32, #tpu.memory_space<hbm>> -> memref<1000000x32xf32, #tpu.memory_space<hbm>>
    tpu.wait_indirect_dma semaphore(%arg9 : memref<!tpu.dma_semaphore, #tpu.memory_space<semaphore_mem>>) src(%dma_wait3A_1428 : memref<1000000x32xf32, #tpu.memory_space<hbm>>) dst(%dma_wait3A_1422 : memref<128x32xf32, #tpu.memory_space<vmem>>)
    %mul3A_1429 = arith.constant 128 : i32
    %mul3A_1430 = arith.muli %add3A, %mul3A_1429 : i32
    %dma_start3A_1431 = arith.constant 2 : i32
    %dma_start3A_1432 = arith.constant 23 : i32
    %dma_start3A_1433 = arith.constant 0 : i32
    %dma_start3A_1434 = arith.constant 0 : i32
    %dma_start3A_1435 = tpu.memref_slice %arg6[%dma_start3A_1431, %dma_start3A_1433, %dma_start3A_1434] : memref<3x128x32xf32, #tpu.memory_space<vmem>> -> memref<1x128x32xf32, #tpu.memory_space<vmem>>
    %dma_start3A_1436 = tpu.memref_squeeze %dma_start3A_1435 : memref<1x128x32xf32, #tpu.memory_space<vmem>> -> memref<128x32xf32, #tpu.memory_space<vmem>>
    %dma_start3A_1437 = arith.constant 0 : i32
    %dma_start3A_1438 = tpu.memref_slice %arg4[%mul3A_1430, %dma_start3A_1432, %dma_start3A_1437] : memref<4096x50x32xf32, #tpu.memory_space<hbm>> -> memref<128x1x32xf32, #tpu.memory_space<hbm>>
    %dma_start3A_1439 = tpu.memref_squeeze %dma_start3A_1438 : memref<128x1x32xf32, #tpu.memory_space<hbm>> -> memref<128x32xf32, #tpu.memory_space<hbm>>
    %dma_start3A_1440 = arith.constant 0 : i32
    %dma_start3A_1441 = tpu.memref_slice %arg4[%mul3A_1430, %dma_start3A_1432, %dma_start3A_1440] : memref<4096x50x32xf32, #tpu.memory_space<hbm>> -> memref<128x1x32xf32, #tpu.memory_space<hbm>>
    %dma_start3A_1442 = tpu.memref_squeeze %dma_start3A_1441 : memref<128x1x32xf32, #tpu.memory_space<hbm>> -> memref<128x32xf32, #tpu.memory_space<hbm>>
    %dma_start3A_1443 = arith.constant 0 : i32
    %dma_start3A_1444 = arith.constant 0 : i32
    %dma_start3A_1445 = tpu.memref_slice %arg6[%dma_start3A_1431, %dma_start3A_1443, %dma_start3A_1444] : memref<3x128x32xf32, #tpu.memory_space<vmem>> -> memref<1x128x32xf32, #tpu.memory_space<vmem>>
    %dma_start3A_1446 = tpu.memref_squeeze %dma_start3A_1445 : memref<1x128x32xf32, #tpu.memory_space<vmem>> -> memref<128x32xf32, #tpu.memory_space<vmem>>
    tpu.enqueue_dma source(%dma_start3A_1446 : memref<128x32xf32, #tpu.memory_space<vmem>>) target(%dma_start3A_1442 : memref<128x32xf32, #tpu.memory_space<hbm>>) target_semaphore(%arg12 : memref<!tpu.dma_semaphore, #tpu.memory_space<semaphore_mem>>)
    %mul3A_1447 = arith.constant 128 : i32
    %mul3A_1448 = arith.muli %add3A, %mul3A_1447 : i32
    %dma_wait3A_1449 = arith.constant 2 : i32
    %dma_wait3A_1450 = arith.constant 23 : i32
    %dma_wait3A_1451 = arith.constant 0 : i32
    %dma_wait3A_1452 = arith.constant 0 : i32
    %dma_wait3A_1453 = tpu.memref_slice %arg6[%dma_wait3A_1449, %dma_wait3A_1451, %dma_wait3A_1452] : memref<3x128x32xf32, #tpu.memory_space<vmem>> -> memref<1x128x32xf32, #tpu.memory_space<vmem>>
    %dma_wait3A_1454 = tpu.memref_squeeze %dma_wait3A_1453 : memref<1x128x32xf32, #tpu.memory_space<vmem>> -> memref<128x32xf32, #tpu.memory_space<vmem>>
    %dma_wait3A_1455 = arith.constant 0 : i32
    %dma_wait3A_1456 = tpu.memref_slice %arg4[%mul3A_1448, %dma_wait3A_1450, %dma_wait3A_1455] : memref<4096x50x32xf32, #tpu.memory_space<hbm>> -> memref<128x1x32xf32, #tpu.memory_space<hbm>>
    %dma_wait3A_1457 = tpu.memref_squeeze %dma_wait3A_1456 : memref<128x1x32xf32, #tpu.memory_space<hbm>> -> memref<128x32xf32, #tpu.memory_space<hbm>>
    %dma_wait3A_1458 = arith.constant 0 : i32
    %dma_wait3A_1459 = tpu.memref_slice %arg4[%mul3A_1448, %dma_wait3A_1450, %dma_wait3A_1458] : memref<4096x50x32xf32, #tpu.memory_space<hbm>> -> memref<128x1x32xf32, #tpu.memory_space<hbm>>
    %dma_wait3A_1460 = tpu.memref_squeeze %dma_wait3A_1459 : memref<128x1x32xf32, #tpu.memory_space<hbm>> -> memref<128x32xf32, #tpu.memory_space<hbm>>
    %dma_wait3A_1461 = arith.constant 0 : i32
    %dma_wait3A_1462 = arith.constant 0 : i32
    %dma_wait3A_1463 = tpu.memref_slice %arg6[%dma_wait3A_1449, %dma_wait3A_1461, %dma_wait3A_1462] : memref<3x128x32xf32, #tpu.memory_space<vmem>> -> memref<1x128x32xf32, #tpu.memory_space<vmem>>
    %dma_wait3A_1464 = tpu.memref_squeeze %dma_wait3A_1463 : memref<1x128x32xf32, #tpu.memory_space<vmem>> -> memref<128x32xf32, #tpu.memory_space<vmem>>
    tpu.wait_dma2 semaphore(%arg12 : memref<!tpu.dma_semaphore, #tpu.memory_space<semaphore_mem>>) src(%dma_wait3A_1464 : memref<128x32xf32, #tpu.memory_space<vmem>>) dst(%dma_wait3A_1460 : memref<128x32xf32, #tpu.memory_space<hbm>>)
    %dma_start3A_1465 = arith.constant 26 : i32
    %dma_start3A_1466 = arith.constant 2 : i32
    %dma_start3A_1467 = arith.constant 0 : i32
    %dma_start3A_1468 = arith.constant 0 : i32
    %dma_start3A_1469 = tpu.memref_slice %arg6[%dma_start3A_1466, %dma_start3A_1467, %dma_start3A_1468] : memref<3x128x32xf32, #tpu.memory_space<vmem>> -> memref<1x128x32xf32, #tpu.memory_space<vmem>>
    %dma_start3A_1470 = tpu.memref_squeeze %dma_start3A_1469 : memref<1x128x32xf32, #tpu.memory_space<vmem>> -> memref<128x32xf32, #tpu.memory_space<vmem>>
    %dma_start3A_1471 = arith.constant 0 : i32
    %dma_start3A_1472 = tpu.memref_slice %arg5[%dma_start3A_1465, %dma_start3A_1471] : memref<50x128xi32, #tpu.memory_space<vmem>> -> memref<1x128xi32, #tpu.memory_space<vmem>>
    %dma_start3A_1473 = tpu.memref_squeeze %dma_start3A_1472 : memref<1x128xi32, #tpu.memory_space<vmem>> -> memref<128xi32, #tpu.memory_space<vmem>>
    %dma_start3A_1474 = arith.constant 0 : i32
    %dma_start3A_1475 = arith.constant 0 : i32
    %dma_start3A_1476 = tpu.memref_slice %arg3[%dma_start3A_1474, %dma_start3A_1475] : memref<1000000x32xf32, #tpu.memory_space<hbm>> -> memref<1000000x32xf32, #tpu.memory_space<hbm>>
    tpu.enqueue_indirect_dma source(%dma_start3A_1476 : memref<1000000x32xf32, #tpu.memory_space<hbm>>) target(%dma_start3A_1470 : memref<128x32xf32, #tpu.memory_space<vmem>>) offsets(%dma_start3A_1473 : memref<128xi32, #tpu.memory_space<vmem>>) semaphore(%arg9 : memref<!tpu.dma_semaphore, #tpu.memory_space<semaphore_mem>>)
    %dma_wait3A_1477 = arith.constant 24 : i32
    %dma_wait3A_1478 = arith.constant 0 : i32
    %dma_wait3A_1479 = arith.constant 0 : i32
    %dma_wait3A_1480 = arith.constant 0 : i32
    %dma_wait3A_1481 = tpu.memref_slice %arg6[%dma_wait3A_1478, %dma_wait3A_1479, %dma_wait3A_1480] : memref<3x128x32xf32, #tpu.memory_space<vmem>> -> memref<1x128x32xf32, #tpu.memory_space<vmem>>
    %dma_wait3A_1482 = tpu.memref_squeeze %dma_wait3A_1481 : memref<1x128x32xf32, #tpu.memory_space<vmem>> -> memref<128x32xf32, #tpu.memory_space<vmem>>
    %dma_wait3A_1483 = arith.constant 0 : i32
    %dma_wait3A_1484 = tpu.memref_slice %arg5[%dma_wait3A_1477, %dma_wait3A_1483] : memref<50x128xi32, #tpu.memory_space<vmem>> -> memref<1x128xi32, #tpu.memory_space<vmem>>
    %dma_wait3A_1485 = tpu.memref_squeeze %dma_wait3A_1484 : memref<1x128xi32, #tpu.memory_space<vmem>> -> memref<128xi32, #tpu.memory_space<vmem>>
    %dma_wait3A_1486 = arith.constant 0 : i32
    %dma_wait3A_1487 = arith.constant 0 : i32
    %dma_wait3A_1488 = tpu.memref_slice %arg3[%dma_wait3A_1486, %dma_wait3A_1487] : memref<1000000x32xf32, #tpu.memory_space<hbm>> -> memref<1000000x32xf32, #tpu.memory_space<hbm>>
    tpu.wait_indirect_dma semaphore(%arg7 : memref<!tpu.dma_semaphore, #tpu.memory_space<semaphore_mem>>) src(%dma_wait3A_1488 : memref<1000000x32xf32, #tpu.memory_space<hbm>>) dst(%dma_wait3A_1482 : memref<128x32xf32, #tpu.memory_space<vmem>>)
    %mul3A_1489 = arith.constant 128 : i32
    %mul3A_1490 = arith.muli %add3A, %mul3A_1489 : i32
    %dma_start3A_1491 = arith.constant 0 : i32
    %dma_start3A_1492 = arith.constant 24 : i32
    %dma_start3A_1493 = arith.constant 0 : i32
    %dma_start3A_1494 = arith.constant 0 : i32
    %dma_start3A_1495 = tpu.memref_slice %arg6[%dma_start3A_1491, %dma_start3A_1493, %dma_start3A_1494] : memref<3x128x32xf32, #tpu.memory_space<vmem>> -> memref<1x128x32xf32, #tpu.memory_space<vmem>>
    %dma_start3A_1496 = tpu.memref_squeeze %dma_start3A_1495 : memref<1x128x32xf32, #tpu.memory_space<vmem>> -> memref<128x32xf32, #tpu.memory_space<vmem>>
    %dma_start3A_1497 = arith.constant 0 : i32
    %dma_start3A_1498 = tpu.memref_slice %arg4[%mul3A_1490, %dma_start3A_1492, %dma_start3A_1497] : memref<4096x50x32xf32, #tpu.memory_space<hbm>> -> memref<128x1x32xf32, #tpu.memory_space<hbm>>
    %dma_start3A_1499 = tpu.memref_squeeze %dma_start3A_1498 : memref<128x1x32xf32, #tpu.memory_space<hbm>> -> memref<128x32xf32, #tpu.memory_space<hbm>>
    %dma_start3A_1500 = arith.constant 0 : i32
    %dma_start3A_1501 = tpu.memref_slice %arg4[%mul3A_1490, %dma_start3A_1492, %dma_start3A_1500] : memref<4096x50x32xf32, #tpu.memory_space<hbm>> -> memref<128x1x32xf32, #tpu.memory_space<hbm>>
    %dma_start3A_1502 = tpu.memref_squeeze %dma_start3A_1501 : memref<128x1x32xf32, #tpu.memory_space<hbm>> -> memref<128x32xf32, #tpu.memory_space<hbm>>
    %dma_start3A_1503 = arith.constant 0 : i32
    %dma_start3A_1504 = arith.constant 0 : i32
    %dma_start3A_1505 = tpu.memref_slice %arg6[%dma_start3A_1491, %dma_start3A_1503, %dma_start3A_1504] : memref<3x128x32xf32, #tpu.memory_space<vmem>> -> memref<1x128x32xf32, #tpu.memory_space<vmem>>
    %dma_start3A_1506 = tpu.memref_squeeze %dma_start3A_1505 : memref<1x128x32xf32, #tpu.memory_space<vmem>> -> memref<128x32xf32, #tpu.memory_space<vmem>>
    tpu.enqueue_dma source(%dma_start3A_1506 : memref<128x32xf32, #tpu.memory_space<vmem>>) target(%dma_start3A_1502 : memref<128x32xf32, #tpu.memory_space<hbm>>) target_semaphore(%arg10 : memref<!tpu.dma_semaphore, #tpu.memory_space<semaphore_mem>>)
    %mul3A_1507 = arith.constant 128 : i32
    %mul3A_1508 = arith.muli %add3A, %mul3A_1507 : i32
    %dma_wait3A_1509 = arith.constant 0 : i32
    %dma_wait3A_1510 = arith.constant 24 : i32
    %dma_wait3A_1511 = arith.constant 0 : i32
    %dma_wait3A_1512 = arith.constant 0 : i32
    %dma_wait3A_1513 = tpu.memref_slice %arg6[%dma_wait3A_1509, %dma_wait3A_1511, %dma_wait3A_1512] : memref<3x128x32xf32, #tpu.memory_space<vmem>> -> memref<1x128x32xf32, #tpu.memory_space<vmem>>
    %dma_wait3A_1514 = tpu.memref_squeeze %dma_wait3A_1513 : memref<1x128x32xf32, #tpu.memory_space<vmem>> -> memref<128x32xf32, #tpu.memory_space<vmem>>
    %dma_wait3A_1515 = arith.constant 0 : i32
    %dma_wait3A_1516 = tpu.memref_slice %arg4[%mul3A_1508, %dma_wait3A_1510, %dma_wait3A_1515] : memref<4096x50x32xf32, #tpu.memory_space<hbm>> -> memref<128x1x32xf32, #tpu.memory_space<hbm>>
    %dma_wait3A_1517 = tpu.memref_squeeze %dma_wait3A_1516 : memref<128x1x32xf32, #tpu.memory_space<hbm>> -> memref<128x32xf32, #tpu.memory_space<hbm>>
    %dma_wait3A_1518 = arith.constant 0 : i32
    %dma_wait3A_1519 = tpu.memref_slice %arg4[%mul3A_1508, %dma_wait3A_1510, %dma_wait3A_1518] : memref<4096x50x32xf32, #tpu.memory_space<hbm>> -> memref<128x1x32xf32, #tpu.memory_space<hbm>>
    %dma_wait3A_1520 = tpu.memref_squeeze %dma_wait3A_1519 : memref<128x1x32xf32, #tpu.memory_space<hbm>> -> memref<128x32xf32, #tpu.memory_space<hbm>>
    %dma_wait3A_1521 = arith.constant 0 : i32
    %dma_wait3A_1522 = arith.constant 0 : i32
    %dma_wait3A_1523 = tpu.memref_slice %arg6[%dma_wait3A_1509, %dma_wait3A_1521, %dma_wait3A_1522] : memref<3x128x32xf32, #tpu.memory_space<vmem>> -> memref<1x128x32xf32, #tpu.memory_space<vmem>>
    %dma_wait3A_1524 = tpu.memref_squeeze %dma_wait3A_1523 : memref<1x128x32xf32, #tpu.memory_space<vmem>> -> memref<128x32xf32, #tpu.memory_space<vmem>>
    tpu.wait_dma2 semaphore(%arg10 : memref<!tpu.dma_semaphore, #tpu.memory_space<semaphore_mem>>) src(%dma_wait3A_1524 : memref<128x32xf32, #tpu.memory_space<vmem>>) dst(%dma_wait3A_1520 : memref<128x32xf32, #tpu.memory_space<hbm>>)
    %dma_start3A_1525 = arith.constant 27 : i32
    %dma_start3A_1526 = arith.constant 0 : i32
    %dma_start3A_1527 = arith.constant 0 : i32
    %dma_start3A_1528 = arith.constant 0 : i32
    %dma_start3A_1529 = tpu.memref_slice %arg6[%dma_start3A_1526, %dma_start3A_1527, %dma_start3A_1528] : memref<3x128x32xf32, #tpu.memory_space<vmem>> -> memref<1x128x32xf32, #tpu.memory_space<vmem>>
    %dma_start3A_1530 = tpu.memref_squeeze %dma_start3A_1529 : memref<1x128x32xf32, #tpu.memory_space<vmem>> -> memref<128x32xf32, #tpu.memory_space<vmem>>
    %dma_start3A_1531 = arith.constant 0 : i32
    %dma_start3A_1532 = tpu.memref_slice %arg5[%dma_start3A_1525, %dma_start3A_1531] : memref<50x128xi32, #tpu.memory_space<vmem>> -> memref<1x128xi32, #tpu.memory_space<vmem>>
    %dma_start3A_1533 = tpu.memref_squeeze %dma_start3A_1532 : memref<1x128xi32, #tpu.memory_space<vmem>> -> memref<128xi32, #tpu.memory_space<vmem>>
    %dma_start3A_1534 = arith.constant 0 : i32
    %dma_start3A_1535 = arith.constant 0 : i32
    %dma_start3A_1536 = tpu.memref_slice %arg3[%dma_start3A_1534, %dma_start3A_1535] : memref<1000000x32xf32, #tpu.memory_space<hbm>> -> memref<1000000x32xf32, #tpu.memory_space<hbm>>
    tpu.enqueue_indirect_dma source(%dma_start3A_1536 : memref<1000000x32xf32, #tpu.memory_space<hbm>>) target(%dma_start3A_1530 : memref<128x32xf32, #tpu.memory_space<vmem>>) offsets(%dma_start3A_1533 : memref<128xi32, #tpu.memory_space<vmem>>) semaphore(%arg7 : memref<!tpu.dma_semaphore, #tpu.memory_space<semaphore_mem>>)
    %dma_wait3A_1537 = arith.constant 25 : i32
    %dma_wait3A_1538 = arith.constant 1 : i32
    %dma_wait3A_1539 = arith.constant 0 : i32
    %dma_wait3A_1540 = arith.constant 0 : i32
    %dma_wait3A_1541 = tpu.memref_slice %arg6[%dma_wait3A_1538, %dma_wait3A_1539, %dma_wait3A_1540] : memref<3x128x32xf32, #tpu.memory_space<vmem>> -> memref<1x128x32xf32, #tpu.memory_space<vmem>>
    %dma_wait3A_1542 = tpu.memref_squeeze %dma_wait3A_1541 : memref<1x128x32xf32, #tpu.memory_space<vmem>> -> memref<128x32xf32, #tpu.memory_space<vmem>>
    %dma_wait3A_1543 = arith.constant 0 : i32
    %dma_wait3A_1544 = tpu.memref_slice %arg5[%dma_wait3A_1537, %dma_wait3A_1543] : memref<50x128xi32, #tpu.memory_space<vmem>> -> memref<1x128xi32, #tpu.memory_space<vmem>>
    %dma_wait3A_1545 = tpu.memref_squeeze %dma_wait3A_1544 : memref<1x128xi32, #tpu.memory_space<vmem>> -> memref<128xi32, #tpu.memory_space<vmem>>
    %dma_wait3A_1546 = arith.constant 0 : i32
    %dma_wait3A_1547 = arith.constant 0 : i32
    %dma_wait3A_1548 = tpu.memref_slice %arg3[%dma_wait3A_1546, %dma_wait3A_1547] : memref<1000000x32xf32, #tpu.memory_space<hbm>> -> memref<1000000x32xf32, #tpu.memory_space<hbm>>
    tpu.wait_indirect_dma semaphore(%arg8 : memref<!tpu.dma_semaphore, #tpu.memory_space<semaphore_mem>>) src(%dma_wait3A_1548 : memref<1000000x32xf32, #tpu.memory_space<hbm>>) dst(%dma_wait3A_1542 : memref<128x32xf32, #tpu.memory_space<vmem>>)
    %mul3A_1549 = arith.constant 128 : i32
    %mul3A_1550 = arith.muli %add3A, %mul3A_1549 : i32
    %dma_start3A_1551 = arith.constant 1 : i32
    %dma_start3A_1552 = arith.constant 25 : i32
    %dma_start3A_1553 = arith.constant 0 : i32
    %dma_start3A_1554 = arith.constant 0 : i32
    %dma_start3A_1555 = tpu.memref_slice %arg6[%dma_start3A_1551, %dma_start3A_1553, %dma_start3A_1554] : memref<3x128x32xf32, #tpu.memory_space<vmem>> -> memref<1x128x32xf32, #tpu.memory_space<vmem>>
    %dma_start3A_1556 = tpu.memref_squeeze %dma_start3A_1555 : memref<1x128x32xf32, #tpu.memory_space<vmem>> -> memref<128x32xf32, #tpu.memory_space<vmem>>
    %dma_start3A_1557 = arith.constant 0 : i32
    %dma_start3A_1558 = tpu.memref_slice %arg4[%mul3A_1550, %dma_start3A_1552, %dma_start3A_1557] : memref<4096x50x32xf32, #tpu.memory_space<hbm>> -> memref<128x1x32xf32, #tpu.memory_space<hbm>>
    %dma_start3A_1559 = tpu.memref_squeeze %dma_start3A_1558 : memref<128x1x32xf32, #tpu.memory_space<hbm>> -> memref<128x32xf32, #tpu.memory_space<hbm>>
    %dma_start3A_1560 = arith.constant 0 : i32
    %dma_start3A_1561 = tpu.memref_slice %arg4[%mul3A_1550, %dma_start3A_1552, %dma_start3A_1560] : memref<4096x50x32xf32, #tpu.memory_space<hbm>> -> memref<128x1x32xf32, #tpu.memory_space<hbm>>
    %dma_start3A_1562 = tpu.memref_squeeze %dma_start3A_1561 : memref<128x1x32xf32, #tpu.memory_space<hbm>> -> memref<128x32xf32, #tpu.memory_space<hbm>>
    %dma_start3A_1563 = arith.constant 0 : i32
    %dma_start3A_1564 = arith.constant 0 : i32
    %dma_start3A_1565 = tpu.memref_slice %arg6[%dma_start3A_1551, %dma_start3A_1563, %dma_start3A_1564] : memref<3x128x32xf32, #tpu.memory_space<vmem>> -> memref<1x128x32xf32, #tpu.memory_space<vmem>>
    %dma_start3A_1566 = tpu.memref_squeeze %dma_start3A_1565 : memref<1x128x32xf32, #tpu.memory_space<vmem>> -> memref<128x32xf32, #tpu.memory_space<vmem>>
    tpu.enqueue_dma source(%dma_start3A_1566 : memref<128x32xf32, #tpu.memory_space<vmem>>) target(%dma_start3A_1562 : memref<128x32xf32, #tpu.memory_space<hbm>>) target_semaphore(%arg11 : memref<!tpu.dma_semaphore, #tpu.memory_space<semaphore_mem>>)
    %mul3A_1567 = arith.constant 128 : i32
    %mul3A_1568 = arith.muli %add3A, %mul3A_1567 : i32
    %dma_wait3A_1569 = arith.constant 1 : i32
    %dma_wait3A_1570 = arith.constant 25 : i32
    %dma_wait3A_1571 = arith.constant 0 : i32
    %dma_wait3A_1572 = arith.constant 0 : i32
    %dma_wait3A_1573 = tpu.memref_slice %arg6[%dma_wait3A_1569, %dma_wait3A_1571, %dma_wait3A_1572] : memref<3x128x32xf32, #tpu.memory_space<vmem>> -> memref<1x128x32xf32, #tpu.memory_space<vmem>>
    %dma_wait3A_1574 = tpu.memref_squeeze %dma_wait3A_1573 : memref<1x128x32xf32, #tpu.memory_space<vmem>> -> memref<128x32xf32, #tpu.memory_space<vmem>>
    %dma_wait3A_1575 = arith.constant 0 : i32
    %dma_wait3A_1576 = tpu.memref_slice %arg4[%mul3A_1568, %dma_wait3A_1570, %dma_wait3A_1575] : memref<4096x50x32xf32, #tpu.memory_space<hbm>> -> memref<128x1x32xf32, #tpu.memory_space<hbm>>
    %dma_wait3A_1577 = tpu.memref_squeeze %dma_wait3A_1576 : memref<128x1x32xf32, #tpu.memory_space<hbm>> -> memref<128x32xf32, #tpu.memory_space<hbm>>
    %dma_wait3A_1578 = arith.constant 0 : i32
    %dma_wait3A_1579 = tpu.memref_slice %arg4[%mul3A_1568, %dma_wait3A_1570, %dma_wait3A_1578] : memref<4096x50x32xf32, #tpu.memory_space<hbm>> -> memref<128x1x32xf32, #tpu.memory_space<hbm>>
    %dma_wait3A_1580 = tpu.memref_squeeze %dma_wait3A_1579 : memref<128x1x32xf32, #tpu.memory_space<hbm>> -> memref<128x32xf32, #tpu.memory_space<hbm>>
    %dma_wait3A_1581 = arith.constant 0 : i32
    %dma_wait3A_1582 = arith.constant 0 : i32
    %dma_wait3A_1583 = tpu.memref_slice %arg6[%dma_wait3A_1569, %dma_wait3A_1581, %dma_wait3A_1582] : memref<3x128x32xf32, #tpu.memory_space<vmem>> -> memref<1x128x32xf32, #tpu.memory_space<vmem>>
    %dma_wait3A_1584 = tpu.memref_squeeze %dma_wait3A_1583 : memref<1x128x32xf32, #tpu.memory_space<vmem>> -> memref<128x32xf32, #tpu.memory_space<vmem>>
    tpu.wait_dma2 semaphore(%arg11 : memref<!tpu.dma_semaphore, #tpu.memory_space<semaphore_mem>>) src(%dma_wait3A_1584 : memref<128x32xf32, #tpu.memory_space<vmem>>) dst(%dma_wait3A_1580 : memref<128x32xf32, #tpu.memory_space<hbm>>)
    %dma_start3A_1585 = arith.constant 28 : i32
    %dma_start3A_1586 = arith.constant 1 : i32
    %dma_start3A_1587 = arith.constant 0 : i32
    %dma_start3A_1588 = arith.constant 0 : i32
    %dma_start3A_1589 = tpu.memref_slice %arg6[%dma_start3A_1586, %dma_start3A_1587, %dma_start3A_1588] : memref<3x128x32xf32, #tpu.memory_space<vmem>> -> memref<1x128x32xf32, #tpu.memory_space<vmem>>
    %dma_start3A_1590 = tpu.memref_squeeze %dma_start3A_1589 : memref<1x128x32xf32, #tpu.memory_space<vmem>> -> memref<128x32xf32, #tpu.memory_space<vmem>>
    %dma_start3A_1591 = arith.constant 0 : i32
    %dma_start3A_1592 = tpu.memref_slice %arg5[%dma_start3A_1585, %dma_start3A_1591] : memref<50x128xi32, #tpu.memory_space<vmem>> -> memref<1x128xi32, #tpu.memory_space<vmem>>
    %dma_start3A_1593 = tpu.memref_squeeze %dma_start3A_1592 : memref<1x128xi32, #tpu.memory_space<vmem>> -> memref<128xi32, #tpu.memory_space<vmem>>
    %dma_start3A_1594 = arith.constant 0 : i32
    %dma_start3A_1595 = arith.constant 0 : i32
    %dma_start3A_1596 = tpu.memref_slice %arg3[%dma_start3A_1594, %dma_start3A_1595] : memref<1000000x32xf32, #tpu.memory_space<hbm>> -> memref<1000000x32xf32, #tpu.memory_space<hbm>>
    tpu.enqueue_indirect_dma source(%dma_start3A_1596 : memref<1000000x32xf32, #tpu.memory_space<hbm>>) target(%dma_start3A_1590 : memref<128x32xf32, #tpu.memory_space<vmem>>) offsets(%dma_start3A_1593 : memref<128xi32, #tpu.memory_space<vmem>>) semaphore(%arg8 : memref<!tpu.dma_semaphore, #tpu.memory_space<semaphore_mem>>)
    %dma_wait3A_1597 = arith.constant 26 : i32
    %dma_wait3A_1598 = arith.constant 2 : i32
    %dma_wait3A_1599 = arith.constant 0 : i32
    %dma_wait3A_1600 = arith.constant 0 : i32
    %dma_wait3A_1601 = tpu.memref_slice %arg6[%dma_wait3A_1598, %dma_wait3A_1599, %dma_wait3A_1600] : memref<3x128x32xf32, #tpu.memory_space<vmem>> -> memref<1x128x32xf32, #tpu.memory_space<vmem>>
    %dma_wait3A_1602 = tpu.memref_squeeze %dma_wait3A_1601 : memref<1x128x32xf32, #tpu.memory_space<vmem>> -> memref<128x32xf32, #tpu.memory_space<vmem>>
    %dma_wait3A_1603 = arith.constant 0 : i32
    %dma_wait3A_1604 = tpu.memref_slice %arg5[%dma_wait3A_1597, %dma_wait3A_1603] : memref<50x128xi32, #tpu.memory_space<vmem>> -> memref<1x128xi32, #tpu.memory_space<vmem>>
    %dma_wait3A_1605 = tpu.memref_squeeze %dma_wait3A_1604 : memref<1x128xi32, #tpu.memory_space<vmem>> -> memref<128xi32, #tpu.memory_space<vmem>>
    %dma_wait3A_1606 = arith.constant 0 : i32
    %dma_wait3A_1607 = arith.constant 0 : i32
    %dma_wait3A_1608 = tpu.memref_slice %arg3[%dma_wait3A_1606, %dma_wait3A_1607] : memref<1000000x32xf32, #tpu.memory_space<hbm>> -> memref<1000000x32xf32, #tpu.memory_space<hbm>>
    tpu.wait_indirect_dma semaphore(%arg9 : memref<!tpu.dma_semaphore, #tpu.memory_space<semaphore_mem>>) src(%dma_wait3A_1608 : memref<1000000x32xf32, #tpu.memory_space<hbm>>) dst(%dma_wait3A_1602 : memref<128x32xf32, #tpu.memory_space<vmem>>)
    %mul3A_1609 = arith.constant 128 : i32
    %mul3A_1610 = arith.muli %add3A, %mul3A_1609 : i32
    %dma_start3A_1611 = arith.constant 2 : i32
    %dma_start3A_1612 = arith.constant 26 : i32
    %dma_start3A_1613 = arith.constant 0 : i32
    %dma_start3A_1614 = arith.constant 0 : i32
    %dma_start3A_1615 = tpu.memref_slice %arg6[%dma_start3A_1611, %dma_start3A_1613, %dma_start3A_1614] : memref<3x128x32xf32, #tpu.memory_space<vmem>> -> memref<1x128x32xf32, #tpu.memory_space<vmem>>
    %dma_start3A_1616 = tpu.memref_squeeze %dma_start3A_1615 : memref<1x128x32xf32, #tpu.memory_space<vmem>> -> memref<128x32xf32, #tpu.memory_space<vmem>>
    %dma_start3A_1617 = arith.constant 0 : i32
    %dma_start3A_1618 = tpu.memref_slice %arg4[%mul3A_1610, %dma_start3A_1612, %dma_start3A_1617] : memref<4096x50x32xf32, #tpu.memory_space<hbm>> -> memref<128x1x32xf32, #tpu.memory_space<hbm>>
    %dma_start3A_1619 = tpu.memref_squeeze %dma_start3A_1618 : memref<128x1x32xf32, #tpu.memory_space<hbm>> -> memref<128x32xf32, #tpu.memory_space<hbm>>
    %dma_start3A_1620 = arith.constant 0 : i32
    %dma_start3A_1621 = tpu.memref_slice %arg4[%mul3A_1610, %dma_start3A_1612, %dma_start3A_1620] : memref<4096x50x32xf32, #tpu.memory_space<hbm>> -> memref<128x1x32xf32, #tpu.memory_space<hbm>>
    %dma_start3A_1622 = tpu.memref_squeeze %dma_start3A_1621 : memref<128x1x32xf32, #tpu.memory_space<hbm>> -> memref<128x32xf32, #tpu.memory_space<hbm>>
    %dma_start3A_1623 = arith.constant 0 : i32
    %dma_start3A_1624 = arith.constant 0 : i32
    %dma_start3A_1625 = tpu.memref_slice %arg6[%dma_start3A_1611, %dma_start3A_1623, %dma_start3A_1624] : memref<3x128x32xf32, #tpu.memory_space<vmem>> -> memref<1x128x32xf32, #tpu.memory_space<vmem>>
    %dma_start3A_1626 = tpu.memref_squeeze %dma_start3A_1625 : memref<1x128x32xf32, #tpu.memory_space<vmem>> -> memref<128x32xf32, #tpu.memory_space<vmem>>
    tpu.enqueue_dma source(%dma_start3A_1626 : memref<128x32xf32, #tpu.memory_space<vmem>>) target(%dma_start3A_1622 : memref<128x32xf32, #tpu.memory_space<hbm>>) target_semaphore(%arg12 : memref<!tpu.dma_semaphore, #tpu.memory_space<semaphore_mem>>)
    %mul3A_1627 = arith.constant 128 : i32
    %mul3A_1628 = arith.muli %add3A, %mul3A_1627 : i32
    %dma_wait3A_1629 = arith.constant 2 : i32
    %dma_wait3A_1630 = arith.constant 26 : i32
    %dma_wait3A_1631 = arith.constant 0 : i32
    %dma_wait3A_1632 = arith.constant 0 : i32
    %dma_wait3A_1633 = tpu.memref_slice %arg6[%dma_wait3A_1629, %dma_wait3A_1631, %dma_wait3A_1632] : memref<3x128x32xf32, #tpu.memory_space<vmem>> -> memref<1x128x32xf32, #tpu.memory_space<vmem>>
    %dma_wait3A_1634 = tpu.memref_squeeze %dma_wait3A_1633 : memref<1x128x32xf32, #tpu.memory_space<vmem>> -> memref<128x32xf32, #tpu.memory_space<vmem>>
    %dma_wait3A_1635 = arith.constant 0 : i32
    %dma_wait3A_1636 = tpu.memref_slice %arg4[%mul3A_1628, %dma_wait3A_1630, %dma_wait3A_1635] : memref<4096x50x32xf32, #tpu.memory_space<hbm>> -> memref<128x1x32xf32, #tpu.memory_space<hbm>>
    %dma_wait3A_1637 = tpu.memref_squeeze %dma_wait3A_1636 : memref<128x1x32xf32, #tpu.memory_space<hbm>> -> memref<128x32xf32, #tpu.memory_space<hbm>>
    %dma_wait3A_1638 = arith.constant 0 : i32
    %dma_wait3A_1639 = tpu.memref_slice %arg4[%mul3A_1628, %dma_wait3A_1630, %dma_wait3A_1638] : memref<4096x50x32xf32, #tpu.memory_space<hbm>> -> memref<128x1x32xf32, #tpu.memory_space<hbm>>
    %dma_wait3A_1640 = tpu.memref_squeeze %dma_wait3A_1639 : memref<128x1x32xf32, #tpu.memory_space<hbm>> -> memref<128x32xf32, #tpu.memory_space<hbm>>
    %dma_wait3A_1641 = arith.constant 0 : i32
    %dma_wait3A_1642 = arith.constant 0 : i32
    %dma_wait3A_1643 = tpu.memref_slice %arg6[%dma_wait3A_1629, %dma_wait3A_1641, %dma_wait3A_1642] : memref<3x128x32xf32, #tpu.memory_space<vmem>> -> memref<1x128x32xf32, #tpu.memory_space<vmem>>
    %dma_wait3A_1644 = tpu.memref_squeeze %dma_wait3A_1643 : memref<1x128x32xf32, #tpu.memory_space<vmem>> -> memref<128x32xf32, #tpu.memory_space<vmem>>
    tpu.wait_dma2 semaphore(%arg12 : memref<!tpu.dma_semaphore, #tpu.memory_space<semaphore_mem>>) src(%dma_wait3A_1644 : memref<128x32xf32, #tpu.memory_space<vmem>>) dst(%dma_wait3A_1640 : memref<128x32xf32, #tpu.memory_space<hbm>>)
    %dma_start3A_1645 = arith.constant 29 : i32
    %dma_start3A_1646 = arith.constant 2 : i32
    %dma_start3A_1647 = arith.constant 0 : i32
    %dma_start3A_1648 = arith.constant 0 : i32
    %dma_start3A_1649 = tpu.memref_slice %arg6[%dma_start3A_1646, %dma_start3A_1647, %dma_start3A_1648] : memref<3x128x32xf32, #tpu.memory_space<vmem>> -> memref<1x128x32xf32, #tpu.memory_space<vmem>>
    %dma_start3A_1650 = tpu.memref_squeeze %dma_start3A_1649 : memref<1x128x32xf32, #tpu.memory_space<vmem>> -> memref<128x32xf32, #tpu.memory_space<vmem>>
    %dma_start3A_1651 = arith.constant 0 : i32
    %dma_start3A_1652 = tpu.memref_slice %arg5[%dma_start3A_1645, %dma_start3A_1651] : memref<50x128xi32, #tpu.memory_space<vmem>> -> memref<1x128xi32, #tpu.memory_space<vmem>>
    %dma_start3A_1653 = tpu.memref_squeeze %dma_start3A_1652 : memref<1x128xi32, #tpu.memory_space<vmem>> -> memref<128xi32, #tpu.memory_space<vmem>>
    %dma_start3A_1654 = arith.constant 0 : i32
    %dma_start3A_1655 = arith.constant 0 : i32
    %dma_start3A_1656 = tpu.memref_slice %arg3[%dma_start3A_1654, %dma_start3A_1655] : memref<1000000x32xf32, #tpu.memory_space<hbm>> -> memref<1000000x32xf32, #tpu.memory_space<hbm>>
    tpu.enqueue_indirect_dma source(%dma_start3A_1656 : memref<1000000x32xf32, #tpu.memory_space<hbm>>) target(%dma_start3A_1650 : memref<128x32xf32, #tpu.memory_space<vmem>>) offsets(%dma_start3A_1653 : memref<128xi32, #tpu.memory_space<vmem>>) semaphore(%arg9 : memref<!tpu.dma_semaphore, #tpu.memory_space<semaphore_mem>>)
    %dma_wait3A_1657 = arith.constant 27 : i32
    %dma_wait3A_1658 = arith.constant 0 : i32
    %dma_wait3A_1659 = arith.constant 0 : i32
    %dma_wait3A_1660 = arith.constant 0 : i32
    %dma_wait3A_1661 = tpu.memref_slice %arg6[%dma_wait3A_1658, %dma_wait3A_1659, %dma_wait3A_1660] : memref<3x128x32xf32, #tpu.memory_space<vmem>> -> memref<1x128x32xf32, #tpu.memory_space<vmem>>
    %dma_wait3A_1662 = tpu.memref_squeeze %dma_wait3A_1661 : memref<1x128x32xf32, #tpu.memory_space<vmem>> -> memref<128x32xf32, #tpu.memory_space<vmem>>
    %dma_wait3A_1663 = arith.constant 0 : i32
    %dma_wait3A_1664 = tpu.memref_slice %arg5[%dma_wait3A_1657, %dma_wait3A_1663] : memref<50x128xi32, #tpu.memory_space<vmem>> -> memref<1x128xi32, #tpu.memory_space<vmem>>
    %dma_wait3A_1665 = tpu.memref_squeeze %dma_wait3A_1664 : memref<1x128xi32, #tpu.memory_space<vmem>> -> memref<128xi32, #tpu.memory_space<vmem>>
    %dma_wait3A_1666 = arith.constant 0 : i32
    %dma_wait3A_1667 = arith.constant 0 : i32
    %dma_wait3A_1668 = tpu.memref_slice %arg3[%dma_wait3A_1666, %dma_wait3A_1667] : memref<1000000x32xf32, #tpu.memory_space<hbm>> -> memref<1000000x32xf32, #tpu.memory_space<hbm>>
    tpu.wait_indirect_dma semaphore(%arg7 : memref<!tpu.dma_semaphore, #tpu.memory_space<semaphore_mem>>) src(%dma_wait3A_1668 : memref<1000000x32xf32, #tpu.memory_space<hbm>>) dst(%dma_wait3A_1662 : memref<128x32xf32, #tpu.memory_space<vmem>>)
    %mul3A_1669 = arith.constant 128 : i32
    %mul3A_1670 = arith.muli %add3A, %mul3A_1669 : i32
    %dma_start3A_1671 = arith.constant 0 : i32
    %dma_start3A_1672 = arith.constant 27 : i32
    %dma_start3A_1673 = arith.constant 0 : i32
    %dma_start3A_1674 = arith.constant 0 : i32
    %dma_start3A_1675 = tpu.memref_slice %arg6[%dma_start3A_1671, %dma_start3A_1673, %dma_start3A_1674] : memref<3x128x32xf32, #tpu.memory_space<vmem>> -> memref<1x128x32xf32, #tpu.memory_space<vmem>>
    %dma_start3A_1676 = tpu.memref_squeeze %dma_start3A_1675 : memref<1x128x32xf32, #tpu.memory_space<vmem>> -> memref<128x32xf32, #tpu.memory_space<vmem>>
    %dma_start3A_1677 = arith.constant 0 : i32
    %dma_start3A_1678 = tpu.memref_slice %arg4[%mul3A_1670, %dma_start3A_1672, %dma_start3A_1677] : memref<4096x50x32xf32, #tpu.memory_space<hbm>> -> memref<128x1x32xf32, #tpu.memory_space<hbm>>
    %dma_start3A_1679 = tpu.memref_squeeze %dma_start3A_1678 : memref<128x1x32xf32, #tpu.memory_space<hbm>> -> memref<128x32xf32, #tpu.memory_space<hbm>>
    %dma_start3A_1680 = arith.constant 0 : i32
    %dma_start3A_1681 = tpu.memref_slice %arg4[%mul3A_1670, %dma_start3A_1672, %dma_start3A_1680] : memref<4096x50x32xf32, #tpu.memory_space<hbm>> -> memref<128x1x32xf32, #tpu.memory_space<hbm>>
    %dma_start3A_1682 = tpu.memref_squeeze %dma_start3A_1681 : memref<128x1x32xf32, #tpu.memory_space<hbm>> -> memref<128x32xf32, #tpu.memory_space<hbm>>
    %dma_start3A_1683 = arith.constant 0 : i32
    %dma_start3A_1684 = arith.constant 0 : i32
    %dma_start3A_1685 = tpu.memref_slice %arg6[%dma_start3A_1671, %dma_start3A_1683, %dma_start3A_1684] : memref<3x128x32xf32, #tpu.memory_space<vmem>> -> memref<1x128x32xf32, #tpu.memory_space<vmem>>
    %dma_start3A_1686 = tpu.memref_squeeze %dma_start3A_1685 : memref<1x128x32xf32, #tpu.memory_space<vmem>> -> memref<128x32xf32, #tpu.memory_space<vmem>>
    tpu.enqueue_dma source(%dma_start3A_1686 : memref<128x32xf32, #tpu.memory_space<vmem>>) target(%dma_start3A_1682 : memref<128x32xf32, #tpu.memory_space<hbm>>) target_semaphore(%arg10 : memref<!tpu.dma_semaphore, #tpu.memory_space<semaphore_mem>>)
    %mul3A_1687 = arith.constant 128 : i32
    %mul3A_1688 = arith.muli %add3A, %mul3A_1687 : i32
    %dma_wait3A_1689 = arith.constant 0 : i32
    %dma_wait3A_1690 = arith.constant 27 : i32
    %dma_wait3A_1691 = arith.constant 0 : i32
    %dma_wait3A_1692 = arith.constant 0 : i32
    %dma_wait3A_1693 = tpu.memref_slice %arg6[%dma_wait3A_1689, %dma_wait3A_1691, %dma_wait3A_1692] : memref<3x128x32xf32, #tpu.memory_space<vmem>> -> memref<1x128x32xf32, #tpu.memory_space<vmem>>
    %dma_wait3A_1694 = tpu.memref_squeeze %dma_wait3A_1693 : memref<1x128x32xf32, #tpu.memory_space<vmem>> -> memref<128x32xf32, #tpu.memory_space<vmem>>
    %dma_wait3A_1695 = arith.constant 0 : i32
    %dma_wait3A_1696 = tpu.memref_slice %arg4[%mul3A_1688, %dma_wait3A_1690, %dma_wait3A_1695] : memref<4096x50x32xf32, #tpu.memory_space<hbm>> -> memref<128x1x32xf32, #tpu.memory_space<hbm>>
    %dma_wait3A_1697 = tpu.memref_squeeze %dma_wait3A_1696 : memref<128x1x32xf32, #tpu.memory_space<hbm>> -> memref<128x32xf32, #tpu.memory_space<hbm>>
    %dma_wait3A_1698 = arith.constant 0 : i32
    %dma_wait3A_1699 = tpu.memref_slice %arg4[%mul3A_1688, %dma_wait3A_1690, %dma_wait3A_1698] : memref<4096x50x32xf32, #tpu.memory_space<hbm>> -> memref<128x1x32xf32, #tpu.memory_space<hbm>>
    %dma_wait3A_1700 = tpu.memref_squeeze %dma_wait3A_1699 : memref<128x1x32xf32, #tpu.memory_space<hbm>> -> memref<128x32xf32, #tpu.memory_space<hbm>>
    %dma_wait3A_1701 = arith.constant 0 : i32
    %dma_wait3A_1702 = arith.constant 0 : i32
    %dma_wait3A_1703 = tpu.memref_slice %arg6[%dma_wait3A_1689, %dma_wait3A_1701, %dma_wait3A_1702] : memref<3x128x32xf32, #tpu.memory_space<vmem>> -> memref<1x128x32xf32, #tpu.memory_space<vmem>>
    %dma_wait3A_1704 = tpu.memref_squeeze %dma_wait3A_1703 : memref<1x128x32xf32, #tpu.memory_space<vmem>> -> memref<128x32xf32, #tpu.memory_space<vmem>>
    tpu.wait_dma2 semaphore(%arg10 : memref<!tpu.dma_semaphore, #tpu.memory_space<semaphore_mem>>) src(%dma_wait3A_1704 : memref<128x32xf32, #tpu.memory_space<vmem>>) dst(%dma_wait3A_1700 : memref<128x32xf32, #tpu.memory_space<hbm>>)
    %dma_start3A_1705 = arith.constant 30 : i32
    %dma_start3A_1706 = arith.constant 0 : i32
    %dma_start3A_1707 = arith.constant 0 : i32
    %dma_start3A_1708 = arith.constant 0 : i32
    %dma_start3A_1709 = tpu.memref_slice %arg6[%dma_start3A_1706, %dma_start3A_1707, %dma_start3A_1708] : memref<3x128x32xf32, #tpu.memory_space<vmem>> -> memref<1x128x32xf32, #tpu.memory_space<vmem>>
    %dma_start3A_1710 = tpu.memref_squeeze %dma_start3A_1709 : memref<1x128x32xf32, #tpu.memory_space<vmem>> -> memref<128x32xf32, #tpu.memory_space<vmem>>
    %dma_start3A_1711 = arith.constant 0 : i32
    %dma_start3A_1712 = tpu.memref_slice %arg5[%dma_start3A_1705, %dma_start3A_1711] : memref<50x128xi32, #tpu.memory_space<vmem>> -> memref<1x128xi32, #tpu.memory_space<vmem>>
    %dma_start3A_1713 = tpu.memref_squeeze %dma_start3A_1712 : memref<1x128xi32, #tpu.memory_space<vmem>> -> memref<128xi32, #tpu.memory_space<vmem>>
    %dma_start3A_1714 = arith.constant 0 : i32
    %dma_start3A_1715 = arith.constant 0 : i32
    %dma_start3A_1716 = tpu.memref_slice %arg3[%dma_start3A_1714, %dma_start3A_1715] : memref<1000000x32xf32, #tpu.memory_space<hbm>> -> memref<1000000x32xf32, #tpu.memory_space<hbm>>
    tpu.enqueue_indirect_dma source(%dma_start3A_1716 : memref<1000000x32xf32, #tpu.memory_space<hbm>>) target(%dma_start3A_1710 : memref<128x32xf32, #tpu.memory_space<vmem>>) offsets(%dma_start3A_1713 : memref<128xi32, #tpu.memory_space<vmem>>) semaphore(%arg7 : memref<!tpu.dma_semaphore, #tpu.memory_space<semaphore_mem>>)
    %dma_wait3A_1717 = arith.constant 28 : i32
    %dma_wait3A_1718 = arith.constant 1 : i32
    %dma_wait3A_1719 = arith.constant 0 : i32
    %dma_wait3A_1720 = arith.constant 0 : i32
    %dma_wait3A_1721 = tpu.memref_slice %arg6[%dma_wait3A_1718, %dma_wait3A_1719, %dma_wait3A_1720] : memref<3x128x32xf32, #tpu.memory_space<vmem>> -> memref<1x128x32xf32, #tpu.memory_space<vmem>>
    %dma_wait3A_1722 = tpu.memref_squeeze %dma_wait3A_1721 : memref<1x128x32xf32, #tpu.memory_space<vmem>> -> memref<128x32xf32, #tpu.memory_space<vmem>>
    %dma_wait3A_1723 = arith.constant 0 : i32
    %dma_wait3A_1724 = tpu.memref_slice %arg5[%dma_wait3A_1717, %dma_wait3A_1723] : memref<50x128xi32, #tpu.memory_space<vmem>> -> memref<1x128xi32, #tpu.memory_space<vmem>>
    %dma_wait3A_1725 = tpu.memref_squeeze %dma_wait3A_1724 : memref<1x128xi32, #tpu.memory_space<vmem>> -> memref<128xi32, #tpu.memory_space<vmem>>
    %dma_wait3A_1726 = arith.constant 0 : i32
    %dma_wait3A_1727 = arith.constant 0 : i32
    %dma_wait3A_1728 = tpu.memref_slice %arg3[%dma_wait3A_1726, %dma_wait3A_1727] : memref<1000000x32xf32, #tpu.memory_space<hbm>> -> memref<1000000x32xf32, #tpu.memory_space<hbm>>
    tpu.wait_indirect_dma semaphore(%arg8 : memref<!tpu.dma_semaphore, #tpu.memory_space<semaphore_mem>>) src(%dma_wait3A_1728 : memref<1000000x32xf32, #tpu.memory_space<hbm>>) dst(%dma_wait3A_1722 : memref<128x32xf32, #tpu.memory_space<vmem>>)
    %mul3A_1729 = arith.constant 128 : i32
    %mul3A_1730 = arith.muli %add3A, %mul3A_1729 : i32
    %dma_start3A_1731 = arith.constant 1 : i32
    %dma_start3A_1732 = arith.constant 28 : i32
    %dma_start3A_1733 = arith.constant 0 : i32
    %dma_start3A_1734 = arith.constant 0 : i32
    %dma_start3A_1735 = tpu.memref_slice %arg6[%dma_start3A_1731, %dma_start3A_1733, %dma_start3A_1734] : memref<3x128x32xf32, #tpu.memory_space<vmem>> -> memref<1x128x32xf32, #tpu.memory_space<vmem>>
    %dma_start3A_1736 = tpu.memref_squeeze %dma_start3A_1735 : memref<1x128x32xf32, #tpu.memory_space<vmem>> -> memref<128x32xf32, #tpu.memory_space<vmem>>
    %dma_start3A_1737 = arith.constant 0 : i32
    %dma_start3A_1738 = tpu.memref_slice %arg4[%mul3A_1730, %dma_start3A_1732, %dma_start3A_1737] : memref<4096x50x32xf32, #tpu.memory_space<hbm>> -> memref<128x1x32xf32, #tpu.memory_space<hbm>>
    %dma_start3A_1739 = tpu.memref_squeeze %dma_start3A_1738 : memref<128x1x32xf32, #tpu.memory_space<hbm>> -> memref<128x32xf32, #tpu.memory_space<hbm>>
    %dma_start3A_1740 = arith.constant 0 : i32
    %dma_start3A_1741 = tpu.memref_slice %arg4[%mul3A_1730, %dma_start3A_1732, %dma_start3A_1740] : memref<4096x50x32xf32, #tpu.memory_space<hbm>> -> memref<128x1x32xf32, #tpu.memory_space<hbm>>
    %dma_start3A_1742 = tpu.memref_squeeze %dma_start3A_1741 : memref<128x1x32xf32, #tpu.memory_space<hbm>> -> memref<128x32xf32, #tpu.memory_space<hbm>>
    %dma_start3A_1743 = arith.constant 0 : i32
    %dma_start3A_1744 = arith.constant 0 : i32
    %dma_start3A_1745 = tpu.memref_slice %arg6[%dma_start3A_1731, %dma_start3A_1743, %dma_start3A_1744] : memref<3x128x32xf32, #tpu.memory_space<vmem>> -> memref<1x128x32xf32, #tpu.memory_space<vmem>>
    %dma_start3A_1746 = tpu.memref_squeeze %dma_start3A_1745 : memref<1x128x32xf32, #tpu.memory_space<vmem>> -> memref<128x32xf32, #tpu.memory_space<vmem>>
    tpu.enqueue_dma source(%dma_start3A_1746 : memref<128x32xf32, #tpu.memory_space<vmem>>) target(%dma_start3A_1742 : memref<128x32xf32, #tpu.memory_space<hbm>>) target_semaphore(%arg11 : memref<!tpu.dma_semaphore, #tpu.memory_space<semaphore_mem>>)
    %mul3A_1747 = arith.constant 128 : i32
    %mul3A_1748 = arith.muli %add3A, %mul3A_1747 : i32
    %dma_wait3A_1749 = arith.constant 1 : i32
    %dma_wait3A_1750 = arith.constant 28 : i32
    %dma_wait3A_1751 = arith.constant 0 : i32
    %dma_wait3A_1752 = arith.constant 0 : i32
    %dma_wait3A_1753 = tpu.memref_slice %arg6[%dma_wait3A_1749, %dma_wait3A_1751, %dma_wait3A_1752] : memref<3x128x32xf32, #tpu.memory_space<vmem>> -> memref<1x128x32xf32, #tpu.memory_space<vmem>>
    %dma_wait3A_1754 = tpu.memref_squeeze %dma_wait3A_1753 : memref<1x128x32xf32, #tpu.memory_space<vmem>> -> memref<128x32xf32, #tpu.memory_space<vmem>>
    %dma_wait3A_1755 = arith.constant 0 : i32
    %dma_wait3A_1756 = tpu.memref_slice %arg4[%mul3A_1748, %dma_wait3A_1750, %dma_wait3A_1755] : memref<4096x50x32xf32, #tpu.memory_space<hbm>> -> memref<128x1x32xf32, #tpu.memory_space<hbm>>
    %dma_wait3A_1757 = tpu.memref_squeeze %dma_wait3A_1756 : memref<128x1x32xf32, #tpu.memory_space<hbm>> -> memref<128x32xf32, #tpu.memory_space<hbm>>
    %dma_wait3A_1758 = arith.constant 0 : i32
    %dma_wait3A_1759 = tpu.memref_slice %arg4[%mul3A_1748, %dma_wait3A_1750, %dma_wait3A_1758] : memref<4096x50x32xf32, #tpu.memory_space<hbm>> -> memref<128x1x32xf32, #tpu.memory_space<hbm>>
    %dma_wait3A_1760 = tpu.memref_squeeze %dma_wait3A_1759 : memref<128x1x32xf32, #tpu.memory_space<hbm>> -> memref<128x32xf32, #tpu.memory_space<hbm>>
    %dma_wait3A_1761 = arith.constant 0 : i32
    %dma_wait3A_1762 = arith.constant 0 : i32
    %dma_wait3A_1763 = tpu.memref_slice %arg6[%dma_wait3A_1749, %dma_wait3A_1761, %dma_wait3A_1762] : memref<3x128x32xf32, #tpu.memory_space<vmem>> -> memref<1x128x32xf32, #tpu.memory_space<vmem>>
    %dma_wait3A_1764 = tpu.memref_squeeze %dma_wait3A_1763 : memref<1x128x32xf32, #tpu.memory_space<vmem>> -> memref<128x32xf32, #tpu.memory_space<vmem>>
    tpu.wait_dma2 semaphore(%arg11 : memref<!tpu.dma_semaphore, #tpu.memory_space<semaphore_mem>>) src(%dma_wait3A_1764 : memref<128x32xf32, #tpu.memory_space<vmem>>) dst(%dma_wait3A_1760 : memref<128x32xf32, #tpu.memory_space<hbm>>)
    %dma_start3A_1765 = arith.constant 31 : i32
    %dma_start3A_1766 = arith.constant 1 : i32
    %dma_start3A_1767 = arith.constant 0 : i32
    %dma_start3A_1768 = arith.constant 0 : i32
    %dma_start3A_1769 = tpu.memref_slice %arg6[%dma_start3A_1766, %dma_start3A_1767, %dma_start3A_1768] : memref<3x128x32xf32, #tpu.memory_space<vmem>> -> memref<1x128x32xf32, #tpu.memory_space<vmem>>
    %dma_start3A_1770 = tpu.memref_squeeze %dma_start3A_1769 : memref<1x128x32xf32, #tpu.memory_space<vmem>> -> memref<128x32xf32, #tpu.memory_space<vmem>>
    %dma_start3A_1771 = arith.constant 0 : i32
    %dma_start3A_1772 = tpu.memref_slice %arg5[%dma_start3A_1765, %dma_start3A_1771] : memref<50x128xi32, #tpu.memory_space<vmem>> -> memref<1x128xi32, #tpu.memory_space<vmem>>
    %dma_start3A_1773 = tpu.memref_squeeze %dma_start3A_1772 : memref<1x128xi32, #tpu.memory_space<vmem>> -> memref<128xi32, #tpu.memory_space<vmem>>
    %dma_start3A_1774 = arith.constant 0 : i32
    %dma_start3A_1775 = arith.constant 0 : i32
    %dma_start3A_1776 = tpu.memref_slice %arg3[%dma_start3A_1774, %dma_start3A_1775] : memref<1000000x32xf32, #tpu.memory_space<hbm>> -> memref<1000000x32xf32, #tpu.memory_space<hbm>>
    tpu.enqueue_indirect_dma source(%dma_start3A_1776 : memref<1000000x32xf32, #tpu.memory_space<hbm>>) target(%dma_start3A_1770 : memref<128x32xf32, #tpu.memory_space<vmem>>) offsets(%dma_start3A_1773 : memref<128xi32, #tpu.memory_space<vmem>>) semaphore(%arg8 : memref<!tpu.dma_semaphore, #tpu.memory_space<semaphore_mem>>)
    %dma_wait3A_1777 = arith.constant 29 : i32
    %dma_wait3A_1778 = arith.constant 2 : i32
    %dma_wait3A_1779 = arith.constant 0 : i32
    %dma_wait3A_1780 = arith.constant 0 : i32
    %dma_wait3A_1781 = tpu.memref_slice %arg6[%dma_wait3A_1778, %dma_wait3A_1779, %dma_wait3A_1780] : memref<3x128x32xf32, #tpu.memory_space<vmem>> -> memref<1x128x32xf32, #tpu.memory_space<vmem>>
    %dma_wait3A_1782 = tpu.memref_squeeze %dma_wait3A_1781 : memref<1x128x32xf32, #tpu.memory_space<vmem>> -> memref<128x32xf32, #tpu.memory_space<vmem>>
    %dma_wait3A_1783 = arith.constant 0 : i32
    %dma_wait3A_1784 = tpu.memref_slice %arg5[%dma_wait3A_1777, %dma_wait3A_1783] : memref<50x128xi32, #tpu.memory_space<vmem>> -> memref<1x128xi32, #tpu.memory_space<vmem>>
    %dma_wait3A_1785 = tpu.memref_squeeze %dma_wait3A_1784 : memref<1x128xi32, #tpu.memory_space<vmem>> -> memref<128xi32, #tpu.memory_space<vmem>>
    %dma_wait3A_1786 = arith.constant 0 : i32
    %dma_wait3A_1787 = arith.constant 0 : i32
    %dma_wait3A_1788 = tpu.memref_slice %arg3[%dma_wait3A_1786, %dma_wait3A_1787] : memref<1000000x32xf32, #tpu.memory_space<hbm>> -> memref<1000000x32xf32, #tpu.memory_space<hbm>>
    tpu.wait_indirect_dma semaphore(%arg9 : memref<!tpu.dma_semaphore, #tpu.memory_space<semaphore_mem>>) src(%dma_wait3A_1788 : memref<1000000x32xf32, #tpu.memory_space<hbm>>) dst(%dma_wait3A_1782 : memref<128x32xf32, #tpu.memory_space<vmem>>)
    %mul3A_1789 = arith.constant 128 : i32
    %mul3A_1790 = arith.muli %add3A, %mul3A_1789 : i32
    %dma_start3A_1791 = arith.constant 2 : i32
    %dma_start3A_1792 = arith.constant 29 : i32
    %dma_start3A_1793 = arith.constant 0 : i32
    %dma_start3A_1794 = arith.constant 0 : i32
    %dma_start3A_1795 = tpu.memref_slice %arg6[%dma_start3A_1791, %dma_start3A_1793, %dma_start3A_1794] : memref<3x128x32xf32, #tpu.memory_space<vmem>> -> memref<1x128x32xf32, #tpu.memory_space<vmem>>
    %dma_start3A_1796 = tpu.memref_squeeze %dma_start3A_1795 : memref<1x128x32xf32, #tpu.memory_space<vmem>> -> memref<128x32xf32, #tpu.memory_space<vmem>>
    %dma_start3A_1797 = arith.constant 0 : i32
    %dma_start3A_1798 = tpu.memref_slice %arg4[%mul3A_1790, %dma_start3A_1792, %dma_start3A_1797] : memref<4096x50x32xf32, #tpu.memory_space<hbm>> -> memref<128x1x32xf32, #tpu.memory_space<hbm>>
    %dma_start3A_1799 = tpu.memref_squeeze %dma_start3A_1798 : memref<128x1x32xf32, #tpu.memory_space<hbm>> -> memref<128x32xf32, #tpu.memory_space<hbm>>
    %dma_start3A_1800 = arith.constant 0 : i32
    %dma_start3A_1801 = tpu.memref_slice %arg4[%mul3A_1790, %dma_start3A_1792, %dma_start3A_1800] : memref<4096x50x32xf32, #tpu.memory_space<hbm>> -> memref<128x1x32xf32, #tpu.memory_space<hbm>>
    %dma_start3A_1802 = tpu.memref_squeeze %dma_start3A_1801 : memref<128x1x32xf32, #tpu.memory_space<hbm>> -> memref<128x32xf32, #tpu.memory_space<hbm>>
    %dma_start3A_1803 = arith.constant 0 : i32
    %dma_start3A_1804 = arith.constant 0 : i32
    %dma_start3A_1805 = tpu.memref_slice %arg6[%dma_start3A_1791, %dma_start3A_1803, %dma_start3A_1804] : memref<3x128x32xf32, #tpu.memory_space<vmem>> -> memref<1x128x32xf32, #tpu.memory_space<vmem>>
    %dma_start3A_1806 = tpu.memref_squeeze %dma_start3A_1805 : memref<1x128x32xf32, #tpu.memory_space<vmem>> -> memref<128x32xf32, #tpu.memory_space<vmem>>
    tpu.enqueue_dma source(%dma_start3A_1806 : memref<128x32xf32, #tpu.memory_space<vmem>>) target(%dma_start3A_1802 : memref<128x32xf32, #tpu.memory_space<hbm>>) target_semaphore(%arg12 : memref<!tpu.dma_semaphore, #tpu.memory_space<semaphore_mem>>)
    %mul3A_1807 = arith.constant 128 : i32
    %mul3A_1808 = arith.muli %add3A, %mul3A_1807 : i32
    %dma_wait3A_1809 = arith.constant 2 : i32
    %dma_wait3A_1810 = arith.constant 29 : i32
    %dma_wait3A_1811 = arith.constant 0 : i32
    %dma_wait3A_1812 = arith.constant 0 : i32
    %dma_wait3A_1813 = tpu.memref_slice %arg6[%dma_wait3A_1809, %dma_wait3A_1811, %dma_wait3A_1812] : memref<3x128x32xf32, #tpu.memory_space<vmem>> -> memref<1x128x32xf32, #tpu.memory_space<vmem>>
    %dma_wait3A_1814 = tpu.memref_squeeze %dma_wait3A_1813 : memref<1x128x32xf32, #tpu.memory_space<vmem>> -> memref<128x32xf32, #tpu.memory_space<vmem>>
    %dma_wait3A_1815 = arith.constant 0 : i32
    %dma_wait3A_1816 = tpu.memref_slice %arg4[%mul3A_1808, %dma_wait3A_1810, %dma_wait3A_1815] : memref<4096x50x32xf32, #tpu.memory_space<hbm>> -> memref<128x1x32xf32, #tpu.memory_space<hbm>>
    %dma_wait3A_1817 = tpu.memref_squeeze %dma_wait3A_1816 : memref<128x1x32xf32, #tpu.memory_space<hbm>> -> memref<128x32xf32, #tpu.memory_space<hbm>>
    %dma_wait3A_1818 = arith.constant 0 : i32
    %dma_wait3A_1819 = tpu.memref_slice %arg4[%mul3A_1808, %dma_wait3A_1810, %dma_wait3A_1818] : memref<4096x50x32xf32, #tpu.memory_space<hbm>> -> memref<128x1x32xf32, #tpu.memory_space<hbm>>
    %dma_wait3A_1820 = tpu.memref_squeeze %dma_wait3A_1819 : memref<128x1x32xf32, #tpu.memory_space<hbm>> -> memref<128x32xf32, #tpu.memory_space<hbm>>
    %dma_wait3A_1821 = arith.constant 0 : i32
    %dma_wait3A_1822 = arith.constant 0 : i32
    %dma_wait3A_1823 = tpu.memref_slice %arg6[%dma_wait3A_1809, %dma_wait3A_1821, %dma_wait3A_1822] : memref<3x128x32xf32, #tpu.memory_space<vmem>> -> memref<1x128x32xf32, #tpu.memory_space<vmem>>
    %dma_wait3A_1824 = tpu.memref_squeeze %dma_wait3A_1823 : memref<1x128x32xf32, #tpu.memory_space<vmem>> -> memref<128x32xf32, #tpu.memory_space<vmem>>
    tpu.wait_dma2 semaphore(%arg12 : memref<!tpu.dma_semaphore, #tpu.memory_space<semaphore_mem>>) src(%dma_wait3A_1824 : memref<128x32xf32, #tpu.memory_space<vmem>>) dst(%dma_wait3A_1820 : memref<128x32xf32, #tpu.memory_space<hbm>>)
    %dma_start3A_1825 = arith.constant 32 : i32
    %dma_start3A_1826 = arith.constant 2 : i32
    %dma_start3A_1827 = arith.constant 0 : i32
    %dma_start3A_1828 = arith.constant 0 : i32
    %dma_start3A_1829 = tpu.memref_slice %arg6[%dma_start3A_1826, %dma_start3A_1827, %dma_start3A_1828] : memref<3x128x32xf32, #tpu.memory_space<vmem>> -> memref<1x128x32xf32, #tpu.memory_space<vmem>>
    %dma_start3A_1830 = tpu.memref_squeeze %dma_start3A_1829 : memref<1x128x32xf32, #tpu.memory_space<vmem>> -> memref<128x32xf32, #tpu.memory_space<vmem>>
    %dma_start3A_1831 = arith.constant 0 : i32
    %dma_start3A_1832 = tpu.memref_slice %arg5[%dma_start3A_1825, %dma_start3A_1831] : memref<50x128xi32, #tpu.memory_space<vmem>> -> memref<1x128xi32, #tpu.memory_space<vmem>>
    %dma_start3A_1833 = tpu.memref_squeeze %dma_start3A_1832 : memref<1x128xi32, #tpu.memory_space<vmem>> -> memref<128xi32, #tpu.memory_space<vmem>>
    %dma_start3A_1834 = arith.constant 0 : i32
    %dma_start3A_1835 = arith.constant 0 : i32
    %dma_start3A_1836 = tpu.memref_slice %arg3[%dma_start3A_1834, %dma_start3A_1835] : memref<1000000x32xf32, #tpu.memory_space<hbm>> -> memref<1000000x32xf32, #tpu.memory_space<hbm>>
    tpu.enqueue_indirect_dma source(%dma_start3A_1836 : memref<1000000x32xf32, #tpu.memory_space<hbm>>) target(%dma_start3A_1830 : memref<128x32xf32, #tpu.memory_space<vmem>>) offsets(%dma_start3A_1833 : memref<128xi32, #tpu.memory_space<vmem>>) semaphore(%arg9 : memref<!tpu.dma_semaphore, #tpu.memory_space<semaphore_mem>>)
    %dma_wait3A_1837 = arith.constant 30 : i32
    %dma_wait3A_1838 = arith.constant 0 : i32
    %dma_wait3A_1839 = arith.constant 0 : i32
    %dma_wait3A_1840 = arith.constant 0 : i32
    %dma_wait3A_1841 = tpu.memref_slice %arg6[%dma_wait3A_1838, %dma_wait3A_1839, %dma_wait3A_1840] : memref<3x128x32xf32, #tpu.memory_space<vmem>> -> memref<1x128x32xf32, #tpu.memory_space<vmem>>
    %dma_wait3A_1842 = tpu.memref_squeeze %dma_wait3A_1841 : memref<1x128x32xf32, #tpu.memory_space<vmem>> -> memref<128x32xf32, #tpu.memory_space<vmem>>
    %dma_wait3A_1843 = arith.constant 0 : i32
    %dma_wait3A_1844 = tpu.memref_slice %arg5[%dma_wait3A_1837, %dma_wait3A_1843] : memref<50x128xi32, #tpu.memory_space<vmem>> -> memref<1x128xi32, #tpu.memory_space<vmem>>
    %dma_wait3A_1845 = tpu.memref_squeeze %dma_wait3A_1844 : memref<1x128xi32, #tpu.memory_space<vmem>> -> memref<128xi32, #tpu.memory_space<vmem>>
    %dma_wait3A_1846 = arith.constant 0 : i32
    %dma_wait3A_1847 = arith.constant 0 : i32
    %dma_wait3A_1848 = tpu.memref_slice %arg3[%dma_wait3A_1846, %dma_wait3A_1847] : memref<1000000x32xf32, #tpu.memory_space<hbm>> -> memref<1000000x32xf32, #tpu.memory_space<hbm>>
    tpu.wait_indirect_dma semaphore(%arg7 : memref<!tpu.dma_semaphore, #tpu.memory_space<semaphore_mem>>) src(%dma_wait3A_1848 : memref<1000000x32xf32, #tpu.memory_space<hbm>>) dst(%dma_wait3A_1842 : memref<128x32xf32, #tpu.memory_space<vmem>>)
    %mul3A_1849 = arith.constant 128 : i32
    %mul3A_1850 = arith.muli %add3A, %mul3A_1849 : i32
    %dma_start3A_1851 = arith.constant 0 : i32
    %dma_start3A_1852 = arith.constant 30 : i32
    %dma_start3A_1853 = arith.constant 0 : i32
    %dma_start3A_1854 = arith.constant 0 : i32
    %dma_start3A_1855 = tpu.memref_slice %arg6[%dma_start3A_1851, %dma_start3A_1853, %dma_start3A_1854] : memref<3x128x32xf32, #tpu.memory_space<vmem>> -> memref<1x128x32xf32, #tpu.memory_space<vmem>>
    %dma_start3A_1856 = tpu.memref_squeeze %dma_start3A_1855 : memref<1x128x32xf32, #tpu.memory_space<vmem>> -> memref<128x32xf32, #tpu.memory_space<vmem>>
    %dma_start3A_1857 = arith.constant 0 : i32
    %dma_start3A_1858 = tpu.memref_slice %arg4[%mul3A_1850, %dma_start3A_1852, %dma_start3A_1857] : memref<4096x50x32xf32, #tpu.memory_space<hbm>> -> memref<128x1x32xf32, #tpu.memory_space<hbm>>
    %dma_start3A_1859 = tpu.memref_squeeze %dma_start3A_1858 : memref<128x1x32xf32, #tpu.memory_space<hbm>> -> memref<128x32xf32, #tpu.memory_space<hbm>>
    %dma_start3A_1860 = arith.constant 0 : i32
    %dma_start3A_1861 = tpu.memref_slice %arg4[%mul3A_1850, %dma_start3A_1852, %dma_start3A_1860] : memref<4096x50x32xf32, #tpu.memory_space<hbm>> -> memref<128x1x32xf32, #tpu.memory_space<hbm>>
    %dma_start3A_1862 = tpu.memref_squeeze %dma_start3A_1861 : memref<128x1x32xf32, #tpu.memory_space<hbm>> -> memref<128x32xf32, #tpu.memory_space<hbm>>
    %dma_start3A_1863 = arith.constant 0 : i32
    %dma_start3A_1864 = arith.constant 0 : i32
    %dma_start3A_1865 = tpu.memref_slice %arg6[%dma_start3A_1851, %dma_start3A_1863, %dma_start3A_1864] : memref<3x128x32xf32, #tpu.memory_space<vmem>> -> memref<1x128x32xf32, #tpu.memory_space<vmem>>
    %dma_start3A_1866 = tpu.memref_squeeze %dma_start3A_1865 : memref<1x128x32xf32, #tpu.memory_space<vmem>> -> memref<128x32xf32, #tpu.memory_space<vmem>>
    tpu.enqueue_dma source(%dma_start3A_1866 : memref<128x32xf32, #tpu.memory_space<vmem>>) target(%dma_start3A_1862 : memref<128x32xf32, #tpu.memory_space<hbm>>) target_semaphore(%arg10 : memref<!tpu.dma_semaphore, #tpu.memory_space<semaphore_mem>>)
    %mul3A_1867 = arith.constant 128 : i32
    %mul3A_1868 = arith.muli %add3A, %mul3A_1867 : i32
    %dma_wait3A_1869 = arith.constant 0 : i32
    %dma_wait3A_1870 = arith.constant 30 : i32
    %dma_wait3A_1871 = arith.constant 0 : i32
    %dma_wait3A_1872 = arith.constant 0 : i32
    %dma_wait3A_1873 = tpu.memref_slice %arg6[%dma_wait3A_1869, %dma_wait3A_1871, %dma_wait3A_1872] : memref<3x128x32xf32, #tpu.memory_space<vmem>> -> memref<1x128x32xf32, #tpu.memory_space<vmem>>
    %dma_wait3A_1874 = tpu.memref_squeeze %dma_wait3A_1873 : memref<1x128x32xf32, #tpu.memory_space<vmem>> -> memref<128x32xf32, #tpu.memory_space<vmem>>
    %dma_wait3A_1875 = arith.constant 0 : i32
    %dma_wait3A_1876 = tpu.memref_slice %arg4[%mul3A_1868, %dma_wait3A_1870, %dma_wait3A_1875] : memref<4096x50x32xf32, #tpu.memory_space<hbm>> -> memref<128x1x32xf32, #tpu.memory_space<hbm>>
    %dma_wait3A_1877 = tpu.memref_squeeze %dma_wait3A_1876 : memref<128x1x32xf32, #tpu.memory_space<hbm>> -> memref<128x32xf32, #tpu.memory_space<hbm>>
    %dma_wait3A_1878 = arith.constant 0 : i32
    %dma_wait3A_1879 = tpu.memref_slice %arg4[%mul3A_1868, %dma_wait3A_1870, %dma_wait3A_1878] : memref<4096x50x32xf32, #tpu.memory_space<hbm>> -> memref<128x1x32xf32, #tpu.memory_space<hbm>>
    %dma_wait3A_1880 = tpu.memref_squeeze %dma_wait3A_1879 : memref<128x1x32xf32, #tpu.memory_space<hbm>> -> memref<128x32xf32, #tpu.memory_space<hbm>>
    %dma_wait3A_1881 = arith.constant 0 : i32
    %dma_wait3A_1882 = arith.constant 0 : i32
    %dma_wait3A_1883 = tpu.memref_slice %arg6[%dma_wait3A_1869, %dma_wait3A_1881, %dma_wait3A_1882] : memref<3x128x32xf32, #tpu.memory_space<vmem>> -> memref<1x128x32xf32, #tpu.memory_space<vmem>>
    %dma_wait3A_1884 = tpu.memref_squeeze %dma_wait3A_1883 : memref<1x128x32xf32, #tpu.memory_space<vmem>> -> memref<128x32xf32, #tpu.memory_space<vmem>>
    tpu.wait_dma2 semaphore(%arg10 : memref<!tpu.dma_semaphore, #tpu.memory_space<semaphore_mem>>) src(%dma_wait3A_1884 : memref<128x32xf32, #tpu.memory_space<vmem>>) dst(%dma_wait3A_1880 : memref<128x32xf32, #tpu.memory_space<hbm>>)
    %dma_start3A_1885 = arith.constant 33 : i32
    %dma_start3A_1886 = arith.constant 0 : i32
    %dma_start3A_1887 = arith.constant 0 : i32
    %dma_start3A_1888 = arith.constant 0 : i32
    %dma_start3A_1889 = tpu.memref_slice %arg6[%dma_start3A_1886, %dma_start3A_1887, %dma_start3A_1888] : memref<3x128x32xf32, #tpu.memory_space<vmem>> -> memref<1x128x32xf32, #tpu.memory_space<vmem>>
    %dma_start3A_1890 = tpu.memref_squeeze %dma_start3A_1889 : memref<1x128x32xf32, #tpu.memory_space<vmem>> -> memref<128x32xf32, #tpu.memory_space<vmem>>
    %dma_start3A_1891 = arith.constant 0 : i32
    %dma_start3A_1892 = tpu.memref_slice %arg5[%dma_start3A_1885, %dma_start3A_1891] : memref<50x128xi32, #tpu.memory_space<vmem>> -> memref<1x128xi32, #tpu.memory_space<vmem>>
    %dma_start3A_1893 = tpu.memref_squeeze %dma_start3A_1892 : memref<1x128xi32, #tpu.memory_space<vmem>> -> memref<128xi32, #tpu.memory_space<vmem>>
    %dma_start3A_1894 = arith.constant 0 : i32
    %dma_start3A_1895 = arith.constant 0 : i32
    %dma_start3A_1896 = tpu.memref_slice %arg3[%dma_start3A_1894, %dma_start3A_1895] : memref<1000000x32xf32, #tpu.memory_space<hbm>> -> memref<1000000x32xf32, #tpu.memory_space<hbm>>
    tpu.enqueue_indirect_dma source(%dma_start3A_1896 : memref<1000000x32xf32, #tpu.memory_space<hbm>>) target(%dma_start3A_1890 : memref<128x32xf32, #tpu.memory_space<vmem>>) offsets(%dma_start3A_1893 : memref<128xi32, #tpu.memory_space<vmem>>) semaphore(%arg7 : memref<!tpu.dma_semaphore, #tpu.memory_space<semaphore_mem>>)
    %dma_wait3A_1897 = arith.constant 31 : i32
    %dma_wait3A_1898 = arith.constant 1 : i32
    %dma_wait3A_1899 = arith.constant 0 : i32
    %dma_wait3A_1900 = arith.constant 0 : i32
    %dma_wait3A_1901 = tpu.memref_slice %arg6[%dma_wait3A_1898, %dma_wait3A_1899, %dma_wait3A_1900] : memref<3x128x32xf32, #tpu.memory_space<vmem>> -> memref<1x128x32xf32, #tpu.memory_space<vmem>>
    %dma_wait3A_1902 = tpu.memref_squeeze %dma_wait3A_1901 : memref<1x128x32xf32, #tpu.memory_space<vmem>> -> memref<128x32xf32, #tpu.memory_space<vmem>>
    %dma_wait3A_1903 = arith.constant 0 : i32
    %dma_wait3A_1904 = tpu.memref_slice %arg5[%dma_wait3A_1897, %dma_wait3A_1903] : memref<50x128xi32, #tpu.memory_space<vmem>> -> memref<1x128xi32, #tpu.memory_space<vmem>>
    %dma_wait3A_1905 = tpu.memref_squeeze %dma_wait3A_1904 : memref<1x128xi32, #tpu.memory_space<vmem>> -> memref<128xi32, #tpu.memory_space<vmem>>
    %dma_wait3A_1906 = arith.constant 0 : i32
    %dma_wait3A_1907 = arith.constant 0 : i32
    %dma_wait3A_1908 = tpu.memref_slice %arg3[%dma_wait3A_1906, %dma_wait3A_1907] : memref<1000000x32xf32, #tpu.memory_space<hbm>> -> memref<1000000x32xf32, #tpu.memory_space<hbm>>
    tpu.wait_indirect_dma semaphore(%arg8 : memref<!tpu.dma_semaphore, #tpu.memory_space<semaphore_mem>>) src(%dma_wait3A_1908 : memref<1000000x32xf32, #tpu.memory_space<hbm>>) dst(%dma_wait3A_1902 : memref<128x32xf32, #tpu.memory_space<vmem>>)
    %mul3A_1909 = arith.constant 128 : i32
    %mul3A_1910 = arith.muli %add3A, %mul3A_1909 : i32
    %dma_start3A_1911 = arith.constant 1 : i32
    %dma_start3A_1912 = arith.constant 31 : i32
    %dma_start3A_1913 = arith.constant 0 : i32
    %dma_start3A_1914 = arith.constant 0 : i32
    %dma_start3A_1915 = tpu.memref_slice %arg6[%dma_start3A_1911, %dma_start3A_1913, %dma_start3A_1914] : memref<3x128x32xf32, #tpu.memory_space<vmem>> -> memref<1x128x32xf32, #tpu.memory_space<vmem>>
    %dma_start3A_1916 = tpu.memref_squeeze %dma_start3A_1915 : memref<1x128x32xf32, #tpu.memory_space<vmem>> -> memref<128x32xf32, #tpu.memory_space<vmem>>
    %dma_start3A_1917 = arith.constant 0 : i32
    %dma_start3A_1918 = tpu.memref_slice %arg4[%mul3A_1910, %dma_start3A_1912, %dma_start3A_1917] : memref<4096x50x32xf32, #tpu.memory_space<hbm>> -> memref<128x1x32xf32, #tpu.memory_space<hbm>>
    %dma_start3A_1919 = tpu.memref_squeeze %dma_start3A_1918 : memref<128x1x32xf32, #tpu.memory_space<hbm>> -> memref<128x32xf32, #tpu.memory_space<hbm>>
    %dma_start3A_1920 = arith.constant 0 : i32
    %dma_start3A_1921 = tpu.memref_slice %arg4[%mul3A_1910, %dma_start3A_1912, %dma_start3A_1920] : memref<4096x50x32xf32, #tpu.memory_space<hbm>> -> memref<128x1x32xf32, #tpu.memory_space<hbm>>
    %dma_start3A_1922 = tpu.memref_squeeze %dma_start3A_1921 : memref<128x1x32xf32, #tpu.memory_space<hbm>> -> memref<128x32xf32, #tpu.memory_space<hbm>>
    %dma_start3A_1923 = arith.constant 0 : i32
    %dma_start3A_1924 = arith.constant 0 : i32
    %dma_start3A_1925 = tpu.memref_slice %arg6[%dma_start3A_1911, %dma_start3A_1923, %dma_start3A_1924] : memref<3x128x32xf32, #tpu.memory_space<vmem>> -> memref<1x128x32xf32, #tpu.memory_space<vmem>>
    %dma_start3A_1926 = tpu.memref_squeeze %dma_start3A_1925 : memref<1x128x32xf32, #tpu.memory_space<vmem>> -> memref<128x32xf32, #tpu.memory_space<vmem>>
    tpu.enqueue_dma source(%dma_start3A_1926 : memref<128x32xf32, #tpu.memory_space<vmem>>) target(%dma_start3A_1922 : memref<128x32xf32, #tpu.memory_space<hbm>>) target_semaphore(%arg11 : memref<!tpu.dma_semaphore, #tpu.memory_space<semaphore_mem>>)
    %mul3A_1927 = arith.constant 128 : i32
    %mul3A_1928 = arith.muli %add3A, %mul3A_1927 : i32
    %dma_wait3A_1929 = arith.constant 1 : i32
    %dma_wait3A_1930 = arith.constant 31 : i32
    %dma_wait3A_1931 = arith.constant 0 : i32
    %dma_wait3A_1932 = arith.constant 0 : i32
    %dma_wait3A_1933 = tpu.memref_slice %arg6[%dma_wait3A_1929, %dma_wait3A_1931, %dma_wait3A_1932] : memref<3x128x32xf32, #tpu.memory_space<vmem>> -> memref<1x128x32xf32, #tpu.memory_space<vmem>>
    %dma_wait3A_1934 = tpu.memref_squeeze %dma_wait3A_1933 : memref<1x128x32xf32, #tpu.memory_space<vmem>> -> memref<128x32xf32, #tpu.memory_space<vmem>>
    %dma_wait3A_1935 = arith.constant 0 : i32
    %dma_wait3A_1936 = tpu.memref_slice %arg4[%mul3A_1928, %dma_wait3A_1930, %dma_wait3A_1935] : memref<4096x50x32xf32, #tpu.memory_space<hbm>> -> memref<128x1x32xf32, #tpu.memory_space<hbm>>
    %dma_wait3A_1937 = tpu.memref_squeeze %dma_wait3A_1936 : memref<128x1x32xf32, #tpu.memory_space<hbm>> -> memref<128x32xf32, #tpu.memory_space<hbm>>
    %dma_wait3A_1938 = arith.constant 0 : i32
    %dma_wait3A_1939 = tpu.memref_slice %arg4[%mul3A_1928, %dma_wait3A_1930, %dma_wait3A_1938] : memref<4096x50x32xf32, #tpu.memory_space<hbm>> -> memref<128x1x32xf32, #tpu.memory_space<hbm>>
    %dma_wait3A_1940 = tpu.memref_squeeze %dma_wait3A_1939 : memref<128x1x32xf32, #tpu.memory_space<hbm>> -> memref<128x32xf32, #tpu.memory_space<hbm>>
    %dma_wait3A_1941 = arith.constant 0 : i32
    %dma_wait3A_1942 = arith.constant 0 : i32
    %dma_wait3A_1943 = tpu.memref_slice %arg6[%dma_wait3A_1929, %dma_wait3A_1941, %dma_wait3A_1942] : memref<3x128x32xf32, #tpu.memory_space<vmem>> -> memref<1x128x32xf32, #tpu.memory_space<vmem>>
    %dma_wait3A_1944 = tpu.memref_squeeze %dma_wait3A_1943 : memref<1x128x32xf32, #tpu.memory_space<vmem>> -> memref<128x32xf32, #tpu.memory_space<vmem>>
    tpu.wait_dma2 semaphore(%arg11 : memref<!tpu.dma_semaphore, #tpu.memory_space<semaphore_mem>>) src(%dma_wait3A_1944 : memref<128x32xf32, #tpu.memory_space<vmem>>) dst(%dma_wait3A_1940 : memref<128x32xf32, #tpu.memory_space<hbm>>)
    %dma_start3A_1945 = arith.constant 34 : i32
    %dma_start3A_1946 = arith.constant 1 : i32
    %dma_start3A_1947 = arith.constant 0 : i32
    %dma_start3A_1948 = arith.constant 0 : i32
    %dma_start3A_1949 = tpu.memref_slice %arg6[%dma_start3A_1946, %dma_start3A_1947, %dma_start3A_1948] : memref<3x128x32xf32, #tpu.memory_space<vmem>> -> memref<1x128x32xf32, #tpu.memory_space<vmem>>
    %dma_start3A_1950 = tpu.memref_squeeze %dma_start3A_1949 : memref<1x128x32xf32, #tpu.memory_space<vmem>> -> memref<128x32xf32, #tpu.memory_space<vmem>>
    %dma_start3A_1951 = arith.constant 0 : i32
    %dma_start3A_1952 = tpu.memref_slice %arg5[%dma_start3A_1945, %dma_start3A_1951] : memref<50x128xi32, #tpu.memory_space<vmem>> -> memref<1x128xi32, #tpu.memory_space<vmem>>
    %dma_start3A_1953 = tpu.memref_squeeze %dma_start3A_1952 : memref<1x128xi32, #tpu.memory_space<vmem>> -> memref<128xi32, #tpu.memory_space<vmem>>
    %dma_start3A_1954 = arith.constant 0 : i32
    %dma_start3A_1955 = arith.constant 0 : i32
    %dma_start3A_1956 = tpu.memref_slice %arg3[%dma_start3A_1954, %dma_start3A_1955] : memref<1000000x32xf32, #tpu.memory_space<hbm>> -> memref<1000000x32xf32, #tpu.memory_space<hbm>>
    tpu.enqueue_indirect_dma source(%dma_start3A_1956 : memref<1000000x32xf32, #tpu.memory_space<hbm>>) target(%dma_start3A_1950 : memref<128x32xf32, #tpu.memory_space<vmem>>) offsets(%dma_start3A_1953 : memref<128xi32, #tpu.memory_space<vmem>>) semaphore(%arg8 : memref<!tpu.dma_semaphore, #tpu.memory_space<semaphore_mem>>)
    %dma_wait3A_1957 = arith.constant 32 : i32
    %dma_wait3A_1958 = arith.constant 2 : i32
    %dma_wait3A_1959 = arith.constant 0 : i32
    %dma_wait3A_1960 = arith.constant 0 : i32
    %dma_wait3A_1961 = tpu.memref_slice %arg6[%dma_wait3A_1958, %dma_wait3A_1959, %dma_wait3A_1960] : memref<3x128x32xf32, #tpu.memory_space<vmem>> -> memref<1x128x32xf32, #tpu.memory_space<vmem>>
    %dma_wait3A_1962 = tpu.memref_squeeze %dma_wait3A_1961 : memref<1x128x32xf32, #tpu.memory_space<vmem>> -> memref<128x32xf32, #tpu.memory_space<vmem>>
    %dma_wait3A_1963 = arith.constant 0 : i32
    %dma_wait3A_1964 = tpu.memref_slice %arg5[%dma_wait3A_1957, %dma_wait3A_1963] : memref<50x128xi32, #tpu.memory_space<vmem>> -> memref<1x128xi32, #tpu.memory_space<vmem>>
    %dma_wait3A_1965 = tpu.memref_squeeze %dma_wait3A_1964 : memref<1x128xi32, #tpu.memory_space<vmem>> -> memref<128xi32, #tpu.memory_space<vmem>>
    %dma_wait3A_1966 = arith.constant 0 : i32
    %dma_wait3A_1967 = arith.constant 0 : i32
    %dma_wait3A_1968 = tpu.memref_slice %arg3[%dma_wait3A_1966, %dma_wait3A_1967] : memref<1000000x32xf32, #tpu.memory_space<hbm>> -> memref<1000000x32xf32, #tpu.memory_space<hbm>>
    tpu.wait_indirect_dma semaphore(%arg9 : memref<!tpu.dma_semaphore, #tpu.memory_space<semaphore_mem>>) src(%dma_wait3A_1968 : memref<1000000x32xf32, #tpu.memory_space<hbm>>) dst(%dma_wait3A_1962 : memref<128x32xf32, #tpu.memory_space<vmem>>)
    %mul3A_1969 = arith.constant 128 : i32
    %mul3A_1970 = arith.muli %add3A, %mul3A_1969 : i32
    %dma_start3A_1971 = arith.constant 2 : i32
    %dma_start3A_1972 = arith.constant 32 : i32
    %dma_start3A_1973 = arith.constant 0 : i32
    %dma_start3A_1974 = arith.constant 0 : i32
    %dma_start3A_1975 = tpu.memref_slice %arg6[%dma_start3A_1971, %dma_start3A_1973, %dma_start3A_1974] : memref<3x128x32xf32, #tpu.memory_space<vmem>> -> memref<1x128x32xf32, #tpu.memory_space<vmem>>
    %dma_start3A_1976 = tpu.memref_squeeze %dma_start3A_1975 : memref<1x128x32xf32, #tpu.memory_space<vmem>> -> memref<128x32xf32, #tpu.memory_space<vmem>>
    %dma_start3A_1977 = arith.constant 0 : i32
    %dma_start3A_1978 = tpu.memref_slice %arg4[%mul3A_1970, %dma_start3A_1972, %dma_start3A_1977] : memref<4096x50x32xf32, #tpu.memory_space<hbm>> -> memref<128x1x32xf32, #tpu.memory_space<hbm>>
    %dma_start3A_1979 = tpu.memref_squeeze %dma_start3A_1978 : memref<128x1x32xf32, #tpu.memory_space<hbm>> -> memref<128x32xf32, #tpu.memory_space<hbm>>
    %dma_start3A_1980 = arith.constant 0 : i32
    %dma_start3A_1981 = tpu.memref_slice %arg4[%mul3A_1970, %dma_start3A_1972, %dma_start3A_1980] : memref<4096x50x32xf32, #tpu.memory_space<hbm>> -> memref<128x1x32xf32, #tpu.memory_space<hbm>>
    %dma_start3A_1982 = tpu.memref_squeeze %dma_start3A_1981 : memref<128x1x32xf32, #tpu.memory_space<hbm>> -> memref<128x32xf32, #tpu.memory_space<hbm>>
    %dma_start3A_1983 = arith.constant 0 : i32
    %dma_start3A_1984 = arith.constant 0 : i32
    %dma_start3A_1985 = tpu.memref_slice %arg6[%dma_start3A_1971, %dma_start3A_1983, %dma_start3A_1984] : memref<3x128x32xf32, #tpu.memory_space<vmem>> -> memref<1x128x32xf32, #tpu.memory_space<vmem>>
    %dma_start3A_1986 = tpu.memref_squeeze %dma_start3A_1985 : memref<1x128x32xf32, #tpu.memory_space<vmem>> -> memref<128x32xf32, #tpu.memory_space<vmem>>
    tpu.enqueue_dma source(%dma_start3A_1986 : memref<128x32xf32, #tpu.memory_space<vmem>>) target(%dma_start3A_1982 : memref<128x32xf32, #tpu.memory_space<hbm>>) target_semaphore(%arg12 : memref<!tpu.dma_semaphore, #tpu.memory_space<semaphore_mem>>)
    %mul3A_1987 = arith.constant 128 : i32
    %mul3A_1988 = arith.muli %add3A, %mul3A_1987 : i32
    %dma_wait3A_1989 = arith.constant 2 : i32
    %dma_wait3A_1990 = arith.constant 32 : i32
    %dma_wait3A_1991 = arith.constant 0 : i32
    %dma_wait3A_1992 = arith.constant 0 : i32
    %dma_wait3A_1993 = tpu.memref_slice %arg6[%dma_wait3A_1989, %dma_wait3A_1991, %dma_wait3A_1992] : memref<3x128x32xf32, #tpu.memory_space<vmem>> -> memref<1x128x32xf32, #tpu.memory_space<vmem>>
    %dma_wait3A_1994 = tpu.memref_squeeze %dma_wait3A_1993 : memref<1x128x32xf32, #tpu.memory_space<vmem>> -> memref<128x32xf32, #tpu.memory_space<vmem>>
    %dma_wait3A_1995 = arith.constant 0 : i32
    %dma_wait3A_1996 = tpu.memref_slice %arg4[%mul3A_1988, %dma_wait3A_1990, %dma_wait3A_1995] : memref<4096x50x32xf32, #tpu.memory_space<hbm>> -> memref<128x1x32xf32, #tpu.memory_space<hbm>>
    %dma_wait3A_1997 = tpu.memref_squeeze %dma_wait3A_1996 : memref<128x1x32xf32, #tpu.memory_space<hbm>> -> memref<128x32xf32, #tpu.memory_space<hbm>>
    %dma_wait3A_1998 = arith.constant 0 : i32
    %dma_wait3A_1999 = tpu.memref_slice %arg4[%mul3A_1988, %dma_wait3A_1990, %dma_wait3A_1998] : memref<4096x50x32xf32, #tpu.memory_space<hbm>> -> memref<128x1x32xf32, #tpu.memory_space<hbm>>
    %dma_wait3A_2000 = tpu.memref_squeeze %dma_wait3A_1999 : memref<128x1x32xf32, #tpu.memory_space<hbm>> -> memref<128x32xf32, #tpu.memory_space<hbm>>
    %dma_wait3A_2001 = arith.constant 0 : i32
    %dma_wait3A_2002 = arith.constant 0 : i32
    %dma_wait3A_2003 = tpu.memref_slice %arg6[%dma_wait3A_1989, %dma_wait3A_2001, %dma_wait3A_2002] : memref<3x128x32xf32, #tpu.memory_space<vmem>> -> memref<1x128x32xf32, #tpu.memory_space<vmem>>
    %dma_wait3A_2004 = tpu.memref_squeeze %dma_wait3A_2003 : memref<1x128x32xf32, #tpu.memory_space<vmem>> -> memref<128x32xf32, #tpu.memory_space<vmem>>
    tpu.wait_dma2 semaphore(%arg12 : memref<!tpu.dma_semaphore, #tpu.memory_space<semaphore_mem>>) src(%dma_wait3A_2004 : memref<128x32xf32, #tpu.memory_space<vmem>>) dst(%dma_wait3A_2000 : memref<128x32xf32, #tpu.memory_space<hbm>>)
    %dma_start3A_2005 = arith.constant 35 : i32
    %dma_start3A_2006 = arith.constant 2 : i32
    %dma_start3A_2007 = arith.constant 0 : i32
    %dma_start3A_2008 = arith.constant 0 : i32
    %dma_start3A_2009 = tpu.memref_slice %arg6[%dma_start3A_2006, %dma_start3A_2007, %dma_start3A_2008] : memref<3x128x32xf32, #tpu.memory_space<vmem>> -> memref<1x128x32xf32, #tpu.memory_space<vmem>>
    %dma_start3A_2010 = tpu.memref_squeeze %dma_start3A_2009 : memref<1x128x32xf32, #tpu.memory_space<vmem>> -> memref<128x32xf32, #tpu.memory_space<vmem>>
    %dma_start3A_2011 = arith.constant 0 : i32
    %dma_start3A_2012 = tpu.memref_slice %arg5[%dma_start3A_2005, %dma_start3A_2011] : memref<50x128xi32, #tpu.memory_space<vmem>> -> memref<1x128xi32, #tpu.memory_space<vmem>>
    %dma_start3A_2013 = tpu.memref_squeeze %dma_start3A_2012 : memref<1x128xi32, #tpu.memory_space<vmem>> -> memref<128xi32, #tpu.memory_space<vmem>>
    %dma_start3A_2014 = arith.constant 0 : i32
    %dma_start3A_2015 = arith.constant 0 : i32
    %dma_start3A_2016 = tpu.memref_slice %arg3[%dma_start3A_2014, %dma_start3A_2015] : memref<1000000x32xf32, #tpu.memory_space<hbm>> -> memref<1000000x32xf32, #tpu.memory_space<hbm>>
    tpu.enqueue_indirect_dma source(%dma_start3A_2016 : memref<1000000x32xf32, #tpu.memory_space<hbm>>) target(%dma_start3A_2010 : memref<128x32xf32, #tpu.memory_space<vmem>>) offsets(%dma_start3A_2013 : memref<128xi32, #tpu.memory_space<vmem>>) semaphore(%arg9 : memref<!tpu.dma_semaphore, #tpu.memory_space<semaphore_mem>>)
    %dma_wait3A_2017 = arith.constant 33 : i32
    %dma_wait3A_2018 = arith.constant 0 : i32
    %dma_wait3A_2019 = arith.constant 0 : i32
    %dma_wait3A_2020 = arith.constant 0 : i32
    %dma_wait3A_2021 = tpu.memref_slice %arg6[%dma_wait3A_2018, %dma_wait3A_2019, %dma_wait3A_2020] : memref<3x128x32xf32, #tpu.memory_space<vmem>> -> memref<1x128x32xf32, #tpu.memory_space<vmem>>
    %dma_wait3A_2022 = tpu.memref_squeeze %dma_wait3A_2021 : memref<1x128x32xf32, #tpu.memory_space<vmem>> -> memref<128x32xf32, #tpu.memory_space<vmem>>
    %dma_wait3A_2023 = arith.constant 0 : i32
    %dma_wait3A_2024 = tpu.memref_slice %arg5[%dma_wait3A_2017, %dma_wait3A_2023] : memref<50x128xi32, #tpu.memory_space<vmem>> -> memref<1x128xi32, #tpu.memory_space<vmem>>
    %dma_wait3A_2025 = tpu.memref_squeeze %dma_wait3A_2024 : memref<1x128xi32, #tpu.memory_space<vmem>> -> memref<128xi32, #tpu.memory_space<vmem>>
    %dma_wait3A_2026 = arith.constant 0 : i32
    %dma_wait3A_2027 = arith.constant 0 : i32
    %dma_wait3A_2028 = tpu.memref_slice %arg3[%dma_wait3A_2026, %dma_wait3A_2027] : memref<1000000x32xf32, #tpu.memory_space<hbm>> -> memref<1000000x32xf32, #tpu.memory_space<hbm>>
    tpu.wait_indirect_dma semaphore(%arg7 : memref<!tpu.dma_semaphore, #tpu.memory_space<semaphore_mem>>) src(%dma_wait3A_2028 : memref<1000000x32xf32, #tpu.memory_space<hbm>>) dst(%dma_wait3A_2022 : memref<128x32xf32, #tpu.memory_space<vmem>>)
    %mul3A_2029 = arith.constant 128 : i32
    %mul3A_2030 = arith.muli %add3A, %mul3A_2029 : i32
    %dma_start3A_2031 = arith.constant 0 : i32
    %dma_start3A_2032 = arith.constant 33 : i32
    %dma_start3A_2033 = arith.constant 0 : i32
    %dma_start3A_2034 = arith.constant 0 : i32
    %dma_start3A_2035 = tpu.memref_slice %arg6[%dma_start3A_2031, %dma_start3A_2033, %dma_start3A_2034] : memref<3x128x32xf32, #tpu.memory_space<vmem>> -> memref<1x128x32xf32, #tpu.memory_space<vmem>>
    %dma_start3A_2036 = tpu.memref_squeeze %dma_start3A_2035 : memref<1x128x32xf32, #tpu.memory_space<vmem>> -> memref<128x32xf32, #tpu.memory_space<vmem>>
    %dma_start3A_2037 = arith.constant 0 : i32
    %dma_start3A_2038 = tpu.memref_slice %arg4[%mul3A_2030, %dma_start3A_2032, %dma_start3A_2037] : memref<4096x50x32xf32, #tpu.memory_space<hbm>> -> memref<128x1x32xf32, #tpu.memory_space<hbm>>
    %dma_start3A_2039 = tpu.memref_squeeze %dma_start3A_2038 : memref<128x1x32xf32, #tpu.memory_space<hbm>> -> memref<128x32xf32, #tpu.memory_space<hbm>>
    %dma_start3A_2040 = arith.constant 0 : i32
    %dma_start3A_2041 = tpu.memref_slice %arg4[%mul3A_2030, %dma_start3A_2032, %dma_start3A_2040] : memref<4096x50x32xf32, #tpu.memory_space<hbm>> -> memref<128x1x32xf32, #tpu.memory_space<hbm>>
    %dma_start3A_2042 = tpu.memref_squeeze %dma_start3A_2041 : memref<128x1x32xf32, #tpu.memory_space<hbm>> -> memref<128x32xf32, #tpu.memory_space<hbm>>
    %dma_start3A_2043 = arith.constant 0 : i32
    %dma_start3A_2044 = arith.constant 0 : i32
    %dma_start3A_2045 = tpu.memref_slice %arg6[%dma_start3A_2031, %dma_start3A_2043, %dma_start3A_2044] : memref<3x128x32xf32, #tpu.memory_space<vmem>> -> memref<1x128x32xf32, #tpu.memory_space<vmem>>
    %dma_start3A_2046 = tpu.memref_squeeze %dma_start3A_2045 : memref<1x128x32xf32, #tpu.memory_space<vmem>> -> memref<128x32xf32, #tpu.memory_space<vmem>>
    tpu.enqueue_dma source(%dma_start3A_2046 : memref<128x32xf32, #tpu.memory_space<vmem>>) target(%dma_start3A_2042 : memref<128x32xf32, #tpu.memory_space<hbm>>) target_semaphore(%arg10 : memref<!tpu.dma_semaphore, #tpu.memory_space<semaphore_mem>>)
    %mul3A_2047 = arith.constant 128 : i32
    %mul3A_2048 = arith.muli %add3A, %mul3A_2047 : i32
    %dma_wait3A_2049 = arith.constant 0 : i32
    %dma_wait3A_2050 = arith.constant 33 : i32
    %dma_wait3A_2051 = arith.constant 0 : i32
    %dma_wait3A_2052 = arith.constant 0 : i32
    %dma_wait3A_2053 = tpu.memref_slice %arg6[%dma_wait3A_2049, %dma_wait3A_2051, %dma_wait3A_2052] : memref<3x128x32xf32, #tpu.memory_space<vmem>> -> memref<1x128x32xf32, #tpu.memory_space<vmem>>
    %dma_wait3A_2054 = tpu.memref_squeeze %dma_wait3A_2053 : memref<1x128x32xf32, #tpu.memory_space<vmem>> -> memref<128x32xf32, #tpu.memory_space<vmem>>
    %dma_wait3A_2055 = arith.constant 0 : i32
    %dma_wait3A_2056 = tpu.memref_slice %arg4[%mul3A_2048, %dma_wait3A_2050, %dma_wait3A_2055] : memref<4096x50x32xf32, #tpu.memory_space<hbm>> -> memref<128x1x32xf32, #tpu.memory_space<hbm>>
    %dma_wait3A_2057 = tpu.memref_squeeze %dma_wait3A_2056 : memref<128x1x32xf32, #tpu.memory_space<hbm>> -> memref<128x32xf32, #tpu.memory_space<hbm>>
    %dma_wait3A_2058 = arith.constant 0 : i32
    %dma_wait3A_2059 = tpu.memref_slice %arg4[%mul3A_2048, %dma_wait3A_2050, %dma_wait3A_2058] : memref<4096x50x32xf32, #tpu.memory_space<hbm>> -> memref<128x1x32xf32, #tpu.memory_space<hbm>>
    %dma_wait3A_2060 = tpu.memref_squeeze %dma_wait3A_2059 : memref<128x1x32xf32, #tpu.memory_space<hbm>> -> memref<128x32xf32, #tpu.memory_space<hbm>>
    %dma_wait3A_2061 = arith.constant 0 : i32
    %dma_wait3A_2062 = arith.constant 0 : i32
    %dma_wait3A_2063 = tpu.memref_slice %arg6[%dma_wait3A_2049, %dma_wait3A_2061, %dma_wait3A_2062] : memref<3x128x32xf32, #tpu.memory_space<vmem>> -> memref<1x128x32xf32, #tpu.memory_space<vmem>>
    %dma_wait3A_2064 = tpu.memref_squeeze %dma_wait3A_2063 : memref<1x128x32xf32, #tpu.memory_space<vmem>> -> memref<128x32xf32, #tpu.memory_space<vmem>>
    tpu.wait_dma2 semaphore(%arg10 : memref<!tpu.dma_semaphore, #tpu.memory_space<semaphore_mem>>) src(%dma_wait3A_2064 : memref<128x32xf32, #tpu.memory_space<vmem>>) dst(%dma_wait3A_2060 : memref<128x32xf32, #tpu.memory_space<hbm>>)
    %dma_start3A_2065 = arith.constant 36 : i32
    %dma_start3A_2066 = arith.constant 0 : i32
    %dma_start3A_2067 = arith.constant 0 : i32
    %dma_start3A_2068 = arith.constant 0 : i32
    %dma_start3A_2069 = tpu.memref_slice %arg6[%dma_start3A_2066, %dma_start3A_2067, %dma_start3A_2068] : memref<3x128x32xf32, #tpu.memory_space<vmem>> -> memref<1x128x32xf32, #tpu.memory_space<vmem>>
    %dma_start3A_2070 = tpu.memref_squeeze %dma_start3A_2069 : memref<1x128x32xf32, #tpu.memory_space<vmem>> -> memref<128x32xf32, #tpu.memory_space<vmem>>
    %dma_start3A_2071 = arith.constant 0 : i32
    %dma_start3A_2072 = tpu.memref_slice %arg5[%dma_start3A_2065, %dma_start3A_2071] : memref<50x128xi32, #tpu.memory_space<vmem>> -> memref<1x128xi32, #tpu.memory_space<vmem>>
    %dma_start3A_2073 = tpu.memref_squeeze %dma_start3A_2072 : memref<1x128xi32, #tpu.memory_space<vmem>> -> memref<128xi32, #tpu.memory_space<vmem>>
    %dma_start3A_2074 = arith.constant 0 : i32
    %dma_start3A_2075 = arith.constant 0 : i32
    %dma_start3A_2076 = tpu.memref_slice %arg3[%dma_start3A_2074, %dma_start3A_2075] : memref<1000000x32xf32, #tpu.memory_space<hbm>> -> memref<1000000x32xf32, #tpu.memory_space<hbm>>
    tpu.enqueue_indirect_dma source(%dma_start3A_2076 : memref<1000000x32xf32, #tpu.memory_space<hbm>>) target(%dma_start3A_2070 : memref<128x32xf32, #tpu.memory_space<vmem>>) offsets(%dma_start3A_2073 : memref<128xi32, #tpu.memory_space<vmem>>) semaphore(%arg7 : memref<!tpu.dma_semaphore, #tpu.memory_space<semaphore_mem>>)
    %dma_wait3A_2077 = arith.constant 34 : i32
    %dma_wait3A_2078 = arith.constant 1 : i32
    %dma_wait3A_2079 = arith.constant 0 : i32
    %dma_wait3A_2080 = arith.constant 0 : i32
    %dma_wait3A_2081 = tpu.memref_slice %arg6[%dma_wait3A_2078, %dma_wait3A_2079, %dma_wait3A_2080] : memref<3x128x32xf32, #tpu.memory_space<vmem>> -> memref<1x128x32xf32, #tpu.memory_space<vmem>>
    %dma_wait3A_2082 = tpu.memref_squeeze %dma_wait3A_2081 : memref<1x128x32xf32, #tpu.memory_space<vmem>> -> memref<128x32xf32, #tpu.memory_space<vmem>>
    %dma_wait3A_2083 = arith.constant 0 : i32
    %dma_wait3A_2084 = tpu.memref_slice %arg5[%dma_wait3A_2077, %dma_wait3A_2083] : memref<50x128xi32, #tpu.memory_space<vmem>> -> memref<1x128xi32, #tpu.memory_space<vmem>>
    %dma_wait3A_2085 = tpu.memref_squeeze %dma_wait3A_2084 : memref<1x128xi32, #tpu.memory_space<vmem>> -> memref<128xi32, #tpu.memory_space<vmem>>
    %dma_wait3A_2086 = arith.constant 0 : i32
    %dma_wait3A_2087 = arith.constant 0 : i32
    %dma_wait3A_2088 = tpu.memref_slice %arg3[%dma_wait3A_2086, %dma_wait3A_2087] : memref<1000000x32xf32, #tpu.memory_space<hbm>> -> memref<1000000x32xf32, #tpu.memory_space<hbm>>
    tpu.wait_indirect_dma semaphore(%arg8 : memref<!tpu.dma_semaphore, #tpu.memory_space<semaphore_mem>>) src(%dma_wait3A_2088 : memref<1000000x32xf32, #tpu.memory_space<hbm>>) dst(%dma_wait3A_2082 : memref<128x32xf32, #tpu.memory_space<vmem>>)
    %mul3A_2089 = arith.constant 128 : i32
    %mul3A_2090 = arith.muli %add3A, %mul3A_2089 : i32
    %dma_start3A_2091 = arith.constant 1 : i32
    %dma_start3A_2092 = arith.constant 34 : i32
    %dma_start3A_2093 = arith.constant 0 : i32
    %dma_start3A_2094 = arith.constant 0 : i32
    %dma_start3A_2095 = tpu.memref_slice %arg6[%dma_start3A_2091, %dma_start3A_2093, %dma_start3A_2094] : memref<3x128x32xf32, #tpu.memory_space<vmem>> -> memref<1x128x32xf32, #tpu.memory_space<vmem>>
    %dma_start3A_2096 = tpu.memref_squeeze %dma_start3A_2095 : memref<1x128x32xf32, #tpu.memory_space<vmem>> -> memref<128x32xf32, #tpu.memory_space<vmem>>
    %dma_start3A_2097 = arith.constant 0 : i32
    %dma_start3A_2098 = tpu.memref_slice %arg4[%mul3A_2090, %dma_start3A_2092, %dma_start3A_2097] : memref<4096x50x32xf32, #tpu.memory_space<hbm>> -> memref<128x1x32xf32, #tpu.memory_space<hbm>>
    %dma_start3A_2099 = tpu.memref_squeeze %dma_start3A_2098 : memref<128x1x32xf32, #tpu.memory_space<hbm>> -> memref<128x32xf32, #tpu.memory_space<hbm>>
    %dma_start3A_2100 = arith.constant 0 : i32
    %dma_start3A_2101 = tpu.memref_slice %arg4[%mul3A_2090, %dma_start3A_2092, %dma_start3A_2100] : memref<4096x50x32xf32, #tpu.memory_space<hbm>> -> memref<128x1x32xf32, #tpu.memory_space<hbm>>
    %dma_start3A_2102 = tpu.memref_squeeze %dma_start3A_2101 : memref<128x1x32xf32, #tpu.memory_space<hbm>> -> memref<128x32xf32, #tpu.memory_space<hbm>>
    %dma_start3A_2103 = arith.constant 0 : i32
    %dma_start3A_2104 = arith.constant 0 : i32
    %dma_start3A_2105 = tpu.memref_slice %arg6[%dma_start3A_2091, %dma_start3A_2103, %dma_start3A_2104] : memref<3x128x32xf32, #tpu.memory_space<vmem>> -> memref<1x128x32xf32, #tpu.memory_space<vmem>>
    %dma_start3A_2106 = tpu.memref_squeeze %dma_start3A_2105 : memref<1x128x32xf32, #tpu.memory_space<vmem>> -> memref<128x32xf32, #tpu.memory_space<vmem>>
    tpu.enqueue_dma source(%dma_start3A_2106 : memref<128x32xf32, #tpu.memory_space<vmem>>) target(%dma_start3A_2102 : memref<128x32xf32, #tpu.memory_space<hbm>>) target_semaphore(%arg11 : memref<!tpu.dma_semaphore, #tpu.memory_space<semaphore_mem>>)
    %mul3A_2107 = arith.constant 128 : i32
    %mul3A_2108 = arith.muli %add3A, %mul3A_2107 : i32
    %dma_wait3A_2109 = arith.constant 1 : i32
    %dma_wait3A_2110 = arith.constant 34 : i32
    %dma_wait3A_2111 = arith.constant 0 : i32
    %dma_wait3A_2112 = arith.constant 0 : i32
    %dma_wait3A_2113 = tpu.memref_slice %arg6[%dma_wait3A_2109, %dma_wait3A_2111, %dma_wait3A_2112] : memref<3x128x32xf32, #tpu.memory_space<vmem>> -> memref<1x128x32xf32, #tpu.memory_space<vmem>>
    %dma_wait3A_2114 = tpu.memref_squeeze %dma_wait3A_2113 : memref<1x128x32xf32, #tpu.memory_space<vmem>> -> memref<128x32xf32, #tpu.memory_space<vmem>>
    %dma_wait3A_2115 = arith.constant 0 : i32
    %dma_wait3A_2116 = tpu.memref_slice %arg4[%mul3A_2108, %dma_wait3A_2110, %dma_wait3A_2115] : memref<4096x50x32xf32, #tpu.memory_space<hbm>> -> memref<128x1x32xf32, #tpu.memory_space<hbm>>
    %dma_wait3A_2117 = tpu.memref_squeeze %dma_wait3A_2116 : memref<128x1x32xf32, #tpu.memory_space<hbm>> -> memref<128x32xf32, #tpu.memory_space<hbm>>
    %dma_wait3A_2118 = arith.constant 0 : i32
    %dma_wait3A_2119 = tpu.memref_slice %arg4[%mul3A_2108, %dma_wait3A_2110, %dma_wait3A_2118] : memref<4096x50x32xf32, #tpu.memory_space<hbm>> -> memref<128x1x32xf32, #tpu.memory_space<hbm>>
    %dma_wait3A_2120 = tpu.memref_squeeze %dma_wait3A_2119 : memref<128x1x32xf32, #tpu.memory_space<hbm>> -> memref<128x32xf32, #tpu.memory_space<hbm>>
    %dma_wait3A_2121 = arith.constant 0 : i32
    %dma_wait3A_2122 = arith.constant 0 : i32
    %dma_wait3A_2123 = tpu.memref_slice %arg6[%dma_wait3A_2109, %dma_wait3A_2121, %dma_wait3A_2122] : memref<3x128x32xf32, #tpu.memory_space<vmem>> -> memref<1x128x32xf32, #tpu.memory_space<vmem>>
    %dma_wait3A_2124 = tpu.memref_squeeze %dma_wait3A_2123 : memref<1x128x32xf32, #tpu.memory_space<vmem>> -> memref<128x32xf32, #tpu.memory_space<vmem>>
    tpu.wait_dma2 semaphore(%arg11 : memref<!tpu.dma_semaphore, #tpu.memory_space<semaphore_mem>>) src(%dma_wait3A_2124 : memref<128x32xf32, #tpu.memory_space<vmem>>) dst(%dma_wait3A_2120 : memref<128x32xf32, #tpu.memory_space<hbm>>)
    %dma_start3A_2125 = arith.constant 37 : i32
    %dma_start3A_2126 = arith.constant 1 : i32
    %dma_start3A_2127 = arith.constant 0 : i32
    %dma_start3A_2128 = arith.constant 0 : i32
    %dma_start3A_2129 = tpu.memref_slice %arg6[%dma_start3A_2126, %dma_start3A_2127, %dma_start3A_2128] : memref<3x128x32xf32, #tpu.memory_space<vmem>> -> memref<1x128x32xf32, #tpu.memory_space<vmem>>
    %dma_start3A_2130 = tpu.memref_squeeze %dma_start3A_2129 : memref<1x128x32xf32, #tpu.memory_space<vmem>> -> memref<128x32xf32, #tpu.memory_space<vmem>>
    %dma_start3A_2131 = arith.constant 0 : i32
    %dma_start3A_2132 = tpu.memref_slice %arg5[%dma_start3A_2125, %dma_start3A_2131] : memref<50x128xi32, #tpu.memory_space<vmem>> -> memref<1x128xi32, #tpu.memory_space<vmem>>
    %dma_start3A_2133 = tpu.memref_squeeze %dma_start3A_2132 : memref<1x128xi32, #tpu.memory_space<vmem>> -> memref<128xi32, #tpu.memory_space<vmem>>
    %dma_start3A_2134 = arith.constant 0 : i32
    %dma_start3A_2135 = arith.constant 0 : i32
    %dma_start3A_2136 = tpu.memref_slice %arg3[%dma_start3A_2134, %dma_start3A_2135] : memref<1000000x32xf32, #tpu.memory_space<hbm>> -> memref<1000000x32xf32, #tpu.memory_space<hbm>>
    tpu.enqueue_indirect_dma source(%dma_start3A_2136 : memref<1000000x32xf32, #tpu.memory_space<hbm>>) target(%dma_start3A_2130 : memref<128x32xf32, #tpu.memory_space<vmem>>) offsets(%dma_start3A_2133 : memref<128xi32, #tpu.memory_space<vmem>>) semaphore(%arg8 : memref<!tpu.dma_semaphore, #tpu.memory_space<semaphore_mem>>)
    %dma_wait3A_2137 = arith.constant 35 : i32
    %dma_wait3A_2138 = arith.constant 2 : i32
    %dma_wait3A_2139 = arith.constant 0 : i32
    %dma_wait3A_2140 = arith.constant 0 : i32
    %dma_wait3A_2141 = tpu.memref_slice %arg6[%dma_wait3A_2138, %dma_wait3A_2139, %dma_wait3A_2140] : memref<3x128x32xf32, #tpu.memory_space<vmem>> -> memref<1x128x32xf32, #tpu.memory_space<vmem>>
    %dma_wait3A_2142 = tpu.memref_squeeze %dma_wait3A_2141 : memref<1x128x32xf32, #tpu.memory_space<vmem>> -> memref<128x32xf32, #tpu.memory_space<vmem>>
    %dma_wait3A_2143 = arith.constant 0 : i32
    %dma_wait3A_2144 = tpu.memref_slice %arg5[%dma_wait3A_2137, %dma_wait3A_2143] : memref<50x128xi32, #tpu.memory_space<vmem>> -> memref<1x128xi32, #tpu.memory_space<vmem>>
    %dma_wait3A_2145 = tpu.memref_squeeze %dma_wait3A_2144 : memref<1x128xi32, #tpu.memory_space<vmem>> -> memref<128xi32, #tpu.memory_space<vmem>>
    %dma_wait3A_2146 = arith.constant 0 : i32
    %dma_wait3A_2147 = arith.constant 0 : i32
    %dma_wait3A_2148 = tpu.memref_slice %arg3[%dma_wait3A_2146, %dma_wait3A_2147] : memref<1000000x32xf32, #tpu.memory_space<hbm>> -> memref<1000000x32xf32, #tpu.memory_space<hbm>>
    tpu.wait_indirect_dma semaphore(%arg9 : memref<!tpu.dma_semaphore, #tpu.memory_space<semaphore_mem>>) src(%dma_wait3A_2148 : memref<1000000x32xf32, #tpu.memory_space<hbm>>) dst(%dma_wait3A_2142 : memref<128x32xf32, #tpu.memory_space<vmem>>)
    %mul3A_2149 = arith.constant 128 : i32
    %mul3A_2150 = arith.muli %add3A, %mul3A_2149 : i32
    %dma_start3A_2151 = arith.constant 2 : i32
    %dma_start3A_2152 = arith.constant 35 : i32
    %dma_start3A_2153 = arith.constant 0 : i32
    %dma_start3A_2154 = arith.constant 0 : i32
    %dma_start3A_2155 = tpu.memref_slice %arg6[%dma_start3A_2151, %dma_start3A_2153, %dma_start3A_2154] : memref<3x128x32xf32, #tpu.memory_space<vmem>> -> memref<1x128x32xf32, #tpu.memory_space<vmem>>
    %dma_start3A_2156 = tpu.memref_squeeze %dma_start3A_2155 : memref<1x128x32xf32, #tpu.memory_space<vmem>> -> memref<128x32xf32, #tpu.memory_space<vmem>>
    %dma_start3A_2157 = arith.constant 0 : i32
    %dma_start3A_2158 = tpu.memref_slice %arg4[%mul3A_2150, %dma_start3A_2152, %dma_start3A_2157] : memref<4096x50x32xf32, #tpu.memory_space<hbm>> -> memref<128x1x32xf32, #tpu.memory_space<hbm>>
    %dma_start3A_2159 = tpu.memref_squeeze %dma_start3A_2158 : memref<128x1x32xf32, #tpu.memory_space<hbm>> -> memref<128x32xf32, #tpu.memory_space<hbm>>
    %dma_start3A_2160 = arith.constant 0 : i32
    %dma_start3A_2161 = tpu.memref_slice %arg4[%mul3A_2150, %dma_start3A_2152, %dma_start3A_2160] : memref<4096x50x32xf32, #tpu.memory_space<hbm>> -> memref<128x1x32xf32, #tpu.memory_space<hbm>>
    %dma_start3A_2162 = tpu.memref_squeeze %dma_start3A_2161 : memref<128x1x32xf32, #tpu.memory_space<hbm>> -> memref<128x32xf32, #tpu.memory_space<hbm>>
    %dma_start3A_2163 = arith.constant 0 : i32
    %dma_start3A_2164 = arith.constant 0 : i32
    %dma_start3A_2165 = tpu.memref_slice %arg6[%dma_start3A_2151, %dma_start3A_2163, %dma_start3A_2164] : memref<3x128x32xf32, #tpu.memory_space<vmem>> -> memref<1x128x32xf32, #tpu.memory_space<vmem>>
    %dma_start3A_2166 = tpu.memref_squeeze %dma_start3A_2165 : memref<1x128x32xf32, #tpu.memory_space<vmem>> -> memref<128x32xf32, #tpu.memory_space<vmem>>
    tpu.enqueue_dma source(%dma_start3A_2166 : memref<128x32xf32, #tpu.memory_space<vmem>>) target(%dma_start3A_2162 : memref<128x32xf32, #tpu.memory_space<hbm>>) target_semaphore(%arg12 : memref<!tpu.dma_semaphore, #tpu.memory_space<semaphore_mem>>)
    %mul3A_2167 = arith.constant 128 : i32
    %mul3A_2168 = arith.muli %add3A, %mul3A_2167 : i32
    %dma_wait3A_2169 = arith.constant 2 : i32
    %dma_wait3A_2170 = arith.constant 35 : i32
    %dma_wait3A_2171 = arith.constant 0 : i32
    %dma_wait3A_2172 = arith.constant 0 : i32
    %dma_wait3A_2173 = tpu.memref_slice %arg6[%dma_wait3A_2169, %dma_wait3A_2171, %dma_wait3A_2172] : memref<3x128x32xf32, #tpu.memory_space<vmem>> -> memref<1x128x32xf32, #tpu.memory_space<vmem>>
    %dma_wait3A_2174 = tpu.memref_squeeze %dma_wait3A_2173 : memref<1x128x32xf32, #tpu.memory_space<vmem>> -> memref<128x32xf32, #tpu.memory_space<vmem>>
    %dma_wait3A_2175 = arith.constant 0 : i32
    %dma_wait3A_2176 = tpu.memref_slice %arg4[%mul3A_2168, %dma_wait3A_2170, %dma_wait3A_2175] : memref<4096x50x32xf32, #tpu.memory_space<hbm>> -> memref<128x1x32xf32, #tpu.memory_space<hbm>>
    %dma_wait3A_2177 = tpu.memref_squeeze %dma_wait3A_2176 : memref<128x1x32xf32, #tpu.memory_space<hbm>> -> memref<128x32xf32, #tpu.memory_space<hbm>>
    %dma_wait3A_2178 = arith.constant 0 : i32
    %dma_wait3A_2179 = tpu.memref_slice %arg4[%mul3A_2168, %dma_wait3A_2170, %dma_wait3A_2178] : memref<4096x50x32xf32, #tpu.memory_space<hbm>> -> memref<128x1x32xf32, #tpu.memory_space<hbm>>
    %dma_wait3A_2180 = tpu.memref_squeeze %dma_wait3A_2179 : memref<128x1x32xf32, #tpu.memory_space<hbm>> -> memref<128x32xf32, #tpu.memory_space<hbm>>
    %dma_wait3A_2181 = arith.constant 0 : i32
    %dma_wait3A_2182 = arith.constant 0 : i32
    %dma_wait3A_2183 = tpu.memref_slice %arg6[%dma_wait3A_2169, %dma_wait3A_2181, %dma_wait3A_2182] : memref<3x128x32xf32, #tpu.memory_space<vmem>> -> memref<1x128x32xf32, #tpu.memory_space<vmem>>
    %dma_wait3A_2184 = tpu.memref_squeeze %dma_wait3A_2183 : memref<1x128x32xf32, #tpu.memory_space<vmem>> -> memref<128x32xf32, #tpu.memory_space<vmem>>
    tpu.wait_dma2 semaphore(%arg12 : memref<!tpu.dma_semaphore, #tpu.memory_space<semaphore_mem>>) src(%dma_wait3A_2184 : memref<128x32xf32, #tpu.memory_space<vmem>>) dst(%dma_wait3A_2180 : memref<128x32xf32, #tpu.memory_space<hbm>>)
    %dma_start3A_2185 = arith.constant 38 : i32
    %dma_start3A_2186 = arith.constant 2 : i32
    %dma_start3A_2187 = arith.constant 0 : i32
    %dma_start3A_2188 = arith.constant 0 : i32
    %dma_start3A_2189 = tpu.memref_slice %arg6[%dma_start3A_2186, %dma_start3A_2187, %dma_start3A_2188] : memref<3x128x32xf32, #tpu.memory_space<vmem>> -> memref<1x128x32xf32, #tpu.memory_space<vmem>>
    %dma_start3A_2190 = tpu.memref_squeeze %dma_start3A_2189 : memref<1x128x32xf32, #tpu.memory_space<vmem>> -> memref<128x32xf32, #tpu.memory_space<vmem>>
    %dma_start3A_2191 = arith.constant 0 : i32
    %dma_start3A_2192 = tpu.memref_slice %arg5[%dma_start3A_2185, %dma_start3A_2191] : memref<50x128xi32, #tpu.memory_space<vmem>> -> memref<1x128xi32, #tpu.memory_space<vmem>>
    %dma_start3A_2193 = tpu.memref_squeeze %dma_start3A_2192 : memref<1x128xi32, #tpu.memory_space<vmem>> -> memref<128xi32, #tpu.memory_space<vmem>>
    %dma_start3A_2194 = arith.constant 0 : i32
    %dma_start3A_2195 = arith.constant 0 : i32
    %dma_start3A_2196 = tpu.memref_slice %arg3[%dma_start3A_2194, %dma_start3A_2195] : memref<1000000x32xf32, #tpu.memory_space<hbm>> -> memref<1000000x32xf32, #tpu.memory_space<hbm>>
    tpu.enqueue_indirect_dma source(%dma_start3A_2196 : memref<1000000x32xf32, #tpu.memory_space<hbm>>) target(%dma_start3A_2190 : memref<128x32xf32, #tpu.memory_space<vmem>>) offsets(%dma_start3A_2193 : memref<128xi32, #tpu.memory_space<vmem>>) semaphore(%arg9 : memref<!tpu.dma_semaphore, #tpu.memory_space<semaphore_mem>>)
    %dma_wait3A_2197 = arith.constant 36 : i32
    %dma_wait3A_2198 = arith.constant 0 : i32
    %dma_wait3A_2199 = arith.constant 0 : i32
    %dma_wait3A_2200 = arith.constant 0 : i32
    %dma_wait3A_2201 = tpu.memref_slice %arg6[%dma_wait3A_2198, %dma_wait3A_2199, %dma_wait3A_2200] : memref<3x128x32xf32, #tpu.memory_space<vmem>> -> memref<1x128x32xf32, #tpu.memory_space<vmem>>
    %dma_wait3A_2202 = tpu.memref_squeeze %dma_wait3A_2201 : memref<1x128x32xf32, #tpu.memory_space<vmem>> -> memref<128x32xf32, #tpu.memory_space<vmem>>
    %dma_wait3A_2203 = arith.constant 0 : i32
    %dma_wait3A_2204 = tpu.memref_slice %arg5[%dma_wait3A_2197, %dma_wait3A_2203] : memref<50x128xi32, #tpu.memory_space<vmem>> -> memref<1x128xi32, #tpu.memory_space<vmem>>
    %dma_wait3A_2205 = tpu.memref_squeeze %dma_wait3A_2204 : memref<1x128xi32, #tpu.memory_space<vmem>> -> memref<128xi32, #tpu.memory_space<vmem>>
    %dma_wait3A_2206 = arith.constant 0 : i32
    %dma_wait3A_2207 = arith.constant 0 : i32
    %dma_wait3A_2208 = tpu.memref_slice %arg3[%dma_wait3A_2206, %dma_wait3A_2207] : memref<1000000x32xf32, #tpu.memory_space<hbm>> -> memref<1000000x32xf32, #tpu.memory_space<hbm>>
    tpu.wait_indirect_dma semaphore(%arg7 : memref<!tpu.dma_semaphore, #tpu.memory_space<semaphore_mem>>) src(%dma_wait3A_2208 : memref<1000000x32xf32, #tpu.memory_space<hbm>>) dst(%dma_wait3A_2202 : memref<128x32xf32, #tpu.memory_space<vmem>>)
    %mul3A_2209 = arith.constant 128 : i32
    %mul3A_2210 = arith.muli %add3A, %mul3A_2209 : i32
    %dma_start3A_2211 = arith.constant 0 : i32
    %dma_start3A_2212 = arith.constant 36 : i32
    %dma_start3A_2213 = arith.constant 0 : i32
    %dma_start3A_2214 = arith.constant 0 : i32
    %dma_start3A_2215 = tpu.memref_slice %arg6[%dma_start3A_2211, %dma_start3A_2213, %dma_start3A_2214] : memref<3x128x32xf32, #tpu.memory_space<vmem>> -> memref<1x128x32xf32, #tpu.memory_space<vmem>>
    %dma_start3A_2216 = tpu.memref_squeeze %dma_start3A_2215 : memref<1x128x32xf32, #tpu.memory_space<vmem>> -> memref<128x32xf32, #tpu.memory_space<vmem>>
    %dma_start3A_2217 = arith.constant 0 : i32
    %dma_start3A_2218 = tpu.memref_slice %arg4[%mul3A_2210, %dma_start3A_2212, %dma_start3A_2217] : memref<4096x50x32xf32, #tpu.memory_space<hbm>> -> memref<128x1x32xf32, #tpu.memory_space<hbm>>
    %dma_start3A_2219 = tpu.memref_squeeze %dma_start3A_2218 : memref<128x1x32xf32, #tpu.memory_space<hbm>> -> memref<128x32xf32, #tpu.memory_space<hbm>>
    %dma_start3A_2220 = arith.constant 0 : i32
    %dma_start3A_2221 = tpu.memref_slice %arg4[%mul3A_2210, %dma_start3A_2212, %dma_start3A_2220] : memref<4096x50x32xf32, #tpu.memory_space<hbm>> -> memref<128x1x32xf32, #tpu.memory_space<hbm>>
    %dma_start3A_2222 = tpu.memref_squeeze %dma_start3A_2221 : memref<128x1x32xf32, #tpu.memory_space<hbm>> -> memref<128x32xf32, #tpu.memory_space<hbm>>
    %dma_start3A_2223 = arith.constant 0 : i32
    %dma_start3A_2224 = arith.constant 0 : i32
    %dma_start3A_2225 = tpu.memref_slice %arg6[%dma_start3A_2211, %dma_start3A_2223, %dma_start3A_2224] : memref<3x128x32xf32, #tpu.memory_space<vmem>> -> memref<1x128x32xf32, #tpu.memory_space<vmem>>
    %dma_start3A_2226 = tpu.memref_squeeze %dma_start3A_2225 : memref<1x128x32xf32, #tpu.memory_space<vmem>> -> memref<128x32xf32, #tpu.memory_space<vmem>>
    tpu.enqueue_dma source(%dma_start3A_2226 : memref<128x32xf32, #tpu.memory_space<vmem>>) target(%dma_start3A_2222 : memref<128x32xf32, #tpu.memory_space<hbm>>) target_semaphore(%arg10 : memref<!tpu.dma_semaphore, #tpu.memory_space<semaphore_mem>>)
    %mul3A_2227 = arith.constant 128 : i32
    %mul3A_2228 = arith.muli %add3A, %mul3A_2227 : i32
    %dma_wait3A_2229 = arith.constant 0 : i32
    %dma_wait3A_2230 = arith.constant 36 : i32
    %dma_wait3A_2231 = arith.constant 0 : i32
    %dma_wait3A_2232 = arith.constant 0 : i32
    %dma_wait3A_2233 = tpu.memref_slice %arg6[%dma_wait3A_2229, %dma_wait3A_2231, %dma_wait3A_2232] : memref<3x128x32xf32, #tpu.memory_space<vmem>> -> memref<1x128x32xf32, #tpu.memory_space<vmem>>
    %dma_wait3A_2234 = tpu.memref_squeeze %dma_wait3A_2233 : memref<1x128x32xf32, #tpu.memory_space<vmem>> -> memref<128x32xf32, #tpu.memory_space<vmem>>
    %dma_wait3A_2235 = arith.constant 0 : i32
    %dma_wait3A_2236 = tpu.memref_slice %arg4[%mul3A_2228, %dma_wait3A_2230, %dma_wait3A_2235] : memref<4096x50x32xf32, #tpu.memory_space<hbm>> -> memref<128x1x32xf32, #tpu.memory_space<hbm>>
    %dma_wait3A_2237 = tpu.memref_squeeze %dma_wait3A_2236 : memref<128x1x32xf32, #tpu.memory_space<hbm>> -> memref<128x32xf32, #tpu.memory_space<hbm>>
    %dma_wait3A_2238 = arith.constant 0 : i32
    %dma_wait3A_2239 = tpu.memref_slice %arg4[%mul3A_2228, %dma_wait3A_2230, %dma_wait3A_2238] : memref<4096x50x32xf32, #tpu.memory_space<hbm>> -> memref<128x1x32xf32, #tpu.memory_space<hbm>>
    %dma_wait3A_2240 = tpu.memref_squeeze %dma_wait3A_2239 : memref<128x1x32xf32, #tpu.memory_space<hbm>> -> memref<128x32xf32, #tpu.memory_space<hbm>>
    %dma_wait3A_2241 = arith.constant 0 : i32
    %dma_wait3A_2242 = arith.constant 0 : i32
    %dma_wait3A_2243 = tpu.memref_slice %arg6[%dma_wait3A_2229, %dma_wait3A_2241, %dma_wait3A_2242] : memref<3x128x32xf32, #tpu.memory_space<vmem>> -> memref<1x128x32xf32, #tpu.memory_space<vmem>>
    %dma_wait3A_2244 = tpu.memref_squeeze %dma_wait3A_2243 : memref<1x128x32xf32, #tpu.memory_space<vmem>> -> memref<128x32xf32, #tpu.memory_space<vmem>>
    tpu.wait_dma2 semaphore(%arg10 : memref<!tpu.dma_semaphore, #tpu.memory_space<semaphore_mem>>) src(%dma_wait3A_2244 : memref<128x32xf32, #tpu.memory_space<vmem>>) dst(%dma_wait3A_2240 : memref<128x32xf32, #tpu.memory_space<hbm>>)
    %dma_start3A_2245 = arith.constant 39 : i32
    %dma_start3A_2246 = arith.constant 0 : i32
    %dma_start3A_2247 = arith.constant 0 : i32
    %dma_start3A_2248 = arith.constant 0 : i32
    %dma_start3A_2249 = tpu.memref_slice %arg6[%dma_start3A_2246, %dma_start3A_2247, %dma_start3A_2248] : memref<3x128x32xf32, #tpu.memory_space<vmem>> -> memref<1x128x32xf32, #tpu.memory_space<vmem>>
    %dma_start3A_2250 = tpu.memref_squeeze %dma_start3A_2249 : memref<1x128x32xf32, #tpu.memory_space<vmem>> -> memref<128x32xf32, #tpu.memory_space<vmem>>
    %dma_start3A_2251 = arith.constant 0 : i32
    %dma_start3A_2252 = tpu.memref_slice %arg5[%dma_start3A_2245, %dma_start3A_2251] : memref<50x128xi32, #tpu.memory_space<vmem>> -> memref<1x128xi32, #tpu.memory_space<vmem>>
    %dma_start3A_2253 = tpu.memref_squeeze %dma_start3A_2252 : memref<1x128xi32, #tpu.memory_space<vmem>> -> memref<128xi32, #tpu.memory_space<vmem>>
    %dma_start3A_2254 = arith.constant 0 : i32
    %dma_start3A_2255 = arith.constant 0 : i32
    %dma_start3A_2256 = tpu.memref_slice %arg3[%dma_start3A_2254, %dma_start3A_2255] : memref<1000000x32xf32, #tpu.memory_space<hbm>> -> memref<1000000x32xf32, #tpu.memory_space<hbm>>
    tpu.enqueue_indirect_dma source(%dma_start3A_2256 : memref<1000000x32xf32, #tpu.memory_space<hbm>>) target(%dma_start3A_2250 : memref<128x32xf32, #tpu.memory_space<vmem>>) offsets(%dma_start3A_2253 : memref<128xi32, #tpu.memory_space<vmem>>) semaphore(%arg7 : memref<!tpu.dma_semaphore, #tpu.memory_space<semaphore_mem>>)
    %dma_wait3A_2257 = arith.constant 37 : i32
    %dma_wait3A_2258 = arith.constant 1 : i32
    %dma_wait3A_2259 = arith.constant 0 : i32
    %dma_wait3A_2260 = arith.constant 0 : i32
    %dma_wait3A_2261 = tpu.memref_slice %arg6[%dma_wait3A_2258, %dma_wait3A_2259, %dma_wait3A_2260] : memref<3x128x32xf32, #tpu.memory_space<vmem>> -> memref<1x128x32xf32, #tpu.memory_space<vmem>>
    %dma_wait3A_2262 = tpu.memref_squeeze %dma_wait3A_2261 : memref<1x128x32xf32, #tpu.memory_space<vmem>> -> memref<128x32xf32, #tpu.memory_space<vmem>>
    %dma_wait3A_2263 = arith.constant 0 : i32
    %dma_wait3A_2264 = tpu.memref_slice %arg5[%dma_wait3A_2257, %dma_wait3A_2263] : memref<50x128xi32, #tpu.memory_space<vmem>> -> memref<1x128xi32, #tpu.memory_space<vmem>>
    %dma_wait3A_2265 = tpu.memref_squeeze %dma_wait3A_2264 : memref<1x128xi32, #tpu.memory_space<vmem>> -> memref<128xi32, #tpu.memory_space<vmem>>
    %dma_wait3A_2266 = arith.constant 0 : i32
    %dma_wait3A_2267 = arith.constant 0 : i32
    %dma_wait3A_2268 = tpu.memref_slice %arg3[%dma_wait3A_2266, %dma_wait3A_2267] : memref<1000000x32xf32, #tpu.memory_space<hbm>> -> memref<1000000x32xf32, #tpu.memory_space<hbm>>
    tpu.wait_indirect_dma semaphore(%arg8 : memref<!tpu.dma_semaphore, #tpu.memory_space<semaphore_mem>>) src(%dma_wait3A_2268 : memref<1000000x32xf32, #tpu.memory_space<hbm>>) dst(%dma_wait3A_2262 : memref<128x32xf32, #tpu.memory_space<vmem>>)
    %mul3A_2269 = arith.constant 128 : i32
    %mul3A_2270 = arith.muli %add3A, %mul3A_2269 : i32
    %dma_start3A_2271 = arith.constant 1 : i32
    %dma_start3A_2272 = arith.constant 37 : i32
    %dma_start3A_2273 = arith.constant 0 : i32
    %dma_start3A_2274 = arith.constant 0 : i32
    %dma_start3A_2275 = tpu.memref_slice %arg6[%dma_start3A_2271, %dma_start3A_2273, %dma_start3A_2274] : memref<3x128x32xf32, #tpu.memory_space<vmem>> -> memref<1x128x32xf32, #tpu.memory_space<vmem>>
    %dma_start3A_2276 = tpu.memref_squeeze %dma_start3A_2275 : memref<1x128x32xf32, #tpu.memory_space<vmem>> -> memref<128x32xf32, #tpu.memory_space<vmem>>
    %dma_start3A_2277 = arith.constant 0 : i32
    %dma_start3A_2278 = tpu.memref_slice %arg4[%mul3A_2270, %dma_start3A_2272, %dma_start3A_2277] : memref<4096x50x32xf32, #tpu.memory_space<hbm>> -> memref<128x1x32xf32, #tpu.memory_space<hbm>>
    %dma_start3A_2279 = tpu.memref_squeeze %dma_start3A_2278 : memref<128x1x32xf32, #tpu.memory_space<hbm>> -> memref<128x32xf32, #tpu.memory_space<hbm>>
    %dma_start3A_2280 = arith.constant 0 : i32
    %dma_start3A_2281 = tpu.memref_slice %arg4[%mul3A_2270, %dma_start3A_2272, %dma_start3A_2280] : memref<4096x50x32xf32, #tpu.memory_space<hbm>> -> memref<128x1x32xf32, #tpu.memory_space<hbm>>
    %dma_start3A_2282 = tpu.memref_squeeze %dma_start3A_2281 : memref<128x1x32xf32, #tpu.memory_space<hbm>> -> memref<128x32xf32, #tpu.memory_space<hbm>>
    %dma_start3A_2283 = arith.constant 0 : i32
    %dma_start3A_2284 = arith.constant 0 : i32
    %dma_start3A_2285 = tpu.memref_slice %arg6[%dma_start3A_2271, %dma_start3A_2283, %dma_start3A_2284] : memref<3x128x32xf32, #tpu.memory_space<vmem>> -> memref<1x128x32xf32, #tpu.memory_space<vmem>>
    %dma_start3A_2286 = tpu.memref_squeeze %dma_start3A_2285 : memref<1x128x32xf32, #tpu.memory_space<vmem>> -> memref<128x32xf32, #tpu.memory_space<vmem>>
    tpu.enqueue_dma source(%dma_start3A_2286 : memref<128x32xf32, #tpu.memory_space<vmem>>) target(%dma_start3A_2282 : memref<128x32xf32, #tpu.memory_space<hbm>>) target_semaphore(%arg11 : memref<!tpu.dma_semaphore, #tpu.memory_space<semaphore_mem>>)
    %mul3A_2287 = arith.constant 128 : i32
    %mul3A_2288 = arith.muli %add3A, %mul3A_2287 : i32
    %dma_wait3A_2289 = arith.constant 1 : i32
    %dma_wait3A_2290 = arith.constant 37 : i32
    %dma_wait3A_2291 = arith.constant 0 : i32
    %dma_wait3A_2292 = arith.constant 0 : i32
    %dma_wait3A_2293 = tpu.memref_slice %arg6[%dma_wait3A_2289, %dma_wait3A_2291, %dma_wait3A_2292] : memref<3x128x32xf32, #tpu.memory_space<vmem>> -> memref<1x128x32xf32, #tpu.memory_space<vmem>>
    %dma_wait3A_2294 = tpu.memref_squeeze %dma_wait3A_2293 : memref<1x128x32xf32, #tpu.memory_space<vmem>> -> memref<128x32xf32, #tpu.memory_space<vmem>>
    %dma_wait3A_2295 = arith.constant 0 : i32
    %dma_wait3A_2296 = tpu.memref_slice %arg4[%mul3A_2288, %dma_wait3A_2290, %dma_wait3A_2295] : memref<4096x50x32xf32, #tpu.memory_space<hbm>> -> memref<128x1x32xf32, #tpu.memory_space<hbm>>
    %dma_wait3A_2297 = tpu.memref_squeeze %dma_wait3A_2296 : memref<128x1x32xf32, #tpu.memory_space<hbm>> -> memref<128x32xf32, #tpu.memory_space<hbm>>
    %dma_wait3A_2298 = arith.constant 0 : i32
    %dma_wait3A_2299 = tpu.memref_slice %arg4[%mul3A_2288, %dma_wait3A_2290, %dma_wait3A_2298] : memref<4096x50x32xf32, #tpu.memory_space<hbm>> -> memref<128x1x32xf32, #tpu.memory_space<hbm>>
    %dma_wait3A_2300 = tpu.memref_squeeze %dma_wait3A_2299 : memref<128x1x32xf32, #tpu.memory_space<hbm>> -> memref<128x32xf32, #tpu.memory_space<hbm>>
    %dma_wait3A_2301 = arith.constant 0 : i32
    %dma_wait3A_2302 = arith.constant 0 : i32
    %dma_wait3A_2303 = tpu.memref_slice %arg6[%dma_wait3A_2289, %dma_wait3A_2301, %dma_wait3A_2302] : memref<3x128x32xf32, #tpu.memory_space<vmem>> -> memref<1x128x32xf32, #tpu.memory_space<vmem>>
    %dma_wait3A_2304 = tpu.memref_squeeze %dma_wait3A_2303 : memref<1x128x32xf32, #tpu.memory_space<vmem>> -> memref<128x32xf32, #tpu.memory_space<vmem>>
    tpu.wait_dma2 semaphore(%arg11 : memref<!tpu.dma_semaphore, #tpu.memory_space<semaphore_mem>>) src(%dma_wait3A_2304 : memref<128x32xf32, #tpu.memory_space<vmem>>) dst(%dma_wait3A_2300 : memref<128x32xf32, #tpu.memory_space<hbm>>)
    %dma_start3A_2305 = arith.constant 40 : i32
    %dma_start3A_2306 = arith.constant 1 : i32
    %dma_start3A_2307 = arith.constant 0 : i32
    %dma_start3A_2308 = arith.constant 0 : i32
    %dma_start3A_2309 = tpu.memref_slice %arg6[%dma_start3A_2306, %dma_start3A_2307, %dma_start3A_2308] : memref<3x128x32xf32, #tpu.memory_space<vmem>> -> memref<1x128x32xf32, #tpu.memory_space<vmem>>
    %dma_start3A_2310 = tpu.memref_squeeze %dma_start3A_2309 : memref<1x128x32xf32, #tpu.memory_space<vmem>> -> memref<128x32xf32, #tpu.memory_space<vmem>>
    %dma_start3A_2311 = arith.constant 0 : i32
    %dma_start3A_2312 = tpu.memref_slice %arg5[%dma_start3A_2305, %dma_start3A_2311] : memref<50x128xi32, #tpu.memory_space<vmem>> -> memref<1x128xi32, #tpu.memory_space<vmem>>
    %dma_start3A_2313 = tpu.memref_squeeze %dma_start3A_2312 : memref<1x128xi32, #tpu.memory_space<vmem>> -> memref<128xi32, #tpu.memory_space<vmem>>
    %dma_start3A_2314 = arith.constant 0 : i32
    %dma_start3A_2315 = arith.constant 0 : i32
    %dma_start3A_2316 = tpu.memref_slice %arg3[%dma_start3A_2314, %dma_start3A_2315] : memref<1000000x32xf32, #tpu.memory_space<hbm>> -> memref<1000000x32xf32, #tpu.memory_space<hbm>>
    tpu.enqueue_indirect_dma source(%dma_start3A_2316 : memref<1000000x32xf32, #tpu.memory_space<hbm>>) target(%dma_start3A_2310 : memref<128x32xf32, #tpu.memory_space<vmem>>) offsets(%dma_start3A_2313 : memref<128xi32, #tpu.memory_space<vmem>>) semaphore(%arg8 : memref<!tpu.dma_semaphore, #tpu.memory_space<semaphore_mem>>)
    %dma_wait3A_2317 = arith.constant 38 : i32
    %dma_wait3A_2318 = arith.constant 2 : i32
    %dma_wait3A_2319 = arith.constant 0 : i32
    %dma_wait3A_2320 = arith.constant 0 : i32
    %dma_wait3A_2321 = tpu.memref_slice %arg6[%dma_wait3A_2318, %dma_wait3A_2319, %dma_wait3A_2320] : memref<3x128x32xf32, #tpu.memory_space<vmem>> -> memref<1x128x32xf32, #tpu.memory_space<vmem>>
    %dma_wait3A_2322 = tpu.memref_squeeze %dma_wait3A_2321 : memref<1x128x32xf32, #tpu.memory_space<vmem>> -> memref<128x32xf32, #tpu.memory_space<vmem>>
    %dma_wait3A_2323 = arith.constant 0 : i32
    %dma_wait3A_2324 = tpu.memref_slice %arg5[%dma_wait3A_2317, %dma_wait3A_2323] : memref<50x128xi32, #tpu.memory_space<vmem>> -> memref<1x128xi32, #tpu.memory_space<vmem>>
    %dma_wait3A_2325 = tpu.memref_squeeze %dma_wait3A_2324 : memref<1x128xi32, #tpu.memory_space<vmem>> -> memref<128xi32, #tpu.memory_space<vmem>>
    %dma_wait3A_2326 = arith.constant 0 : i32
    %dma_wait3A_2327 = arith.constant 0 : i32
    %dma_wait3A_2328 = tpu.memref_slice %arg3[%dma_wait3A_2326, %dma_wait3A_2327] : memref<1000000x32xf32, #tpu.memory_space<hbm>> -> memref<1000000x32xf32, #tpu.memory_space<hbm>>
    tpu.wait_indirect_dma semaphore(%arg9 : memref<!tpu.dma_semaphore, #tpu.memory_space<semaphore_mem>>) src(%dma_wait3A_2328 : memref<1000000x32xf32, #tpu.memory_space<hbm>>) dst(%dma_wait3A_2322 : memref<128x32xf32, #tpu.memory_space<vmem>>)
    %mul3A_2329 = arith.constant 128 : i32
    %mul3A_2330 = arith.muli %add3A, %mul3A_2329 : i32
    %dma_start3A_2331 = arith.constant 2 : i32
    %dma_start3A_2332 = arith.constant 38 : i32
    %dma_start3A_2333 = arith.constant 0 : i32
    %dma_start3A_2334 = arith.constant 0 : i32
    %dma_start3A_2335 = tpu.memref_slice %arg6[%dma_start3A_2331, %dma_start3A_2333, %dma_start3A_2334] : memref<3x128x32xf32, #tpu.memory_space<vmem>> -> memref<1x128x32xf32, #tpu.memory_space<vmem>>
    %dma_start3A_2336 = tpu.memref_squeeze %dma_start3A_2335 : memref<1x128x32xf32, #tpu.memory_space<vmem>> -> memref<128x32xf32, #tpu.memory_space<vmem>>
    %dma_start3A_2337 = arith.constant 0 : i32
    %dma_start3A_2338 = tpu.memref_slice %arg4[%mul3A_2330, %dma_start3A_2332, %dma_start3A_2337] : memref<4096x50x32xf32, #tpu.memory_space<hbm>> -> memref<128x1x32xf32, #tpu.memory_space<hbm>>
    %dma_start3A_2339 = tpu.memref_squeeze %dma_start3A_2338 : memref<128x1x32xf32, #tpu.memory_space<hbm>> -> memref<128x32xf32, #tpu.memory_space<hbm>>
    %dma_start3A_2340 = arith.constant 0 : i32
    %dma_start3A_2341 = tpu.memref_slice %arg4[%mul3A_2330, %dma_start3A_2332, %dma_start3A_2340] : memref<4096x50x32xf32, #tpu.memory_space<hbm>> -> memref<128x1x32xf32, #tpu.memory_space<hbm>>
    %dma_start3A_2342 = tpu.memref_squeeze %dma_start3A_2341 : memref<128x1x32xf32, #tpu.memory_space<hbm>> -> memref<128x32xf32, #tpu.memory_space<hbm>>
    %dma_start3A_2343 = arith.constant 0 : i32
    %dma_start3A_2344 = arith.constant 0 : i32
    %dma_start3A_2345 = tpu.memref_slice %arg6[%dma_start3A_2331, %dma_start3A_2343, %dma_start3A_2344] : memref<3x128x32xf32, #tpu.memory_space<vmem>> -> memref<1x128x32xf32, #tpu.memory_space<vmem>>
    %dma_start3A_2346 = tpu.memref_squeeze %dma_start3A_2345 : memref<1x128x32xf32, #tpu.memory_space<vmem>> -> memref<128x32xf32, #tpu.memory_space<vmem>>
    tpu.enqueue_dma source(%dma_start3A_2346 : memref<128x32xf32, #tpu.memory_space<vmem>>) target(%dma_start3A_2342 : memref<128x32xf32, #tpu.memory_space<hbm>>) target_semaphore(%arg12 : memref<!tpu.dma_semaphore, #tpu.memory_space<semaphore_mem>>)
    %mul3A_2347 = arith.constant 128 : i32
    %mul3A_2348 = arith.muli %add3A, %mul3A_2347 : i32
    %dma_wait3A_2349 = arith.constant 2 : i32
    %dma_wait3A_2350 = arith.constant 38 : i32
    %dma_wait3A_2351 = arith.constant 0 : i32
    %dma_wait3A_2352 = arith.constant 0 : i32
    %dma_wait3A_2353 = tpu.memref_slice %arg6[%dma_wait3A_2349, %dma_wait3A_2351, %dma_wait3A_2352] : memref<3x128x32xf32, #tpu.memory_space<vmem>> -> memref<1x128x32xf32, #tpu.memory_space<vmem>>
    %dma_wait3A_2354 = tpu.memref_squeeze %dma_wait3A_2353 : memref<1x128x32xf32, #tpu.memory_space<vmem>> -> memref<128x32xf32, #tpu.memory_space<vmem>>
    %dma_wait3A_2355 = arith.constant 0 : i32
    %dma_wait3A_2356 = tpu.memref_slice %arg4[%mul3A_2348, %dma_wait3A_2350, %dma_wait3A_2355] : memref<4096x50x32xf32, #tpu.memory_space<hbm>> -> memref<128x1x32xf32, #tpu.memory_space<hbm>>
    %dma_wait3A_2357 = tpu.memref_squeeze %dma_wait3A_2356 : memref<128x1x32xf32, #tpu.memory_space<hbm>> -> memref<128x32xf32, #tpu.memory_space<hbm>>
    %dma_wait3A_2358 = arith.constant 0 : i32
    %dma_wait3A_2359 = tpu.memref_slice %arg4[%mul3A_2348, %dma_wait3A_2350, %dma_wait3A_2358] : memref<4096x50x32xf32, #tpu.memory_space<hbm>> -> memref<128x1x32xf32, #tpu.memory_space<hbm>>
    %dma_wait3A_2360 = tpu.memref_squeeze %dma_wait3A_2359 : memref<128x1x32xf32, #tpu.memory_space<hbm>> -> memref<128x32xf32, #tpu.memory_space<hbm>>
    %dma_wait3A_2361 = arith.constant 0 : i32
    %dma_wait3A_2362 = arith.constant 0 : i32
    %dma_wait3A_2363 = tpu.memref_slice %arg6[%dma_wait3A_2349, %dma_wait3A_2361, %dma_wait3A_2362] : memref<3x128x32xf32, #tpu.memory_space<vmem>> -> memref<1x128x32xf32, #tpu.memory_space<vmem>>
    %dma_wait3A_2364 = tpu.memref_squeeze %dma_wait3A_2363 : memref<1x128x32xf32, #tpu.memory_space<vmem>> -> memref<128x32xf32, #tpu.memory_space<vmem>>
    tpu.wait_dma2 semaphore(%arg12 : memref<!tpu.dma_semaphore, #tpu.memory_space<semaphore_mem>>) src(%dma_wait3A_2364 : memref<128x32xf32, #tpu.memory_space<vmem>>) dst(%dma_wait3A_2360 : memref<128x32xf32, #tpu.memory_space<hbm>>)
    %dma_start3A_2365 = arith.constant 41 : i32
    %dma_start3A_2366 = arith.constant 2 : i32
    %dma_start3A_2367 = arith.constant 0 : i32
    %dma_start3A_2368 = arith.constant 0 : i32
    %dma_start3A_2369 = tpu.memref_slice %arg6[%dma_start3A_2366, %dma_start3A_2367, %dma_start3A_2368] : memref<3x128x32xf32, #tpu.memory_space<vmem>> -> memref<1x128x32xf32, #tpu.memory_space<vmem>>
    %dma_start3A_2370 = tpu.memref_squeeze %dma_start3A_2369 : memref<1x128x32xf32, #tpu.memory_space<vmem>> -> memref<128x32xf32, #tpu.memory_space<vmem>>
    %dma_start3A_2371 = arith.constant 0 : i32
    %dma_start3A_2372 = tpu.memref_slice %arg5[%dma_start3A_2365, %dma_start3A_2371] : memref<50x128xi32, #tpu.memory_space<vmem>> -> memref<1x128xi32, #tpu.memory_space<vmem>>
    %dma_start3A_2373 = tpu.memref_squeeze %dma_start3A_2372 : memref<1x128xi32, #tpu.memory_space<vmem>> -> memref<128xi32, #tpu.memory_space<vmem>>
    %dma_start3A_2374 = arith.constant 0 : i32
    %dma_start3A_2375 = arith.constant 0 : i32
    %dma_start3A_2376 = tpu.memref_slice %arg3[%dma_start3A_2374, %dma_start3A_2375] : memref<1000000x32xf32, #tpu.memory_space<hbm>> -> memref<1000000x32xf32, #tpu.memory_space<hbm>>
    tpu.enqueue_indirect_dma source(%dma_start3A_2376 : memref<1000000x32xf32, #tpu.memory_space<hbm>>) target(%dma_start3A_2370 : memref<128x32xf32, #tpu.memory_space<vmem>>) offsets(%dma_start3A_2373 : memref<128xi32, #tpu.memory_space<vmem>>) semaphore(%arg9 : memref<!tpu.dma_semaphore, #tpu.memory_space<semaphore_mem>>)
    %dma_wait3A_2377 = arith.constant 39 : i32
    %dma_wait3A_2378 = arith.constant 0 : i32
    %dma_wait3A_2379 = arith.constant 0 : i32
    %dma_wait3A_2380 = arith.constant 0 : i32
    %dma_wait3A_2381 = tpu.memref_slice %arg6[%dma_wait3A_2378, %dma_wait3A_2379, %dma_wait3A_2380] : memref<3x128x32xf32, #tpu.memory_space<vmem>> -> memref<1x128x32xf32, #tpu.memory_space<vmem>>
    %dma_wait3A_2382 = tpu.memref_squeeze %dma_wait3A_2381 : memref<1x128x32xf32, #tpu.memory_space<vmem>> -> memref<128x32xf32, #tpu.memory_space<vmem>>
    %dma_wait3A_2383 = arith.constant 0 : i32
    %dma_wait3A_2384 = tpu.memref_slice %arg5[%dma_wait3A_2377, %dma_wait3A_2383] : memref<50x128xi32, #tpu.memory_space<vmem>> -> memref<1x128xi32, #tpu.memory_space<vmem>>
    %dma_wait3A_2385 = tpu.memref_squeeze %dma_wait3A_2384 : memref<1x128xi32, #tpu.memory_space<vmem>> -> memref<128xi32, #tpu.memory_space<vmem>>
    %dma_wait3A_2386 = arith.constant 0 : i32
    %dma_wait3A_2387 = arith.constant 0 : i32
    %dma_wait3A_2388 = tpu.memref_slice %arg3[%dma_wait3A_2386, %dma_wait3A_2387] : memref<1000000x32xf32, #tpu.memory_space<hbm>> -> memref<1000000x32xf32, #tpu.memory_space<hbm>>
    tpu.wait_indirect_dma semaphore(%arg7 : memref<!tpu.dma_semaphore, #tpu.memory_space<semaphore_mem>>) src(%dma_wait3A_2388 : memref<1000000x32xf32, #tpu.memory_space<hbm>>) dst(%dma_wait3A_2382 : memref<128x32xf32, #tpu.memory_space<vmem>>)
    %mul3A_2389 = arith.constant 128 : i32
    %mul3A_2390 = arith.muli %add3A, %mul3A_2389 : i32
    %dma_start3A_2391 = arith.constant 0 : i32
    %dma_start3A_2392 = arith.constant 39 : i32
    %dma_start3A_2393 = arith.constant 0 : i32
    %dma_start3A_2394 = arith.constant 0 : i32
    %dma_start3A_2395 = tpu.memref_slice %arg6[%dma_start3A_2391, %dma_start3A_2393, %dma_start3A_2394] : memref<3x128x32xf32, #tpu.memory_space<vmem>> -> memref<1x128x32xf32, #tpu.memory_space<vmem>>
    %dma_start3A_2396 = tpu.memref_squeeze %dma_start3A_2395 : memref<1x128x32xf32, #tpu.memory_space<vmem>> -> memref<128x32xf32, #tpu.memory_space<vmem>>
    %dma_start3A_2397 = arith.constant 0 : i32
    %dma_start3A_2398 = tpu.memref_slice %arg4[%mul3A_2390, %dma_start3A_2392, %dma_start3A_2397] : memref<4096x50x32xf32, #tpu.memory_space<hbm>> -> memref<128x1x32xf32, #tpu.memory_space<hbm>>
    %dma_start3A_2399 = tpu.memref_squeeze %dma_start3A_2398 : memref<128x1x32xf32, #tpu.memory_space<hbm>> -> memref<128x32xf32, #tpu.memory_space<hbm>>
    %dma_start3A_2400 = arith.constant 0 : i32
    %dma_start3A_2401 = tpu.memref_slice %arg4[%mul3A_2390, %dma_start3A_2392, %dma_start3A_2400] : memref<4096x50x32xf32, #tpu.memory_space<hbm>> -> memref<128x1x32xf32, #tpu.memory_space<hbm>>
    %dma_start3A_2402 = tpu.memref_squeeze %dma_start3A_2401 : memref<128x1x32xf32, #tpu.memory_space<hbm>> -> memref<128x32xf32, #tpu.memory_space<hbm>>
    %dma_start3A_2403 = arith.constant 0 : i32
    %dma_start3A_2404 = arith.constant 0 : i32
    %dma_start3A_2405 = tpu.memref_slice %arg6[%dma_start3A_2391, %dma_start3A_2403, %dma_start3A_2404] : memref<3x128x32xf32, #tpu.memory_space<vmem>> -> memref<1x128x32xf32, #tpu.memory_space<vmem>>
    %dma_start3A_2406 = tpu.memref_squeeze %dma_start3A_2405 : memref<1x128x32xf32, #tpu.memory_space<vmem>> -> memref<128x32xf32, #tpu.memory_space<vmem>>
    tpu.enqueue_dma source(%dma_start3A_2406 : memref<128x32xf32, #tpu.memory_space<vmem>>) target(%dma_start3A_2402 : memref<128x32xf32, #tpu.memory_space<hbm>>) target_semaphore(%arg10 : memref<!tpu.dma_semaphore, #tpu.memory_space<semaphore_mem>>)
    %mul3A_2407 = arith.constant 128 : i32
    %mul3A_2408 = arith.muli %add3A, %mul3A_2407 : i32
    %dma_wait3A_2409 = arith.constant 0 : i32
    %dma_wait3A_2410 = arith.constant 39 : i32
    %dma_wait3A_2411 = arith.constant 0 : i32
    %dma_wait3A_2412 = arith.constant 0 : i32
    %dma_wait3A_2413 = tpu.memref_slice %arg6[%dma_wait3A_2409, %dma_wait3A_2411, %dma_wait3A_2412] : memref<3x128x32xf32, #tpu.memory_space<vmem>> -> memref<1x128x32xf32, #tpu.memory_space<vmem>>
    %dma_wait3A_2414 = tpu.memref_squeeze %dma_wait3A_2413 : memref<1x128x32xf32, #tpu.memory_space<vmem>> -> memref<128x32xf32, #tpu.memory_space<vmem>>
    %dma_wait3A_2415 = arith.constant 0 : i32
    %dma_wait3A_2416 = tpu.memref_slice %arg4[%mul3A_2408, %dma_wait3A_2410, %dma_wait3A_2415] : memref<4096x50x32xf32, #tpu.memory_space<hbm>> -> memref<128x1x32xf32, #tpu.memory_space<hbm>>
    %dma_wait3A_2417 = tpu.memref_squeeze %dma_wait3A_2416 : memref<128x1x32xf32, #tpu.memory_space<hbm>> -> memref<128x32xf32, #tpu.memory_space<hbm>>
    %dma_wait3A_2418 = arith.constant 0 : i32
    %dma_wait3A_2419 = tpu.memref_slice %arg4[%mul3A_2408, %dma_wait3A_2410, %dma_wait3A_2418] : memref<4096x50x32xf32, #tpu.memory_space<hbm>> -> memref<128x1x32xf32, #tpu.memory_space<hbm>>
    %dma_wait3A_2420 = tpu.memref_squeeze %dma_wait3A_2419 : memref<128x1x32xf32, #tpu.memory_space<hbm>> -> memref<128x32xf32, #tpu.memory_space<hbm>>
    %dma_wait3A_2421 = arith.constant 0 : i32
    %dma_wait3A_2422 = arith.constant 0 : i32
    %dma_wait3A_2423 = tpu.memref_slice %arg6[%dma_wait3A_2409, %dma_wait3A_2421, %dma_wait3A_2422] : memref<3x128x32xf32, #tpu.memory_space<vmem>> -> memref<1x128x32xf32, #tpu.memory_space<vmem>>
    %dma_wait3A_2424 = tpu.memref_squeeze %dma_wait3A_2423 : memref<1x128x32xf32, #tpu.memory_space<vmem>> -> memref<128x32xf32, #tpu.memory_space<vmem>>
    tpu.wait_dma2 semaphore(%arg10 : memref<!tpu.dma_semaphore, #tpu.memory_space<semaphore_mem>>) src(%dma_wait3A_2424 : memref<128x32xf32, #tpu.memory_space<vmem>>) dst(%dma_wait3A_2420 : memref<128x32xf32, #tpu.memory_space<hbm>>)
    %dma_start3A_2425 = arith.constant 42 : i32
    %dma_start3A_2426 = arith.constant 0 : i32
    %dma_start3A_2427 = arith.constant 0 : i32
    %dma_start3A_2428 = arith.constant 0 : i32
    %dma_start3A_2429 = tpu.memref_slice %arg6[%dma_start3A_2426, %dma_start3A_2427, %dma_start3A_2428] : memref<3x128x32xf32, #tpu.memory_space<vmem>> -> memref<1x128x32xf32, #tpu.memory_space<vmem>>
    %dma_start3A_2430 = tpu.memref_squeeze %dma_start3A_2429 : memref<1x128x32xf32, #tpu.memory_space<vmem>> -> memref<128x32xf32, #tpu.memory_space<vmem>>
    %dma_start3A_2431 = arith.constant 0 : i32
    %dma_start3A_2432 = tpu.memref_slice %arg5[%dma_start3A_2425, %dma_start3A_2431] : memref<50x128xi32, #tpu.memory_space<vmem>> -> memref<1x128xi32, #tpu.memory_space<vmem>>
    %dma_start3A_2433 = tpu.memref_squeeze %dma_start3A_2432 : memref<1x128xi32, #tpu.memory_space<vmem>> -> memref<128xi32, #tpu.memory_space<vmem>>
    %dma_start3A_2434 = arith.constant 0 : i32
    %dma_start3A_2435 = arith.constant 0 : i32
    %dma_start3A_2436 = tpu.memref_slice %arg3[%dma_start3A_2434, %dma_start3A_2435] : memref<1000000x32xf32, #tpu.memory_space<hbm>> -> memref<1000000x32xf32, #tpu.memory_space<hbm>>
    tpu.enqueue_indirect_dma source(%dma_start3A_2436 : memref<1000000x32xf32, #tpu.memory_space<hbm>>) target(%dma_start3A_2430 : memref<128x32xf32, #tpu.memory_space<vmem>>) offsets(%dma_start3A_2433 : memref<128xi32, #tpu.memory_space<vmem>>) semaphore(%arg7 : memref<!tpu.dma_semaphore, #tpu.memory_space<semaphore_mem>>)
    %dma_wait3A_2437 = arith.constant 40 : i32
    %dma_wait3A_2438 = arith.constant 1 : i32
    %dma_wait3A_2439 = arith.constant 0 : i32
    %dma_wait3A_2440 = arith.constant 0 : i32
    %dma_wait3A_2441 = tpu.memref_slice %arg6[%dma_wait3A_2438, %dma_wait3A_2439, %dma_wait3A_2440] : memref<3x128x32xf32, #tpu.memory_space<vmem>> -> memref<1x128x32xf32, #tpu.memory_space<vmem>>
    %dma_wait3A_2442 = tpu.memref_squeeze %dma_wait3A_2441 : memref<1x128x32xf32, #tpu.memory_space<vmem>> -> memref<128x32xf32, #tpu.memory_space<vmem>>
    %dma_wait3A_2443 = arith.constant 0 : i32
    %dma_wait3A_2444 = tpu.memref_slice %arg5[%dma_wait3A_2437, %dma_wait3A_2443] : memref<50x128xi32, #tpu.memory_space<vmem>> -> memref<1x128xi32, #tpu.memory_space<vmem>>
    %dma_wait3A_2445 = tpu.memref_squeeze %dma_wait3A_2444 : memref<1x128xi32, #tpu.memory_space<vmem>> -> memref<128xi32, #tpu.memory_space<vmem>>
    %dma_wait3A_2446 = arith.constant 0 : i32
    %dma_wait3A_2447 = arith.constant 0 : i32
    %dma_wait3A_2448 = tpu.memref_slice %arg3[%dma_wait3A_2446, %dma_wait3A_2447] : memref<1000000x32xf32, #tpu.memory_space<hbm>> -> memref<1000000x32xf32, #tpu.memory_space<hbm>>
    tpu.wait_indirect_dma semaphore(%arg8 : memref<!tpu.dma_semaphore, #tpu.memory_space<semaphore_mem>>) src(%dma_wait3A_2448 : memref<1000000x32xf32, #tpu.memory_space<hbm>>) dst(%dma_wait3A_2442 : memref<128x32xf32, #tpu.memory_space<vmem>>)
    %mul3A_2449 = arith.constant 128 : i32
    %mul3A_2450 = arith.muli %add3A, %mul3A_2449 : i32
    %dma_start3A_2451 = arith.constant 1 : i32
    %dma_start3A_2452 = arith.constant 40 : i32
    %dma_start3A_2453 = arith.constant 0 : i32
    %dma_start3A_2454 = arith.constant 0 : i32
    %dma_start3A_2455 = tpu.memref_slice %arg6[%dma_start3A_2451, %dma_start3A_2453, %dma_start3A_2454] : memref<3x128x32xf32, #tpu.memory_space<vmem>> -> memref<1x128x32xf32, #tpu.memory_space<vmem>>
    %dma_start3A_2456 = tpu.memref_squeeze %dma_start3A_2455 : memref<1x128x32xf32, #tpu.memory_space<vmem>> -> memref<128x32xf32, #tpu.memory_space<vmem>>
    %dma_start3A_2457 = arith.constant 0 : i32
    %dma_start3A_2458 = tpu.memref_slice %arg4[%mul3A_2450, %dma_start3A_2452, %dma_start3A_2457] : memref<4096x50x32xf32, #tpu.memory_space<hbm>> -> memref<128x1x32xf32, #tpu.memory_space<hbm>>
    %dma_start3A_2459 = tpu.memref_squeeze %dma_start3A_2458 : memref<128x1x32xf32, #tpu.memory_space<hbm>> -> memref<128x32xf32, #tpu.memory_space<hbm>>
    %dma_start3A_2460 = arith.constant 0 : i32
    %dma_start3A_2461 = tpu.memref_slice %arg4[%mul3A_2450, %dma_start3A_2452, %dma_start3A_2460] : memref<4096x50x32xf32, #tpu.memory_space<hbm>> -> memref<128x1x32xf32, #tpu.memory_space<hbm>>
    %dma_start3A_2462 = tpu.memref_squeeze %dma_start3A_2461 : memref<128x1x32xf32, #tpu.memory_space<hbm>> -> memref<128x32xf32, #tpu.memory_space<hbm>>
    %dma_start3A_2463 = arith.constant 0 : i32
    %dma_start3A_2464 = arith.constant 0 : i32
    %dma_start3A_2465 = tpu.memref_slice %arg6[%dma_start3A_2451, %dma_start3A_2463, %dma_start3A_2464] : memref<3x128x32xf32, #tpu.memory_space<vmem>> -> memref<1x128x32xf32, #tpu.memory_space<vmem>>
    %dma_start3A_2466 = tpu.memref_squeeze %dma_start3A_2465 : memref<1x128x32xf32, #tpu.memory_space<vmem>> -> memref<128x32xf32, #tpu.memory_space<vmem>>
    tpu.enqueue_dma source(%dma_start3A_2466 : memref<128x32xf32, #tpu.memory_space<vmem>>) target(%dma_start3A_2462 : memref<128x32xf32, #tpu.memory_space<hbm>>) target_semaphore(%arg11 : memref<!tpu.dma_semaphore, #tpu.memory_space<semaphore_mem>>)
    %mul3A_2467 = arith.constant 128 : i32
    %mul3A_2468 = arith.muli %add3A, %mul3A_2467 : i32
    %dma_wait3A_2469 = arith.constant 1 : i32
    %dma_wait3A_2470 = arith.constant 40 : i32
    %dma_wait3A_2471 = arith.constant 0 : i32
    %dma_wait3A_2472 = arith.constant 0 : i32
    %dma_wait3A_2473 = tpu.memref_slice %arg6[%dma_wait3A_2469, %dma_wait3A_2471, %dma_wait3A_2472] : memref<3x128x32xf32, #tpu.memory_space<vmem>> -> memref<1x128x32xf32, #tpu.memory_space<vmem>>
    %dma_wait3A_2474 = tpu.memref_squeeze %dma_wait3A_2473 : memref<1x128x32xf32, #tpu.memory_space<vmem>> -> memref<128x32xf32, #tpu.memory_space<vmem>>
    %dma_wait3A_2475 = arith.constant 0 : i32
    %dma_wait3A_2476 = tpu.memref_slice %arg4[%mul3A_2468, %dma_wait3A_2470, %dma_wait3A_2475] : memref<4096x50x32xf32, #tpu.memory_space<hbm>> -> memref<128x1x32xf32, #tpu.memory_space<hbm>>
    %dma_wait3A_2477 = tpu.memref_squeeze %dma_wait3A_2476 : memref<128x1x32xf32, #tpu.memory_space<hbm>> -> memref<128x32xf32, #tpu.memory_space<hbm>>
    %dma_wait3A_2478 = arith.constant 0 : i32
    %dma_wait3A_2479 = tpu.memref_slice %arg4[%mul3A_2468, %dma_wait3A_2470, %dma_wait3A_2478] : memref<4096x50x32xf32, #tpu.memory_space<hbm>> -> memref<128x1x32xf32, #tpu.memory_space<hbm>>
    %dma_wait3A_2480 = tpu.memref_squeeze %dma_wait3A_2479 : memref<128x1x32xf32, #tpu.memory_space<hbm>> -> memref<128x32xf32, #tpu.memory_space<hbm>>
    %dma_wait3A_2481 = arith.constant 0 : i32
    %dma_wait3A_2482 = arith.constant 0 : i32
    %dma_wait3A_2483 = tpu.memref_slice %arg6[%dma_wait3A_2469, %dma_wait3A_2481, %dma_wait3A_2482] : memref<3x128x32xf32, #tpu.memory_space<vmem>> -> memref<1x128x32xf32, #tpu.memory_space<vmem>>
    %dma_wait3A_2484 = tpu.memref_squeeze %dma_wait3A_2483 : memref<1x128x32xf32, #tpu.memory_space<vmem>> -> memref<128x32xf32, #tpu.memory_space<vmem>>
    tpu.wait_dma2 semaphore(%arg11 : memref<!tpu.dma_semaphore, #tpu.memory_space<semaphore_mem>>) src(%dma_wait3A_2484 : memref<128x32xf32, #tpu.memory_space<vmem>>) dst(%dma_wait3A_2480 : memref<128x32xf32, #tpu.memory_space<hbm>>)
    %dma_start3A_2485 = arith.constant 43 : i32
    %dma_start3A_2486 = arith.constant 1 : i32
    %dma_start3A_2487 = arith.constant 0 : i32
    %dma_start3A_2488 = arith.constant 0 : i32
    %dma_start3A_2489 = tpu.memref_slice %arg6[%dma_start3A_2486, %dma_start3A_2487, %dma_start3A_2488] : memref<3x128x32xf32, #tpu.memory_space<vmem>> -> memref<1x128x32xf32, #tpu.memory_space<vmem>>
    %dma_start3A_2490 = tpu.memref_squeeze %dma_start3A_2489 : memref<1x128x32xf32, #tpu.memory_space<vmem>> -> memref<128x32xf32, #tpu.memory_space<vmem>>
    %dma_start3A_2491 = arith.constant 0 : i32
    %dma_start3A_2492 = tpu.memref_slice %arg5[%dma_start3A_2485, %dma_start3A_2491] : memref<50x128xi32, #tpu.memory_space<vmem>> -> memref<1x128xi32, #tpu.memory_space<vmem>>
    %dma_start3A_2493 = tpu.memref_squeeze %dma_start3A_2492 : memref<1x128xi32, #tpu.memory_space<vmem>> -> memref<128xi32, #tpu.memory_space<vmem>>
    %dma_start3A_2494 = arith.constant 0 : i32
    %dma_start3A_2495 = arith.constant 0 : i32
    %dma_start3A_2496 = tpu.memref_slice %arg3[%dma_start3A_2494, %dma_start3A_2495] : memref<1000000x32xf32, #tpu.memory_space<hbm>> -> memref<1000000x32xf32, #tpu.memory_space<hbm>>
    tpu.enqueue_indirect_dma source(%dma_start3A_2496 : memref<1000000x32xf32, #tpu.memory_space<hbm>>) target(%dma_start3A_2490 : memref<128x32xf32, #tpu.memory_space<vmem>>) offsets(%dma_start3A_2493 : memref<128xi32, #tpu.memory_space<vmem>>) semaphore(%arg8 : memref<!tpu.dma_semaphore, #tpu.memory_space<semaphore_mem>>)
    %dma_wait3A_2497 = arith.constant 41 : i32
    %dma_wait3A_2498 = arith.constant 2 : i32
    %dma_wait3A_2499 = arith.constant 0 : i32
    %dma_wait3A_2500 = arith.constant 0 : i32
    %dma_wait3A_2501 = tpu.memref_slice %arg6[%dma_wait3A_2498, %dma_wait3A_2499, %dma_wait3A_2500] : memref<3x128x32xf32, #tpu.memory_space<vmem>> -> memref<1x128x32xf32, #tpu.memory_space<vmem>>
    %dma_wait3A_2502 = tpu.memref_squeeze %dma_wait3A_2501 : memref<1x128x32xf32, #tpu.memory_space<vmem>> -> memref<128x32xf32, #tpu.memory_space<vmem>>
    %dma_wait3A_2503 = arith.constant 0 : i32
    %dma_wait3A_2504 = tpu.memref_slice %arg5[%dma_wait3A_2497, %dma_wait3A_2503] : memref<50x128xi32, #tpu.memory_space<vmem>> -> memref<1x128xi32, #tpu.memory_space<vmem>>
    %dma_wait3A_2505 = tpu.memref_squeeze %dma_wait3A_2504 : memref<1x128xi32, #tpu.memory_space<vmem>> -> memref<128xi32, #tpu.memory_space<vmem>>
    %dma_wait3A_2506 = arith.constant 0 : i32
    %dma_wait3A_2507 = arith.constant 0 : i32
    %dma_wait3A_2508 = tpu.memref_slice %arg3[%dma_wait3A_2506, %dma_wait3A_2507] : memref<1000000x32xf32, #tpu.memory_space<hbm>> -> memref<1000000x32xf32, #tpu.memory_space<hbm>>
    tpu.wait_indirect_dma semaphore(%arg9 : memref<!tpu.dma_semaphore, #tpu.memory_space<semaphore_mem>>) src(%dma_wait3A_2508 : memref<1000000x32xf32, #tpu.memory_space<hbm>>) dst(%dma_wait3A_2502 : memref<128x32xf32, #tpu.memory_space<vmem>>)
    %mul3A_2509 = arith.constant 128 : i32
    %mul3A_2510 = arith.muli %add3A, %mul3A_2509 : i32
    %dma_start3A_2511 = arith.constant 2 : i32
    %dma_start3A_2512 = arith.constant 41 : i32
    %dma_start3A_2513 = arith.constant 0 : i32
    %dma_start3A_2514 = arith.constant 0 : i32
    %dma_start3A_2515 = tpu.memref_slice %arg6[%dma_start3A_2511, %dma_start3A_2513, %dma_start3A_2514] : memref<3x128x32xf32, #tpu.memory_space<vmem>> -> memref<1x128x32xf32, #tpu.memory_space<vmem>>
    %dma_start3A_2516 = tpu.memref_squeeze %dma_start3A_2515 : memref<1x128x32xf32, #tpu.memory_space<vmem>> -> memref<128x32xf32, #tpu.memory_space<vmem>>
    %dma_start3A_2517 = arith.constant 0 : i32
    %dma_start3A_2518 = tpu.memref_slice %arg4[%mul3A_2510, %dma_start3A_2512, %dma_start3A_2517] : memref<4096x50x32xf32, #tpu.memory_space<hbm>> -> memref<128x1x32xf32, #tpu.memory_space<hbm>>
    %dma_start3A_2519 = tpu.memref_squeeze %dma_start3A_2518 : memref<128x1x32xf32, #tpu.memory_space<hbm>> -> memref<128x32xf32, #tpu.memory_space<hbm>>
    %dma_start3A_2520 = arith.constant 0 : i32
    %dma_start3A_2521 = tpu.memref_slice %arg4[%mul3A_2510, %dma_start3A_2512, %dma_start3A_2520] : memref<4096x50x32xf32, #tpu.memory_space<hbm>> -> memref<128x1x32xf32, #tpu.memory_space<hbm>>
    %dma_start3A_2522 = tpu.memref_squeeze %dma_start3A_2521 : memref<128x1x32xf32, #tpu.memory_space<hbm>> -> memref<128x32xf32, #tpu.memory_space<hbm>>
    %dma_start3A_2523 = arith.constant 0 : i32
    %dma_start3A_2524 = arith.constant 0 : i32
    %dma_start3A_2525 = tpu.memref_slice %arg6[%dma_start3A_2511, %dma_start3A_2523, %dma_start3A_2524] : memref<3x128x32xf32, #tpu.memory_space<vmem>> -> memref<1x128x32xf32, #tpu.memory_space<vmem>>
    %dma_start3A_2526 = tpu.memref_squeeze %dma_start3A_2525 : memref<1x128x32xf32, #tpu.memory_space<vmem>> -> memref<128x32xf32, #tpu.memory_space<vmem>>
    tpu.enqueue_dma source(%dma_start3A_2526 : memref<128x32xf32, #tpu.memory_space<vmem>>) target(%dma_start3A_2522 : memref<128x32xf32, #tpu.memory_space<hbm>>) target_semaphore(%arg12 : memref<!tpu.dma_semaphore, #tpu.memory_space<semaphore_mem>>)
    %mul3A_2527 = arith.constant 128 : i32
    %mul3A_2528 = arith.muli %add3A, %mul3A_2527 : i32
    %dma_wait3A_2529 = arith.constant 2 : i32
    %dma_wait3A_2530 = arith.constant 41 : i32
    %dma_wait3A_2531 = arith.constant 0 : i32
    %dma_wait3A_2532 = arith.constant 0 : i32
    %dma_wait3A_2533 = tpu.memref_slice %arg6[%dma_wait3A_2529, %dma_wait3A_2531, %dma_wait3A_2532] : memref<3x128x32xf32, #tpu.memory_space<vmem>> -> memref<1x128x32xf32, #tpu.memory_space<vmem>>
    %dma_wait3A_2534 = tpu.memref_squeeze %dma_wait3A_2533 : memref<1x128x32xf32, #tpu.memory_space<vmem>> -> memref<128x32xf32, #tpu.memory_space<vmem>>
    %dma_wait3A_2535 = arith.constant 0 : i32
    %dma_wait3A_2536 = tpu.memref_slice %arg4[%mul3A_2528, %dma_wait3A_2530, %dma_wait3A_2535] : memref<4096x50x32xf32, #tpu.memory_space<hbm>> -> memref<128x1x32xf32, #tpu.memory_space<hbm>>
    %dma_wait3A_2537 = tpu.memref_squeeze %dma_wait3A_2536 : memref<128x1x32xf32, #tpu.memory_space<hbm>> -> memref<128x32xf32, #tpu.memory_space<hbm>>
    %dma_wait3A_2538 = arith.constant 0 : i32
    %dma_wait3A_2539 = tpu.memref_slice %arg4[%mul3A_2528, %dma_wait3A_2530, %dma_wait3A_2538] : memref<4096x50x32xf32, #tpu.memory_space<hbm>> -> memref<128x1x32xf32, #tpu.memory_space<hbm>>
    %dma_wait3A_2540 = tpu.memref_squeeze %dma_wait3A_2539 : memref<128x1x32xf32, #tpu.memory_space<hbm>> -> memref<128x32xf32, #tpu.memory_space<hbm>>
    %dma_wait3A_2541 = arith.constant 0 : i32
    %dma_wait3A_2542 = arith.constant 0 : i32
    %dma_wait3A_2543 = tpu.memref_slice %arg6[%dma_wait3A_2529, %dma_wait3A_2541, %dma_wait3A_2542] : memref<3x128x32xf32, #tpu.memory_space<vmem>> -> memref<1x128x32xf32, #tpu.memory_space<vmem>>
    %dma_wait3A_2544 = tpu.memref_squeeze %dma_wait3A_2543 : memref<1x128x32xf32, #tpu.memory_space<vmem>> -> memref<128x32xf32, #tpu.memory_space<vmem>>
    tpu.wait_dma2 semaphore(%arg12 : memref<!tpu.dma_semaphore, #tpu.memory_space<semaphore_mem>>) src(%dma_wait3A_2544 : memref<128x32xf32, #tpu.memory_space<vmem>>) dst(%dma_wait3A_2540 : memref<128x32xf32, #tpu.memory_space<hbm>>)
    %dma_start3A_2545 = arith.constant 44 : i32
    %dma_start3A_2546 = arith.constant 2 : i32
    %dma_start3A_2547 = arith.constant 0 : i32
    %dma_start3A_2548 = arith.constant 0 : i32
    %dma_start3A_2549 = tpu.memref_slice %arg6[%dma_start3A_2546, %dma_start3A_2547, %dma_start3A_2548] : memref<3x128x32xf32, #tpu.memory_space<vmem>> -> memref<1x128x32xf32, #tpu.memory_space<vmem>>
    %dma_start3A_2550 = tpu.memref_squeeze %dma_start3A_2549 : memref<1x128x32xf32, #tpu.memory_space<vmem>> -> memref<128x32xf32, #tpu.memory_space<vmem>>
    %dma_start3A_2551 = arith.constant 0 : i32
    %dma_start3A_2552 = tpu.memref_slice %arg5[%dma_start3A_2545, %dma_start3A_2551] : memref<50x128xi32, #tpu.memory_space<vmem>> -> memref<1x128xi32, #tpu.memory_space<vmem>>
    %dma_start3A_2553 = tpu.memref_squeeze %dma_start3A_2552 : memref<1x128xi32, #tpu.memory_space<vmem>> -> memref<128xi32, #tpu.memory_space<vmem>>
    %dma_start3A_2554 = arith.constant 0 : i32
    %dma_start3A_2555 = arith.constant 0 : i32
    %dma_start3A_2556 = tpu.memref_slice %arg3[%dma_start3A_2554, %dma_start3A_2555] : memref<1000000x32xf32, #tpu.memory_space<hbm>> -> memref<1000000x32xf32, #tpu.memory_space<hbm>>
    tpu.enqueue_indirect_dma source(%dma_start3A_2556 : memref<1000000x32xf32, #tpu.memory_space<hbm>>) target(%dma_start3A_2550 : memref<128x32xf32, #tpu.memory_space<vmem>>) offsets(%dma_start3A_2553 : memref<128xi32, #tpu.memory_space<vmem>>) semaphore(%arg9 : memref<!tpu.dma_semaphore, #tpu.memory_space<semaphore_mem>>)
    %dma_wait3A_2557 = arith.constant 42 : i32
    %dma_wait3A_2558 = arith.constant 0 : i32
    %dma_wait3A_2559 = arith.constant 0 : i32
    %dma_wait3A_2560 = arith.constant 0 : i32
    %dma_wait3A_2561 = tpu.memref_slice %arg6[%dma_wait3A_2558, %dma_wait3A_2559, %dma_wait3A_2560] : memref<3x128x32xf32, #tpu.memory_space<vmem>> -> memref<1x128x32xf32, #tpu.memory_space<vmem>>
    %dma_wait3A_2562 = tpu.memref_squeeze %dma_wait3A_2561 : memref<1x128x32xf32, #tpu.memory_space<vmem>> -> memref<128x32xf32, #tpu.memory_space<vmem>>
    %dma_wait3A_2563 = arith.constant 0 : i32
    %dma_wait3A_2564 = tpu.memref_slice %arg5[%dma_wait3A_2557, %dma_wait3A_2563] : memref<50x128xi32, #tpu.memory_space<vmem>> -> memref<1x128xi32, #tpu.memory_space<vmem>>
    %dma_wait3A_2565 = tpu.memref_squeeze %dma_wait3A_2564 : memref<1x128xi32, #tpu.memory_space<vmem>> -> memref<128xi32, #tpu.memory_space<vmem>>
    %dma_wait3A_2566 = arith.constant 0 : i32
    %dma_wait3A_2567 = arith.constant 0 : i32
    %dma_wait3A_2568 = tpu.memref_slice %arg3[%dma_wait3A_2566, %dma_wait3A_2567] : memref<1000000x32xf32, #tpu.memory_space<hbm>> -> memref<1000000x32xf32, #tpu.memory_space<hbm>>
    tpu.wait_indirect_dma semaphore(%arg7 : memref<!tpu.dma_semaphore, #tpu.memory_space<semaphore_mem>>) src(%dma_wait3A_2568 : memref<1000000x32xf32, #tpu.memory_space<hbm>>) dst(%dma_wait3A_2562 : memref<128x32xf32, #tpu.memory_space<vmem>>)
    %mul3A_2569 = arith.constant 128 : i32
    %mul3A_2570 = arith.muli %add3A, %mul3A_2569 : i32
    %dma_start3A_2571 = arith.constant 0 : i32
    %dma_start3A_2572 = arith.constant 42 : i32
    %dma_start3A_2573 = arith.constant 0 : i32
    %dma_start3A_2574 = arith.constant 0 : i32
    %dma_start3A_2575 = tpu.memref_slice %arg6[%dma_start3A_2571, %dma_start3A_2573, %dma_start3A_2574] : memref<3x128x32xf32, #tpu.memory_space<vmem>> -> memref<1x128x32xf32, #tpu.memory_space<vmem>>
    %dma_start3A_2576 = tpu.memref_squeeze %dma_start3A_2575 : memref<1x128x32xf32, #tpu.memory_space<vmem>> -> memref<128x32xf32, #tpu.memory_space<vmem>>
    %dma_start3A_2577 = arith.constant 0 : i32
    %dma_start3A_2578 = tpu.memref_slice %arg4[%mul3A_2570, %dma_start3A_2572, %dma_start3A_2577] : memref<4096x50x32xf32, #tpu.memory_space<hbm>> -> memref<128x1x32xf32, #tpu.memory_space<hbm>>
    %dma_start3A_2579 = tpu.memref_squeeze %dma_start3A_2578 : memref<128x1x32xf32, #tpu.memory_space<hbm>> -> memref<128x32xf32, #tpu.memory_space<hbm>>
    %dma_start3A_2580 = arith.constant 0 : i32
    %dma_start3A_2581 = tpu.memref_slice %arg4[%mul3A_2570, %dma_start3A_2572, %dma_start3A_2580] : memref<4096x50x32xf32, #tpu.memory_space<hbm>> -> memref<128x1x32xf32, #tpu.memory_space<hbm>>
    %dma_start3A_2582 = tpu.memref_squeeze %dma_start3A_2581 : memref<128x1x32xf32, #tpu.memory_space<hbm>> -> memref<128x32xf32, #tpu.memory_space<hbm>>
    %dma_start3A_2583 = arith.constant 0 : i32
    %dma_start3A_2584 = arith.constant 0 : i32
    %dma_start3A_2585 = tpu.memref_slice %arg6[%dma_start3A_2571, %dma_start3A_2583, %dma_start3A_2584] : memref<3x128x32xf32, #tpu.memory_space<vmem>> -> memref<1x128x32xf32, #tpu.memory_space<vmem>>
    %dma_start3A_2586 = tpu.memref_squeeze %dma_start3A_2585 : memref<1x128x32xf32, #tpu.memory_space<vmem>> -> memref<128x32xf32, #tpu.memory_space<vmem>>
    tpu.enqueue_dma source(%dma_start3A_2586 : memref<128x32xf32, #tpu.memory_space<vmem>>) target(%dma_start3A_2582 : memref<128x32xf32, #tpu.memory_space<hbm>>) target_semaphore(%arg10 : memref<!tpu.dma_semaphore, #tpu.memory_space<semaphore_mem>>)
    %mul3A_2587 = arith.constant 128 : i32
    %mul3A_2588 = arith.muli %add3A, %mul3A_2587 : i32
    %dma_wait3A_2589 = arith.constant 0 : i32
    %dma_wait3A_2590 = arith.constant 42 : i32
    %dma_wait3A_2591 = arith.constant 0 : i32
    %dma_wait3A_2592 = arith.constant 0 : i32
    %dma_wait3A_2593 = tpu.memref_slice %arg6[%dma_wait3A_2589, %dma_wait3A_2591, %dma_wait3A_2592] : memref<3x128x32xf32, #tpu.memory_space<vmem>> -> memref<1x128x32xf32, #tpu.memory_space<vmem>>
    %dma_wait3A_2594 = tpu.memref_squeeze %dma_wait3A_2593 : memref<1x128x32xf32, #tpu.memory_space<vmem>> -> memref<128x32xf32, #tpu.memory_space<vmem>>
    %dma_wait3A_2595 = arith.constant 0 : i32
    %dma_wait3A_2596 = tpu.memref_slice %arg4[%mul3A_2588, %dma_wait3A_2590, %dma_wait3A_2595] : memref<4096x50x32xf32, #tpu.memory_space<hbm>> -> memref<128x1x32xf32, #tpu.memory_space<hbm>>
    %dma_wait3A_2597 = tpu.memref_squeeze %dma_wait3A_2596 : memref<128x1x32xf32, #tpu.memory_space<hbm>> -> memref<128x32xf32, #tpu.memory_space<hbm>>
    %dma_wait3A_2598 = arith.constant 0 : i32
    %dma_wait3A_2599 = tpu.memref_slice %arg4[%mul3A_2588, %dma_wait3A_2590, %dma_wait3A_2598] : memref<4096x50x32xf32, #tpu.memory_space<hbm>> -> memref<128x1x32xf32, #tpu.memory_space<hbm>>
    %dma_wait3A_2600 = tpu.memref_squeeze %dma_wait3A_2599 : memref<128x1x32xf32, #tpu.memory_space<hbm>> -> memref<128x32xf32, #tpu.memory_space<hbm>>
    %dma_wait3A_2601 = arith.constant 0 : i32
    %dma_wait3A_2602 = arith.constant 0 : i32
    %dma_wait3A_2603 = tpu.memref_slice %arg6[%dma_wait3A_2589, %dma_wait3A_2601, %dma_wait3A_2602] : memref<3x128x32xf32, #tpu.memory_space<vmem>> -> memref<1x128x32xf32, #tpu.memory_space<vmem>>
    %dma_wait3A_2604 = tpu.memref_squeeze %dma_wait3A_2603 : memref<1x128x32xf32, #tpu.memory_space<vmem>> -> memref<128x32xf32, #tpu.memory_space<vmem>>
    tpu.wait_dma2 semaphore(%arg10 : memref<!tpu.dma_semaphore, #tpu.memory_space<semaphore_mem>>) src(%dma_wait3A_2604 : memref<128x32xf32, #tpu.memory_space<vmem>>) dst(%dma_wait3A_2600 : memref<128x32xf32, #tpu.memory_space<hbm>>)
    %dma_start3A_2605 = arith.constant 45 : i32
    %dma_start3A_2606 = arith.constant 0 : i32
    %dma_start3A_2607 = arith.constant 0 : i32
    %dma_start3A_2608 = arith.constant 0 : i32
    %dma_start3A_2609 = tpu.memref_slice %arg6[%dma_start3A_2606, %dma_start3A_2607, %dma_start3A_2608] : memref<3x128x32xf32, #tpu.memory_space<vmem>> -> memref<1x128x32xf32, #tpu.memory_space<vmem>>
    %dma_start3A_2610 = tpu.memref_squeeze %dma_start3A_2609 : memref<1x128x32xf32, #tpu.memory_space<vmem>> -> memref<128x32xf32, #tpu.memory_space<vmem>>
    %dma_start3A_2611 = arith.constant 0 : i32
    %dma_start3A_2612 = tpu.memref_slice %arg5[%dma_start3A_2605, %dma_start3A_2611] : memref<50x128xi32, #tpu.memory_space<vmem>> -> memref<1x128xi32, #tpu.memory_space<vmem>>
    %dma_start3A_2613 = tpu.memref_squeeze %dma_start3A_2612 : memref<1x128xi32, #tpu.memory_space<vmem>> -> memref<128xi32, #tpu.memory_space<vmem>>
    %dma_start3A_2614 = arith.constant 0 : i32
    %dma_start3A_2615 = arith.constant 0 : i32
    %dma_start3A_2616 = tpu.memref_slice %arg3[%dma_start3A_2614, %dma_start3A_2615] : memref<1000000x32xf32, #tpu.memory_space<hbm>> -> memref<1000000x32xf32, #tpu.memory_space<hbm>>
    tpu.enqueue_indirect_dma source(%dma_start3A_2616 : memref<1000000x32xf32, #tpu.memory_space<hbm>>) target(%dma_start3A_2610 : memref<128x32xf32, #tpu.memory_space<vmem>>) offsets(%dma_start3A_2613 : memref<128xi32, #tpu.memory_space<vmem>>) semaphore(%arg7 : memref<!tpu.dma_semaphore, #tpu.memory_space<semaphore_mem>>)
    %dma_wait3A_2617 = arith.constant 43 : i32
    %dma_wait3A_2618 = arith.constant 1 : i32
    %dma_wait3A_2619 = arith.constant 0 : i32
    %dma_wait3A_2620 = arith.constant 0 : i32
    %dma_wait3A_2621 = tpu.memref_slice %arg6[%dma_wait3A_2618, %dma_wait3A_2619, %dma_wait3A_2620] : memref<3x128x32xf32, #tpu.memory_space<vmem>> -> memref<1x128x32xf32, #tpu.memory_space<vmem>>
    %dma_wait3A_2622 = tpu.memref_squeeze %dma_wait3A_2621 : memref<1x128x32xf32, #tpu.memory_space<vmem>> -> memref<128x32xf32, #tpu.memory_space<vmem>>
    %dma_wait3A_2623 = arith.constant 0 : i32
    %dma_wait3A_2624 = tpu.memref_slice %arg5[%dma_wait3A_2617, %dma_wait3A_2623] : memref<50x128xi32, #tpu.memory_space<vmem>> -> memref<1x128xi32, #tpu.memory_space<vmem>>
    %dma_wait3A_2625 = tpu.memref_squeeze %dma_wait3A_2624 : memref<1x128xi32, #tpu.memory_space<vmem>> -> memref<128xi32, #tpu.memory_space<vmem>>
    %dma_wait3A_2626 = arith.constant 0 : i32
    %dma_wait3A_2627 = arith.constant 0 : i32
    %dma_wait3A_2628 = tpu.memref_slice %arg3[%dma_wait3A_2626, %dma_wait3A_2627] : memref<1000000x32xf32, #tpu.memory_space<hbm>> -> memref<1000000x32xf32, #tpu.memory_space<hbm>>
    tpu.wait_indirect_dma semaphore(%arg8 : memref<!tpu.dma_semaphore, #tpu.memory_space<semaphore_mem>>) src(%dma_wait3A_2628 : memref<1000000x32xf32, #tpu.memory_space<hbm>>) dst(%dma_wait3A_2622 : memref<128x32xf32, #tpu.memory_space<vmem>>)
    %mul3A_2629 = arith.constant 128 : i32
    %mul3A_2630 = arith.muli %add3A, %mul3A_2629 : i32
    %dma_start3A_2631 = arith.constant 1 : i32
    %dma_start3A_2632 = arith.constant 43 : i32
    %dma_start3A_2633 = arith.constant 0 : i32
    %dma_start3A_2634 = arith.constant 0 : i32
    %dma_start3A_2635 = tpu.memref_slice %arg6[%dma_start3A_2631, %dma_start3A_2633, %dma_start3A_2634] : memref<3x128x32xf32, #tpu.memory_space<vmem>> -> memref<1x128x32xf32, #tpu.memory_space<vmem>>
    %dma_start3A_2636 = tpu.memref_squeeze %dma_start3A_2635 : memref<1x128x32xf32, #tpu.memory_space<vmem>> -> memref<128x32xf32, #tpu.memory_space<vmem>>
    %dma_start3A_2637 = arith.constant 0 : i32
    %dma_start3A_2638 = tpu.memref_slice %arg4[%mul3A_2630, %dma_start3A_2632, %dma_start3A_2637] : memref<4096x50x32xf32, #tpu.memory_space<hbm>> -> memref<128x1x32xf32, #tpu.memory_space<hbm>>
    %dma_start3A_2639 = tpu.memref_squeeze %dma_start3A_2638 : memref<128x1x32xf32, #tpu.memory_space<hbm>> -> memref<128x32xf32, #tpu.memory_space<hbm>>
    %dma_start3A_2640 = arith.constant 0 : i32
    %dma_start3A_2641 = tpu.memref_slice %arg4[%mul3A_2630, %dma_start3A_2632, %dma_start3A_2640] : memref<4096x50x32xf32, #tpu.memory_space<hbm>> -> memref<128x1x32xf32, #tpu.memory_space<hbm>>
    %dma_start3A_2642 = tpu.memref_squeeze %dma_start3A_2641 : memref<128x1x32xf32, #tpu.memory_space<hbm>> -> memref<128x32xf32, #tpu.memory_space<hbm>>
    %dma_start3A_2643 = arith.constant 0 : i32
    %dma_start3A_2644 = arith.constant 0 : i32
    %dma_start3A_2645 = tpu.memref_slice %arg6[%dma_start3A_2631, %dma_start3A_2643, %dma_start3A_2644] : memref<3x128x32xf32, #tpu.memory_space<vmem>> -> memref<1x128x32xf32, #tpu.memory_space<vmem>>
    %dma_start3A_2646 = tpu.memref_squeeze %dma_start3A_2645 : memref<1x128x32xf32, #tpu.memory_space<vmem>> -> memref<128x32xf32, #tpu.memory_space<vmem>>
    tpu.enqueue_dma source(%dma_start3A_2646 : memref<128x32xf32, #tpu.memory_space<vmem>>) target(%dma_start3A_2642 : memref<128x32xf32, #tpu.memory_space<hbm>>) target_semaphore(%arg11 : memref<!tpu.dma_semaphore, #tpu.memory_space<semaphore_mem>>)
    %mul3A_2647 = arith.constant 128 : i32
    %mul3A_2648 = arith.muli %add3A, %mul3A_2647 : i32
    %dma_wait3A_2649 = arith.constant 1 : i32
    %dma_wait3A_2650 = arith.constant 43 : i32
    %dma_wait3A_2651 = arith.constant 0 : i32
    %dma_wait3A_2652 = arith.constant 0 : i32
    %dma_wait3A_2653 = tpu.memref_slice %arg6[%dma_wait3A_2649, %dma_wait3A_2651, %dma_wait3A_2652] : memref<3x128x32xf32, #tpu.memory_space<vmem>> -> memref<1x128x32xf32, #tpu.memory_space<vmem>>
    %dma_wait3A_2654 = tpu.memref_squeeze %dma_wait3A_2653 : memref<1x128x32xf32, #tpu.memory_space<vmem>> -> memref<128x32xf32, #tpu.memory_space<vmem>>
    %dma_wait3A_2655 = arith.constant 0 : i32
    %dma_wait3A_2656 = tpu.memref_slice %arg4[%mul3A_2648, %dma_wait3A_2650, %dma_wait3A_2655] : memref<4096x50x32xf32, #tpu.memory_space<hbm>> -> memref<128x1x32xf32, #tpu.memory_space<hbm>>
    %dma_wait3A_2657 = tpu.memref_squeeze %dma_wait3A_2656 : memref<128x1x32xf32, #tpu.memory_space<hbm>> -> memref<128x32xf32, #tpu.memory_space<hbm>>
    %dma_wait3A_2658 = arith.constant 0 : i32
    %dma_wait3A_2659 = tpu.memref_slice %arg4[%mul3A_2648, %dma_wait3A_2650, %dma_wait3A_2658] : memref<4096x50x32xf32, #tpu.memory_space<hbm>> -> memref<128x1x32xf32, #tpu.memory_space<hbm>>
    %dma_wait3A_2660 = tpu.memref_squeeze %dma_wait3A_2659 : memref<128x1x32xf32, #tpu.memory_space<hbm>> -> memref<128x32xf32, #tpu.memory_space<hbm>>
    %dma_wait3A_2661 = arith.constant 0 : i32
    %dma_wait3A_2662 = arith.constant 0 : i32
    %dma_wait3A_2663 = tpu.memref_slice %arg6[%dma_wait3A_2649, %dma_wait3A_2661, %dma_wait3A_2662] : memref<3x128x32xf32, #tpu.memory_space<vmem>> -> memref<1x128x32xf32, #tpu.memory_space<vmem>>
    %dma_wait3A_2664 = tpu.memref_squeeze %dma_wait3A_2663 : memref<1x128x32xf32, #tpu.memory_space<vmem>> -> memref<128x32xf32, #tpu.memory_space<vmem>>
    tpu.wait_dma2 semaphore(%arg11 : memref<!tpu.dma_semaphore, #tpu.memory_space<semaphore_mem>>) src(%dma_wait3A_2664 : memref<128x32xf32, #tpu.memory_space<vmem>>) dst(%dma_wait3A_2660 : memref<128x32xf32, #tpu.memory_space<hbm>>)
    %dma_start3A_2665 = arith.constant 46 : i32
    %dma_start3A_2666 = arith.constant 1 : i32
    %dma_start3A_2667 = arith.constant 0 : i32
    %dma_start3A_2668 = arith.constant 0 : i32
    %dma_start3A_2669 = tpu.memref_slice %arg6[%dma_start3A_2666, %dma_start3A_2667, %dma_start3A_2668] : memref<3x128x32xf32, #tpu.memory_space<vmem>> -> memref<1x128x32xf32, #tpu.memory_space<vmem>>
    %dma_start3A_2670 = tpu.memref_squeeze %dma_start3A_2669 : memref<1x128x32xf32, #tpu.memory_space<vmem>> -> memref<128x32xf32, #tpu.memory_space<vmem>>
    %dma_start3A_2671 = arith.constant 0 : i32
    %dma_start3A_2672 = tpu.memref_slice %arg5[%dma_start3A_2665, %dma_start3A_2671] : memref<50x128xi32, #tpu.memory_space<vmem>> -> memref<1x128xi32, #tpu.memory_space<vmem>>
    %dma_start3A_2673 = tpu.memref_squeeze %dma_start3A_2672 : memref<1x128xi32, #tpu.memory_space<vmem>> -> memref<128xi32, #tpu.memory_space<vmem>>
    %dma_start3A_2674 = arith.constant 0 : i32
    %dma_start3A_2675 = arith.constant 0 : i32
    %dma_start3A_2676 = tpu.memref_slice %arg3[%dma_start3A_2674, %dma_start3A_2675] : memref<1000000x32xf32, #tpu.memory_space<hbm>> -> memref<1000000x32xf32, #tpu.memory_space<hbm>>
    tpu.enqueue_indirect_dma source(%dma_start3A_2676 : memref<1000000x32xf32, #tpu.memory_space<hbm>>) target(%dma_start3A_2670 : memref<128x32xf32, #tpu.memory_space<vmem>>) offsets(%dma_start3A_2673 : memref<128xi32, #tpu.memory_space<vmem>>) semaphore(%arg8 : memref<!tpu.dma_semaphore, #tpu.memory_space<semaphore_mem>>)
    %dma_wait3A_2677 = arith.constant 44 : i32
    %dma_wait3A_2678 = arith.constant 2 : i32
    %dma_wait3A_2679 = arith.constant 0 : i32
    %dma_wait3A_2680 = arith.constant 0 : i32
    %dma_wait3A_2681 = tpu.memref_slice %arg6[%dma_wait3A_2678, %dma_wait3A_2679, %dma_wait3A_2680] : memref<3x128x32xf32, #tpu.memory_space<vmem>> -> memref<1x128x32xf32, #tpu.memory_space<vmem>>
    %dma_wait3A_2682 = tpu.memref_squeeze %dma_wait3A_2681 : memref<1x128x32xf32, #tpu.memory_space<vmem>> -> memref<128x32xf32, #tpu.memory_space<vmem>>
    %dma_wait3A_2683 = arith.constant 0 : i32
    %dma_wait3A_2684 = tpu.memref_slice %arg5[%dma_wait3A_2677, %dma_wait3A_2683] : memref<50x128xi32, #tpu.memory_space<vmem>> -> memref<1x128xi32, #tpu.memory_space<vmem>>
    %dma_wait3A_2685 = tpu.memref_squeeze %dma_wait3A_2684 : memref<1x128xi32, #tpu.memory_space<vmem>> -> memref<128xi32, #tpu.memory_space<vmem>>
    %dma_wait3A_2686 = arith.constant 0 : i32
    %dma_wait3A_2687 = arith.constant 0 : i32
    %dma_wait3A_2688 = tpu.memref_slice %arg3[%dma_wait3A_2686, %dma_wait3A_2687] : memref<1000000x32xf32, #tpu.memory_space<hbm>> -> memref<1000000x32xf32, #tpu.memory_space<hbm>>
    tpu.wait_indirect_dma semaphore(%arg9 : memref<!tpu.dma_semaphore, #tpu.memory_space<semaphore_mem>>) src(%dma_wait3A_2688 : memref<1000000x32xf32, #tpu.memory_space<hbm>>) dst(%dma_wait3A_2682 : memref<128x32xf32, #tpu.memory_space<vmem>>)
    %mul3A_2689 = arith.constant 128 : i32
    %mul3A_2690 = arith.muli %add3A, %mul3A_2689 : i32
    %dma_start3A_2691 = arith.constant 2 : i32
    %dma_start3A_2692 = arith.constant 44 : i32
    %dma_start3A_2693 = arith.constant 0 : i32
    %dma_start3A_2694 = arith.constant 0 : i32
    %dma_start3A_2695 = tpu.memref_slice %arg6[%dma_start3A_2691, %dma_start3A_2693, %dma_start3A_2694] : memref<3x128x32xf32, #tpu.memory_space<vmem>> -> memref<1x128x32xf32, #tpu.memory_space<vmem>>
    %dma_start3A_2696 = tpu.memref_squeeze %dma_start3A_2695 : memref<1x128x32xf32, #tpu.memory_space<vmem>> -> memref<128x32xf32, #tpu.memory_space<vmem>>
    %dma_start3A_2697 = arith.constant 0 : i32
    %dma_start3A_2698 = tpu.memref_slice %arg4[%mul3A_2690, %dma_start3A_2692, %dma_start3A_2697] : memref<4096x50x32xf32, #tpu.memory_space<hbm>> -> memref<128x1x32xf32, #tpu.memory_space<hbm>>
    %dma_start3A_2699 = tpu.memref_squeeze %dma_start3A_2698 : memref<128x1x32xf32, #tpu.memory_space<hbm>> -> memref<128x32xf32, #tpu.memory_space<hbm>>
    %dma_start3A_2700 = arith.constant 0 : i32
    %dma_start3A_2701 = tpu.memref_slice %arg4[%mul3A_2690, %dma_start3A_2692, %dma_start3A_2700] : memref<4096x50x32xf32, #tpu.memory_space<hbm>> -> memref<128x1x32xf32, #tpu.memory_space<hbm>>
    %dma_start3A_2702 = tpu.memref_squeeze %dma_start3A_2701 : memref<128x1x32xf32, #tpu.memory_space<hbm>> -> memref<128x32xf32, #tpu.memory_space<hbm>>
    %dma_start3A_2703 = arith.constant 0 : i32
    %dma_start3A_2704 = arith.constant 0 : i32
    %dma_start3A_2705 = tpu.memref_slice %arg6[%dma_start3A_2691, %dma_start3A_2703, %dma_start3A_2704] : memref<3x128x32xf32, #tpu.memory_space<vmem>> -> memref<1x128x32xf32, #tpu.memory_space<vmem>>
    %dma_start3A_2706 = tpu.memref_squeeze %dma_start3A_2705 : memref<1x128x32xf32, #tpu.memory_space<vmem>> -> memref<128x32xf32, #tpu.memory_space<vmem>>
    tpu.enqueue_dma source(%dma_start3A_2706 : memref<128x32xf32, #tpu.memory_space<vmem>>) target(%dma_start3A_2702 : memref<128x32xf32, #tpu.memory_space<hbm>>) target_semaphore(%arg12 : memref<!tpu.dma_semaphore, #tpu.memory_space<semaphore_mem>>)
    %mul3A_2707 = arith.constant 128 : i32
    %mul3A_2708 = arith.muli %add3A, %mul3A_2707 : i32
    %dma_wait3A_2709 = arith.constant 2 : i32
    %dma_wait3A_2710 = arith.constant 44 : i32
    %dma_wait3A_2711 = arith.constant 0 : i32
    %dma_wait3A_2712 = arith.constant 0 : i32
    %dma_wait3A_2713 = tpu.memref_slice %arg6[%dma_wait3A_2709, %dma_wait3A_2711, %dma_wait3A_2712] : memref<3x128x32xf32, #tpu.memory_space<vmem>> -> memref<1x128x32xf32, #tpu.memory_space<vmem>>
    %dma_wait3A_2714 = tpu.memref_squeeze %dma_wait3A_2713 : memref<1x128x32xf32, #tpu.memory_space<vmem>> -> memref<128x32xf32, #tpu.memory_space<vmem>>
    %dma_wait3A_2715 = arith.constant 0 : i32
    %dma_wait3A_2716 = tpu.memref_slice %arg4[%mul3A_2708, %dma_wait3A_2710, %dma_wait3A_2715] : memref<4096x50x32xf32, #tpu.memory_space<hbm>> -> memref<128x1x32xf32, #tpu.memory_space<hbm>>
    %dma_wait3A_2717 = tpu.memref_squeeze %dma_wait3A_2716 : memref<128x1x32xf32, #tpu.memory_space<hbm>> -> memref<128x32xf32, #tpu.memory_space<hbm>>
    %dma_wait3A_2718 = arith.constant 0 : i32
    %dma_wait3A_2719 = tpu.memref_slice %arg4[%mul3A_2708, %dma_wait3A_2710, %dma_wait3A_2718] : memref<4096x50x32xf32, #tpu.memory_space<hbm>> -> memref<128x1x32xf32, #tpu.memory_space<hbm>>
    %dma_wait3A_2720 = tpu.memref_squeeze %dma_wait3A_2719 : memref<128x1x32xf32, #tpu.memory_space<hbm>> -> memref<128x32xf32, #tpu.memory_space<hbm>>
    %dma_wait3A_2721 = arith.constant 0 : i32
    %dma_wait3A_2722 = arith.constant 0 : i32
    %dma_wait3A_2723 = tpu.memref_slice %arg6[%dma_wait3A_2709, %dma_wait3A_2721, %dma_wait3A_2722] : memref<3x128x32xf32, #tpu.memory_space<vmem>> -> memref<1x128x32xf32, #tpu.memory_space<vmem>>
    %dma_wait3A_2724 = tpu.memref_squeeze %dma_wait3A_2723 : memref<1x128x32xf32, #tpu.memory_space<vmem>> -> memref<128x32xf32, #tpu.memory_space<vmem>>
    tpu.wait_dma2 semaphore(%arg12 : memref<!tpu.dma_semaphore, #tpu.memory_space<semaphore_mem>>) src(%dma_wait3A_2724 : memref<128x32xf32, #tpu.memory_space<vmem>>) dst(%dma_wait3A_2720 : memref<128x32xf32, #tpu.memory_space<hbm>>)
    %dma_start3A_2725 = arith.constant 47 : i32
    %dma_start3A_2726 = arith.constant 2 : i32
    %dma_start3A_2727 = arith.constant 0 : i32
    %dma_start3A_2728 = arith.constant 0 : i32
    %dma_start3A_2729 = tpu.memref_slice %arg6[%dma_start3A_2726, %dma_start3A_2727, %dma_start3A_2728] : memref<3x128x32xf32, #tpu.memory_space<vmem>> -> memref<1x128x32xf32, #tpu.memory_space<vmem>>
    %dma_start3A_2730 = tpu.memref_squeeze %dma_start3A_2729 : memref<1x128x32xf32, #tpu.memory_space<vmem>> -> memref<128x32xf32, #tpu.memory_space<vmem>>
    %dma_start3A_2731 = arith.constant 0 : i32
    %dma_start3A_2732 = tpu.memref_slice %arg5[%dma_start3A_2725, %dma_start3A_2731] : memref<50x128xi32, #tpu.memory_space<vmem>> -> memref<1x128xi32, #tpu.memory_space<vmem>>
    %dma_start3A_2733 = tpu.memref_squeeze %dma_start3A_2732 : memref<1x128xi32, #tpu.memory_space<vmem>> -> memref<128xi32, #tpu.memory_space<vmem>>
    %dma_start3A_2734 = arith.constant 0 : i32
    %dma_start3A_2735 = arith.constant 0 : i32
    %dma_start3A_2736 = tpu.memref_slice %arg3[%dma_start3A_2734, %dma_start3A_2735] : memref<1000000x32xf32, #tpu.memory_space<hbm>> -> memref<1000000x32xf32, #tpu.memory_space<hbm>>
    tpu.enqueue_indirect_dma source(%dma_start3A_2736 : memref<1000000x32xf32, #tpu.memory_space<hbm>>) target(%dma_start3A_2730 : memref<128x32xf32, #tpu.memory_space<vmem>>) offsets(%dma_start3A_2733 : memref<128xi32, #tpu.memory_space<vmem>>) semaphore(%arg9 : memref<!tpu.dma_semaphore, #tpu.memory_space<semaphore_mem>>)
    %dma_wait3A_2737 = arith.constant 45 : i32
    %dma_wait3A_2738 = arith.constant 0 : i32
    %dma_wait3A_2739 = arith.constant 0 : i32
    %dma_wait3A_2740 = arith.constant 0 : i32
    %dma_wait3A_2741 = tpu.memref_slice %arg6[%dma_wait3A_2738, %dma_wait3A_2739, %dma_wait3A_2740] : memref<3x128x32xf32, #tpu.memory_space<vmem>> -> memref<1x128x32xf32, #tpu.memory_space<vmem>>
    %dma_wait3A_2742 = tpu.memref_squeeze %dma_wait3A_2741 : memref<1x128x32xf32, #tpu.memory_space<vmem>> -> memref<128x32xf32, #tpu.memory_space<vmem>>
    %dma_wait3A_2743 = arith.constant 0 : i32
    %dma_wait3A_2744 = tpu.memref_slice %arg5[%dma_wait3A_2737, %dma_wait3A_2743] : memref<50x128xi32, #tpu.memory_space<vmem>> -> memref<1x128xi32, #tpu.memory_space<vmem>>
    %dma_wait3A_2745 = tpu.memref_squeeze %dma_wait3A_2744 : memref<1x128xi32, #tpu.memory_space<vmem>> -> memref<128xi32, #tpu.memory_space<vmem>>
    %dma_wait3A_2746 = arith.constant 0 : i32
    %dma_wait3A_2747 = arith.constant 0 : i32
    %dma_wait3A_2748 = tpu.memref_slice %arg3[%dma_wait3A_2746, %dma_wait3A_2747] : memref<1000000x32xf32, #tpu.memory_space<hbm>> -> memref<1000000x32xf32, #tpu.memory_space<hbm>>
    tpu.wait_indirect_dma semaphore(%arg7 : memref<!tpu.dma_semaphore, #tpu.memory_space<semaphore_mem>>) src(%dma_wait3A_2748 : memref<1000000x32xf32, #tpu.memory_space<hbm>>) dst(%dma_wait3A_2742 : memref<128x32xf32, #tpu.memory_space<vmem>>)
    %mul3A_2749 = arith.constant 128 : i32
    %mul3A_2750 = arith.muli %add3A, %mul3A_2749 : i32
    %dma_start3A_2751 = arith.constant 0 : i32
    %dma_start3A_2752 = arith.constant 45 : i32
    %dma_start3A_2753 = arith.constant 0 : i32
    %dma_start3A_2754 = arith.constant 0 : i32
    %dma_start3A_2755 = tpu.memref_slice %arg6[%dma_start3A_2751, %dma_start3A_2753, %dma_start3A_2754] : memref<3x128x32xf32, #tpu.memory_space<vmem>> -> memref<1x128x32xf32, #tpu.memory_space<vmem>>
    %dma_start3A_2756 = tpu.memref_squeeze %dma_start3A_2755 : memref<1x128x32xf32, #tpu.memory_space<vmem>> -> memref<128x32xf32, #tpu.memory_space<vmem>>
    %dma_start3A_2757 = arith.constant 0 : i32
    %dma_start3A_2758 = tpu.memref_slice %arg4[%mul3A_2750, %dma_start3A_2752, %dma_start3A_2757] : memref<4096x50x32xf32, #tpu.memory_space<hbm>> -> memref<128x1x32xf32, #tpu.memory_space<hbm>>
    %dma_start3A_2759 = tpu.memref_squeeze %dma_start3A_2758 : memref<128x1x32xf32, #tpu.memory_space<hbm>> -> memref<128x32xf32, #tpu.memory_space<hbm>>
    %dma_start3A_2760 = arith.constant 0 : i32
    %dma_start3A_2761 = tpu.memref_slice %arg4[%mul3A_2750, %dma_start3A_2752, %dma_start3A_2760] : memref<4096x50x32xf32, #tpu.memory_space<hbm>> -> memref<128x1x32xf32, #tpu.memory_space<hbm>>
    %dma_start3A_2762 = tpu.memref_squeeze %dma_start3A_2761 : memref<128x1x32xf32, #tpu.memory_space<hbm>> -> memref<128x32xf32, #tpu.memory_space<hbm>>
    %dma_start3A_2763 = arith.constant 0 : i32
    %dma_start3A_2764 = arith.constant 0 : i32
    %dma_start3A_2765 = tpu.memref_slice %arg6[%dma_start3A_2751, %dma_start3A_2763, %dma_start3A_2764] : memref<3x128x32xf32, #tpu.memory_space<vmem>> -> memref<1x128x32xf32, #tpu.memory_space<vmem>>
    %dma_start3A_2766 = tpu.memref_squeeze %dma_start3A_2765 : memref<1x128x32xf32, #tpu.memory_space<vmem>> -> memref<128x32xf32, #tpu.memory_space<vmem>>
    tpu.enqueue_dma source(%dma_start3A_2766 : memref<128x32xf32, #tpu.memory_space<vmem>>) target(%dma_start3A_2762 : memref<128x32xf32, #tpu.memory_space<hbm>>) target_semaphore(%arg10 : memref<!tpu.dma_semaphore, #tpu.memory_space<semaphore_mem>>)
    %mul3A_2767 = arith.constant 128 : i32
    %mul3A_2768 = arith.muli %add3A, %mul3A_2767 : i32
    %dma_wait3A_2769 = arith.constant 0 : i32
    %dma_wait3A_2770 = arith.constant 45 : i32
    %dma_wait3A_2771 = arith.constant 0 : i32
    %dma_wait3A_2772 = arith.constant 0 : i32
    %dma_wait3A_2773 = tpu.memref_slice %arg6[%dma_wait3A_2769, %dma_wait3A_2771, %dma_wait3A_2772] : memref<3x128x32xf32, #tpu.memory_space<vmem>> -> memref<1x128x32xf32, #tpu.memory_space<vmem>>
    %dma_wait3A_2774 = tpu.memref_squeeze %dma_wait3A_2773 : memref<1x128x32xf32, #tpu.memory_space<vmem>> -> memref<128x32xf32, #tpu.memory_space<vmem>>
    %dma_wait3A_2775 = arith.constant 0 : i32
    %dma_wait3A_2776 = tpu.memref_slice %arg4[%mul3A_2768, %dma_wait3A_2770, %dma_wait3A_2775] : memref<4096x50x32xf32, #tpu.memory_space<hbm>> -> memref<128x1x32xf32, #tpu.memory_space<hbm>>
    %dma_wait3A_2777 = tpu.memref_squeeze %dma_wait3A_2776 : memref<128x1x32xf32, #tpu.memory_space<hbm>> -> memref<128x32xf32, #tpu.memory_space<hbm>>
    %dma_wait3A_2778 = arith.constant 0 : i32
    %dma_wait3A_2779 = tpu.memref_slice %arg4[%mul3A_2768, %dma_wait3A_2770, %dma_wait3A_2778] : memref<4096x50x32xf32, #tpu.memory_space<hbm>> -> memref<128x1x32xf32, #tpu.memory_space<hbm>>
    %dma_wait3A_2780 = tpu.memref_squeeze %dma_wait3A_2779 : memref<128x1x32xf32, #tpu.memory_space<hbm>> -> memref<128x32xf32, #tpu.memory_space<hbm>>
    %dma_wait3A_2781 = arith.constant 0 : i32
    %dma_wait3A_2782 = arith.constant 0 : i32
    %dma_wait3A_2783 = tpu.memref_slice %arg6[%dma_wait3A_2769, %dma_wait3A_2781, %dma_wait3A_2782] : memref<3x128x32xf32, #tpu.memory_space<vmem>> -> memref<1x128x32xf32, #tpu.memory_space<vmem>>
    %dma_wait3A_2784 = tpu.memref_squeeze %dma_wait3A_2783 : memref<1x128x32xf32, #tpu.memory_space<vmem>> -> memref<128x32xf32, #tpu.memory_space<vmem>>
    tpu.wait_dma2 semaphore(%arg10 : memref<!tpu.dma_semaphore, #tpu.memory_space<semaphore_mem>>) src(%dma_wait3A_2784 : memref<128x32xf32, #tpu.memory_space<vmem>>) dst(%dma_wait3A_2780 : memref<128x32xf32, #tpu.memory_space<hbm>>)
    %dma_start3A_2785 = arith.constant 48 : i32
    %dma_start3A_2786 = arith.constant 0 : i32
    %dma_start3A_2787 = arith.constant 0 : i32
    %dma_start3A_2788 = arith.constant 0 : i32
    %dma_start3A_2789 = tpu.memref_slice %arg6[%dma_start3A_2786, %dma_start3A_2787, %dma_start3A_2788] : memref<3x128x32xf32, #tpu.memory_space<vmem>> -> memref<1x128x32xf32, #tpu.memory_space<vmem>>
    %dma_start3A_2790 = tpu.memref_squeeze %dma_start3A_2789 : memref<1x128x32xf32, #tpu.memory_space<vmem>> -> memref<128x32xf32, #tpu.memory_space<vmem>>
    %dma_start3A_2791 = arith.constant 0 : i32
    %dma_start3A_2792 = tpu.memref_slice %arg5[%dma_start3A_2785, %dma_start3A_2791] : memref<50x128xi32, #tpu.memory_space<vmem>> -> memref<1x128xi32, #tpu.memory_space<vmem>>
    %dma_start3A_2793 = tpu.memref_squeeze %dma_start3A_2792 : memref<1x128xi32, #tpu.memory_space<vmem>> -> memref<128xi32, #tpu.memory_space<vmem>>
    %dma_start3A_2794 = arith.constant 0 : i32
    %dma_start3A_2795 = arith.constant 0 : i32
    %dma_start3A_2796 = tpu.memref_slice %arg3[%dma_start3A_2794, %dma_start3A_2795] : memref<1000000x32xf32, #tpu.memory_space<hbm>> -> memref<1000000x32xf32, #tpu.memory_space<hbm>>
    tpu.enqueue_indirect_dma source(%dma_start3A_2796 : memref<1000000x32xf32, #tpu.memory_space<hbm>>) target(%dma_start3A_2790 : memref<128x32xf32, #tpu.memory_space<vmem>>) offsets(%dma_start3A_2793 : memref<128xi32, #tpu.memory_space<vmem>>) semaphore(%arg7 : memref<!tpu.dma_semaphore, #tpu.memory_space<semaphore_mem>>)
    %dma_wait3A_2797 = arith.constant 46 : i32
    %dma_wait3A_2798 = arith.constant 1 : i32
    %dma_wait3A_2799 = arith.constant 0 : i32
    %dma_wait3A_2800 = arith.constant 0 : i32
    %dma_wait3A_2801 = tpu.memref_slice %arg6[%dma_wait3A_2798, %dma_wait3A_2799, %dma_wait3A_2800] : memref<3x128x32xf32, #tpu.memory_space<vmem>> -> memref<1x128x32xf32, #tpu.memory_space<vmem>>
    %dma_wait3A_2802 = tpu.memref_squeeze %dma_wait3A_2801 : memref<1x128x32xf32, #tpu.memory_space<vmem>> -> memref<128x32xf32, #tpu.memory_space<vmem>>
    %dma_wait3A_2803 = arith.constant 0 : i32
    %dma_wait3A_2804 = tpu.memref_slice %arg5[%dma_wait3A_2797, %dma_wait3A_2803] : memref<50x128xi32, #tpu.memory_space<vmem>> -> memref<1x128xi32, #tpu.memory_space<vmem>>
    %dma_wait3A_2805 = tpu.memref_squeeze %dma_wait3A_2804 : memref<1x128xi32, #tpu.memory_space<vmem>> -> memref<128xi32, #tpu.memory_space<vmem>>
    %dma_wait3A_2806 = arith.constant 0 : i32
    %dma_wait3A_2807 = arith.constant 0 : i32
    %dma_wait3A_2808 = tpu.memref_slice %arg3[%dma_wait3A_2806, %dma_wait3A_2807] : memref<1000000x32xf32, #tpu.memory_space<hbm>> -> memref<1000000x32xf32, #tpu.memory_space<hbm>>
    tpu.wait_indirect_dma semaphore(%arg8 : memref<!tpu.dma_semaphore, #tpu.memory_space<semaphore_mem>>) src(%dma_wait3A_2808 : memref<1000000x32xf32, #tpu.memory_space<hbm>>) dst(%dma_wait3A_2802 : memref<128x32xf32, #tpu.memory_space<vmem>>)
    %mul3A_2809 = arith.constant 128 : i32
    %mul3A_2810 = arith.muli %add3A, %mul3A_2809 : i32
    %dma_start3A_2811 = arith.constant 1 : i32
    %dma_start3A_2812 = arith.constant 46 : i32
    %dma_start3A_2813 = arith.constant 0 : i32
    %dma_start3A_2814 = arith.constant 0 : i32
    %dma_start3A_2815 = tpu.memref_slice %arg6[%dma_start3A_2811, %dma_start3A_2813, %dma_start3A_2814] : memref<3x128x32xf32, #tpu.memory_space<vmem>> -> memref<1x128x32xf32, #tpu.memory_space<vmem>>
    %dma_start3A_2816 = tpu.memref_squeeze %dma_start3A_2815 : memref<1x128x32xf32, #tpu.memory_space<vmem>> -> memref<128x32xf32, #tpu.memory_space<vmem>>
    %dma_start3A_2817 = arith.constant 0 : i32
    %dma_start3A_2818 = tpu.memref_slice %arg4[%mul3A_2810, %dma_start3A_2812, %dma_start3A_2817] : memref<4096x50x32xf32, #tpu.memory_space<hbm>> -> memref<128x1x32xf32, #tpu.memory_space<hbm>>
    %dma_start3A_2819 = tpu.memref_squeeze %dma_start3A_2818 : memref<128x1x32xf32, #tpu.memory_space<hbm>> -> memref<128x32xf32, #tpu.memory_space<hbm>>
    %dma_start3A_2820 = arith.constant 0 : i32
    %dma_start3A_2821 = tpu.memref_slice %arg4[%mul3A_2810, %dma_start3A_2812, %dma_start3A_2820] : memref<4096x50x32xf32, #tpu.memory_space<hbm>> -> memref<128x1x32xf32, #tpu.memory_space<hbm>>
    %dma_start3A_2822 = tpu.memref_squeeze %dma_start3A_2821 : memref<128x1x32xf32, #tpu.memory_space<hbm>> -> memref<128x32xf32, #tpu.memory_space<hbm>>
    %dma_start3A_2823 = arith.constant 0 : i32
    %dma_start3A_2824 = arith.constant 0 : i32
    %dma_start3A_2825 = tpu.memref_slice %arg6[%dma_start3A_2811, %dma_start3A_2823, %dma_start3A_2824] : memref<3x128x32xf32, #tpu.memory_space<vmem>> -> memref<1x128x32xf32, #tpu.memory_space<vmem>>
    %dma_start3A_2826 = tpu.memref_squeeze %dma_start3A_2825 : memref<1x128x32xf32, #tpu.memory_space<vmem>> -> memref<128x32xf32, #tpu.memory_space<vmem>>
    tpu.enqueue_dma source(%dma_start3A_2826 : memref<128x32xf32, #tpu.memory_space<vmem>>) target(%dma_start3A_2822 : memref<128x32xf32, #tpu.memory_space<hbm>>) target_semaphore(%arg11 : memref<!tpu.dma_semaphore, #tpu.memory_space<semaphore_mem>>)
    %mul3A_2827 = arith.constant 128 : i32
    %mul3A_2828 = arith.muli %add3A, %mul3A_2827 : i32
    %dma_wait3A_2829 = arith.constant 1 : i32
    %dma_wait3A_2830 = arith.constant 46 : i32
    %dma_wait3A_2831 = arith.constant 0 : i32
    %dma_wait3A_2832 = arith.constant 0 : i32
    %dma_wait3A_2833 = tpu.memref_slice %arg6[%dma_wait3A_2829, %dma_wait3A_2831, %dma_wait3A_2832] : memref<3x128x32xf32, #tpu.memory_space<vmem>> -> memref<1x128x32xf32, #tpu.memory_space<vmem>>
    %dma_wait3A_2834 = tpu.memref_squeeze %dma_wait3A_2833 : memref<1x128x32xf32, #tpu.memory_space<vmem>> -> memref<128x32xf32, #tpu.memory_space<vmem>>
    %dma_wait3A_2835 = arith.constant 0 : i32
    %dma_wait3A_2836 = tpu.memref_slice %arg4[%mul3A_2828, %dma_wait3A_2830, %dma_wait3A_2835] : memref<4096x50x32xf32, #tpu.memory_space<hbm>> -> memref<128x1x32xf32, #tpu.memory_space<hbm>>
    %dma_wait3A_2837 = tpu.memref_squeeze %dma_wait3A_2836 : memref<128x1x32xf32, #tpu.memory_space<hbm>> -> memref<128x32xf32, #tpu.memory_space<hbm>>
    %dma_wait3A_2838 = arith.constant 0 : i32
    %dma_wait3A_2839 = tpu.memref_slice %arg4[%mul3A_2828, %dma_wait3A_2830, %dma_wait3A_2838] : memref<4096x50x32xf32, #tpu.memory_space<hbm>> -> memref<128x1x32xf32, #tpu.memory_space<hbm>>
    %dma_wait3A_2840 = tpu.memref_squeeze %dma_wait3A_2839 : memref<128x1x32xf32, #tpu.memory_space<hbm>> -> memref<128x32xf32, #tpu.memory_space<hbm>>
    %dma_wait3A_2841 = arith.constant 0 : i32
    %dma_wait3A_2842 = arith.constant 0 : i32
    %dma_wait3A_2843 = tpu.memref_slice %arg6[%dma_wait3A_2829, %dma_wait3A_2841, %dma_wait3A_2842] : memref<3x128x32xf32, #tpu.memory_space<vmem>> -> memref<1x128x32xf32, #tpu.memory_space<vmem>>
    %dma_wait3A_2844 = tpu.memref_squeeze %dma_wait3A_2843 : memref<1x128x32xf32, #tpu.memory_space<vmem>> -> memref<128x32xf32, #tpu.memory_space<vmem>>
    tpu.wait_dma2 semaphore(%arg11 : memref<!tpu.dma_semaphore, #tpu.memory_space<semaphore_mem>>) src(%dma_wait3A_2844 : memref<128x32xf32, #tpu.memory_space<vmem>>) dst(%dma_wait3A_2840 : memref<128x32xf32, #tpu.memory_space<hbm>>)
    %dma_start3A_2845 = arith.constant 49 : i32
    %dma_start3A_2846 = arith.constant 1 : i32
    %dma_start3A_2847 = arith.constant 0 : i32
    %dma_start3A_2848 = arith.constant 0 : i32
    %dma_start3A_2849 = tpu.memref_slice %arg6[%dma_start3A_2846, %dma_start3A_2847, %dma_start3A_2848] : memref<3x128x32xf32, #tpu.memory_space<vmem>> -> memref<1x128x32xf32, #tpu.memory_space<vmem>>
    %dma_start3A_2850 = tpu.memref_squeeze %dma_start3A_2849 : memref<1x128x32xf32, #tpu.memory_space<vmem>> -> memref<128x32xf32, #tpu.memory_space<vmem>>
    %dma_start3A_2851 = arith.constant 0 : i32
    %dma_start3A_2852 = tpu.memref_slice %arg5[%dma_start3A_2845, %dma_start3A_2851] : memref<50x128xi32, #tpu.memory_space<vmem>> -> memref<1x128xi32, #tpu.memory_space<vmem>>
    %dma_start3A_2853 = tpu.memref_squeeze %dma_start3A_2852 : memref<1x128xi32, #tpu.memory_space<vmem>> -> memref<128xi32, #tpu.memory_space<vmem>>
    %dma_start3A_2854 = arith.constant 0 : i32
    %dma_start3A_2855 = arith.constant 0 : i32
    %dma_start3A_2856 = tpu.memref_slice %arg3[%dma_start3A_2854, %dma_start3A_2855] : memref<1000000x32xf32, #tpu.memory_space<hbm>> -> memref<1000000x32xf32, #tpu.memory_space<hbm>>
    tpu.enqueue_indirect_dma source(%dma_start3A_2856 : memref<1000000x32xf32, #tpu.memory_space<hbm>>) target(%dma_start3A_2850 : memref<128x32xf32, #tpu.memory_space<vmem>>) offsets(%dma_start3A_2853 : memref<128xi32, #tpu.memory_space<vmem>>) semaphore(%arg8 : memref<!tpu.dma_semaphore, #tpu.memory_space<semaphore_mem>>)
    %dma_wait3A_2857 = arith.constant 47 : i32
    %dma_wait3A_2858 = arith.constant 2 : i32
    %dma_wait3A_2859 = arith.constant 0 : i32
    %dma_wait3A_2860 = arith.constant 0 : i32
    %dma_wait3A_2861 = tpu.memref_slice %arg6[%dma_wait3A_2858, %dma_wait3A_2859, %dma_wait3A_2860] : memref<3x128x32xf32, #tpu.memory_space<vmem>> -> memref<1x128x32xf32, #tpu.memory_space<vmem>>
    %dma_wait3A_2862 = tpu.memref_squeeze %dma_wait3A_2861 : memref<1x128x32xf32, #tpu.memory_space<vmem>> -> memref<128x32xf32, #tpu.memory_space<vmem>>
    %dma_wait3A_2863 = arith.constant 0 : i32
    %dma_wait3A_2864 = tpu.memref_slice %arg5[%dma_wait3A_2857, %dma_wait3A_2863] : memref<50x128xi32, #tpu.memory_space<vmem>> -> memref<1x128xi32, #tpu.memory_space<vmem>>
    %dma_wait3A_2865 = tpu.memref_squeeze %dma_wait3A_2864 : memref<1x128xi32, #tpu.memory_space<vmem>> -> memref<128xi32, #tpu.memory_space<vmem>>
    %dma_wait3A_2866 = arith.constant 0 : i32
    %dma_wait3A_2867 = arith.constant 0 : i32
    %dma_wait3A_2868 = tpu.memref_slice %arg3[%dma_wait3A_2866, %dma_wait3A_2867] : memref<1000000x32xf32, #tpu.memory_space<hbm>> -> memref<1000000x32xf32, #tpu.memory_space<hbm>>
    tpu.wait_indirect_dma semaphore(%arg9 : memref<!tpu.dma_semaphore, #tpu.memory_space<semaphore_mem>>) src(%dma_wait3A_2868 : memref<1000000x32xf32, #tpu.memory_space<hbm>>) dst(%dma_wait3A_2862 : memref<128x32xf32, #tpu.memory_space<vmem>>)
    %mul3A_2869 = arith.constant 128 : i32
    %mul3A_2870 = arith.muli %add3A, %mul3A_2869 : i32
    %dma_start3A_2871 = arith.constant 2 : i32
    %dma_start3A_2872 = arith.constant 47 : i32
    %dma_start3A_2873 = arith.constant 0 : i32
    %dma_start3A_2874 = arith.constant 0 : i32
    %dma_start3A_2875 = tpu.memref_slice %arg6[%dma_start3A_2871, %dma_start3A_2873, %dma_start3A_2874] : memref<3x128x32xf32, #tpu.memory_space<vmem>> -> memref<1x128x32xf32, #tpu.memory_space<vmem>>
    %dma_start3A_2876 = tpu.memref_squeeze %dma_start3A_2875 : memref<1x128x32xf32, #tpu.memory_space<vmem>> -> memref<128x32xf32, #tpu.memory_space<vmem>>
    %dma_start3A_2877 = arith.constant 0 : i32
    %dma_start3A_2878 = tpu.memref_slice %arg4[%mul3A_2870, %dma_start3A_2872, %dma_start3A_2877] : memref<4096x50x32xf32, #tpu.memory_space<hbm>> -> memref<128x1x32xf32, #tpu.memory_space<hbm>>
    %dma_start3A_2879 = tpu.memref_squeeze %dma_start3A_2878 : memref<128x1x32xf32, #tpu.memory_space<hbm>> -> memref<128x32xf32, #tpu.memory_space<hbm>>
    %dma_start3A_2880 = arith.constant 0 : i32
    %dma_start3A_2881 = tpu.memref_slice %arg4[%mul3A_2870, %dma_start3A_2872, %dma_start3A_2880] : memref<4096x50x32xf32, #tpu.memory_space<hbm>> -> memref<128x1x32xf32, #tpu.memory_space<hbm>>
    %dma_start3A_2882 = tpu.memref_squeeze %dma_start3A_2881 : memref<128x1x32xf32, #tpu.memory_space<hbm>> -> memref<128x32xf32, #tpu.memory_space<hbm>>
    %dma_start3A_2883 = arith.constant 0 : i32
    %dma_start3A_2884 = arith.constant 0 : i32
    %dma_start3A_2885 = tpu.memref_slice %arg6[%dma_start3A_2871, %dma_start3A_2883, %dma_start3A_2884] : memref<3x128x32xf32, #tpu.memory_space<vmem>> -> memref<1x128x32xf32, #tpu.memory_space<vmem>>
    %dma_start3A_2886 = tpu.memref_squeeze %dma_start3A_2885 : memref<1x128x32xf32, #tpu.memory_space<vmem>> -> memref<128x32xf32, #tpu.memory_space<vmem>>
    tpu.enqueue_dma source(%dma_start3A_2886 : memref<128x32xf32, #tpu.memory_space<vmem>>) target(%dma_start3A_2882 : memref<128x32xf32, #tpu.memory_space<hbm>>) target_semaphore(%arg12 : memref<!tpu.dma_semaphore, #tpu.memory_space<semaphore_mem>>)
    %dma_wait3A_2887 = arith.constant 48 : i32
    %dma_wait3A_2888 = arith.constant 0 : i32
    %dma_wait3A_2889 = arith.constant 0 : i32
    %dma_wait3A_2890 = arith.constant 0 : i32
    %dma_wait3A_2891 = tpu.memref_slice %arg6[%dma_wait3A_2888, %dma_wait3A_2889, %dma_wait3A_2890] : memref<3x128x32xf32, #tpu.memory_space<vmem>> -> memref<1x128x32xf32, #tpu.memory_space<vmem>>
    %dma_wait3A_2892 = tpu.memref_squeeze %dma_wait3A_2891 : memref<1x128x32xf32, #tpu.memory_space<vmem>> -> memref<128x32xf32, #tpu.memory_space<vmem>>
    %dma_wait3A_2893 = arith.constant 0 : i32
    %dma_wait3A_2894 = tpu.memref_slice %arg5[%dma_wait3A_2887, %dma_wait3A_2893] : memref<50x128xi32, #tpu.memory_space<vmem>> -> memref<1x128xi32, #tpu.memory_space<vmem>>
    %dma_wait3A_2895 = tpu.memref_squeeze %dma_wait3A_2894 : memref<1x128xi32, #tpu.memory_space<vmem>> -> memref<128xi32, #tpu.memory_space<vmem>>
    %dma_wait3A_2896 = arith.constant 0 : i32
    %dma_wait3A_2897 = arith.constant 0 : i32
    %dma_wait3A_2898 = tpu.memref_slice %arg3[%dma_wait3A_2896, %dma_wait3A_2897] : memref<1000000x32xf32, #tpu.memory_space<hbm>> -> memref<1000000x32xf32, #tpu.memory_space<hbm>>
    tpu.wait_indirect_dma semaphore(%arg7 : memref<!tpu.dma_semaphore, #tpu.memory_space<semaphore_mem>>) src(%dma_wait3A_2898 : memref<1000000x32xf32, #tpu.memory_space<hbm>>) dst(%dma_wait3A_2892 : memref<128x32xf32, #tpu.memory_space<vmem>>)
    %mul3A_2899 = arith.constant 128 : i32
    %mul3A_2900 = arith.muli %add3A, %mul3A_2899 : i32
    %dma_start3A_2901 = arith.constant 0 : i32
    %dma_start3A_2902 = arith.constant 48 : i32
    %dma_start3A_2903 = arith.constant 0 : i32
    %dma_start3A_2904 = arith.constant 0 : i32
    %dma_start3A_2905 = tpu.memref_slice %arg6[%dma_start3A_2901, %dma_start3A_2903, %dma_start3A_2904] : memref<3x128x32xf32, #tpu.memory_space<vmem>> -> memref<1x128x32xf32, #tpu.memory_space<vmem>>
    %dma_start3A_2906 = tpu.memref_squeeze %dma_start3A_2905 : memref<1x128x32xf32, #tpu.memory_space<vmem>> -> memref<128x32xf32, #tpu.memory_space<vmem>>
    %dma_start3A_2907 = arith.constant 0 : i32
    %dma_start3A_2908 = tpu.memref_slice %arg4[%mul3A_2900, %dma_start3A_2902, %dma_start3A_2907] : memref<4096x50x32xf32, #tpu.memory_space<hbm>> -> memref<128x1x32xf32, #tpu.memory_space<hbm>>
    %dma_start3A_2909 = tpu.memref_squeeze %dma_start3A_2908 : memref<128x1x32xf32, #tpu.memory_space<hbm>> -> memref<128x32xf32, #tpu.memory_space<hbm>>
    %dma_start3A_2910 = arith.constant 0 : i32
    %dma_start3A_2911 = tpu.memref_slice %arg4[%mul3A_2900, %dma_start3A_2902, %dma_start3A_2910] : memref<4096x50x32xf32, #tpu.memory_space<hbm>> -> memref<128x1x32xf32, #tpu.memory_space<hbm>>
    %dma_start3A_2912 = tpu.memref_squeeze %dma_start3A_2911 : memref<128x1x32xf32, #tpu.memory_space<hbm>> -> memref<128x32xf32, #tpu.memory_space<hbm>>
    %dma_start3A_2913 = arith.constant 0 : i32
    %dma_start3A_2914 = arith.constant 0 : i32
    %dma_start3A_2915 = tpu.memref_slice %arg6[%dma_start3A_2901, %dma_start3A_2913, %dma_start3A_2914] : memref<3x128x32xf32, #tpu.memory_space<vmem>> -> memref<1x128x32xf32, #tpu.memory_space<vmem>>
    %dma_start3A_2916 = tpu.memref_squeeze %dma_start3A_2915 : memref<1x128x32xf32, #tpu.memory_space<vmem>> -> memref<128x32xf32, #tpu.memory_space<vmem>>
    tpu.enqueue_dma source(%dma_start3A_2916 : memref<128x32xf32, #tpu.memory_space<vmem>>) target(%dma_start3A_2912 : memref<128x32xf32, #tpu.memory_space<hbm>>) target_semaphore(%arg10 : memref<!tpu.dma_semaphore, #tpu.memory_space<semaphore_mem>>)
    %dma_wait3A_2917 = arith.constant 49 : i32
    %dma_wait3A_2918 = arith.constant 1 : i32
    %dma_wait3A_2919 = arith.constant 0 : i32
    %dma_wait3A_2920 = arith.constant 0 : i32
    %dma_wait3A_2921 = tpu.memref_slice %arg6[%dma_wait3A_2918, %dma_wait3A_2919, %dma_wait3A_2920] : memref<3x128x32xf32, #tpu.memory_space<vmem>> -> memref<1x128x32xf32, #tpu.memory_space<vmem>>
    %dma_wait3A_2922 = tpu.memref_squeeze %dma_wait3A_2921 : memref<1x128x32xf32, #tpu.memory_space<vmem>> -> memref<128x32xf32, #tpu.memory_space<vmem>>
    %dma_wait3A_2923 = arith.constant 0 : i32
    %dma_wait3A_2924 = tpu.memref_slice %arg5[%dma_wait3A_2917, %dma_wait3A_2923] : memref<50x128xi32, #tpu.memory_space<vmem>> -> memref<1x128xi32, #tpu.memory_space<vmem>>
    %dma_wait3A_2925 = tpu.memref_squeeze %dma_wait3A_2924 : memref<1x128xi32, #tpu.memory_space<vmem>> -> memref<128xi32, #tpu.memory_space<vmem>>
    %dma_wait3A_2926 = arith.constant 0 : i32
    %dma_wait3A_2927 = arith.constant 0 : i32
    %dma_wait3A_2928 = tpu.memref_slice %arg3[%dma_wait3A_2926, %dma_wait3A_2927] : memref<1000000x32xf32, #tpu.memory_space<hbm>> -> memref<1000000x32xf32, #tpu.memory_space<hbm>>
    tpu.wait_indirect_dma semaphore(%arg8 : memref<!tpu.dma_semaphore, #tpu.memory_space<semaphore_mem>>) src(%dma_wait3A_2928 : memref<1000000x32xf32, #tpu.memory_space<hbm>>) dst(%dma_wait3A_2922 : memref<128x32xf32, #tpu.memory_space<vmem>>)
    %mul3A_2929 = arith.constant 128 : i32
    %mul3A_2930 = arith.muli %add3A, %mul3A_2929 : i32
    %dma_start3A_2931 = arith.constant 1 : i32
    %dma_start3A_2932 = arith.constant 49 : i32
    %dma_start3A_2933 = arith.constant 0 : i32
    %dma_start3A_2934 = arith.constant 0 : i32
    %dma_start3A_2935 = tpu.memref_slice %arg6[%dma_start3A_2931, %dma_start3A_2933, %dma_start3A_2934] : memref<3x128x32xf32, #tpu.memory_space<vmem>> -> memref<1x128x32xf32, #tpu.memory_space<vmem>>
    %dma_start3A_2936 = tpu.memref_squeeze %dma_start3A_2935 : memref<1x128x32xf32, #tpu.memory_space<vmem>> -> memref<128x32xf32, #tpu.memory_space<vmem>>
    %dma_start3A_2937 = arith.constant 0 : i32
    %dma_start3A_2938 = tpu.memref_slice %arg4[%mul3A_2930, %dma_start3A_2932, %dma_start3A_2937] : memref<4096x50x32xf32, #tpu.memory_space<hbm>> -> memref<128x1x32xf32, #tpu.memory_space<hbm>>
    %dma_start3A_2939 = tpu.memref_squeeze %dma_start3A_2938 : memref<128x1x32xf32, #tpu.memory_space<hbm>> -> memref<128x32xf32, #tpu.memory_space<hbm>>
    %dma_start3A_2940 = arith.constant 0 : i32
    %dma_start3A_2941 = tpu.memref_slice %arg4[%mul3A_2930, %dma_start3A_2932, %dma_start3A_2940] : memref<4096x50x32xf32, #tpu.memory_space<hbm>> -> memref<128x1x32xf32, #tpu.memory_space<hbm>>
    %dma_start3A_2942 = tpu.memref_squeeze %dma_start3A_2941 : memref<128x1x32xf32, #tpu.memory_space<hbm>> -> memref<128x32xf32, #tpu.memory_space<hbm>>
    %dma_start3A_2943 = arith.constant 0 : i32
    %dma_start3A_2944 = arith.constant 0 : i32
    %dma_start3A_2945 = tpu.memref_slice %arg6[%dma_start3A_2931, %dma_start3A_2943, %dma_start3A_2944] : memref<3x128x32xf32, #tpu.memory_space<vmem>> -> memref<1x128x32xf32, #tpu.memory_space<vmem>>
    %dma_start3A_2946 = tpu.memref_squeeze %dma_start3A_2945 : memref<1x128x32xf32, #tpu.memory_space<vmem>> -> memref<128x32xf32, #tpu.memory_space<vmem>>
    tpu.enqueue_dma source(%dma_start3A_2946 : memref<128x32xf32, #tpu.memory_space<vmem>>) target(%dma_start3A_2942 : memref<128x32xf32, #tpu.memory_space<hbm>>) target_semaphore(%arg11 : memref<!tpu.dma_semaphore, #tpu.memory_space<semaphore_mem>>)
    %mul3A_2947 = arith.constant 128 : i32
    %mul3A_2948 = arith.muli %add3A, %mul3A_2947 : i32
    %dma_wait3A_2949 = arith.constant 0 : i32
    %dma_wait3A_2950 = arith.constant 48 : i32
    %dma_wait3A_2951 = arith.constant 0 : i32
    %dma_wait3A_2952 = arith.constant 0 : i32
    %dma_wait3A_2953 = tpu.memref_slice %arg6[%dma_wait3A_2949, %dma_wait3A_2951, %dma_wait3A_2952] : memref<3x128x32xf32, #tpu.memory_space<vmem>> -> memref<1x128x32xf32, #tpu.memory_space<vmem>>
    %dma_wait3A_2954 = tpu.memref_squeeze %dma_wait3A_2953 : memref<1x128x32xf32, #tpu.memory_space<vmem>> -> memref<128x32xf32, #tpu.memory_space<vmem>>
    %dma_wait3A_2955 = arith.constant 0 : i32
    %dma_wait3A_2956 = tpu.memref_slice %arg4[%mul3A_2948, %dma_wait3A_2950, %dma_wait3A_2955] : memref<4096x50x32xf32, #tpu.memory_space<hbm>> -> memref<128x1x32xf32, #tpu.memory_space<hbm>>
    %dma_wait3A_2957 = tpu.memref_squeeze %dma_wait3A_2956 : memref<128x1x32xf32, #tpu.memory_space<hbm>> -> memref<128x32xf32, #tpu.memory_space<hbm>>
    %dma_wait3A_2958 = arith.constant 0 : i32
    %dma_wait3A_2959 = tpu.memref_slice %arg4[%mul3A_2948, %dma_wait3A_2950, %dma_wait3A_2958] : memref<4096x50x32xf32, #tpu.memory_space<hbm>> -> memref<128x1x32xf32, #tpu.memory_space<hbm>>
    %dma_wait3A_2960 = tpu.memref_squeeze %dma_wait3A_2959 : memref<128x1x32xf32, #tpu.memory_space<hbm>> -> memref<128x32xf32, #tpu.memory_space<hbm>>
    %dma_wait3A_2961 = arith.constant 0 : i32
    %dma_wait3A_2962 = arith.constant 0 : i32
    %dma_wait3A_2963 = tpu.memref_slice %arg6[%dma_wait3A_2949, %dma_wait3A_2961, %dma_wait3A_2962] : memref<3x128x32xf32, #tpu.memory_space<vmem>> -> memref<1x128x32xf32, #tpu.memory_space<vmem>>
    %dma_wait3A_2964 = tpu.memref_squeeze %dma_wait3A_2963 : memref<1x128x32xf32, #tpu.memory_space<vmem>> -> memref<128x32xf32, #tpu.memory_space<vmem>>
    tpu.wait_dma2 semaphore(%arg10 : memref<!tpu.dma_semaphore, #tpu.memory_space<semaphore_mem>>) src(%dma_wait3A_2964 : memref<128x32xf32, #tpu.memory_space<vmem>>) dst(%dma_wait3A_2960 : memref<128x32xf32, #tpu.memory_space<hbm>>)
    %mul3A_2965 = arith.constant 128 : i32
    %mul3A_2966 = arith.muli %add3A, %mul3A_2965 : i32
    %dma_wait3A_2967 = arith.constant 1 : i32
    %dma_wait3A_2968 = arith.constant 49 : i32
    %dma_wait3A_2969 = arith.constant 0 : i32
    %dma_wait3A_2970 = arith.constant 0 : i32
    %dma_wait3A_2971 = tpu.memref_slice %arg6[%dma_wait3A_2967, %dma_wait3A_2969, %dma_wait3A_2970] : memref<3x128x32xf32, #tpu.memory_space<vmem>> -> memref<1x128x32xf32, #tpu.memory_space<vmem>>
    %dma_wait3A_2972 = tpu.memref_squeeze %dma_wait3A_2971 : memref<1x128x32xf32, #tpu.memory_space<vmem>> -> memref<128x32xf32, #tpu.memory_space<vmem>>
    %dma_wait3A_2973 = arith.constant 0 : i32
    %dma_wait3A_2974 = tpu.memref_slice %arg4[%mul3A_2966, %dma_wait3A_2968, %dma_wait3A_2973] : memref<4096x50x32xf32, #tpu.memory_space<hbm>> -> memref<128x1x32xf32, #tpu.memory_space<hbm>>
    %dma_wait3A_2975 = tpu.memref_squeeze %dma_wait3A_2974 : memref<128x1x32xf32, #tpu.memory_space<hbm>> -> memref<128x32xf32, #tpu.memory_space<hbm>>
    %dma_wait3A_2976 = arith.constant 0 : i32
    %dma_wait3A_2977 = tpu.memref_slice %arg4[%mul3A_2966, %dma_wait3A_2968, %dma_wait3A_2976] : memref<4096x50x32xf32, #tpu.memory_space<hbm>> -> memref<128x1x32xf32, #tpu.memory_space<hbm>>
    %dma_wait3A_2978 = tpu.memref_squeeze %dma_wait3A_2977 : memref<128x1x32xf32, #tpu.memory_space<hbm>> -> memref<128x32xf32, #tpu.memory_space<hbm>>
    %dma_wait3A_2979 = arith.constant 0 : i32
    %dma_wait3A_2980 = arith.constant 0 : i32
    %dma_wait3A_2981 = tpu.memref_slice %arg6[%dma_wait3A_2967, %dma_wait3A_2979, %dma_wait3A_2980] : memref<3x128x32xf32, #tpu.memory_space<vmem>> -> memref<1x128x32xf32, #tpu.memory_space<vmem>>
    %dma_wait3A_2982 = tpu.memref_squeeze %dma_wait3A_2981 : memref<1x128x32xf32, #tpu.memory_space<vmem>> -> memref<128x32xf32, #tpu.memory_space<vmem>>
    tpu.wait_dma2 semaphore(%arg11 : memref<!tpu.dma_semaphore, #tpu.memory_space<semaphore_mem>>) src(%dma_wait3A_2982 : memref<128x32xf32, #tpu.memory_space<vmem>>) dst(%dma_wait3A_2978 : memref<128x32xf32, #tpu.memory_space<hbm>>)
    return
  }
}

</mosaic_0001>

<sc_bundles>
// kernel: kernel.3.cloned.1.call-start
scs
__scs_entry_jumppad:
0x0: {  	(pc) =	sbr.rel $0x88, $3  }
0x1: {  	(tag) =	ssettag $0x0;
	lr =	simm.s32 $0x1  }
0x2: {  	[smem:$0x3F9F] =	sst lr;
	_ =	strace $0xD0000000  }
0x3: {  	_ = 	snop  }
0x4: {  	_ = 	snop  }
0x5: {  	_ = 	snop  }
0x6: {  	_ = 	snop  }
0x7: {  	_ = 	snop  }
__scs_overlays_trampoline_lowered:
0x8: {  	[smem:$0x3FAE] =	sst s0  }
0x9: {  	[smem:$0x3FAF] =	sst s1  }
0xa: {  	[smem:$0x3FB0] =	sst s2  }
0xb: {  	[smem:$0x3FB1] =	sst s3  }
0xc: {  	[smem:$0x3FB2] =	sst s4  }
0xd: {  	[smem:$0x3FB3] =	sst s5  }
0xe: {  	[smem:$0x3FB4] =	sst s6  }
0xf: {  	[smem:$0x3FB5] =	sst s7  }
0x10: {  	[smem:$0x3FB6] =	sst s8  }
0x11: {  	[smem:$0x3FB7] =	sst s9;
	s0 =	simm.s32 @!p0 $0x0  }
0x12: {  	s1 =	sld [smem:$0x3F9D];
	s0 =	simm.s32 @p0 $0x1  }
0x13: {  	[smem:$0x3FB8] =	sst s0;
	s0 =	simm.s32 @!p1 $0x0  }
0x14: {  	s2 =	sld [smem:$0x3F9C];
	s0 =	simm.s32 @p1 $0x1  }
0x15: {  	[smem:$0x3FB9] =	sst s0;
	s0 =	simm.s32 @!p2 $0x0  }
0x16: {  	s3 =	sld [smem:$0x3FDB];
	s0 =	simm.s32 @p2 $0x1  }
0x17: {  	s4 =	simm.s32 $0x1BF5;
	[smem:$0x3FBB] =	sst s0  }
0x18: {  	s0 =	sld [smem:$0x3F9E];
	_ =	swait.ge [sflag:s4], $0x0  }
0x19: {  	s7 =	sld [smem:$0x3F9F]  }
0x1a: {  	s8 =	sadd.s32 $0xFFFFE003, lr  }
0x1b: {  	s9 =	sadd.s32 $0xFFFFFEF7, lr;
	s5 =	simm.s32 $0xFFFFFFFF;
	p2 =	slt.u32 s8, $0xFFFFF086  }
0x1c: {  	p1 =	slt.u32 s9, $0xF7A;
	s5 =	simm.s32 @!p2 $0x0  }
0x1d: {  	s5 =	simm.s32 @p1 $0x1;
	p0 =	seq.s32 s7, s2  }
0x1e: {  	s7 =	smul.u32 @!p0 $0xF7A, s2;
	p2 =	seq.s32 @!p0 s5, $0x0  }
0x1f: {  	s9 =	smul.u32 $0xF7A, s1;
	s8 =	simm.s32 @!p0 $0x1BF5;
	p2 =	por !p2, p0  }
0x20: {  	[sflag:s8] =	ssyncset.s32 @!p0 $0xFFFFF086;
	s6 =	sadd.s32 @!p0 s3, s7;
	s7 =	simm.s32 @!p0 $0x108  }
0x21: {  	s3 =	sadd.s32 s3, s9;
	s6 =	sadd.s32 @!p0 $0x88, s6;
	s7 =	simm.s32 @p2 $0x1082  }
0x22: {  	[simem:s7], [sflag:s8] =	dma.local @!p0 [hbm:s6], $0xF7A  }
0x23: {  	s9 =	sor.u32 $0xD0000000, s2;
	s6 =	simm.s32 $0x108;
	_ =	swait.ge @!p0 [sflag:s8], $0x0  }
0x24: {  	s3 =	sadd.s32 $0x88, s3;
	s6 =	simm.s32 @!p1 $0x1082;
	[sflag:s4] =	ssyncset.s32 $0xFFFFF086  }
0x25: {  	[simem:s6], [sflag:s4] =	dma.local [hbm:s3], $0xF7A  }
0x26: {  	[smem:$0x3F9F] =	sst s1;
	(tag) =	ssettag s2;
	_ =	strace s9  }
0x27: {  	s1 =	sld [smem:$0x3FAF]  }
0x28: {  	s2 =	sld [smem:$0x3FB0]  }
0x29: {  	s4 =	sld [smem:$0x3FB2]  }
0x2a: {  	p0 =	seq.s32 s5, $0x0;
	s5 =	sld [smem:$0x3FB3]  }
0x2b: {  	s6 =	sld [smem:$0x3FB4]  }
0x2c: {  	s7 =	sld [smem:$0x3FB5]  }
0x2d: {  	s3 =	simm.s32 $0x108;
	s8 =	sld [smem:$0x3FB6]  }
0x2e: {  	s3 =	simm.s32 @!p0 $0x1082;
	s9 =	sld [smem:$0x3FB7]  }
0x2f: {  	lr =	sadd.s32 s0, s3;
	s0 =	sld [smem:$0x3FAE]  }
0x30: {  	s3 =	sld [smem:$0x3FB1]  }
0x31: {  	[smem:$0x3FBA] =	sst s10  }
0x32: {  	s10 =	sld [smem:$0x3FB8];
	_ =	sdelay $0x3  }
0x33: {  	p0 =	seq.s32 s10, $0x1;
	s10 =	sld [smem:$0x3FBA];
	_ =	sdelay $0x3  }
0x34: {  	[smem:$0x3FBA] =	sst s10  }
0x35: {  	s10 =	sld [smem:$0x3FB9];
	_ =	sdelay $0x3  }
0x36: {  	p1 =	seq.s32 s10, $0x1;
	s10 =	sld [smem:$0x3FBA];
	_ =	sdelay $0x3  }
0x37: {  	[smem:$0x3FBA] =	sst s10  }
0x38: {  	s10 =	sld [smem:$0x3FBB]  }
0x39: {  	_ = 	snop;
	(pc) =	sbr.ind lr, $3  }
0x3a: {  	_ = 	snop  }
0x3b: {  	_ = 	snop  }
0x3c: {  	p2 =	seq.s32 s10, $0x1;
	s10 =	sld [smem:$0x3FBA]  }
0x3d: {  	_ =	shalt  }
0x3e: {  	_ =	shalt  }
0x3f: {  	_ =	shalt  }
0x40: {  	_ =	shalt  }
0x41: {  	_ =	shalt  }
0x42: {  	_ =	shalt  }
0x43: {  	_ =	shalt  }
0x44: {  	_ =	shalt  }
0x45: {  	_ =	shalt  }
0x46: {  	_ =	shalt  }
0x47: {  	_ =	shalt  }
0x48: {  	_ =	shalt  }
0x49: {  	_ =	shalt  }
0x4a: {  	_ =	shalt  }
0x4b: {  	_ =	shalt  }
0x4c: {  	_ =	shalt  }
0x4d: {  	_ =	shalt  }
0x4e: {  	_ =	shalt  }
0x4f: {  	_ =	shalt  }
0x50: {  	_ =	shalt  }
0x51: {  	_ =	shalt  }
0x52: {  	_ =	shalt  }
0x53: {  	_ =	shalt  }
0x54: {  	_ =	shalt  }
0x55: {  	_ =	shalt  }
0x56: {  	_ =	shalt  }
0x57: {  	_ =	shalt  }
0x58: {  	_ =	shalt  }
0x59: {  	_ =	shalt  }
0x5a: {  	_ =	shalt  }
0x5b: {  	_ =	shalt  }
0x5c: {  	_ =	shalt  }
0x5d: {  	_ =	shalt  }
0x5e: {  	_ =	shalt  }
0x5f: {  	_ =	shalt  }
0x60: {  	_ =	shalt  }
0x61: {  	_ =	shalt  }
0x62: {  	_ =	shalt  }
0x63: {  	_ =	shalt  }
0x64: {  	_ =	shalt  }
0x65: {  	_ =	shalt  }
0x66: {  	_ =	shalt  }
0x67: {  	_ =	shalt  }
0x68: {  	_ =	shalt  }
0x69: {  	_ =	shalt  }
0x6a: {  	_ =	shalt  }
0x6b: {  	_ =	shalt  }
0x6c: {  	_ =	shalt  }
0x6d: {  	_ =	shalt  }
0x6e: {  	_ =	shalt  }
0x6f: {  	_ =	shalt  }
0x70: {  	_ =	shalt  }
0x71: {  	_ =	shalt  }
0x72: {  	_ =	shalt  }
0x73: {  	_ =	shalt  }
0x74: {  	_ =	shalt  }
0x75: {  	_ =	shalt  }
0x76: {  	_ =	shalt  }
0x77: {  	_ =	shalt  }
0x78: {  	_ =	shalt  }
0x79: {  	_ =	shalt  }
0x7a: {  	_ =	shalt  }
0x7b: {  	_ =	shalt  }
0x7c: {  	_ =	shalt  }
0x7d: {  	_ =	shalt  }
0x7e: {  	_ =	shalt  }
0x7f: {  	_ =	shalt  }
0x80: {  	_ =	shalt  }
0x81: {  	_ =	shalt  }
0x82: {  	_ =	shalt  }
0x83: {  	_ =	shalt  }
0x84: {  	_ =	shalt  }
0x85: {  	_ =	shalt  }
0x86: {  	_ =	shalt  }
0x87: {  	_ =	shalt  }
.Lfunc_end0:
.L_simem_size_0:
called_computation_lowered:
.L_overlay_start_0:
0x88: {  	s2 =	sld [smem:$0x3FD9]  }
0x89: {  	s3 =	sld [smem:$0x3FFE];
	_ =	sdelay $0x1  }
0x8a: {  	s1 =	srdreg.scid  }
0x8b: {  	s0 =	sand.u32 $0x1, s1  }
0x8c: {  	s17 =	sshll.u32 s0, $0xA;
	s2 =	sadd.s32 s3, s2  }
0x8d: {  	s2 =	sadd.s32 s2, s17  }
0x8e: {  	[smem:$0x3FC6] =	sst s2  }
0x8f: {  	_ = 	snop  }
0x90: {  	s2 =	sld [smem:$0x3FD0];
	(tm) =	ssettm $0x1  }
0x91: {  	s18 =	sld [smem:$0x3FFB];
	_ =	sdelay $0x3  }
0x92: {  	_ =	strace s18  }
0x93: {  	s3 =	sld [smem:$0x3FFC];
	_ =	sdelay $0x3  }
0x94: {  	_ =	strace s3  }
0x95: {  	s3 =	sld [smem:$0x3FFD];
	_ =	sdelay $0x3  }
0x96: {  	_ =	strace s3  }
0x97: {  	_ =	strace $0x8FFFFFFF  }
0x98: {  	s19 =	sld [smem:$0x3FDB];
	_ =	sdelay $0x1  }
0x99: {  	s4 =	simm.s32 $_scs_section_size  }
0x9a: {  	s5 =	simm.s32 $_size__tile_overlayer_lowered;
	s6 =	simm.s32 $_tile_overlayer_lowered  }
0x9b: {  	s22 =	simm.s32 $0x1BFF;
	s21 =	sshll.u32 s6, $0x1;
	s3 =	sadd.s32 s4, s19  }
0x9c: {  	s7 =	simm.s32 $0x0;
	s20 =	sshll.u32 s5, $0x1;
	s5 =	sadd.s32 s21, s3  }
0x9d: {  	[timem:s7], [sflag:s22] =	dma.local [hbm:s5], s20  }
0x9e: {  	_ =	swait.ge [sflag:s22], s20  }
0x9f: {  	s4 =	ssub.s32 $0x0, s20;
	[sflag:s22] =	ssyncset.done $0x0  }
0xa0: {  	[sflag:s22] =	ssyncadd.s32 s4;
	_ =	sdelay $0x1  }
0xa1: {  	s23 =	simm.s32 $0x1B8B  }
0xa2: {  	_ =	swait.ge [sflag:s23], $0x1  }
0xa3: {  	[sflag:s23] =	ssyncset.done $0x0  }
0xa4: {  	s25 =	simm.s32 $0x1B8E;
	s24 =	sld [smem:$0x3FFE];
	[sflag:s23] =	ssyncadd.s32 $0xFFFFFFFF  }
0xa5: {  	s26 =	simm.s32 $execute0_lowered;
	[smem:$0x3FD2] =	sst s25  }
0xa6: {  	s5 =	sshll.u32 s26, $0x1;
	_ =	strace $0x80000046;
	[dreg:$0x1] =	wrdreg $0xFFFFFFFF  }
0xa7: {  	s28 =	simm.s32 $_size_execute0_lowered;
	s3 =	sadd.s32 s3, s5;
	[dreg:$0x0] =	wrdreg $0x0  }
0xa8: {  	s5 =	sshll.u32 s28, $0x1;
	[dreg:$0x2] =	wrdreg s3  }
0xa9: {  	[dreg:$0x3] =	wrdreg s5  }
0xaa: {  	[dreg:$0x4] =	wrdreg $0xC0  }
0xab: {  	_ =	task [dreg:s7], $0x5FFFF  }
0xac: {  	[dreg:$0x1] =	wrdreg $0xFFFFFFFF  }
0xad: {  	[dreg:$0x0] =	wrdreg $0x60  }
0xae: {  	[dreg:$0x2] =	wrdreg s24  }
0xaf: {  	[dreg:$0x3] =	wrdreg s2  }
0xb0: {  	[dreg:$0x4] =	wrdreg $0x9  }
0xb1: {  	_ =	task.clear_ibuf [dreg:s7], $0x5FFFF;
	_ =	strace $0x90000046  }
0xb2: {  	s29 =	simm.s32 $0x9;
	_ =	strace $0x80000048  }
0xb3: {  	_ =	swait.ge [sflag:s29], $0x1  }
0xb4: {  	[sflag:s29] =	ssyncadd.s32 $0xFFFFFFFF  }
0xb5: {  	_ =	strace $0x90000048  }
0xb6: {  	_ =	sfence  }
0xb7: {  	s30 =	sld [smem:$0x0];
	_ =	sdelay $0x2  }
0xb8: {  	s31 =	sshll.u32 s1, $0xD;
	s1 =	sshrl.u32 s1, $0x2  }
0xb9: {  	s3 =	sand.u32 $0x4000, s31;
	s1 =	sadd.s32 s1, s30  }
0xba: {  	s0 =	sor.u32 s3, s0;
	s1 =	sshll.u32 s1, $0x11  }
0xbb: {  	s0 =	sor.u32 s1, s0  }
0xbc: {  	s0 =	sadd.s32 $0x8F2B, s0  }
0xbd: {  	[sflag:s0] =	ssyncadd.remote.s32 $0x1  }
0xbe: {  	_ =	sfence.sel $0xFFFF  }
0xbf: {  	[dreg:$0x0] =	wrdreg $0xFFFFFFFF;
	(pc) =	sbr.abs _section_cstart, $3  }
0xc0: {  	[dreg:$0x1] =	wrdreg $0xFFFFFFFF  }
0xc1: {  	_ =	task.clear_ibuf [dreg:s7], $0x2FFFF;
	_ =	strace $0x9FFFFFFF  }
0xc2: {  	(tm) =	ssettm $0x7FFFFFFF  }
0xc3: {  	_ =	shalt  }
tec
execute0_lowered:
.L_overlay_start_1:
0x0: {  	(tag) =	ssettag $0x1  }
0x1: {  	s0 =	srdreg.scid  }
0x2: {  	s3 =	stileid.u32;
	s1 =	sand.u32 $0x1, s0  }
0x3: {  	s3 =	sshll.u32 s3, $0x8;
	s4 =	sshll.u32 s1, $0x7  }
0x4: {  	s3 =	sor.u32 s4, s3  }
0x5: {  	s2 =	rddreg [dreg:$0x0];
	s4 =	sshrl.u32 s3, $0x3;
	s3 =	smul.u32 $0xC8, s3  }
0x6: {  	s14 =	rddreg [dreg:$0x1];
	s30 =	simm.s32 $0x0;
	s4 =	sadd.s32 s4, s2  }
0x7: {  	[smem:$0x7FF] =	sst s30;
	s4 =	sadd.s32 $0x600, s4;
	s29 =	sadd.s32 s14, s3  }
0x8: {  	_ =	strace $0x80000047;
	[dreg:$0x3] =	wrdreg s4;
	s0 =	sadd.s32 $0x4, s29  }
0x9: {  	s15 =	sadd.s32 $0x8, s29;
	[dreg:$0x4] =	wrdreg s0  }
0xa: {  	s16 =	sadd.s32 $0xC, s29;
	[dreg:$0x5] =	wrdreg s15  }
0xb: {  	s17 =	sadd.s32 $0x10, s29;
	[dreg:$0x6] =	wrdreg s16  }
0xc: {  	s18 =	sadd.s32 $0x14, s29;
	[dreg:$0x7] =	wrdreg s17  }
0xd: {  	s19 =	sadd.s32 $0x18, s29;
	[dreg:$0x8] =	wrdreg s18  }
0xe: {  	s20 =	sadd.s32 $0x1C, s29;
	[dreg:$0x9] =	wrdreg s19  }
0xf: {  	s21 =	sadd.s32 $0x20, s29;
	[dreg:$0xa] =	wrdreg s20  }
0x10: {  	s22 =	sadd.s32 $0x24, s29;
	[dreg:$0xb] =	wrdreg s21  }
0x11: {  	s23 =	sadd.s32 $0x28, s29;
	[dreg:$0xc] =	wrdreg s22  }
0x12: {  	s24 =	sadd.s32 $0x2C, s29;
	[dreg:$0xd] =	wrdreg s23  }
0x13: {  	s25 =	sadd.s32 $0x30, s29;
	[dreg:$0xe] =	wrdreg s24  }
0x14: {  	s26 =	sadd.s32 $0x34, s29;
	[dreg:$0xf] =	wrdreg s25  }
0x15: {  	s3 =	sadd.s32 $0x38, s29;
	[dreg:$0x10] =	wrdreg s26  }
0x16: {  	s4 =	sadd.s32 $0x3C, s29;
	[dreg:$0x11] =	wrdreg s3  }
0x17: {  	s5 =	sadd.s32 $0x40, s29;
	[dreg:$0x12] =	wrdreg s4  }
0x18: {  	s6 =	sadd.s32 $0x44, s29;
	[dreg:$0x13] =	wrdreg s5  }
0x19: {  	s7 =	sadd.s32 $0x48, s29;
	[dreg:$0x14] =	wrdreg s6  }
0x1a: {  	s8 =	sadd.s32 $0x4C, s29;
	[dreg:$0x15] =	wrdreg s7  }
0x1b: {  	s9 =	sadd.s32 $0x50, s29;
	[dreg:$0x16] =	wrdreg s8  }
0x1c: {  	s10 =	sadd.s32 $0x54, s29;
	[dreg:$0x17] =	wrdreg s9  }
0x1d: {  	s11 =	sadd.s32 $0x58, s29;
	[dreg:$0x18] =	wrdreg s10  }
0x1e: {  	s12 =	sadd.s32 $0x5C, s29;
	[dreg:$0x19] =	wrdreg s11  }
0x1f: {  	s13 =	sadd.s32 $0x60, s29;
	[dreg:$0x1a] =	wrdreg s12  }
0x20: {  	s14 =	sadd.s32 $0x64, s29;
	[dreg:$0x1b] =	wrdreg s13  }
0x21: {  	[dreg:$0x1c] =	wrdreg s14  }
0x22: {  	s15 =	sadd.s32 $0x68, s29;
	s0 =	rddreg [dreg:$0x3]  }
0x23: {  	s16 =	sadd.s32 $0x6C, s29;
	[dreg:$0x1d] =	wrdreg s15  }
0x24: {  	s17 =	sadd.s32 $0x70, s29;
	[dreg:$0x1e] =	wrdreg s16  }
0x25: {  	s18 =	sadd.s32 $0x74, s29;
	[dreg:$0x1f] =	wrdreg s17  }
0x26: {  	s19 =	sadd.s32 $0x78, s29;
	[smem:$0x7C6] =	sst s18  }
0x27: {  	s20 =	sadd.s32 $0x7C, s29;
	[smem:$0x7C7] =	sst s19  }
0x28: {  	s21 =	sadd.s32 $0x80, s29;
	[smem:$0x7C8] =	sst s20  }
0x29: {  	s22 =	sadd.s32 $0x84, s29;
	[smem:$0x7C9] =	sst s21  }
0x2a: {  	s23 =	sadd.s32 $0x88, s29;
	[smem:$0x7CA] =	sst s22  }
0x2b: {  	s24 =	sadd.s32 $0x8C, s29;
	[smem:$0x7CB] =	sst s23  }
0x2c: {  	s25 =	sadd.s32 $0x90, s29;
	[smem:$0x7CC] =	sst s24  }
0x2d: {  	s26 =	sadd.s32 $0x94, s29;
	[smem:$0x7CD] =	sst s25  }
0x2e: {  	s3 =	sadd.s32 $0x98, s29;
	[smem:$0x7CE] =	sst s26  }
0x2f: {  	s4 =	sadd.s32 $0x9C, s29;
	[smem:$0x7CF] =	sst s3  }
0x30: {  	s5 =	sadd.s32 $0xA0, s29;
	[smem:$0x7D0] =	sst s4  }
0x31: {  	s6 =	sadd.s32 $0xA4, s29;
	[smem:$0x7D1] =	sst s5  }
0x32: {  	s7 =	sadd.s32 $0xA8, s29;
	[smem:$0x7D2] =	sst s6  }
0x33: {  	s8 =	sadd.s32 $0xAC, s29;
	[smem:$0x7D3] =	sst s7  }
0x34: {  	s9 =	sadd.s32 $0xB0, s29;
	[smem:$0x7D4] =	sst s8  }
0x35: {  	s10 =	sadd.s32 $0xB4, s29;
	[smem:$0x7D5] =	sst s9  }
0x36: {  	s11 =	sadd.s32 $0xB8, s29;
	[smem:$0x7D6] =	sst s10  }
0x37: {  	s12 =	sadd.s32 $0xBC, s29;
	[smem:$0x7D7] =	sst s11  }
0x38: {  	s13 =	sadd.s32 $0xC0, s29;
	[smem:$0x7D8] =	sst s12  }
0x39: {  	s14 =	sadd.s32 $0xC4, s29;
	[smem:$0x7D9] =	sst s13  }
0x3a: {  	[smem:$0x7DA] =	sst s14;
	s15 =	simm.s32 $0x100  }
0x3b: {  	s16 =	simm.s32 $0x180;
	[smem:$0x7DB] =	sst s15  }
0x3c: {  	s17 =	simm.s32 $0x200;
	[smem:$0x7DC] =	sst s16  }
0x3d: {  	s18 =	simm.s32 $0x280;
	[smem:$0x7DD] =	sst s17  }
0x3e: {  	s19 =	simm.s32 $0x300;
	[smem:$0x7DE] =	sst s18  }
0x3f: {  	s20 =	simm.s32 $0x380;
	[smem:$0x7DF] =	sst s19  }
0x40: {  	s21 =	simm.s32 $0x400;
	[smem:$0x7E0] =	sst s20  }
0x41: {  	s22 =	simm.s32 $0x480;
	[smem:$0x7E1] =	sst s21  }
0x42: {  	s23 =	simm.s32 $0x500;
	[smem:$0x7E2] =	sst s22  }
0x43: {  	s24 =	simm.s32 $0x580;
	[smem:$0x7E3] =	sst s23  }
0x44: {  	s25 =	simm.s32 $0x600;
	[smem:$0x7E4] =	sst s24  }
0x45: {  	s26 =	simm.s32 $0x680;
	[smem:$0x7E5] =	sst s25  }
0x46: {  	s3 =	simm.s32 $0x700;
	[smem:$0x7E6] =	sst s26  }
0x47: {  	s4 =	simm.s32 $0x780;
	[smem:$0x7E7] =	sst s3  }
0x48: {  	s5 =	simm.s32 $0x800;
	[smem:$0x7E8] =	sst s4  }
0x49: {  	s6 =	simm.s32 $0x880;
	[smem:$0x7E9] =	sst s5  }
0x4a: {  	s7 =	simm.s32 $0x900;
	[smem:$0x7EA] =	sst s6  }
0x4b: {  	s28 =	simm.s32 $0x1000;
	s8 =	simm.s32 $0x980;
	[smem:$0x7EB] =	sst s7  }
0x4c: {  	s31 =	simm.s32 $0x7;
	s9 =	simm.s32 $0xA00;
	[smem:$0x7EC] =	sst s8  }
0x4d: {  	p0 =	por $0x0, $0x0;
	s11 =	simm.s32 $0xA80;
	[smem:$0x7ED] =	sst s9  }
0x4e: {  	s1 =	ssub.s32 $0x2, s1;
	s12 =	simm.s32 $0xB00;
	[smem:$0x7EE] =	sst s11  }
0x4f: {  	s2 =	sadd.s32 $0xF42A00, s2;
	s13 =	simm.s32 $0xB80;
	[smem:$0x7EF] =	sst s12  }
0x50: {  	s10 =	sshrl.u32 s1, $0x1;
	s14 =	simm.s32 $0xC00;
	[smem:$0x7F0] =	sst s13  }
0x51: {  	s1 =	ssub.s32 s1, s10;
	s5 =	simm.s32 $0x80;
	[smem:$0x7F1] =	sst s14  }
0x52: {  	s15 =	simm.s32 $0xC80;
	s16 =	simm.s32 $0xD00;
	s4 =	simm.s32 $0x1900  }
0x53: {  	s17 =	simm.s32 $0xD80;
	s3 =	simm.s32 $0x2900;
	[smem:$0x7F2] =	sst s15  }
0x54: {  	s18 =	simm.s32 $0xE00;
	s10 =	simm.s32 $0x3900;
	[smem:$0x7F3] =	sst s16  }
0x55: {  	s19 =	simm.s32 $0xE80;
	s7 =	simm.s32 $0x1;
	[smem:$0x7F4] =	sst s17  }
0x56: {  	s20 =	simm.s32 $0xF00;
	s6 =	simm.s32 $0x20;
	[smem:$0x7F5] =	sst s18  }
0x57: {  	s21 =	simm.s32 $0xF80;
	s8 =	simm.s32 $0x640;
	[smem:$0x7F6] =	sst s19  }
0x58: {  	s22 =	simm.s32 $0x1080;
	s9 =	simm.s32 $0x4;
	[smem:$0x7F7] =	sst s20  }
0x59: {  	s23 =	simm.s32 $0x1100;
	s12 =	simm.s32 $0x2;
	[smem:$0x7F8] =	sst s21  }
0x5a: {  	s24 =	simm.s32 $0x1180;
	s11 =	simm.s32 $0x5;
	[smem:$0x7F9] =	sst s22  }
0x5b: {  	s25 =	simm.s32 $0x1200;
	s13 =	simm.s32 $0x3;
	[smem:$0x7FA] =	sst s23  }
0x5c: {  	s26 =	simm.s32 $0x1280;
	s1 =	smax.u32 s1, $0x1;
	[smem:$0x7FB] =	sst s24  }
0x5d: {  	s14 =	simm.s32 $0x1880;
	[smem:$0x7FC] =	sst s25;
	p1 =	sne.s32 s1, $0x1  }
.Ltmp0:
0x5e: {  	s15 =	simm.s32 $0x6;
	[smem:$0x7FD] =	sst s26;
	(pc) =	sbr.rel @!p1 .LBB2_3-.Ltmp0, $4  }
0x5f: {  	s26 =	simm.s32 $0x1300;
	s25 =	simm.s32 $0x1380;
	s24 =	simm.s32 $0x1400  }
0x60: {  	s23 =	simm.s32 $0x1480;
	s22 =	simm.s32 $0x1500;
	s21 =	simm.s32 $0x1580  }
0x61: {  	s20 =	simm.s32 $0x1600;
	s19 =	simm.s32 $0x1680;
	s18 =	simm.s32 $0x1700  }
0x62: {  	s17 =	simm.s32 $0x1780;
	s16 =	simm.s32 $0x1800;
	s1 =	sadd.s32 $0xFFFFFFFF, s1  }
0x63: {  	[tilespmem:s30], [sflag:$0x7] =	stream.strided.gather [hbm4b:s0+s5], $0x1900, s28, s5, $0x38;
	[tilespmem:$0x4900] =	vst v63  }
0x64: {  	_ =	swait.ge [sflag:s31], $0x1900  }
0x65: {  	[sflag:s31] =	ssyncset.done $0x0  }
0x66: {  	[sflag:s31] =	ssyncadd.s32 $0xFFFFE700  }
0x67: {  	[tilespmem:s4], [sflag:$0x1] =	stream.indirect.gather [hbm4b:s2+s5], $0x20, s30, s5, $0xb8;
	[tilespmem:$0x4900] =	vst v63  }
0x68: {  	s0 =	sld [smem:$0x7DB]  }
0x69: {  	[tilespmem:s3], [sflag:$0x2] =	stream.indirect.gather [hbm4b:s2+s5], $0x20, s5, s5, $0xb8;
	[tilespmem:$0x4900] =	vst v63  }
0x6a: {  	_ = 	snop  }
0x6b: {  	[tilespmem:s10], [sflag:$0x3] =	stream.indirect.gather [hbm4b:s2+s5], $0x20, s0, s5, $0xb8;
	[tilespmem:$0x4900] =	vst v63  }
0x6c: {  	_ =	swait.ge [sflag:s7], $0x1000  }
0x6d: {  	[sflag:s7] =	ssyncset.done $0x0  }
0x6e: {  	[sflag:s7] =	ssyncadd.s32 $0xFFFFF000  }
0x6f: {  	[hbm4b:s29+s6] =	stream.strided.scatter [tilespmem:s4], [sflag:$0x4], $0x1000, s8, s6, $0x38;
	[tilespmem:$0x4900] =	vst v63  }
0x70: {  	_ =	swait.ge [sflag:s9], $0x1000  }
0x71: {  	s0 =	sld [smem:$0x7DC]  }
0x72: {  	[sflag:s9] =	ssyncset.done $0x0  }
0x73: {  	[sflag:s9] =	ssyncadd.s32 $0xFFFFF000  }
0x74: {  	[tilespmem:s4], [sflag:$0x1] =	stream.indirect.gather [hbm4b:s2+s5], $0x20, s0, s5, $0xb8;
	[tilespmem:$0x4900] =	vst v63  }
0x75: {  	_ =	swait.ge [sflag:s12], $0x1000  }
0x76: {  	[sflag:s12] =	ssyncset.done $0x0  }
0x77: {  	s0 =	rddreg [dreg:$0x4];
	[sflag:s12] =	ssyncadd.s32 $0xFFFFF000  }
0x78: {  	[hbm4b:s0+s6] =	stream.strided.scatter [tilespmem:s3], [sflag:$0x5], $0x1000, s8, s6, $0x38;
	[tilespmem:$0x4900] =	vst v63  }
0x79: {  	_ =	swait.ge [sflag:s11], $0x1000  }
0x7a: {  	s0 =	sld [smem:$0x7DD]  }
0x7b: {  	[sflag:s11] =	ssyncset.done $0x0  }
0x7c: {  	[sflag:s11] =	ssyncadd.s32 $0xFFFFF000  }
0x7d: {  	[tilespmem:s3], [sflag:$0x2] =	stream.indirect.gather [hbm4b:s2+s5], $0x20, s0, s5, $0xb8;
	[tilespmem:$0x4900] =	vst v63  }
0x7e: {  	_ =	swait.ge [sflag:s13], $0x1000  }
0x7f: {  	[sflag:s13] =	ssyncset.done $0x0  }
0x80: {  	s0 =	rddreg [dreg:$0x5];
	[sflag:s13] =	ssyncadd.s32 $0xFFFFF000  }
0x81: {  	[hbm4b:s0+s6] =	stream.strided.scatter [tilespmem:s10], [sflag:$0x6], $0x1000, s8, s6, $0x38;
	[tilespmem:$0x4900] =	vst v63  }
0x82: {  	_ =	swait.ge [sflag:s15], $0x1000  }
0x83: {  	s0 =	sld [smem:$0x7DE]  }
0x84: {  	[sflag:s15] =	ssyncset.done $0x0  }
0x85: {  	[sflag:s15] =	ssyncadd.s32 $0xFFFFF000  }
0x86: {  	[tilespmem:s10], [sflag:$0x3] =	stream.indirect.gather [hbm4b:s2+s5], $0x20, s0, s5, $0xb8;
	[tilespmem:$0x4900] =	vst v63  }
0x87: {  	_ =	swait.ge [sflag:s7], $0x1000  }
0x88: {  	[sflag:s7] =	ssyncset.done $0x0  }
0x89: {  	s0 =	rddreg [dreg:$0x6];
	[sflag:s7] =	ssyncadd.s32 $0xFFFFF000  }
0x8a: {  	[hbm4b:s0+s6] =	stream.strided.scatter [tilespmem:s4], [sflag:$0x4], $0x1000, s8, s6, $0x38;
	[tilespmem:$0x4900] =	vst v63  }
0x8b: {  	_ =	swait.ge [sflag:s9], $0x1000  }
0x8c: {  	s0 =	sld [smem:$0x7DF]  }
0x8d: {  	[sflag:s9] =	ssyncset.done $0x0  }
0x8e: {  	[sflag:s9] =	ssyncadd.s32 $0xFFFFF000  }
0x8f: {  	[tilespmem:s4], [sflag:$0x1] =	stream.indirect.gather [hbm4b:s2+s5], $0x20, s0, s5, $0xb8;
	[tilespmem:$0x4900] =	vst v63  }
0x90: {  	_ =	swait.ge [sflag:s12], $0x1000  }
0x91: {  	[sflag:s12] =	ssyncset.done $0x0  }
0x92: {  	s0 =	rddreg [dreg:$0x7];
	[sflag:s12] =	ssyncadd.s32 $0xFFFFF000  }
0x93: {  	[hbm4b:s0+s6] =	stream.strided.scatter [tilespmem:s3], [sflag:$0x5], $0x1000, s8, s6, $0x38;
	[tilespmem:$0x4900] =	vst v63  }
0x94: {  	_ =	swait.ge [sflag:s11], $0x1000  }
0x95: {  	s0 =	sld [smem:$0x7E0]  }
0x96: {  	[sflag:s11] =	ssyncset.done $0x0  }
0x97: {  	[sflag:s11] =	ssyncadd.s32 $0xFFFFF000  }
0x98: {  	[tilespmem:s3], [sflag:$0x2] =	stream.indirect.gather [hbm4b:s2+s5], $0x20, s0, s5, $0xb8;
	[tilespmem:$0x4900] =	vst v63  }
0x99: {  	_ =	swait.ge [sflag:s13], $0x1000  }
0x9a: {  	[sflag:s13] =	ssyncset.done $0x0  }
0x9b: {  	s0 =	rddreg [dreg:$0x8];
	[sflag:s13] =	ssyncadd.s32 $0xFFFFF000  }
0x9c: {  	[hbm4b:s0+s6] =	stream.strided.scatter [tilespmem:s10], [sflag:$0x6], $0x1000, s8, s6, $0x38;
	[tilespmem:$0x4900] =	vst v63  }
0x9d: {  	_ =	swait.ge [sflag:s15], $0x1000  }
0x9e: {  	s0 =	sld [smem:$0x7E1]  }
0x9f: {  	[sflag:s15] =	ssyncset.done $0x0  }
0xa0: {  	[sflag:s15] =	ssyncadd.s32 $0xFFFFF000  }
0xa1: {  	[tilespmem:s10], [sflag:$0x3] =	stream.indirect.gather [hbm4b:s2+s5], $0x20, s0, s5, $0xb8;
	[tilespmem:$0x4900] =	vst v63  }
0xa2: {  	_ =	swait.ge [sflag:s7], $0x1000  }
0xa3: {  	[sflag:s7] =	ssyncset.done $0x0  }
0xa4: {  	s0 =	rddreg [dreg:$0x9];
	[sflag:s7] =	ssyncadd.s32 $0xFFFFF000  }
0xa5: {  	[hbm4b:s0+s6] =	stream.strided.scatter [tilespmem:s4], [sflag:$0x4], $0x1000, s8, s6, $0x38;
	[tilespmem:$0x4900] =	vst v63  }
0xa6: {  	_ =	swait.ge [sflag:s9], $0x1000  }
0xa7: {  	s0 =	sld [smem:$0x7E2]  }
0xa8: {  	[sflag:s9] =	ssyncset.done $0x0  }
0xa9: {  	[sflag:s9] =	ssyncadd.s32 $0xFFFFF000  }
0xaa: {  	[tilespmem:s4], [sflag:$0x1] =	stream.indirect.gather [hbm4b:s2+s5], $0x20, s0, s5, $0xb8;
	[tilespmem:$0x4900] =	vst v63  }
0xab: {  	_ =	swait.ge [sflag:s12], $0x1000  }
0xac: {  	[sflag:s12] =	ssyncset.done $0x0  }
0xad: {  	s0 =	rddreg [dreg:$0xa];
	[sflag:s12] =	ssyncadd.s32 $0xFFFFF000  }
0xae: {  	[hbm4b:s0+s6] =	stream.strided.scatter [tilespmem:s3], [sflag:$0x5], $0x1000, s8, s6, $0x38;
	[tilespmem:$0x4900] =	vst v63  }
0xaf: {  	_ =	swait.ge [sflag:s11], $0x1000  }
0xb0: {  	s0 =	sld [smem:$0x7E3]  }
0xb1: {  	[sflag:s11] =	ssyncset.done $0x0  }
0xb2: {  	[sflag:s11] =	ssyncadd.s32 $0xFFFFF000  }
0xb3: {  	[tilespmem:s3], [sflag:$0x2] =	stream.indirect.gather [hbm4b:s2+s5], $0x20, s0, s5, $0xb8;
	[tilespmem:$0x4900] =	vst v63  }
0xb4: {  	_ =	swait.ge [sflag:s13], $0x1000  }
0xb5: {  	[sflag:s13] =	ssyncset.done $0x0  }
0xb6: {  	s0 =	rddreg [dreg:$0xb];
	[sflag:s13] =	ssyncadd.s32 $0xFFFFF000  }
0xb7: {  	[hbm4b:s0+s6] =	stream.strided.scatter [tilespmem:s10], [sflag:$0x6], $0x1000, s8, s6, $0x38;
	[tilespmem:$0x4900] =	vst v63  }
0xb8: {  	_ =	swait.ge [sflag:s15], $0x1000  }
0xb9: {  	s0 =	sld [smem:$0x7E4]  }
0xba: {  	[sflag:s15] =	ssyncset.done $0x0  }
0xbb: {  	[sflag:s15] =	ssyncadd.s32 $0xFFFFF000  }
0xbc: {  	[tilespmem:s10], [sflag:$0x3] =	stream.indirect.gather [hbm4b:s2+s5], $0x20, s0, s5, $0xb8;
	[tilespmem:$0x4900] =	vst v63  }
0xbd: {  	_ =	swait.ge [sflag:s7], $0x1000  }
0xbe: {  	[sflag:s7] =	ssyncset.done $0x0  }
0xbf: {  	s0 =	rddreg [dreg:$0xc];
	[sflag:s7] =	ssyncadd.s32 $0xFFFFF000  }
0xc0: {  	[hbm4b:s0+s6] =	stream.strided.scatter [tilespmem:s4], [sflag:$0x4], $0x1000, s8, s6, $0x38;
	[tilespmem:$0x4900] =	vst v63  }
0xc1: {  	_ =	swait.ge [sflag:s9], $0x1000  }
0xc2: {  	s0 =	sld [smem:$0x7E5]  }
0xc3: {  	[sflag:s9] =	ssyncset.done $0x0  }
0xc4: {  	[sflag:s9] =	ssyncadd.s32 $0xFFFFF000  }
0xc5: {  	[tilespmem:s4], [sflag:$0x1] =	stream.indirect.gather [hbm4b:s2+s5], $0x20, s0, s5, $0xb8;
	[tilespmem:$0x4900] =	vst v63  }
0xc6: {  	_ =	swait.ge [sflag:s12], $0x1000  }
0xc7: {  	[sflag:s12] =	ssyncset.done $0x0  }
0xc8: {  	s0 =	rddreg [dreg:$0xd];
	[sflag:s12] =	ssyncadd.s32 $0xFFFFF000  }
0xc9: {  	[hbm4b:s0+s6] =	stream.strided.scatter [tilespmem:s3], [sflag:$0x5], $0x1000, s8, s6, $0x38;
	[tilespmem:$0x4900] =	vst v63  }
0xca: {  	_ =	swait.ge [sflag:s11], $0x1000  }
0xcb: {  	s0 =	sld [smem:$0x7E6]  }
0xcc: {  	[sflag:s11] =	ssyncset.done $0x0  }
0xcd: {  	[sflag:s11] =	ssyncadd.s32 $0xFFFFF000  }
0xce: {  	[tilespmem:s3], [sflag:$0x2] =	stream.indirect.gather [hbm4b:s2+s5], $0x20, s0, s5, $0xb8;
	[tilespmem:$0x4900] =	vst v63  }
0xcf: {  	_ =	swait.ge [sflag:s13], $0x1000  }
0xd0: {  	[sflag:s13] =	ssyncset.done $0x0  }
0xd1: {  	s0 =	rddreg [dreg:$0xe];
	[sflag:s13] =	ssyncadd.s32 $0xFFFFF000  }
0xd2: {  	[hbm4b:s0+s6] =	stream.strided.scatter [tilespmem:s10], [sflag:$0x6], $0x1000, s8, s6, $0x38;
	[tilespmem:$0x4900] =	vst v63  }
0xd3: {  	_ =	swait.ge [sflag:s15], $0x1000  }
0xd4: {  	s0 =	sld [smem:$0x7E7]  }
0xd5: {  	[sflag:s15] =	ssyncset.done $0x0  }
0xd6: {  	[sflag:s15] =	ssyncadd.s32 $0xFFFFF000  }
0xd7: {  	[tilespmem:s10], [sflag:$0x3] =	stream.indirect.gather [hbm4b:s2+s5], $0x20, s0, s5, $0xb8;
	[tilespmem:$0x4900] =	vst v63  }
0xd8: {  	_ =	swait.ge [sflag:s7], $0x1000  }
0xd9: {  	[sflag:s7] =	ssyncset.done $0x0  }
0xda: {  	s0 =	rddreg [dreg:$0xf];
	[sflag:s7] =	ssyncadd.s32 $0xFFFFF000  }
0xdb: {  	[hbm4b:s0+s6] =	stream.strided.scatter [tilespmem:s4], [sflag:$0x4], $0x1000, s8, s6, $0x38;
	[tilespmem:$0x4900] =	vst v63  }
0xdc: {  	_ =	swait.ge [sflag:s9], $0x1000  }
0xdd: {  	s0 =	sld [smem:$0x7E8]  }
0xde: {  	[sflag:s9] =	ssyncset.done $0x0  }
0xdf: {  	[sflag:s9] =	ssyncadd.s32 $0xFFFFF000  }
0xe0: {  	[tilespmem:s4], [sflag:$0x1] =	stream.indirect.gather [hbm4b:s2+s5], $0x20, s0, s5, $0xb8;
	[tilespmem:$0x4900] =	vst v63  }
0xe1: {  	_ =	swait.ge [sflag:s12], $0x1000  }
0xe2: {  	[sflag:s12] =	ssyncset.done $0x0  }
0xe3: {  	s0 =	rddreg [dreg:$0x10];
	[sflag:s12] =	ssyncadd.s32 $0xFFFFF000  }
0xe4: {  	[hbm4b:s0+s6] =	stream.strided.scatter [tilespmem:s3], [sflag:$0x5], $0x1000, s8, s6, $0x38;
	[tilespmem:$0x4900] =	vst v63  }
0xe5: {  	_ =	swait.ge [sflag:s11], $0x1000  }
0xe6: {  	s0 =	sld [smem:$0x7E9]  }
0xe7: {  	[sflag:s11] =	ssyncset.done $0x0  }
0xe8: {  	[sflag:s11] =	ssyncadd.s32 $0xFFFFF000  }
0xe9: {  	[tilespmem:s3], [sflag:$0x2] =	stream.indirect.gather [hbm4b:s2+s5], $0x20, s0, s5, $0xb8;
	[tilespmem:$0x4900] =	vst v63  }
0xea: {  	_ =	swait.ge [sflag:s13], $0x1000  }
0xeb: {  	[sflag:s13] =	ssyncset.done $0x0  }
0xec: {  	s0 =	rddreg [dreg:$0x11];
	[sflag:s13] =	ssyncadd.s32 $0xFFFFF000  }
0xed: {  	[hbm4b:s0+s6] =	stream.strided.scatter [tilespmem:s10], [sflag:$0x6], $0x1000, s8, s6, $0x38;
	[tilespmem:$0x4900] =	vst v63  }
0xee: {  	_ =	swait.ge [sflag:s15], $0x1000  }
0xef: {  	s0 =	sld [smem:$0x7EA]  }
0xf0: {  	[sflag:s15] =	ssyncset.done $0x0  }
0xf1: {  	[sflag:s15] =	ssyncadd.s32 $0xFFFFF000  }
0xf2: {  	[tilespmem:s10], [sflag:$0x3] =	stream.indirect.gather [hbm4b:s2+s5], $0x20, s0, s5, $0xb8;
	[tilespmem:$0x4900] =	vst v63  }
0xf3: {  	_ =	swait.ge [sflag:s7], $0x1000  }
0xf4: {  	[sflag:s7] =	ssyncset.done $0x0  }
0xf5: {  	s0 =	rddreg [dreg:$0x12];
	[sflag:s7] =	ssyncadd.s32 $0xFFFFF000  }
0xf6: {  	[hbm4b:s0+s6] =	stream.strided.scatter [tilespmem:s4], [sflag:$0x4], $0x1000, s8, s6, $0x38;
	[tilespmem:$0x4900] =	vst v63  }
0xf7: {  	_ =	swait.ge [sflag:s9], $0x1000  }
0xf8: {  	s0 =	sld [smem:$0x7EB]  }
0xf9: {  	[sflag:s9] =	ssyncset.done $0x0  }
0xfa: {  	[sflag:s9] =	ssyncadd.s32 $0xFFFFF000  }
0xfb: {  	[tilespmem:s4], [sflag:$0x1] =	stream.indirect.gather [hbm4b:s2+s5], $0x20, s0, s5, $0xb8;
	[tilespmem:$0x4900] =	vst v63  }
0xfc: {  	_ =	swait.ge [sflag:s12], $0x1000  }
0xfd: {  	[sflag:s12] =	ssyncset.done $0x0  }
0xfe: {  	s0 =	rddreg [dreg:$0x13];
	[sflag:s12] =	ssyncadd.s32 $0xFFFFF000  }
0xff: {  	[hbm4b:s0+s6] =	stream.strided.scatter [tilespmem:s3], [sflag:$0x5], $0x1000, s8, s6, $0x38;
	[tilespmem:$0x4900] =	vst v63  }
0x100: {  	_ =	swait.ge [sflag:s11], $0x1000  }
0x101: {  	s0 =	sld [smem:$0x7EC]  }
0x102: {  	[sflag:s11] =	ssyncset.done $0x0  }
0x103: {  	[sflag:s11] =	ssyncadd.s32 $0xFFFFF000  }
0x104: {  	[tilespmem:s3], [sflag:$0x2] =	stream.indirect.gather [hbm4b:s2+s5], $0x20, s0, s5, $0xb8;
	[tilespmem:$0x4900] =	vst v63  }
0x105: {  	_ =	swait.ge [sflag:s13], $0x1000  }
0x106: {  	[sflag:s13] =	ssyncset.done $0x0  }
0x107: {  	s0 =	rddreg [dreg:$0x14];
	[sflag:s13] =	ssyncadd.s32 $0xFFFFF000  }
0x108: {  	[hbm4b:s0+s6] =	stream.strided.scatter [tilespmem:s10], [sflag:$0x6], $0x1000, s8, s6, $0x38;
	[tilespmem:$0x4900] =	vst v63  }
0x109: {  	_ =	swait.ge [sflag:s15], $0x1000  }
0x10a: {  	s0 =	sld [smem:$0x7ED]  }
0x10b: {  	[sflag:s15] =	ssyncset.done $0x0  }
0x10c: {  	[sflag:s15] =	ssyncadd.s32 $0xFFFFF000  }
0x10d: {  	[tilespmem:s10], [sflag:$0x3] =	stream.indirect.gather [hbm4b:s2+s5], $0x20, s0, s5, $0xb8;
	[tilespmem:$0x4900] =	vst v63  }
0x10e: {  	_ =	swait.ge [sflag:s7], $0x1000  }
0x10f: {  	[sflag:s7] =	ssyncset.done $0x0  }
0x110: {  	s0 =	rddreg [dreg:$0x15];
	[sflag:s7] =	ssyncadd.s32 $0xFFFFF000  }
0x111: {  	[hbm4b:s0+s6] =	stream.strided.scatter [tilespmem:s4], [sflag:$0x4], $0x1000, s8, s6, $0x38;
	[tilespmem:$0x4900] =	vst v63  }
0x112: {  	_ =	swait.ge [sflag:s9], $0x1000  }
0x113: {  	s0 =	sld [smem:$0x7EE]  }
0x114: {  	[sflag:s9] =	ssyncset.done $0x0  }
0x115: {  	[sflag:s9] =	ssyncadd.s32 $0xFFFFF000  }
0x116: {  	[tilespmem:s4], [sflag:$0x1] =	stream.indirect.gather [hbm4b:s2+s5], $0x20, s0, s5, $0xb8;
	[tilespmem:$0x4900] =	vst v63  }
0x117: {  	_ =	swait.ge [sflag:s12], $0x1000  }
0x118: {  	[sflag:s12] =	ssyncset.done $0x0  }
0x119: {  	s0 =	rddreg [dreg:$0x16];
	[sflag:s12] =	ssyncadd.s32 $0xFFFFF000  }
0x11a: {  	[hbm4b:s0+s6] =	stream.strided.scatter [tilespmem:s3], [sflag:$0x5], $0x1000, s8, s6, $0x38;
	[tilespmem:$0x4900] =	vst v63  }
0x11b: {  	_ =	swait.ge [sflag:s11], $0x1000  }
0x11c: {  	s0 =	sld [smem:$0x7EF]  }
0x11d: {  	[sflag:s11] =	ssyncset.done $0x0  }
0x11e: {  	[sflag:s11] =	ssyncadd.s32 $0xFFFFF000  }
0x11f: {  	[tilespmem:s3], [sflag:$0x2] =	stream.indirect.gather [hbm4b:s2+s5], $0x20, s0, s5, $0xb8;
	[tilespmem:$0x4900] =	vst v63  }
0x120: {  	_ =	swait.ge [sflag:s13], $0x1000  }
0x121: {  	[sflag:s13] =	ssyncset.done $0x0  }
0x122: {  	s0 =	rddreg [dreg:$0x17];
	[sflag:s13] =	ssyncadd.s32 $0xFFFFF000  }
0x123: {  	[hbm4b:s0+s6] =	stream.strided.scatter [tilespmem:s10], [sflag:$0x6], $0x1000, s8, s6, $0x38;
	[tilespmem:$0x4900] =	vst v63  }
0x124: {  	_ =	swait.ge [sflag:s15], $0x1000  }
0x125: {  	s0 =	sld [smem:$0x7F0]  }
0x126: {  	[sflag:s15] =	ssyncset.done $0x0  }
0x127: {  	[sflag:s15] =	ssyncadd.s32 $0xFFFFF000  }
0x128: {  	[tilespmem:s10], [sflag:$0x3] =	stream.indirect.gather [hbm4b:s2+s5], $0x20, s0, s5, $0xb8;
	[tilespmem:$0x4900] =	vst v63  }
0x129: {  	_ =	swait.ge [sflag:s7], $0x1000  }
0x12a: {  	[sflag:s7] =	ssyncset.done $0x0  }
0x12b: {  	s0 =	rddreg [dreg:$0x18];
	[sflag:s7] =	ssyncadd.s32 $0xFFFFF000  }
0x12c: {  	[hbm4b:s0+s6] =	stream.strided.scatter [tilespmem:s4], [sflag:$0x4], $0x1000, s8, s6, $0x38;
	[tilespmem:$0x4900] =	vst v63  }
0x12d: {  	_ =	swait.ge [sflag:s9], $0x1000  }
0x12e: {  	s0 =	sld [smem:$0x7F1]  }
0x12f: {  	[sflag:s9] =	ssyncset.done $0x0  }
0x130: {  	[sflag:s9] =	ssyncadd.s32 $0xFFFFF000  }
0x131: {  	[tilespmem:s4], [sflag:$0x1] =	stream.indirect.gather [hbm4b:s2+s5], $0x20, s0, s5, $0xb8;
	[tilespmem:$0x4900] =	vst v63  }
0x132: {  	_ =	swait.ge [sflag:s12], $0x1000  }
0x133: {  	[sflag:s12] =	ssyncset.done $0x0  }
0x134: {  	s0 =	rddreg [dreg:$0x19];
	[sflag:s12] =	ssyncadd.s32 $0xFFFFF000  }
0x135: {  	[hbm4b:s0+s6] =	stream.strided.scatter [tilespmem:s3], [sflag:$0x5], $0x1000, s8, s6, $0x38;
	[tilespmem:$0x4900] =	vst v63  }
0x136: {  	_ =	swait.ge [sflag:s11], $0x1000  }
0x137: {  	s0 =	sld [smem:$0x7F2]  }
0x138: {  	[sflag:s11] =	ssyncset.done $0x0  }
0x139: {  	[sflag:s11] =	ssyncadd.s32 $0xFFFFF000  }
0x13a: {  	[tilespmem:s3], [sflag:$0x2] =	stream.indirect.gather [hbm4b:s2+s5], $0x20, s0, s5, $0xb8;
	[tilespmem:$0x4900] =	vst v63  }
0x13b: {  	_ =	swait.ge [sflag:s13], $0x1000  }
0x13c: {  	[sflag:s13] =	ssyncset.done $0x0  }
0x13d: {  	s0 =	rddreg [dreg:$0x1a];
	[sflag:s13] =	ssyncadd.s32 $0xFFFFF000  }
0x13e: {  	[hbm4b:s0+s6] =	stream.strided.scatter [tilespmem:s10], [sflag:$0x6], $0x1000, s8, s6, $0x38;
	[tilespmem:$0x4900] =	vst v63  }
0x13f: {  	_ =	swait.ge [sflag:s15], $0x1000  }
0x140: {  	s0 =	sld [smem:$0x7F3]  }
0x141: {  	[sflag:s15] =	ssyncset.done $0x0  }
0x142: {  	[sflag:s15] =	ssyncadd.s32 $0xFFFFF000  }
0x143: {  	[tilespmem:s10], [sflag:$0x3] =	stream.indirect.gather [hbm4b:s2+s5], $0x20, s0, s5, $0xb8;
	[tilespmem:$0x4900] =	vst v63  }
0x144: {  	_ =	swait.ge [sflag:s7], $0x1000  }
0x145: {  	[sflag:s7] =	ssyncset.done $0x0  }
0x146: {  	s0 =	rddreg [dreg:$0x1b];
	[sflag:s7] =	ssyncadd.s32 $0xFFFFF000  }
0x147: {  	[hbm4b:s0+s6] =	stream.strided.scatter [tilespmem:s4], [sflag:$0x4], $0x1000, s8, s6, $0x38;
	[tilespmem:$0x4900] =	vst v63  }
0x148: {  	_ =	swait.ge [sflag:s9], $0x1000  }
0x149: {  	s0 =	sld [smem:$0x7F4]  }
0x14a: {  	[sflag:s9] =	ssyncset.done $0x0  }
0x14b: {  	[sflag:s9] =	ssyncadd.s32 $0xFFFFF000  }
0x14c: {  	[tilespmem:s4], [sflag:$0x1] =	stream.indirect.gather [hbm4b:s2+s5], $0x20, s0, s5, $0xb8;
	[tilespmem:$0x4900] =	vst v63  }
0x14d: {  	_ =	swait.ge [sflag:s12], $0x1000  }
0x14e: {  	[sflag:s12] =	ssyncset.done $0x0  }
0x14f: {  	s0 =	rddreg [dreg:$0x1c];
	[sflag:s12] =	ssyncadd.s32 $0xFFFFF000  }
0x150: {  	[hbm4b:s0+s6] =	stream.strided.scatter [tilespmem:s3], [sflag:$0x5], $0x1000, s8, s6, $0x38;
	[tilespmem:$0x4900] =	vst v63  }
0x151: {  	_ =	swait.ge [sflag:s11], $0x1000  }
0x152: {  	s0 =	sld [smem:$0x7F5]  }
0x153: {  	[sflag:s11] =	ssyncset.done $0x0  }
0x154: {  	[sflag:s11] =	ssyncadd.s32 $0xFFFFF000  }
0x155: {  	[tilespmem:s3], [sflag:$0x2] =	stream.indirect.gather [hbm4b:s2+s5], $0x20, s0, s5, $0xb8;
	[tilespmem:$0x4900] =	vst v63  }
0x156: {  	_ =	swait.ge [sflag:s13], $0x1000  }
0x157: {  	[sflag:s13] =	ssyncset.done $0x0  }
0x158: {  	s0 =	rddreg [dreg:$0x1d];
	[sflag:s13] =	ssyncadd.s32 $0xFFFFF000  }
0x159: {  	[hbm4b:s0+s6] =	stream.strided.scatter [tilespmem:s10], [sflag:$0x6], $0x1000, s8, s6, $0x38;
	[tilespmem:$0x4900] =	vst v63  }
0x15a: {  	_ =	swait.ge [sflag:s15], $0x1000  }
0x15b: {  	s0 =	sld [smem:$0x7F6]  }
0x15c: {  	[sflag:s15] =	ssyncset.done $0x0  }
0x15d: {  	[sflag:s15] =	ssyncadd.s32 $0xFFFFF000  }
0x15e: {  	[tilespmem:s10], [sflag:$0x3] =	stream.indirect.gather [hbm4b:s2+s5], $0x20, s0, s5, $0xb8;
	[tilespmem:$0x4900] =	vst v63  }
0x15f: {  	_ =	swait.ge [sflag:s7], $0x1000  }
0x160: {  	[sflag:s7] =	ssyncset.done $0x0  }
0x161: {  	s0 =	rddreg [dreg:$0x1e];
	[sflag:s7] =	ssyncadd.s32 $0xFFFFF000  }
0x162: {  	[hbm4b:s0+s6] =	stream.strided.scatter [tilespmem:s4], [sflag:$0x4], $0x1000, s8, s6, $0x38;
	[tilespmem:$0x4900] =	vst v63  }
0x163: {  	_ =	swait.ge [sflag:s9], $0x1000  }
0x164: {  	s0 =	sld [smem:$0x7F7]  }
0x165: {  	[sflag:s9] =	ssyncset.done $0x0  }
0x166: {  	[sflag:s9] =	ssyncadd.s32 $0xFFFFF000  }
0x167: {  	[tilespmem:s4], [sflag:$0x1] =	stream.indirect.gather [hbm4b:s2+s5], $0x20, s0, s5, $0xb8;
	[tilespmem:$0x4900] =	vst v63  }
0x168: {  	_ =	swait.ge [sflag:s12], $0x1000  }
0x169: {  	[sflag:s12] =	ssyncset.done $0x0  }
0x16a: {  	s0 =	rddreg [dreg:$0x1f];
	[sflag:s12] =	ssyncadd.s32 $0xFFFFF000  }
0x16b: {  	[hbm4b:s0+s6] =	stream.strided.scatter [tilespmem:s3], [sflag:$0x5], $0x1000, s8, s6, $0x38;
	[tilespmem:$0x4900] =	vst v63  }
0x16c: {  	_ =	swait.ge [sflag:s11], $0x1000  }
0x16d: {  	s0 =	sld [smem:$0x7F8]  }
0x16e: {  	[sflag:s11] =	ssyncset.done $0x0  }
0x16f: {  	[sflag:s11] =	ssyncadd.s32 $0xFFFFF000  }
0x170: {  	[tilespmem:s3], [sflag:$0x2] =	stream.indirect.gather [hbm4b:s2+s5], $0x20, s0, s5, $0xb8;
	[tilespmem:$0x4900] =	vst v63  }
0x171: {  	_ =	swait.ge [sflag:s13], $0x1000  }
0x172: {  	s0 =	sld [smem:$0x7C6]  }
0x173: {  	[sflag:s13] =	ssyncset.done $0x0  }
0x174: {  	[sflag:s13] =	ssyncadd.s32 $0xFFFFF000  }
0x175: {  	[hbm4b:s0+s6] =	stream.strided.scatter [tilespmem:s10], [sflag:$0x6], $0x1000, s8, s6, $0x38;
	[tilespmem:$0x4900] =	vst v63  }
0x176: {  	_ =	swait.ge [sflag:s15], $0x1000  }
0x177: {  	[sflag:s15] =	ssyncset.done $0x0  }
0x178: {  	[sflag:s15] =	ssyncadd.s32 $0xFFFFF000  }
0x179: {  	[tilespmem:s10], [sflag:$0x3] =	stream.indirect.gather [hbm4b:s2+s5], $0x20, s28, s5, $0xb8;
	[tilespmem:$0x4900] =	vst v63  }
0x17a: {  	_ =	swait.ge [sflag:s7], $0x1000  }
0x17b: {  	s0 =	sld [smem:$0x7C7]  }
0x17c: {  	[sflag:s7] =	ssyncset.done $0x0  }
0x17d: {  	[sflag:s7] =	ssyncadd.s32 $0xFFFFF000  }
0x17e: {  	[hbm4b:s0+s6] =	stream.strided.scatter [tilespmem:s4], [sflag:$0x4], $0x1000, s8, s6, $0x38;
	[tilespmem:$0x4900] =	vst v63  }
0x17f: {  	_ =	swait.ge [sflag:s9], $0x1000  }
0x180: {  	s0 =	sld [smem:$0x7F9]  }
0x181: {  	[sflag:s9] =	ssyncset.done $0x0  }
0x182: {  	[sflag:s9] =	ssyncadd.s32 $0xFFFFF000  }
0x183: {  	[tilespmem:s4], [sflag:$0x1] =	stream.indirect.gather [hbm4b:s2+s5], $0x20, s0, s5, $0xb8;
	[tilespmem:$0x4900] =	vst v63  }
0x184: {  	_ =	swait.ge [sflag:s12], $0x1000  }
0x185: {  	s0 =	sld [smem:$0x7C8]  }
0x186: {  	[sflag:s12] =	ssyncset.done $0x0  }
0x187: {  	[sflag:s12] =	ssyncadd.s32 $0xFFFFF000  }
0x188: {  	[hbm4b:s0+s6] =	stream.strided.scatter [tilespmem:s3], [sflag:$0x5], $0x1000, s8, s6, $0x38;
	[tilespmem:$0x4900] =	vst v63  }
0x189: {  	_ =	swait.ge [sflag:s11], $0x1000  }
0x18a: {  	s0 =	sld [smem:$0x7FA]  }
0x18b: {  	[sflag:s11] =	ssyncset.done $0x0  }
0x18c: {  	[sflag:s11] =	ssyncadd.s32 $0xFFFFF000  }
0x18d: {  	[tilespmem:s3], [sflag:$0x2] =	stream.indirect.gather [hbm4b:s2+s5], $0x20, s0, s5, $0xb8;
	[tilespmem:$0x4900] =	vst v63  }
0x18e: {  	_ =	swait.ge [sflag:s13], $0x1000  }
0x18f: {  	s0 =	sld [smem:$0x7C9]  }
0x190: {  	[sflag:s13] =	ssyncset.done $0x0  }
0x191: {  	[sflag:s13] =	ssyncadd.s32 $0xFFFFF000  }
0x192: {  	[hbm4b:s0+s6] =	stream.strided.scatter [tilespmem:s10], [sflag:$0x6], $0x1000, s8, s6, $0x38;
	[tilespmem:$0x4900] =	vst v63  }
0x193: {  	_ =	swait.ge [sflag:s15], $0x1000  }
0x194: {  	s0 =	sld [smem:$0x7FB]  }
0x195: {  	[sflag:s15] =	ssyncset.done $0x0  }
0x196: {  	[sflag:s15] =	ssyncadd.s32 $0xFFFFF000  }
0x197: {  	[tilespmem:s10], [sflag:$0x3] =	stream.indirect.gather [hbm4b:s2+s5], $0x20, s0, s5, $0xb8;
	[tilespmem:$0x4900] =	vst v63  }
0x198: {  	_ =	swait.ge [sflag:s7], $0x1000  }
0x199: {  	s0 =	sld [smem:$0x7CA]  }
0x19a: {  	[sflag:s7] =	ssyncset.done $0x0  }
0x19b: {  	[sflag:s7] =	ssyncadd.s32 $0xFFFFF000  }
0x19c: {  	[hbm4b:s0+s6] =	stream.strided.scatter [tilespmem:s4], [sflag:$0x4], $0x1000, s8, s6, $0x38;
	[tilespmem:$0x4900] =	vst v63  }
0x19d: {  	_ =	swait.ge [sflag:s9], $0x1000  }
0x19e: {  	s0 =	sld [smem:$0x7FC]  }
0x19f: {  	[sflag:s9] =	ssyncset.done $0x0  }
0x1a0: {  	[sflag:s9] =	ssyncadd.s32 $0xFFFFF000  }
0x1a1: {  	[tilespmem:s4], [sflag:$0x1] =	stream.indirect.gather [hbm4b:s2+s5], $0x20, s0, s5, $0xb8;
	[tilespmem:$0x4900] =	vst v63  }
0x1a2: {  	_ =	swait.ge [sflag:s12], $0x1000  }
0x1a3: {  	s0 =	sld [smem:$0x7CB]  }
0x1a4: {  	[sflag:s12] =	ssyncset.done $0x0  }
0x1a5: {  	[sflag:s12] =	ssyncadd.s32 $0xFFFFF000  }
0x1a6: {  	[hbm4b:s0+s6] =	stream.strided.scatter [tilespmem:s3], [sflag:$0x5], $0x1000, s8, s6, $0x38;
	[tilespmem:$0x4900] =	vst v63  }
0x1a7: {  	_ =	swait.ge [sflag:s11], $0x1000  }
0x1a8: {  	s0 =	sld [smem:$0x7FD]  }
0x1a9: {  	[sflag:s11] =	ssyncset.done $0x0  }
0x1aa: {  	[sflag:s11] =	ssyncadd.s32 $0xFFFFF000  }
0x1ab: {  	[tilespmem:s3], [sflag:$0x2] =	stream.indirect.gather [hbm4b:s2+s5], $0x20, s0, s5, $0xb8;
	[tilespmem:$0x4900] =	vst v63  }
0x1ac: {  	_ =	swait.ge [sflag:s13], $0x1000  }
0x1ad: {  	s0 =	sld [smem:$0x7CC]  }
0x1ae: {  	[sflag:s13] =	ssyncset.done $0x0  }
0x1af: {  	[sflag:s13] =	ssyncadd.s32 $0xFFFFF000  }
0x1b0: {  	[hbm4b:s0+s6] =	stream.strided.scatter [tilespmem:s10], [sflag:$0x6], $0x1000, s8, s6, $0x38;
	[tilespmem:$0x4900] =	vst v63  }
0x1b1: {  	_ =	swait.ge [sflag:s15], $0x1000  }
0x1b2: {  	[sflag:s15] =	ssyncset.done $0x0  }
0x1b3: {  	[sflag:s15] =	ssyncadd.s32 $0xFFFFF000  }
0x1b4: {  	[tilespmem:s10], [sflag:$0x3] =	stream.indirect.gather [hbm4b:s2+s5], $0x20, s26, s5, $0xb8;
	[tilespmem:$0x4900] =	vst v63  }
0x1b5: {  	_ =	swait.ge [sflag:s7], $0x1000  }
0x1b6: {  	s0 =	sld [smem:$0x7CD]  }
0x1b7: {  	[sflag:s7] =	ssyncset.done $0x0  }
0x1b8: {  	[sflag:s7] =	ssyncadd.s32 $0xFFFFF000  }
0x1b9: {  	[hbm4b:s0+s6] =	stream.strided.scatter [tilespmem:s4], [sflag:$0x4], $0x1000, s8, s6, $0x38;
	[tilespmem:$0x4900] =	vst v63  }
0x1ba: {  	_ =	swait.ge [sflag:s9], $0x1000  }
0x1bb: {  	[sflag:s9] =	ssyncset.done $0x0  }
0x1bc: {  	[sflag:s9] =	ssyncadd.s32 $0xFFFFF000  }
0x1bd: {  	[tilespmem:s4], [sflag:$0x1] =	stream.indirect.gather [hbm4b:s2+s5], $0x20, s25, s5, $0xb8;
	[tilespmem:$0x4900] =	vst v63  }
0x1be: {  	_ =	swait.ge [sflag:s12], $0x1000  }
0x1bf: {  	s0 =	sld [smem:$0x7CE]  }
0x1c0: {  	[sflag:s12] =	ssyncset.done $0x0  }
0x1c1: {  	[sflag:s12] =	ssyncadd.s32 $0xFFFFF000  }
0x1c2: {  	[hbm4b:s0+s6] =	stream.strided.scatter [tilespmem:s3], [sflag:$0x5], $0x1000, s8, s6, $0x38;
	[tilespmem:$0x4900] =	vst v63  }
0x1c3: {  	_ =	swait.ge [sflag:s11], $0x1000  }
0x1c4: {  	[sflag:s11] =	ssyncset.done $0x0  }
0x1c5: {  	[sflag:s11] =	ssyncadd.s32 $0xFFFFF000  }
0x1c6: {  	[tilespmem:s3], [sflag:$0x2] =	stream.indirect.gather [hbm4b:s2+s5], $0x20, s24, s5, $0xb8;
	[tilespmem:$0x4900] =	vst v63  }
0x1c7: {  	_ =	swait.ge [sflag:s13], $0x1000  }
0x1c8: {  	s0 =	sld [smem:$0x7CF]  }
0x1c9: {  	[sflag:s13] =	ssyncset.done $0x0  }
0x1ca: {  	[sflag:s13] =	ssyncadd.s32 $0xFFFFF000  }
0x1cb: {  	[hbm4b:s0+s6] =	stream.strided.scatter [tilespmem:s10], [sflag:$0x6], $0x1000, s8, s6, $0x38;
	[tilespmem:$0x4900] =	vst v63  }
0x1cc: {  	_ =	swait.ge [sflag:s15], $0x1000  }
0x1cd: {  	[sflag:s15] =	ssyncset.done $0x0  }
0x1ce: {  	[sflag:s15] =	ssyncadd.s32 $0xFFFFF000  }
0x1cf: {  	[tilespmem:s10], [sflag:$0x3] =	stream.indirect.gather [hbm4b:s2+s5], $0x20, s23, s5, $0xb8;
	[tilespmem:$0x4900] =	vst v63  }
0x1d0: {  	_ =	swait.ge [sflag:s7], $0x1000  }
0x1d1: {  	s0 =	sld [smem:$0x7D0]  }
0x1d2: {  	[sflag:s7] =	ssyncset.done $0x0  }
0x1d3: {  	[sflag:s7] =	ssyncadd.s32 $0xFFFFF000  }
0x1d4: {  	[hbm4b:s0+s6] =	stream.strided.scatter [tilespmem:s4], [sflag:$0x4], $0x1000, s8, s6, $0x38;
	[tilespmem:$0x4900] =	vst v63  }
0x1d5: {  	_ =	swait.ge [sflag:s9], $0x1000  }
0x1d6: {  	[sflag:s9] =	ssyncset.done $0x0  }
0x1d7: {  	[sflag:s9] =	ssyncadd.s32 $0xFFFFF000  }
0x1d8: {  	[tilespmem:s4], [sflag:$0x1] =	stream.indirect.gather [hbm4b:s2+s5], $0x20, s22, s5, $0xb8;
	[tilespmem:$0x4900] =	vst v63  }
0x1d9: {  	_ =	swait.ge [sflag:s12], $0x1000  }
0x1da: {  	s0 =	sld [smem:$0x7D1]  }
0x1db: {  	[sflag:s12] =	ssyncset.done $0x0  }
0x1dc: {  	[sflag:s12] =	ssyncadd.s32 $0xFFFFF000  }
0x1dd: {  	[hbm4b:s0+s6] =	stream.strided.scatter [tilespmem:s3], [sflag:$0x5], $0x1000, s8, s6, $0x38;
	[tilespmem:$0x4900] =	vst v63  }
0x1de: {  	_ =	swait.ge [sflag:s11], $0x1000  }
0x1df: {  	[sflag:s11] =	ssyncset.done $0x0  }
0x1e0: {  	[sflag:s11] =	ssyncadd.s32 $0xFFFFF000  }
0x1e1: {  	[tilespmem:s3], [sflag:$0x2] =	stream.indirect.gather [hbm4b:s2+s5], $0x20, s21, s5, $0xb8;
	[tilespmem:$0x4900] =	vst v63  }
0x1e2: {  	_ =	swait.ge [sflag:s13], $0x1000  }
0x1e3: {  	s0 =	sld [smem:$0x7D2]  }
0x1e4: {  	[sflag:s13] =	ssyncset.done $0x0  }
0x1e5: {  	[sflag:s13] =	ssyncadd.s32 $0xFFFFF000  }
0x1e6: {  	[hbm4b:s0+s6] =	stream.strided.scatter [tilespmem:s10], [sflag:$0x6], $0x1000, s8, s6, $0x38;
	[tilespmem:$0x4900] =	vst v63  }
0x1e7: {  	_ =	swait.ge [sflag:s15], $0x1000  }
0x1e8: {  	[sflag:s15] =	ssyncset.done $0x0  }
0x1e9: {  	[sflag:s15] =	ssyncadd.s32 $0xFFFFF000  }
0x1ea: {  	[tilespmem:s10], [sflag:$0x3] =	stream.indirect.gather [hbm4b:s2+s5], $0x20, s20, s5, $0xb8;
	[tilespmem:$0x4900] =	vst v63  }
0x1eb: {  	_ =	swait.ge [sflag:s7], $0x1000  }
0x1ec: {  	s0 =	sld [smem:$0x7D3]  }
0x1ed: {  	[sflag:s7] =	ssyncset.done $0x0  }
0x1ee: {  	[sflag:s7] =	ssyncadd.s32 $0xFFFFF000  }
0x1ef: {  	[hbm4b:s0+s6] =	stream.strided.scatter [tilespmem:s4], [sflag:$0x4], $0x1000, s8, s6, $0x38;
	[tilespmem:$0x4900] =	vst v63  }
0x1f0: {  	_ =	swait.ge [sflag:s9], $0x1000  }
0x1f1: {  	[sflag:s9] =	ssyncset.done $0x0  }
0x1f2: {  	[sflag:s9] =	ssyncadd.s32 $0xFFFFF000  }
0x1f3: {  	[tilespmem:s4], [sflag:$0x1] =	stream.indirect.gather [hbm4b:s2+s5], $0x20, s19, s5, $0xb8;
	[tilespmem:$0x4900] =	vst v63  }
0x1f4: {  	_ =	swait.ge [sflag:s12], $0x1000  }
0x1f5: {  	s0 =	sld [smem:$0x7D4]  }
0x1f6: {  	[sflag:s12] =	ssyncset.done $0x0  }
0x1f7: {  	[sflag:s12] =	ssyncadd.s32 $0xFFFFF000  }
0x1f8: {  	[hbm4b:s0+s6] =	stream.strided.scatter [tilespmem:s3], [sflag:$0x5], $0x1000, s8, s6, $0x38;
	[tilespmem:$0x4900] =	vst v63  }
0x1f9: {  	_ =	swait.ge [sflag:s11], $0x1000  }
0x1fa: {  	[sflag:s11] =	ssyncset.done $0x0  }
0x1fb: {  	[sflag:s11] =	ssyncadd.s32 $0xFFFFF000  }
0x1fc: {  	[tilespmem:s3], [sflag:$0x2] =	stream.indirect.gather [hbm4b:s2+s5], $0x20, s18, s5, $0xb8;
	[tilespmem:$0x4900] =	vst v63  }
0x1fd: {  	_ =	swait.ge [sflag:s13], $0x1000  }
0x1fe: {  	s0 =	sld [smem:$0x7D5]  }
0x1ff: {  	[sflag:s13] =	ssyncset.done $0x0  }
0x200: {  	[sflag:s13] =	ssyncadd.s32 $0xFFFFF000  }
0x201: {  	[hbm4b:s0+s6] =	stream.strided.scatter [tilespmem:s10], [sflag:$0x6], $0x1000, s8, s6, $0x38;
	[tilespmem:$0x4900] =	vst v63  }
0x202: {  	_ =	swait.ge [sflag:s15], $0x1000  }
0x203: {  	[sflag:s15] =	ssyncset.done $0x0  }
0x204: {  	[sflag:s15] =	ssyncadd.s32 $0xFFFFF000  }
0x205: {  	[tilespmem:s10], [sflag:$0x3] =	stream.indirect.gather [hbm4b:s2+s5], $0x20, s17, s5, $0xb8;
	[tilespmem:$0x4900] =	vst v63  }
0x206: {  	_ =	swait.ge [sflag:s7], $0x1000  }
0x207: {  	s0 =	sld [smem:$0x7D6]  }
0x208: {  	[sflag:s7] =	ssyncset.done $0x0  }
0x209: {  	[sflag:s7] =	ssyncadd.s32 $0xFFFFF000  }
0x20a: {  	[hbm4b:s0+s6] =	stream.strided.scatter [tilespmem:s4], [sflag:$0x4], $0x1000, s8, s6, $0x38;
	[tilespmem:$0x4900] =	vst v63  }
0x20b: {  	_ =	swait.ge [sflag:s9], $0x1000  }
0x20c: {  	[sflag:s9] =	ssyncset.done $0x0  }
0x20d: {  	[sflag:s9] =	ssyncadd.s32 $0xFFFFF000  }
0x20e: {  	[tilespmem:s4], [sflag:$0x1] =	stream.indirect.gather [hbm4b:s2+s5], $0x20, s16, s5, $0xb8;
	[tilespmem:$0x4900] =	vst v63  }
0x20f: {  	_ =	swait.ge [sflag:s12], $0x1000  }
0x210: {  	s0 =	sld [smem:$0x7D7]  }
0x211: {  	[sflag:s12] =	ssyncset.done $0x0  }
0x212: {  	[sflag:s12] =	ssyncadd.s32 $0xFFFFF000  }
0x213: {  	[hbm4b:s0+s6] =	stream.strided.scatter [tilespmem:s3], [sflag:$0x5], $0x1000, s8, s6, $0x38;
	[tilespmem:$0x4900] =	vst v63  }
0x214: {  	_ =	swait.ge [sflag:s11], $0x1000  }
0x215: {  	[sflag:s11] =	ssyncset.done $0x0  }
0x216: {  	[sflag:s11] =	ssyncadd.s32 $0xFFFFF000  }
0x217: {  	[tilespmem:s3], [sflag:$0x2] =	stream.indirect.gather [hbm4b:s2+s5], $0x20, s14, s5, $0xb8;
	[tilespmem:$0x4900] =	vst v63  }
0x218: {  	_ =	swait.ge [sflag:s13], $0x1000  }
0x219: {  	s0 =	sld [smem:$0x7D8]  }
0x21a: {  	[sflag:s13] =	ssyncset.done $0x0  }
0x21b: {  	[sflag:s13] =	ssyncadd.s32 $0xFFFFF000  }
0x21c: {  	[hbm4b:s0+s6] =	stream.strided.scatter [tilespmem:s10], [sflag:$0x6], $0x1000, s8, s6, $0x38;
	[tilespmem:$0x4900] =	vst v63  }
0x21d: {  	_ =	swait.ge [sflag:s7], $0x1000  }
0x21e: {  	s0 =	sld [smem:$0x7D9]  }
0x21f: {  	[sflag:s7] =	ssyncset.done $0x0  }
0x220: {  	[sflag:s7] =	ssyncadd.s32 $0xFFFFF000  }
0x221: {  	[hbm4b:s0+s6] =	stream.strided.scatter [tilespmem:s4], [sflag:$0x4], $0x1000, s8, s6, $0x38;
	[tilespmem:$0x4900] =	vst v63  }
0x222: {  	_ =	swait.ge [sflag:s12], $0x1000  }
0x223: {  	s0 =	sld [smem:$0x7DA]  }
0x224: {  	[sflag:s12] =	ssyncset.done $0x0  }
0x225: {  	p1 =	sne.s32 s1, $0x1;
	[sflag:s12] =	ssyncadd.s32 $0xFFFFF000  }
0x226: {  	[hbm4b:s0+s6] =	stream.strided.scatter [tilespmem:s3], [sflag:$0x5], $0x1000, s8, s6, $0x38;
	[tilespmem:$0x4900] =	vst v63  }
.Ltmp1:
0x227: {  	_ =	swait.ge [sflag:s9], $0x1000;
	(pc) =	sbr.rel @!p1 .LBB2_3-.Ltmp1, $4  }
0x228: {  	[sflag:s9] =	ssyncset.done $0x0  }
0x229: {  	[sflag:s9] =	ssyncadd.s32 $0xFFFFF000  }
0x22a: {  	s1 =	sadd.s32 $0xFFFFFFFF, s1;
	_ =	swait.ge [sflag:s11], $0x1000  }
0x22b: {  	p0 =	por $0x1, $0x1;
	s0 =	rddreg [dreg:$0x3];
	[sflag:s11] =	ssyncset.done $0x0  }
.LBB2_2:
0x22c: {  	[sflag:s11] =	ssyncadd.s32 $0xFFFFF000  }
0x22d: {  	[tilespmem:s30], [sflag:$0x7] =	stream.strided.gather [hbm4b:s0+s5], $0x1900, s28, s5, $0x38;
	[tilespmem:$0x4900] =	vst v63  }
0x22e: {  	_ =	swait.ge [sflag:s31], $0x1900  }
0x22f: {  	[sflag:s31] =	ssyncset.done $0x0  }
0x230: {  	[sflag:s31] =	ssyncadd.s32 $0xFFFFE700  }
0x231: {  	[tilespmem:s4], [sflag:$0x1] =	stream.indirect.gather [hbm4b:s2+s5], $0x20, s30, s5, $0xb8;
	[tilespmem:$0x4900] =	vst v63  }
0x232: {  	s0 =	sld [smem:$0x7DB]  }
0x233: {  	[tilespmem:s3], [sflag:$0x2] =	stream.indirect.gather [hbm4b:s2+s5], $0x20, s5, s5, $0xb8;
	[tilespmem:$0x4900] =	vst v63  }
0x234: {  	_ = 	snop  }
0x235: {  	[tilespmem:s10], [sflag:$0x3] =	stream.indirect.gather [hbm4b:s2+s5], $0x20, s0, s5, $0xb8;
	[tilespmem:$0x4900] =	vst v63  }
0x236: {  	_ =	swait.ge [sflag:s7], $0x1000  }
0x237: {  	[sflag:s7] =	ssyncset.done $0x0  }
0x238: {  	[sflag:s7] =	ssyncadd.s32 $0xFFFFF000  }
0x239: {  	[hbm4b:s29+s6] =	stream.strided.scatter [tilespmem:s4], [sflag:$0x4], $0x1000, s8, s6, $0x38;
	[tilespmem:$0x4900] =	vst v63  }
0x23a: {  	_ =	swait.ge [sflag:s9], $0x1000  }
0x23b: {  	s0 =	sld [smem:$0x7DC]  }
0x23c: {  	[sflag:s9] =	ssyncset.done $0x0  }
0x23d: {  	[sflag:s9] =	ssyncadd.s32 $0xFFFFF000  }
0x23e: {  	[tilespmem:s4], [sflag:$0x1] =	stream.indirect.gather [hbm4b:s2+s5], $0x20, s0, s5, $0xb8;
	[tilespmem:$0x4900] =	vst v63  }
0x23f: {  	_ =	swait.ge [sflag:s12], $0x1000  }
0x240: {  	[sflag:s12] =	ssyncset.done $0x0  }
0x241: {  	s0 =	rddreg [dreg:$0x4];
	[sflag:s12] =	ssyncadd.s32 $0xFFFFF000  }
0x242: {  	[hbm4b:s0+s6] =	stream.strided.scatter [tilespmem:s3], [sflag:$0x5], $0x1000, s8, s6, $0x38;
	[tilespmem:$0x4900] =	vst v63  }
0x243: {  	_ =	swait.ge [sflag:s11], $0x1000  }
0x244: {  	s0 =	sld [smem:$0x7DD]  }
0x245: {  	[sflag:s11] =	ssyncset.done $0x0  }
0x246: {  	[sflag:s11] =	ssyncadd.s32 $0xFFFFF000  }
0x247: {  	[tilespmem:s3], [sflag:$0x2] =	stream.indirect.gather [hbm4b:s2+s5], $0x20, s0, s5, $0xb8;
	[tilespmem:$0x4900] =	vst v63  }
0x248: {  	_ =	swait.ge [sflag:s13], $0x1000  }
0x249: {  	[sflag:s13] =	ssyncset.done $0x0  }
0x24a: {  	s0 =	rddreg [dreg:$0x5];
	[sflag:s13] =	ssyncadd.s32 $0xFFFFF000  }
0x24b: {  	[hbm4b:s0+s6] =	stream.strided.scatter [tilespmem:s10], [sflag:$0x6], $0x1000, s8, s6, $0x38;
	[tilespmem:$0x4900] =	vst v63  }
0x24c: {  	_ =	swait.ge [sflag:s15], $0x1000  }
0x24d: {  	s0 =	sld [smem:$0x7DE]  }
0x24e: {  	[sflag:s15] =	ssyncset.done $0x0  }
0x24f: {  	[sflag:s15] =	ssyncadd.s32 $0xFFFFF000  }
0x250: {  	[tilespmem:s10], [sflag:$0x3] =	stream.indirect.gather [hbm4b:s2+s5], $0x20, s0, s5, $0xb8;
	[tilespmem:$0x4900] =	vst v63  }
0x251: {  	_ =	swait.ge [sflag:s7], $0x1000  }
0x252: {  	[sflag:s7] =	ssyncset.done $0x0  }
0x253: {  	s0 =	rddreg [dreg:$0x6];
	[sflag:s7] =	ssyncadd.s32 $0xFFFFF000  }
0x254: {  	[hbm4b:s0+s6] =	stream.strided.scatter [tilespmem:s4], [sflag:$0x4], $0x1000, s8, s6, $0x38;
	[tilespmem:$0x4900] =	vst v63  }
0x255: {  	_ =	swait.ge [sflag:s9], $0x1000  }
0x256: {  	s0 =	sld [smem:$0x7DF]  }
0x257: {  	[sflag:s9] =	ssyncset.done $0x0  }
0x258: {  	[sflag:s9] =	ssyncadd.s32 $0xFFFFF000  }
0x259: {  	[tilespmem:s4], [sflag:$0x1] =	stream.indirect.gather [hbm4b:s2+s5], $0x20, s0, s5, $0xb8;
	[tilespmem:$0x4900] =	vst v63  }
0x25a: {  	_ =	swait.ge [sflag:s12], $0x1000  }
0x25b: {  	[sflag:s12] =	ssyncset.done $0x0  }
0x25c: {  	s0 =	rddreg [dreg:$0x7];
	[sflag:s12] =	ssyncadd.s32 $0xFFFFF000  }
0x25d: {  	[hbm4b:s0+s6] =	stream.strided.scatter [tilespmem:s3], [sflag:$0x5], $0x1000, s8, s6, $0x38;
	[tilespmem:$0x4900] =	vst v63  }
0x25e: {  	_ =	swait.ge [sflag:s11], $0x1000  }
0x25f: {  	s0 =	sld [smem:$0x7E0]  }
0x260: {  	[sflag:s11] =	ssyncset.done $0x0  }
0x261: {  	[sflag:s11] =	ssyncadd.s32 $0xFFFFF000  }
0x262: {  	[tilespmem:s3], [sflag:$0x2] =	stream.indirect.gather [hbm4b:s2+s5], $0x20, s0, s5, $0xb8;
	[tilespmem:$0x4900] =	vst v63  }
0x263: {  	_ =	swait.ge [sflag:s13], $0x1000  }
0x264: {  	[sflag:s13] =	ssyncset.done $0x0  }
0x265: {  	s0 =	rddreg [dreg:$0x8];
	[sflag:s13] =	ssyncadd.s32 $0xFFFFF000  }
0x266: {  	[hbm4b:s0+s6] =	stream.strided.scatter [tilespmem:s10], [sflag:$0x6], $0x1000, s8, s6, $0x38;
	[tilespmem:$0x4900] =	vst v63  }
0x267: {  	_ =	swait.ge [sflag:s15], $0x1000  }
0x268: {  	s0 =	sld [smem:$0x7E1]  }
0x269: {  	[sflag:s15] =	ssyncset.done $0x0  }
0x26a: {  	[sflag:s15] =	ssyncadd.s32 $0xFFFFF000  }
0x26b: {  	[tilespmem:s10], [sflag:$0x3] =	stream.indirect.gather [hbm4b:s2+s5], $0x20, s0, s5, $0xb8;
	[tilespmem:$0x4900] =	vst v63  }
0x26c: {  	_ =	swait.ge [sflag:s7], $0x1000  }
0x26d: {  	[sflag:s7] =	ssyncset.done $0x0  }
0x26e: {  	s0 =	rddreg [dreg:$0x9];
	[sflag:s7] =	ssyncadd.s32 $0xFFFFF000  }
0x26f: {  	[hbm4b:s0+s6] =	stream.strided.scatter [tilespmem:s4], [sflag:$0x4], $0x1000, s8, s6, $0x38;
	[tilespmem:$0x4900] =	vst v63  }
0x270: {  	_ =	swait.ge [sflag:s9], $0x1000  }
0x271: {  	s0 =	sld [smem:$0x7E2]  }
0x272: {  	[sflag:s9] =	ssyncset.done $0x0  }
0x273: {  	[sflag:s9] =	ssyncadd.s32 $0xFFFFF000  }
0x274: {  	[tilespmem:s4], [sflag:$0x1] =	stream.indirect.gather [hbm4b:s2+s5], $0x20, s0, s5, $0xb8;
	[tilespmem:$0x4900] =	vst v63  }
0x275: {  	_ =	swait.ge [sflag:s12], $0x1000  }
0x276: {  	[sflag:s12] =	ssyncset.done $0x0  }
0x277: {  	s0 =	rddreg [dreg:$0xa];
	[sflag:s12] =	ssyncadd.s32 $0xFFFFF000  }
0x278: {  	[hbm4b:s0+s6] =	stream.strided.scatter [tilespmem:s3], [sflag:$0x5], $0x1000, s8, s6, $0x38;
	[tilespmem:$0x4900] =	vst v63  }
0x279: {  	_ =	swait.ge [sflag:s11], $0x1000  }
0x27a: {  	s0 =	sld [smem:$0x7E3]  }
0x27b: {  	[sflag:s11] =	ssyncset.done $0x0  }
0x27c: {  	[sflag:s11] =	ssyncadd.s32 $0xFFFFF000  }
0x27d: {  	[tilespmem:s3], [sflag:$0x2] =	stream.indirect.gather [hbm4b:s2+s5], $0x20, s0, s5, $0xb8;
	[tilespmem:$0x4900] =	vst v63  }
0x27e: {  	_ =	swait.ge [sflag:s13], $0x1000  }
0x27f: {  	[sflag:s13] =	ssyncset.done $0x0  }
0x280: {  	s0 =	rddreg [dreg:$0xb];
	[sflag:s13] =	ssyncadd.s32 $0xFFFFF000  }
0x281: {  	[hbm4b:s0+s6] =	stream.strided.scatter [tilespmem:s10], [sflag:$0x6], $0x1000, s8, s6, $0x38;
	[tilespmem:$0x4900] =	vst v63  }
0x282: {  	_ =	swait.ge [sflag:s15], $0x1000  }
0x283: {  	s0 =	sld [smem:$0x7E4]  }
0x284: {  	[sflag:s15] =	ssyncset.done $0x0  }
0x285: {  	[sflag:s15] =	ssyncadd.s32 $0xFFFFF000  }
0x286: {  	[tilespmem:s10], [sflag:$0x3] =	stream.indirect.gather [hbm4b:s2+s5], $0x20, s0, s5, $0xb8;
	[tilespmem:$0x4900] =	vst v63  }
0x287: {  	_ =	swait.ge [sflag:s7], $0x1000  }
0x288: {  	[sflag:s7] =	ssyncset.done $0x0  }
0x289: {  	s0 =	rddreg [dreg:$0xc];
	[sflag:s7] =	ssyncadd.s32 $0xFFFFF000  }
0x28a: {  	[hbm4b:s0+s6] =	stream.strided.scatter [tilespmem:s4], [sflag:$0x4], $0x1000, s8, s6, $0x38;
	[tilespmem:$0x4900] =	vst v63  }
0x28b: {  	_ =	swait.ge [sflag:s9], $0x1000  }
0x28c: {  	s0 =	sld [smem:$0x7E5]  }
0x28d: {  	[sflag:s9] =	ssyncset.done $0x0  }
0x28e: {  	[sflag:s9] =	ssyncadd.s32 $0xFFFFF000  }
0x28f: {  	[tilespmem:s4], [sflag:$0x1] =	stream.indirect.gather [hbm4b:s2+s5], $0x20, s0, s5, $0xb8;
	[tilespmem:$0x4900] =	vst v63  }
0x290: {  	_ =	swait.ge [sflag:s12], $0x1000  }
0x291: {  	[sflag:s12] =	ssyncset.done $0x0  }
0x292: {  	s0 =	rddreg [dreg:$0xd];
	[sflag:s12] =	ssyncadd.s32 $0xFFFFF000  }
0x293: {  	[hbm4b:s0+s6] =	stream.strided.scatter [tilespmem:s3], [sflag:$0x5], $0x1000, s8, s6, $0x38;
	[tilespmem:$0x4900] =	vst v63  }
0x294: {  	_ =	swait.ge [sflag:s11], $0x1000  }
0x295: {  	s0 =	sld [smem:$0x7E6]  }
0x296: {  	[sflag:s11] =	ssyncset.done $0x0  }
0x297: {  	[sflag:s11] =	ssyncadd.s32 $0xFFFFF000  }
0x298: {  	[tilespmem:s3], [sflag:$0x2] =	stream.indirect.gather [hbm4b:s2+s5], $0x20, s0, s5, $0xb8;
	[tilespmem:$0x4900] =	vst v63  }
0x299: {  	_ =	swait.ge [sflag:s13], $0x1000  }
0x29a: {  	[sflag:s13] =	ssyncset.done $0x0  }
0x29b: {  	s0 =	rddreg [dreg:$0xe];
	[sflag:s13] =	ssyncadd.s32 $0xFFFFF000  }
0x29c: {  	[hbm4b:s0+s6] =	stream.strided.scatter [tilespmem:s10], [sflag:$0x6], $0x1000, s8, s6, $0x38;
	[tilespmem:$0x4900] =	vst v63  }
0x29d: {  	_ =	swait.ge [sflag:s15], $0x1000  }
0x29e: {  	s0 =	sld [smem:$0x7E7]  }
0x29f: {  	[sflag:s15] =	ssyncset.done $0x0  }
0x2a0: {  	[sflag:s15] =	ssyncadd.s32 $0xFFFFF000  }
0x2a1: {  	[tilespmem:s10], [sflag:$0x3] =	stream.indirect.gather [hbm4b:s2+s5], $0x20, s0, s5, $0xb8;
	[tilespmem:$0x4900] =	vst v63  }
0x2a2: {  	_ =	swait.ge [sflag:s7], $0x1000  }
0x2a3: {  	[sflag:s7] =	ssyncset.done $0x0  }
0x2a4: {  	s0 =	rddreg [dreg:$0xf];
	[sflag:s7] =	ssyncadd.s32 $0xFFFFF000  }
0x2a5: {  	[hbm4b:s0+s6] =	stream.strided.scatter [tilespmem:s4], [sflag:$0x4], $0x1000, s8, s6, $0x38;
	[tilespmem:$0x4900] =	vst v63  }
0x2a6: {  	_ =	swait.ge [sflag:s9], $0x1000  }
0x2a7: {  	s0 =	sld [smem:$0x7E8]  }
0x2a8: {  	[sflag:s9] =	ssyncset.done $0x0  }
0x2a9: {  	[sflag:s9] =	ssyncadd.s32 $0xFFFFF000  }
0x2aa: {  	[tilespmem:s4], [sflag:$0x1] =	stream.indirect.gather [hbm4b:s2+s5], $0x20, s0, s5, $0xb8;
	[tilespmem:$0x4900] =	vst v63  }
0x2ab: {  	_ =	swait.ge [sflag:s12], $0x1000  }
0x2ac: {  	[sflag:s12] =	ssyncset.done $0x0  }
0x2ad: {  	s0 =	rddreg [dreg:$0x10];
	[sflag:s12] =	ssyncadd.s32 $0xFFFFF000  }
0x2ae: {  	[hbm4b:s0+s6] =	stream.strided.scatter [tilespmem:s3], [sflag:$0x5], $0x1000, s8, s6, $0x38;
	[tilespmem:$0x4900] =	vst v63  }
0x2af: {  	_ =	swait.ge [sflag:s11], $0x1000  }
0x2b0: {  	s0 =	sld [smem:$0x7E9]  }
0x2b1: {  	[sflag:s11] =	ssyncset.done $0x0  }
0x2b2: {  	[sflag:s11] =	ssyncadd.s32 $0xFFFFF000  }
0x2b3: {  	[tilespmem:s3], [sflag:$0x2] =	stream.indirect.gather [hbm4b:s2+s5], $0x20, s0, s5, $0xb8;
	[tilespmem:$0x4900] =	vst v63  }
0x2b4: {  	_ =	swait.ge [sflag:s13], $0x1000  }
0x2b5: {  	[sflag:s13] =	ssyncset.done $0x0  }
0x2b6: {  	s0 =	rddreg [dreg:$0x11];
	[sflag:s13] =	ssyncadd.s32 $0xFFFFF000  }
0x2b7: {  	[hbm4b:s0+s6] =	stream.strided.scatter [tilespmem:s10], [sflag:$0x6], $0x1000, s8, s6, $0x38;
	[tilespmem:$0x4900] =	vst v63  }
0x2b8: {  	_ =	swait.ge [sflag:s15], $0x1000  }
0x2b9: {  	s0 =	sld [smem:$0x7EA]  }
0x2ba: {  	[sflag:s15] =	ssyncset.done $0x0  }
0x2bb: {  	[sflag:s15] =	ssyncadd.s32 $0xFFFFF000  }
0x2bc: {  	[tilespmem:s10], [sflag:$0x3] =	stream.indirect.gather [hbm4b:s2+s5], $0x20, s0, s5, $0xb8;
	[tilespmem:$0x4900] =	vst v63  }
0x2bd: {  	_ =	swait.ge [sflag:s7], $0x1000  }
0x2be: {  	[sflag:s7] =	ssyncset.done $0x0  }
0x2bf: {  	s0 =	rddreg [dreg:$0x12];
	[sflag:s7] =	ssyncadd.s32 $0xFFFFF000  }
0x2c0: {  	[hbm4b:s0+s6] =	stream.strided.scatter [tilespmem:s4], [sflag:$0x4], $0x1000, s8, s6, $0x38;
	[tilespmem:$0x4900] =	vst v63  }
0x2c1: {  	_ =	swait.ge [sflag:s9], $0x1000  }
0x2c2: {  	s0 =	sld [smem:$0x7EB]  }
0x2c3: {  	[sflag:s9] =	ssyncset.done $0x0  }
0x2c4: {  	[sflag:s9] =	ssyncadd.s32 $0xFFFFF000  }
0x2c5: {  	[tilespmem:s4], [sflag:$0x1] =	stream.indirect.gather [hbm4b:s2+s5], $0x20, s0, s5, $0xb8;
	[tilespmem:$0x4900] =	vst v63  }
0x2c6: {  	_ =	swait.ge [sflag:s12], $0x1000  }
0x2c7: {  	[sflag:s12] =	ssyncset.done $0x0  }
0x2c8: {  	s0 =	rddreg [dreg:$0x13];
	[sflag:s12] =	ssyncadd.s32 $0xFFFFF000  }
0x2c9: {  	[hbm4b:s0+s6] =	stream.strided.scatter [tilespmem:s3], [sflag:$0x5], $0x1000, s8, s6, $0x38;
	[tilespmem:$0x4900] =	vst v63  }
0x2ca: {  	_ =	swait.ge [sflag:s11], $0x1000  }
0x2cb: {  	s0 =	sld [smem:$0x7EC]  }
0x2cc: {  	[sflag:s11] =	ssyncset.done $0x0  }
0x2cd: {  	[sflag:s11] =	ssyncadd.s32 $0xFFFFF000  }
0x2ce: {  	[tilespmem:s3], [sflag:$0x2] =	stream.indirect.gather [hbm4b:s2+s5], $0x20, s0, s5, $0xb8;
	[tilespmem:$0x4900] =	vst v63  }
0x2cf: {  	_ =	swait.ge [sflag:s13], $0x1000  }
0x2d0: {  	[sflag:s13] =	ssyncset.done $0x0  }
0x2d1: {  	s0 =	rddreg [dreg:$0x14];
	[sflag:s13] =	ssyncadd.s32 $0xFFFFF000  }
0x2d2: {  	[hbm4b:s0+s6] =	stream.strided.scatter [tilespmem:s10], [sflag:$0x6], $0x1000, s8, s6, $0x38;
	[tilespmem:$0x4900] =	vst v63  }
0x2d3: {  	_ =	swait.ge [sflag:s15], $0x1000  }
0x2d4: {  	s0 =	sld [smem:$0x7ED]  }
0x2d5: {  	[sflag:s15] =	ssyncset.done $0x0  }
0x2d6: {  	[sflag:s15] =	ssyncadd.s32 $0xFFFFF000  }
0x2d7: {  	[tilespmem:s10], [sflag:$0x3] =	stream.indirect.gather [hbm4b:s2+s5], $0x20, s0, s5, $0xb8;
	[tilespmem:$0x4900] =	vst v63  }
0x2d8: {  	_ =	swait.ge [sflag:s7], $0x1000  }
0x2d9: {  	[sflag:s7] =	ssyncset.done $0x0  }
0x2da: {  	s0 =	rddreg [dreg:$0x15];
	[sflag:s7] =	ssyncadd.s32 $0xFFFFF000  }
0x2db: {  	[hbm4b:s0+s6] =	stream.strided.scatter [tilespmem:s4], [sflag:$0x4], $0x1000, s8, s6, $0x38;
	[tilespmem:$0x4900] =	vst v63  }
0x2dc: {  	_ =	swait.ge [sflag:s9], $0x1000  }
0x2dd: {  	s0 =	sld [smem:$0x7EE]  }
0x2de: {  	[sflag:s9] =	ssyncset.done $0x0  }
0x2df: {  	[sflag:s9] =	ssyncadd.s32 $0xFFFFF000  }
0x2e0: {  	[tilespmem:s4], [sflag:$0x1] =	stream.indirect.gather [hbm4b:s2+s5], $0x20, s0, s5, $0xb8;
	[tilespmem:$0x4900] =	vst v63  }
0x2e1: {  	_ =	swait.ge [sflag:s12], $0x1000  }
0x2e2: {  	[sflag:s12] =	ssyncset.done $0x0  }
0x2e3: {  	s0 =	rddreg [dreg:$0x16];
	[sflag:s12] =	ssyncadd.s32 $0xFFFFF000  }
0x2e4: {  	[hbm4b:s0+s6] =	stream.strided.scatter [tilespmem:s3], [sflag:$0x5], $0x1000, s8, s6, $0x38;
	[tilespmem:$0x4900] =	vst v63  }
0x2e5: {  	_ =	swait.ge [sflag:s11], $0x1000  }
0x2e6: {  	s0 =	sld [smem:$0x7EF]  }
0x2e7: {  	[sflag:s11] =	ssyncset.done $0x0  }
0x2e8: {  	[sflag:s11] =	ssyncadd.s32 $0xFFFFF000  }
0x2e9: {  	[tilespmem:s3], [sflag:$0x2] =	stream.indirect.gather [hbm4b:s2+s5], $0x20, s0, s5, $0xb8;
	[tilespmem:$0x4900] =	vst v63  }
0x2ea: {  	_ =	swait.ge [sflag:s13], $0x1000  }
0x2eb: {  	[sflag:s13] =	ssyncset.done $0x0  }
0x2ec: {  	s0 =	rddreg [dreg:$0x17];
	[sflag:s13] =	ssyncadd.s32 $0xFFFFF000  }
0x2ed: {  	[hbm4b:s0+s6] =	stream.strided.scatter [tilespmem:s10], [sflag:$0x6], $0x1000, s8, s6, $0x38;
	[tilespmem:$0x4900] =	vst v63  }
0x2ee: {  	_ =	swait.ge [sflag:s15], $0x1000  }
0x2ef: {  	s0 =	sld [smem:$0x7F0]  }
0x2f0: {  	[sflag:s15] =	ssyncset.done $0x0  }
0x2f1: {  	[sflag:s15] =	ssyncadd.s32 $0xFFFFF000  }
0x2f2: {  	[tilespmem:s10], [sflag:$0x3] =	stream.indirect.gather [hbm4b:s2+s5], $0x20, s0, s5, $0xb8;
	[tilespmem:$0x4900] =	vst v63  }
0x2f3: {  	_ =	swait.ge [sflag:s7], $0x1000  }
0x2f4: {  	[sflag:s7] =	ssyncset.done $0x0  }
0x2f5: {  	s0 =	rddreg [dreg:$0x18];
	[sflag:s7] =	ssyncadd.s32 $0xFFFFF000  }
0x2f6: {  	[hbm4b:s0+s6] =	stream.strided.scatter [tilespmem:s4], [sflag:$0x4], $0x1000, s8, s6, $0x38;
	[tilespmem:$0x4900] =	vst v63  }
0x2f7: {  	_ =	swait.ge [sflag:s9], $0x1000  }
0x2f8: {  	s0 =	sld [smem:$0x7F1]  }
0x2f9: {  	[sflag:s9] =	ssyncset.done $0x0  }
0x2fa: {  	[sflag:s9] =	ssyncadd.s32 $0xFFFFF000  }
0x2fb: {  	[tilespmem:s4], [sflag:$0x1] =	stream.indirect.gather [hbm4b:s2+s5], $0x20, s0, s5, $0xb8;
	[tilespmem:$0x4900] =	vst v63  }
0x2fc: {  	_ =	swait.ge [sflag:s12], $0x1000  }
0x2fd: {  	[sflag:s12] =	ssyncset.done $0x0  }
0x2fe: {  	s0 =	rddreg [dreg:$0x19];
	[sflag:s12] =	ssyncadd.s32 $0xFFFFF000  }
0x2ff: {  	[hbm4b:s0+s6] =	stream.strided.scatter [tilespmem:s3], [sflag:$0x5], $0x1000, s8, s6, $0x38;
	[tilespmem:$0x4900] =	vst v63  }
0x300: {  	_ =	swait.ge [sflag:s11], $0x1000  }
0x301: {  	s0 =	sld [smem:$0x7F2]  }
0x302: {  	[sflag:s11] =	ssyncset.done $0x0  }
0x303: {  	[sflag:s11] =	ssyncadd.s32 $0xFFFFF000  }
0x304: {  	[tilespmem:s3], [sflag:$0x2] =	stream.indirect.gather [hbm4b:s2+s5], $0x20, s0, s5, $0xb8;
	[tilespmem:$0x4900] =	vst v63  }
0x305: {  	_ =	swait.ge [sflag:s13], $0x1000  }
0x306: {  	[sflag:s13] =	ssyncset.done $0x0  }
0x307: {  	s0 =	rddreg [dreg:$0x1a];
	[sflag:s13] =	ssyncadd.s32 $0xFFFFF000  }
0x308: {  	[hbm4b:s0+s6] =	stream.strided.scatter [tilespmem:s10], [sflag:$0x6], $0x1000, s8, s6, $0x38;
	[tilespmem:$0x4900] =	vst v63  }
0x309: {  	_ =	swait.ge [sflag:s15], $0x1000  }
0x30a: {  	s0 =	sld [smem:$0x7F3]  }
0x30b: {  	[sflag:s15] =	ssyncset.done $0x0  }
0x30c: {  	[sflag:s15] =	ssyncadd.s32 $0xFFFFF000  }
0x30d: {  	[tilespmem:s10], [sflag:$0x3] =	stream.indirect.gather [hbm4b:s2+s5], $0x20, s0, s5, $0xb8;
	[tilespmem:$0x4900] =	vst v63  }
0x30e: {  	_ =	swait.ge [sflag:s7], $0x1000  }
0x30f: {  	[sflag:s7] =	ssyncset.done $0x0  }
0x310: {  	s0 =	rddreg [dreg:$0x1b];
	[sflag:s7] =	ssyncadd.s32 $0xFFFFF000  }
0x311: {  	[hbm4b:s0+s6] =	stream.strided.scatter [tilespmem:s4], [sflag:$0x4], $0x1000, s8, s6, $0x38;
	[tilespmem:$0x4900] =	vst v63  }
0x312: {  	_ =	swait.ge [sflag:s9], $0x1000  }
0x313: {  	s0 =	sld [smem:$0x7F4]  }
0x314: {  	[sflag:s9] =	ssyncset.done $0x0  }
0x315: {  	[sflag:s9] =	ssyncadd.s32 $0xFFFFF000  }
0x316: {  	[tilespmem:s4], [sflag:$0x1] =	stream.indirect.gather [hbm4b:s2+s5], $0x20, s0, s5, $0xb8;
	[tilespmem:$0x4900] =	vst v63  }
0x317: {  	_ =	swait.ge [sflag:s12], $0x1000  }
0x318: {  	[sflag:s12] =	ssyncset.done $0x0  }
0x319: {  	s0 =	rddreg [dreg:$0x1c];
	[sflag:s12] =	ssyncadd.s32 $0xFFFFF000  }
0x31a: {  	[hbm4b:s0+s6] =	stream.strided.scatter [tilespmem:s3], [sflag:$0x5], $0x1000, s8, s6, $0x38;
	[tilespmem:$0x4900] =	vst v63  }
0x31b: {  	_ =	swait.ge [sflag:s11], $0x1000  }
0x31c: {  	s0 =	sld [smem:$0x7F5]  }
0x31d: {  	[sflag:s11] =	ssyncset.done $0x0  }
0x31e: {  	[sflag:s11] =	ssyncadd.s32 $0xFFFFF000  }
0x31f: {  	[tilespmem:s3], [sflag:$0x2] =	stream.indirect.gather [hbm4b:s2+s5], $0x20, s0, s5, $0xb8;
	[tilespmem:$0x4900] =	vst v63  }
0x320: {  	_ =	swait.ge [sflag:s13], $0x1000  }
0x321: {  	[sflag:s13] =	ssyncset.done $0x0  }
0x322: {  	s0 =	rddreg [dreg:$0x1d];
	[sflag:s13] =	ssyncadd.s32 $0xFFFFF000  }
0x323: {  	[hbm4b:s0+s6] =	stream.strided.scatter [tilespmem:s10], [sflag:$0x6], $0x1000, s8, s6, $0x38;
	[tilespmem:$0x4900] =	vst v63  }
0x324: {  	_ =	swait.ge [sflag:s15], $0x1000  }
0x325: {  	s0 =	sld [smem:$0x7F6]  }
0x326: {  	[sflag:s15] =	ssyncset.done $0x0  }
0x327: {  	[sflag:s15] =	ssyncadd.s32 $0xFFFFF000  }
0x328: {  	[tilespmem:s10], [sflag:$0x3] =	stream.indirect.gather [hbm4b:s2+s5], $0x20, s0, s5, $0xb8;
	[tilespmem:$0x4900] =	vst v63  }
0x329: {  	_ =	swait.ge [sflag:s7], $0x1000  }
0x32a: {  	[sflag:s7] =	ssyncset.done $0x0  }
0x32b: {  	s0 =	rddreg [dreg:$0x1e];
	[sflag:s7] =	ssyncadd.s32 $0xFFFFF000  }
0x32c: {  	[hbm4b:s0+s6] =	stream.strided.scatter [tilespmem:s4], [sflag:$0x4], $0x1000, s8, s6, $0x38;
	[tilespmem:$0x4900] =	vst v63  }
0x32d: {  	_ =	swait.ge [sflag:s9], $0x1000  }
0x32e: {  	s0 =	sld [smem:$0x7F7]  }
0x32f: {  	[sflag:s9] =	ssyncset.done $0x0  }
0x330: {  	[sflag:s9] =	ssyncadd.s32 $0xFFFFF000  }
0x331: {  	[tilespmem:s4], [sflag:$0x1] =	stream.indirect.gather [hbm4b:s2+s5], $0x20, s0, s5, $0xb8;
	[tilespmem:$0x4900] =	vst v63  }
0x332: {  	_ =	swait.ge [sflag:s12], $0x1000  }
0x333: {  	[sflag:s12] =	ssyncset.done $0x0  }
0x334: {  	s0 =	rddreg [dreg:$0x1f];
	[sflag:s12] =	ssyncadd.s32 $0xFFFFF000  }
0x335: {  	[hbm4b:s0+s6] =	stream.strided.scatter [tilespmem:s3], [sflag:$0x5], $0x1000, s8, s6, $0x38;
	[tilespmem:$0x4900] =	vst v63  }
0x336: {  	_ =	swait.ge [sflag:s11], $0x1000  }
0x337: {  	s0 =	sld [smem:$0x7F8]  }
0x338: {  	[sflag:s11] =	ssyncset.done $0x0  }
0x339: {  	[sflag:s11] =	ssyncadd.s32 $0xFFFFF000  }
0x33a: {  	[tilespmem:s3], [sflag:$0x2] =	stream.indirect.gather [hbm4b:s2+s5], $0x20, s0, s5, $0xb8;
	[tilespmem:$0x4900] =	vst v63  }
0x33b: {  	_ =	swait.ge [sflag:s13], $0x1000  }
0x33c: {  	s0 =	sld [smem:$0x7C6]  }
0x33d: {  	[sflag:s13] =	ssyncset.done $0x0  }
0x33e: {  	[sflag:s13] =	ssyncadd.s32 $0xFFFFF000  }
0x33f: {  	[hbm4b:s0+s6] =	stream.strided.scatter [tilespmem:s10], [sflag:$0x6], $0x1000, s8, s6, $0x38;
	[tilespmem:$0x4900] =	vst v63  }
0x340: {  	_ =	swait.ge [sflag:s15], $0x1000  }
0x341: {  	[sflag:s15] =	ssyncset.done $0x0  }
0x342: {  	[sflag:s15] =	ssyncadd.s32 $0xFFFFF000  }
0x343: {  	[tilespmem:s10], [sflag:$0x3] =	stream.indirect.gather [hbm4b:s2+s5], $0x20, s28, s5, $0xb8;
	[tilespmem:$0x4900] =	vst v63  }
0x344: {  	_ =	swait.ge [sflag:s7], $0x1000  }
0x345: {  	s0 =	sld [smem:$0x7C7]  }
0x346: {  	[sflag:s7] =	ssyncset.done $0x0  }
0x347: {  	[sflag:s7] =	ssyncadd.s32 $0xFFFFF000  }
0x348: {  	[hbm4b:s0+s6] =	stream.strided.scatter [tilespmem:s4], [sflag:$0x4], $0x1000, s8, s6, $0x38;
	[tilespmem:$0x4900] =	vst v63  }
0x349: {  	_ =	swait.ge [sflag:s9], $0x1000  }
0x34a: {  	s0 =	sld [smem:$0x7F9]  }
0x34b: {  	[sflag:s9] =	ssyncset.done $0x0  }
0x34c: {  	[sflag:s9] =	ssyncadd.s32 $0xFFFFF000  }
0x34d: {  	[tilespmem:s4], [sflag:$0x1] =	stream.indirect.gather [hbm4b:s2+s5], $0x20, s0, s5, $0xb8;
	[tilespmem:$0x4900] =	vst v63  }
0x34e: {  	_ =	swait.ge [sflag:s12], $0x1000  }
0x34f: {  	s0 =	sld [smem:$0x7C8]  }
0x350: {  	[sflag:s12] =	ssyncset.done $0x0  }
0x351: {  	[sflag:s12] =	ssyncadd.s32 $0xFFFFF000  }
0x352: {  	[hbm4b:s0+s6] =	stream.strided.scatter [tilespmem:s3], [sflag:$0x5], $0x1000, s8, s6, $0x38;
	[tilespmem:$0x4900] =	vst v63  }
0x353: {  	_ =	swait.ge [sflag:s11], $0x1000  }
0x354: {  	s0 =	sld [smem:$0x7FA]  }
0x355: {  	[sflag:s11] =	ssyncset.done $0x0  }
0x356: {  	[sflag:s11] =	ssyncadd.s32 $0xFFFFF000  }
0x357: {  	[tilespmem:s3], [sflag:$0x2] =	stream.indirect.gather [hbm4b:s2+s5], $0x20, s0, s5, $0xb8;
	[tilespmem:$0x4900] =	vst v63  }
0x358: {  	_ =	swait.ge [sflag:s13], $0x1000  }
0x359: {  	s0 =	sld [smem:$0x7C9]  }
0x35a: {  	[sflag:s13] =	ssyncset.done $0x0  }
0x35b: {  	[sflag:s13] =	ssyncadd.s32 $0xFFFFF000  }
0x35c: {  	[hbm4b:s0+s6] =	stream.strided.scatter [tilespmem:s10], [sflag:$0x6], $0x1000, s8, s6, $0x38;
	[tilespmem:$0x4900] =	vst v63  }
0x35d: {  	_ =	swait.ge [sflag:s15], $0x1000  }
0x35e: {  	s0 =	sld [smem:$0x7FB]  }
0x35f: {  	[sflag:s15] =	ssyncset.done $0x0  }
0x360: {  	[sflag:s15] =	ssyncadd.s32 $0xFFFFF000  }
0x361: {  	[tilespmem:s10], [sflag:$0x3] =	stream.indirect.gather [hbm4b:s2+s5], $0x20, s0, s5, $0xb8;
	[tilespmem:$0x4900] =	vst v63  }
0x362: {  	_ =	swait.ge [sflag:s7], $0x1000  }
0x363: {  	s0 =	sld [smem:$0x7CA]  }
0x364: {  	[sflag:s7] =	ssyncset.done $0x0  }
0x365: {  	[sflag:s7] =	ssyncadd.s32 $0xFFFFF000  }
0x366: {  	[hbm4b:s0+s6] =	stream.strided.scatter [tilespmem:s4], [sflag:$0x4], $0x1000, s8, s6, $0x38;
	[tilespmem:$0x4900] =	vst v63  }
0x367: {  	_ =	swait.ge [sflag:s9], $0x1000  }
0x368: {  	s0 =	sld [smem:$0x7FC]  }
0x369: {  	[sflag:s9] =	ssyncset.done $0x0  }
0x36a: {  	[sflag:s9] =	ssyncadd.s32 $0xFFFFF000  }
0x36b: {  	[tilespmem:s4], [sflag:$0x1] =	stream.indirect.gather [hbm4b:s2+s5], $0x20, s0, s5, $0xb8;
	[tilespmem:$0x4900] =	vst v63  }
0x36c: {  	_ =	swait.ge [sflag:s12], $0x1000  }
0x36d: {  	s0 =	sld [smem:$0x7CB]  }
0x36e: {  	[sflag:s12] =	ssyncset.done $0x0  }
0x36f: {  	[sflag:s12] =	ssyncadd.s32 $0xFFFFF000  }
0x370: {  	[hbm4b:s0+s6] =	stream.strided.scatter [tilespmem:s3], [sflag:$0x5], $0x1000, s8, s6, $0x38;
	[tilespmem:$0x4900] =	vst v63  }
0x371: {  	_ =	swait.ge [sflag:s11], $0x1000  }
0x372: {  	s0 =	sld [smem:$0x7FD]  }
0x373: {  	[sflag:s11] =	ssyncset.done $0x0  }
0x374: {  	[sflag:s11] =	ssyncadd.s32 $0xFFFFF000  }
0x375: {  	[tilespmem:s3], [sflag:$0x2] =	stream.indirect.gather [hbm4b:s2+s5], $0x20, s0, s5, $0xb8;
	[tilespmem:$0x4900] =	vst v63  }
0x376: {  	_ =	swait.ge [sflag:s13], $0x1000  }
0x377: {  	s0 =	sld [smem:$0x7CC]  }
0x378: {  	[sflag:s13] =	ssyncset.done $0x0  }
0x379: {  	[sflag:s13] =	ssyncadd.s32 $0xFFFFF000  }
0x37a: {  	[hbm4b:s0+s6] =	stream.strided.scatter [tilespmem:s10], [sflag:$0x6], $0x1000, s8, s6, $0x38;
	[tilespmem:$0x4900] =	vst v63  }
0x37b: {  	_ =	swait.ge [sflag:s15], $0x1000  }
0x37c: {  	[sflag:s15] =	ssyncset.done $0x0  }
0x37d: {  	[sflag:s15] =	ssyncadd.s32 $0xFFFFF000  }
0x37e: {  	[tilespmem:s10], [sflag:$0x3] =	stream.indirect.gather [hbm4b:s2+s5], $0x20, s26, s5, $0xb8;
	[tilespmem:$0x4900] =	vst v63  }
0x37f: {  	_ =	swait.ge [sflag:s7], $0x1000  }
0x380: {  	s0 =	sld [smem:$0x7CD]  }
0x381: {  	[sflag:s7] =	ssyncset.done $0x0  }
0x382: {  	[sflag:s7] =	ssyncadd.s32 $0xFFFFF000  }
0x383: {  	[hbm4b:s0+s6] =	stream.strided.scatter [tilespmem:s4], [sflag:$0x4], $0x1000, s8, s6, $0x38;
	[tilespmem:$0x4900] =	vst v63  }
0x384: {  	_ =	swait.ge [sflag:s9], $0x1000  }
0x385: {  	[sflag:s9] =	ssyncset.done $0x0  }
0x386: {  	[sflag:s9] =	ssyncadd.s32 $0xFFFFF000  }
0x387: {  	[tilespmem:s4], [sflag:$0x1] =	stream.indirect.gather [hbm4b:s2+s5], $0x20, s25, s5, $0xb8;
	[tilespmem:$0x4900] =	vst v63  }
0x388: {  	_ =	swait.ge [sflag:s12], $0x1000  }
0x389: {  	s0 =	sld [smem:$0x7CE]  }
0x38a: {  	[sflag:s12] =	ssyncset.done $0x0  }
0x38b: {  	[sflag:s12] =	ssyncadd.s32 $0xFFFFF000  }
0x38c: {  	[hbm4b:s0+s6] =	stream.strided.scatter [tilespmem:s3], [sflag:$0x5], $0x1000, s8, s6, $0x38;
	[tilespmem:$0x4900] =	vst v63  }
0x38d: {  	_ =	swait.ge [sflag:s11], $0x1000  }
0x38e: {  	[sflag:s11] =	ssyncset.done $0x0  }
0x38f: {  	[sflag:s11] =	ssyncadd.s32 $0xFFFFF000  }
0x390: {  	[tilespmem:s3], [sflag:$0x2] =	stream.indirect.gather [hbm4b:s2+s5], $0x20, s24, s5, $0xb8;
	[tilespmem:$0x4900] =	vst v63  }
0x391: {  	_ =	swait.ge [sflag:s13], $0x1000  }
0x392: {  	s0 =	sld [smem:$0x7CF]  }
0x393: {  	[sflag:s13] =	ssyncset.done $0x0  }
0x394: {  	[sflag:s13] =	ssyncadd.s32 $0xFFFFF000  }
0x395: {  	[hbm4b:s0+s6] =	stream.strided.scatter [tilespmem:s10], [sflag:$0x6], $0x1000, s8, s6, $0x38;
	[tilespmem:$0x4900] =	vst v63  }
0x396: {  	_ =	swait.ge [sflag:s15], $0x1000  }
0x397: {  	[sflag:s15] =	ssyncset.done $0x0  }
0x398: {  	[sflag:s15] =	ssyncadd.s32 $0xFFFFF000  }
0x399: {  	[tilespmem:s10], [sflag:$0x3] =	stream.indirect.gather [hbm4b:s2+s5], $0x20, s23, s5, $0xb8;
	[tilespmem:$0x4900] =	vst v63  }
0x39a: {  	_ =	swait.ge [sflag:s7], $0x1000  }
0x39b: {  	s0 =	sld [smem:$0x7D0]  }
0x39c: {  	[sflag:s7] =	ssyncset.done $0x0  }
0x39d: {  	[sflag:s7] =	ssyncadd.s32 $0xFFFFF000  }
0x39e: {  	[hbm4b:s0+s6] =	stream.strided.scatter [tilespmem:s4], [sflag:$0x4], $0x1000, s8, s6, $0x38;
	[tilespmem:$0x4900] =	vst v63  }
0x39f: {  	_ =	swait.ge [sflag:s9], $0x1000  }
0x3a0: {  	[sflag:s9] =	ssyncset.done $0x0  }
0x3a1: {  	[sflag:s9] =	ssyncadd.s32 $0xFFFFF000  }
0x3a2: {  	[tilespmem:s4], [sflag:$0x1] =	stream.indirect.gather [hbm4b:s2+s5], $0x20, s22, s5, $0xb8;
	[tilespmem:$0x4900] =	vst v63  }
0x3a3: {  	_ =	swait.ge [sflag:s12], $0x1000  }
0x3a4: {  	s0 =	sld [smem:$0x7D1]  }
0x3a5: {  	[sflag:s12] =	ssyncset.done $0x0  }
0x3a6: {  	[sflag:s12] =	ssyncadd.s32 $0xFFFFF000  }
0x3a7: {  	[hbm4b:s0+s6] =	stream.strided.scatter [tilespmem:s3], [sflag:$0x5], $0x1000, s8, s6, $0x38;
	[tilespmem:$0x4900] =	vst v63  }
0x3a8: {  	_ =	swait.ge [sflag:s11], $0x1000  }
0x3a9: {  	[sflag:s11] =	ssyncset.done $0x0  }
0x3aa: {  	[sflag:s11] =	ssyncadd.s32 $0xFFFFF000  }
0x3ab: {  	[tilespmem:s3], [sflag:$0x2] =	stream.indirect.gather [hbm4b:s2+s5], $0x20, s21, s5, $0xb8;
	[tilespmem:$0x4900] =	vst v63  }
0x3ac: {  	_ =	swait.ge [sflag:s13], $0x1000  }
0x3ad: {  	s0 =	sld [smem:$0x7D2]  }
0x3ae: {  	[sflag:s13] =	ssyncset.done $0x0  }
0x3af: {  	[sflag:s13] =	ssyncadd.s32 $0xFFFFF000  }
0x3b0: {  	[hbm4b:s0+s6] =	stream.strided.scatter [tilespmem:s10], [sflag:$0x6], $0x1000, s8, s6, $0x38;
	[tilespmem:$0x4900] =	vst v63  }
0x3b1: {  	_ =	swait.ge [sflag:s15], $0x1000  }
0x3b2: {  	[sflag:s15] =	ssyncset.done $0x0  }
0x3b3: {  	[sflag:s15] =	ssyncadd.s32 $0xFFFFF000  }
0x3b4: {  	[tilespmem:s10], [sflag:$0x3] =	stream.indirect.gather [hbm4b:s2+s5], $0x20, s20, s5, $0xb8;
	[tilespmem:$0x4900] =	vst v63  }
0x3b5: {  	_ =	swait.ge [sflag:s7], $0x1000  }
0x3b6: {  	s0 =	sld [smem:$0x7D3]  }
0x3b7: {  	[sflag:s7] =	ssyncset.done $0x0  }
0x3b8: {  	[sflag:s7] =	ssyncadd.s32 $0xFFFFF000  }
0x3b9: {  	[hbm4b:s0+s6] =	stream.strided.scatter [tilespmem:s4], [sflag:$0x4], $0x1000, s8, s6, $0x38;
	[tilespmem:$0x4900] =	vst v63  }
0x3ba: {  	_ =	swait.ge [sflag:s9], $0x1000  }
0x3bb: {  	[sflag:s9] =	ssyncset.done $0x0  }
0x3bc: {  	[sflag:s9] =	ssyncadd.s32 $0xFFFFF000  }
0x3bd: {  	[tilespmem:s4], [sflag:$0x1] =	stream.indirect.gather [hbm4b:s2+s5], $0x20, s19, s5, $0xb8;
	[tilespmem:$0x4900] =	vst v63  }
0x3be: {  	_ =	swait.ge [sflag:s12], $0x1000  }
0x3bf: {  	s0 =	sld [smem:$0x7D4]  }
0x3c0: {  	[sflag:s12] =	ssyncset.done $0x0  }
0x3c1: {  	[sflag:s12] =	ssyncadd.s32 $0xFFFFF000  }
0x3c2: {  	[hbm4b:s0+s6] =	stream.strided.scatter [tilespmem:s3], [sflag:$0x5], $0x1000, s8, s6, $0x38;
	[tilespmem:$0x4900] =	vst v63  }
0x3c3: {  	_ =	swait.ge [sflag:s11], $0x1000  }
0x3c4: {  	[sflag:s11] =	ssyncset.done $0x0  }
0x3c5: {  	[sflag:s11] =	ssyncadd.s32 $0xFFFFF000  }
0x3c6: {  	[tilespmem:s3], [sflag:$0x2] =	stream.indirect.gather [hbm4b:s2+s5], $0x20, s18, s5, $0xb8;
	[tilespmem:$0x4900] =	vst v63  }
0x3c7: {  	_ =	swait.ge [sflag:s13], $0x1000  }
0x3c8: {  	s0 =	sld [smem:$0x7D5]  }
0x3c9: {  	[sflag:s13] =	ssyncset.done $0x0  }
0x3ca: {  	[sflag:s13] =	ssyncadd.s32 $0xFFFFF000  }
0x3cb: {  	[hbm4b:s0+s6] =	stream.strided.scatter [tilespmem:s10], [sflag:$0x6], $0x1000, s8, s6, $0x38;
	[tilespmem:$0x4900] =	vst v63  }
0x3cc: {  	_ =	swait.ge [sflag:s15], $0x1000  }
0x3cd: {  	[sflag:s15] =	ssyncset.done $0x0  }
0x3ce: {  	[sflag:s15] =	ssyncadd.s32 $0xFFFFF000  }
0x3cf: {  	[tilespmem:s10], [sflag:$0x3] =	stream.indirect.gather [hbm4b:s2+s5], $0x20, s17, s5, $0xb8;
	[tilespmem:$0x4900] =	vst v63  }
0x3d0: {  	_ =	swait.ge [sflag:s7], $0x1000  }
0x3d1: {  	s0 =	sld [smem:$0x7D6]  }
0x3d2: {  	[sflag:s7] =	ssyncset.done $0x0  }
0x3d3: {  	[sflag:s7] =	ssyncadd.s32 $0xFFFFF000  }
0x3d4: {  	[hbm4b:s0+s6] =	stream.strided.scatter [tilespmem:s4], [sflag:$0x4], $0x1000, s8, s6, $0x38;
	[tilespmem:$0x4900] =	vst v63  }
0x3d5: {  	_ =	swait.ge [sflag:s9], $0x1000  }
0x3d6: {  	[sflag:s9] =	ssyncset.done $0x0  }
0x3d7: {  	[sflag:s9] =	ssyncadd.s32 $0xFFFFF000  }
0x3d8: {  	[tilespmem:s4], [sflag:$0x1] =	stream.indirect.gather [hbm4b:s2+s5], $0x20, s16, s5, $0xb8;
	[tilespmem:$0x4900] =	vst v63  }
0x3d9: {  	_ =	swait.ge [sflag:s12], $0x1000  }
0x3da: {  	s0 =	sld [smem:$0x7D7]  }
0x3db: {  	[sflag:s12] =	ssyncset.done $0x0  }
0x3dc: {  	[sflag:s12] =	ssyncadd.s32 $0xFFFFF000  }
0x3dd: {  	[hbm4b:s0+s6] =	stream.strided.scatter [tilespmem:s3], [sflag:$0x5], $0x1000, s8, s6, $0x38;
	[tilespmem:$0x4900] =	vst v63  }
0x3de: {  	_ =	swait.ge [sflag:s11], $0x1000  }
0x3df: {  	[sflag:s11] =	ssyncset.done $0x0  }
0x3e0: {  	[sflag:s11] =	ssyncadd.s32 $0xFFFFF000  }
0x3e1: {  	[tilespmem:s3], [sflag:$0x2] =	stream.indirect.gather [hbm4b:s2+s5], $0x20, s14, s5, $0xb8;
	[tilespmem:$0x4900] =	vst v63  }
0x3e2: {  	_ =	swait.ge [sflag:s13], $0x1000  }
0x3e3: {  	s0 =	sld [smem:$0x7D8]  }
0x3e4: {  	[sflag:s13] =	ssyncset.done $0x0  }
0x3e5: {  	[sflag:s13] =	ssyncadd.s32 $0xFFFFF000  }
0x3e6: {  	[hbm4b:s0+s6] =	stream.strided.scatter [tilespmem:s10], [sflag:$0x6], $0x1000, s8, s6, $0x38;
	[tilespmem:$0x4900] =	vst v63  }
0x3e7: {  	_ =	swait.ge [sflag:s7], $0x1000  }
0x3e8: {  	s0 =	sld [smem:$0x7D9]  }
0x3e9: {  	[sflag:s7] =	ssyncset.done $0x0  }
0x3ea: {  	[sflag:s7] =	ssyncadd.s32 $0xFFFFF000  }
0x3eb: {  	[hbm4b:s0+s6] =	stream.strided.scatter [tilespmem:s4], [sflag:$0x4], $0x1000, s8, s6, $0x38;
	[tilespmem:$0x4900] =	vst v63  }
0x3ec: {  	_ =	swait.ge [sflag:s12], $0x1000  }
0x3ed: {  	s0 =	sld [smem:$0x7DA]  }
0x3ee: {  	[sflag:s12] =	ssyncset.done $0x0  }
0x3ef: {  	p1 =	sne.s32 s1, $0x1;
	[sflag:s12] =	ssyncadd.s32 $0xFFFFF000  }
0x3f0: {  	[hbm4b:s0+s6] =	stream.strided.scatter [tilespmem:s3], [sflag:$0x5], $0x1000, s8, s6, $0x38;
	[tilespmem:$0x4900] =	vst v63  }
.Ltmp2:
0x3f1: {  	_ =	swait.ge [sflag:s9], $0x1000;
	(pc) =	sbr.rel @p1 .LBB2_2-.Ltmp2, $4  }
0x3f2: {  	[sflag:s9] =	ssyncset.done $0x0  }
0x3f3: {  	[sflag:s9] =	ssyncadd.s32 $0xFFFFF000  }
0x3f4: {  	_ =	swait.ge [sflag:s11], $0x1000  }
0x3f5: {  	s1 =	sadd.s32 $0xFFFFFFFF, s1;
	s0 =	rddreg [dreg:$0x3];
	[sflag:s11] =	ssyncset.done $0x0  }
.LBB2_3:
0x3f6: {  	[sflag:s11] =	ssyncadd.s32 @p0 $0xFFFFF000  }
0x3f7: {  	[tilespmem:s30], [sflag:$0x7] =	stream.strided.gather [hbm4b:s0+s5], $0x1900, s28, s5, $0x38;
	[tilespmem:$0x4900] =	vst v63  }
0x3f8: {  	_ =	swait.ge [sflag:s31], $0x1900  }
0x3f9: {  	[sflag:s31] =	ssyncset.done $0x0  }
0x3fa: {  	[sflag:s31] =	ssyncadd.s32 $0xFFFFE700  }
0x3fb: {  	[tilespmem:s4], [sflag:$0x1] =	stream.indirect.gather [hbm4b:s2+s5], $0x20, s30, s5, $0xb8;
	[tilespmem:$0x4900] =	vst v63  }
0x3fc: {  	s1 =	sld [smem:$0x7DB]  }
0x3fd: {  	[tilespmem:s3], [sflag:$0x2] =	stream.indirect.gather [hbm4b:s2+s5], $0x20, s5, s5, $0xb8;
	[tilespmem:$0x4900] =	vst v63  }
0x3fe: {  	_ = 	snop  }
0x3ff: {  	[tilespmem:s10], [sflag:$0x3] =	stream.indirect.gather [hbm4b:s2+s5], $0x20, s1, s5, $0xb8;
	[tilespmem:$0x4900] =	vst v63  }
0x400: {  	_ =	swait.ge [sflag:s7], $0x1000  }
0x401: {  	[sflag:s7] =	ssyncset.done $0x0  }
0x402: {  	[sflag:s7] =	ssyncadd.s32 $0xFFFFF000  }
0x403: {  	[hbm4b:s29+s6] =	stream.strided.scatter [tilespmem:s4], [sflag:$0x4], $0x1000, s8, s6, $0x38;
	[tilespmem:$0x4900] =	vst v63  }
0x404: {  	_ =	swait.ge [sflag:s9], $0x1000  }
0x405: {  	s30 =	sld [smem:$0x7DC]  }
0x406: {  	[sflag:s9] =	ssyncset.done $0x0  }
0x407: {  	[sflag:s9] =	ssyncadd.s32 $0xFFFFF000  }
0x408: {  	[tilespmem:s4], [sflag:$0x1] =	stream.indirect.gather [hbm4b:s2+s5], $0x20, s30, s5, $0xb8;
	[tilespmem:$0x4900] =	vst v63  }
0x409: {  	_ =	swait.ge [sflag:s12], $0x1000  }
0x40a: {  	[sflag:s12] =	ssyncset.done $0x0  }
0x40b: {  	s31 =	rddreg [dreg:$0x4];
	[sflag:s12] =	ssyncadd.s32 $0xFFFFF000  }
0x40c: {  	[hbm4b:s31+s6] =	stream.strided.scatter [tilespmem:s3], [sflag:$0x5], $0x1000, s8, s6, $0x38;
	[tilespmem:$0x4900] =	vst v63  }
0x40d: {  	_ =	swait.ge [sflag:s11], $0x1000  }
0x40e: {  	s1 =	sld [smem:$0x7DD]  }
0x40f: {  	[sflag:s11] =	ssyncset.done $0x0  }
0x410: {  	[sflag:s11] =	ssyncadd.s32 $0xFFFFF000  }
0x411: {  	[tilespmem:s3], [sflag:$0x2] =	stream.indirect.gather [hbm4b:s2+s5], $0x20, s1, s5, $0xb8;
	[tilespmem:$0x4900] =	vst v63  }
0x412: {  	_ =	swait.ge [sflag:s13], $0x1000  }
0x413: {  	[sflag:s13] =	ssyncset.done $0x0  }
0x414: {  	s29 =	rddreg [dreg:$0x5];
	[sflag:s13] =	ssyncadd.s32 $0xFFFFF000  }
0x415: {  	[hbm4b:s29+s6] =	stream.strided.scatter [tilespmem:s10], [sflag:$0x6], $0x1000, s8, s6, $0x38;
	[tilespmem:$0x4900] =	vst v63  }
0x416: {  	_ =	swait.ge [sflag:s15], $0x1000  }
0x417: {  	s30 =	sld [smem:$0x7DE]  }
0x418: {  	[sflag:s15] =	ssyncset.done $0x0  }
0x419: {  	[sflag:s15] =	ssyncadd.s32 $0xFFFFF000  }
0x41a: {  	[tilespmem:s10], [sflag:$0x3] =	stream.indirect.gather [hbm4b:s2+s5], $0x20, s30, s5, $0xb8;
	[tilespmem:$0x4900] =	vst v63  }
0x41b: {  	_ =	swait.ge [sflag:s7], $0x1000  }
0x41c: {  	[sflag:s7] =	ssyncset.done $0x0  }
0x41d: {  	s31 =	rddreg [dreg:$0x6];
	[sflag:s7] =	ssyncadd.s32 $0xFFFFF000  }
0x41e: {  	[hbm4b:s31+s6] =	stream.strided.scatter [tilespmem:s4], [sflag:$0x4], $0x1000, s8, s6, $0x38;
	[tilespmem:$0x4900] =	vst v63  }
0x41f: {  	_ =	swait.ge [sflag:s9], $0x1000  }
0x420: {  	s1 =	sld [smem:$0x7DF]  }
0x421: {  	[sflag:s9] =	ssyncset.done $0x0  }
0x422: {  	[sflag:s9] =	ssyncadd.s32 $0xFFFFF000  }
0x423: {  	[tilespmem:s4], [sflag:$0x1] =	stream.indirect.gather [hbm4b:s2+s5], $0x20, s1, s5, $0xb8;
	[tilespmem:$0x4900] =	vst v63  }
0x424: {  	_ =	swait.ge [sflag:s12], $0x1000  }
0x425: {  	[sflag:s12] =	ssyncset.done $0x0  }
0x426: {  	s29 =	rddreg [dreg:$0x7];
	[sflag:s12] =	ssyncadd.s32 $0xFFFFF000  }
0x427: {  	[hbm4b:s29+s6] =	stream.strided.scatter [tilespmem:s3], [sflag:$0x5], $0x1000, s8, s6, $0x38;
	[tilespmem:$0x4900] =	vst v63  }
0x428: {  	_ =	swait.ge [sflag:s11], $0x1000  }
0x429: {  	s30 =	sld [smem:$0x7E0]  }
0x42a: {  	[sflag:s11] =	ssyncset.done $0x0  }
0x42b: {  	[sflag:s11] =	ssyncadd.s32 $0xFFFFF000  }
0x42c: {  	[tilespmem:s3], [sflag:$0x2] =	stream.indirect.gather [hbm4b:s2+s5], $0x20, s30, s5, $0xb8;
	[tilespmem:$0x4900] =	vst v63  }
0x42d: {  	_ =	swait.ge [sflag:s13], $0x1000  }
0x42e: {  	[sflag:s13] =	ssyncset.done $0x0  }
0x42f: {  	s31 =	rddreg [dreg:$0x8];
	[sflag:s13] =	ssyncadd.s32 $0xFFFFF000  }
0x430: {  	[hbm4b:s31+s6] =	stream.strided.scatter [tilespmem:s10], [sflag:$0x6], $0x1000, s8, s6, $0x38;
	[tilespmem:$0x4900] =	vst v63  }
0x431: {  	_ =	swait.ge [sflag:s15], $0x1000  }
0x432: {  	s1 =	sld [smem:$0x7E1]  }
0x433: {  	[sflag:s15] =	ssyncset.done $0x0  }
0x434: {  	[sflag:s15] =	ssyncadd.s32 $0xFFFFF000  }
0x435: {  	[tilespmem:s10], [sflag:$0x3] =	stream.indirect.gather [hbm4b:s2+s5], $0x20, s1, s5, $0xb8;
	[tilespmem:$0x4900] =	vst v63  }
0x436: {  	_ =	swait.ge [sflag:s7], $0x1000  }
0x437: {  	[sflag:s7] =	ssyncset.done $0x0  }
0x438: {  	s29 =	rddreg [dreg:$0x9];
	[sflag:s7] =	ssyncadd.s32 $0xFFFFF000  }
0x439: {  	[hbm4b:s29+s6] =	stream.strided.scatter [tilespmem:s4], [sflag:$0x4], $0x1000, s8, s6, $0x38;
	[tilespmem:$0x4900] =	vst v63  }
0x43a: {  	_ =	swait.ge [sflag:s9], $0x1000  }
0x43b: {  	s30 =	sld [smem:$0x7E2]  }
0x43c: {  	[sflag:s9] =	ssyncset.done $0x0  }
0x43d: {  	[sflag:s9] =	ssyncadd.s32 $0xFFFFF000  }
0x43e: {  	[tilespmem:s4], [sflag:$0x1] =	stream.indirect.gather [hbm4b:s2+s5], $0x20, s30, s5, $0xb8;
	[tilespmem:$0x4900] =	vst v63  }
0x43f: {  	_ =	swait.ge [sflag:s12], $0x1000  }
0x440: {  	[sflag:s12] =	ssyncset.done $0x0  }
0x441: {  	s31 =	rddreg [dreg:$0xa];
	[sflag:s12] =	ssyncadd.s32 $0xFFFFF000  }
0x442: {  	[hbm4b:s31+s6] =	stream.strided.scatter [tilespmem:s3], [sflag:$0x5], $0x1000, s8, s6, $0x38;
	[tilespmem:$0x4900] =	vst v63  }
0x443: {  	_ =	swait.ge [sflag:s11], $0x1000  }
0x444: {  	s1 =	sld [smem:$0x7E3]  }
0x445: {  	[sflag:s11] =	ssyncset.done $0x0  }
0x446: {  	[sflag:s11] =	ssyncadd.s32 $0xFFFFF000  }
0x447: {  	[tilespmem:s3], [sflag:$0x2] =	stream.indirect.gather [hbm4b:s2+s5], $0x20, s1, s5, $0xb8;
	[tilespmem:$0x4900] =	vst v63  }
0x448: {  	_ =	swait.ge [sflag:s13], $0x1000  }
0x449: {  	[sflag:s13] =	ssyncset.done $0x0  }
0x44a: {  	s29 =	rddreg [dreg:$0xb];
	[sflag:s13] =	ssyncadd.s32 $0xFFFFF000  }
0x44b: {  	[hbm4b:s29+s6] =	stream.strided.scatter [tilespmem:s10], [sflag:$0x6], $0x1000, s8, s6, $0x38;
	[tilespmem:$0x4900] =	vst v63  }
0x44c: {  	_ =	swait.ge [sflag:s15], $0x1000  }
0x44d: {  	s30 =	sld [smem:$0x7E4]  }
0x44e: {  	[sflag:s15] =	ssyncset.done $0x0  }
0x44f: {  	[sflag:s15] =	ssyncadd.s32 $0xFFFFF000  }
0x450: {  	[tilespmem:s10], [sflag:$0x3] =	stream.indirect.gather [hbm4b:s2+s5], $0x20, s30, s5, $0xb8;
	[tilespmem:$0x4900] =	vst v63  }
0x451: {  	_ =	swait.ge [sflag:s7], $0x1000  }
0x452: {  	[sflag:s7] =	ssyncset.done $0x0  }
0x453: {  	s31 =	rddreg [dreg:$0xc];
	[sflag:s7] =	ssyncadd.s32 $0xFFFFF000  }
0x454: {  	[hbm4b:s31+s6] =	stream.strided.scatter [tilespmem:s4], [sflag:$0x4], $0x1000, s8, s6, $0x38;
	[tilespmem:$0x4900] =	vst v63  }
0x455: {  	_ =	swait.ge [sflag:s9], $0x1000  }
0x456: {  	s1 =	sld [smem:$0x7E5]  }
0x457: {  	[sflag:s9] =	ssyncset.done $0x0  }
0x458: {  	[sflag:s9] =	ssyncadd.s32 $0xFFFFF000  }
0x459: {  	[tilespmem:s4], [sflag:$0x1] =	stream.indirect.gather [hbm4b:s2+s5], $0x20, s1, s5, $0xb8;
	[tilespmem:$0x4900] =	vst v63  }
0x45a: {  	_ =	swait.ge [sflag:s12], $0x1000  }
0x45b: {  	[sflag:s12] =	ssyncset.done $0x0  }
0x45c: {  	s29 =	rddreg [dreg:$0xd];
	[sflag:s12] =	ssyncadd.s32 $0xFFFFF000  }
0x45d: {  	[hbm4b:s29+s6] =	stream.strided.scatter [tilespmem:s3], [sflag:$0x5], $0x1000, s8, s6, $0x38;
	[tilespmem:$0x4900] =	vst v63  }
0x45e: {  	_ =	swait.ge [sflag:s11], $0x1000  }
0x45f: {  	s30 =	sld [smem:$0x7E6]  }
0x460: {  	[sflag:s11] =	ssyncset.done $0x0  }
0x461: {  	[sflag:s11] =	ssyncadd.s32 $0xFFFFF000  }
0x462: {  	[tilespmem:s3], [sflag:$0x2] =	stream.indirect.gather [hbm4b:s2+s5], $0x20, s30, s5, $0xb8;
	[tilespmem:$0x4900] =	vst v63  }
0x463: {  	_ =	swait.ge [sflag:s13], $0x1000  }
0x464: {  	[sflag:s13] =	ssyncset.done $0x0  }
0x465: {  	s31 =	rddreg [dreg:$0xe];
	[sflag:s13] =	ssyncadd.s32 $0xFFFFF000  }
0x466: {  	[hbm4b:s31+s6] =	stream.strided.scatter [tilespmem:s10], [sflag:$0x6], $0x1000, s8, s6, $0x38;
	[tilespmem:$0x4900] =	vst v63  }
0x467: {  	_ =	swait.ge [sflag:s15], $0x1000  }
0x468: {  	s1 =	sld [smem:$0x7E7]  }
0x469: {  	[sflag:s15] =	ssyncset.done $0x0  }
0x46a: {  	[sflag:s15] =	ssyncadd.s32 $0xFFFFF000  }
0x46b: {  	[tilespmem:s10], [sflag:$0x3] =	stream.indirect.gather [hbm4b:s2+s5], $0x20, s1, s5, $0xb8;
	[tilespmem:$0x4900] =	vst v63  }
0x46c: {  	_ =	swait.ge [sflag:s7], $0x1000  }
0x46d: {  	[sflag:s7] =	ssyncset.done $0x0  }
0x46e: {  	s29 =	rddreg [dreg:$0xf];
	[sflag:s7] =	ssyncadd.s32 $0xFFFFF000  }
0x46f: {  	[hbm4b:s29+s6] =	stream.strided.scatter [tilespmem:s4], [sflag:$0x4], $0x1000, s8, s6, $0x38;
	[tilespmem:$0x4900] =	vst v63  }
0x470: {  	_ =	swait.ge [sflag:s9], $0x1000  }
0x471: {  	s30 =	sld [smem:$0x7E8]  }
0x472: {  	[sflag:s9] =	ssyncset.done $0x0  }
0x473: {  	[sflag:s9] =	ssyncadd.s32 $0xFFFFF000  }
0x474: {  	[tilespmem:s4], [sflag:$0x1] =	stream.indirect.gather [hbm4b:s2+s5], $0x20, s30, s5, $0xb8;
	[tilespmem:$0x4900] =	vst v63  }
0x475: {  	_ =	swait.ge [sflag:s12], $0x1000  }
0x476: {  	[sflag:s12] =	ssyncset.done $0x0  }
0x477: {  	s31 =	rddreg [dreg:$0x10];
	[sflag:s12] =	ssyncadd.s32 $0xFFFFF000  }
0x478: {  	[hbm4b:s31+s6] =	stream.strided.scatter [tilespmem:s3], [sflag:$0x5], $0x1000, s8, s6, $0x38;
	[tilespmem:$0x4900] =	vst v63  }
0x479: {  	_ =	swait.ge [sflag:s11], $0x1000  }
0x47a: {  	s1 =	sld [smem:$0x7E9]  }
0x47b: {  	[sflag:s11] =	ssyncset.done $0x0  }
0x47c: {  	[sflag:s11] =	ssyncadd.s32 $0xFFFFF000  }
0x47d: {  	[tilespmem:s3], [sflag:$0x2] =	stream.indirect.gather [hbm4b:s2+s5], $0x20, s1, s5, $0xb8;
	[tilespmem:$0x4900] =	vst v63  }
0x47e: {  	_ =	swait.ge [sflag:s13], $0x1000  }
0x47f: {  	[sflag:s13] =	ssyncset.done $0x0  }
0x480: {  	s29 =	rddreg [dreg:$0x11];
	[sflag:s13] =	ssyncadd.s32 $0xFFFFF000  }
0x481: {  	[hbm4b:s29+s6] =	stream.strided.scatter [tilespmem:s10], [sflag:$0x6], $0x1000, s8, s6, $0x38;
	[tilespmem:$0x4900] =	vst v63  }
0x482: {  	_ =	swait.ge [sflag:s15], $0x1000  }
0x483: {  	s30 =	sld [smem:$0x7EA]  }
0x484: {  	[sflag:s15] =	ssyncset.done $0x0  }
0x485: {  	[sflag:s15] =	ssyncadd.s32 $0xFFFFF000  }
0x486: {  	[tilespmem:s10], [sflag:$0x3] =	stream.indirect.gather [hbm4b:s2+s5], $0x20, s30, s5, $0xb8;
	[tilespmem:$0x4900] =	vst v63  }
0x487: {  	_ =	swait.ge [sflag:s7], $0x1000  }
0x488: {  	[sflag:s7] =	ssyncset.done $0x0  }
0x489: {  	s31 =	rddreg [dreg:$0x12];
	[sflag:s7] =	ssyncadd.s32 $0xFFFFF000  }
0x48a: {  	[hbm4b:s31+s6] =	stream.strided.scatter [tilespmem:s4], [sflag:$0x4], $0x1000, s8, s6, $0x38;
	[tilespmem:$0x4900] =	vst v63  }
0x48b: {  	_ =	swait.ge [sflag:s9], $0x1000  }
0x48c: {  	s1 =	sld [smem:$0x7EB]  }
0x48d: {  	[sflag:s9] =	ssyncset.done $0x0  }
0x48e: {  	[sflag:s9] =	ssyncadd.s32 $0xFFFFF000  }
0x48f: {  	[tilespmem:s4], [sflag:$0x1] =	stream.indirect.gather [hbm4b:s2+s5], $0x20, s1, s5, $0xb8;
	[tilespmem:$0x4900] =	vst v63  }
0x490: {  	_ =	swait.ge [sflag:s12], $0x1000  }
0x491: {  	[sflag:s12] =	ssyncset.done $0x0  }
0x492: {  	s29 =	rddreg [dreg:$0x13];
	[sflag:s12] =	ssyncadd.s32 $0xFFFFF000  }
0x493: {  	[hbm4b:s29+s6] =	stream.strided.scatter [tilespmem:s3], [sflag:$0x5], $0x1000, s8, s6, $0x38;
	[tilespmem:$0x4900] =	vst v63  }
0x494: {  	_ =	swait.ge [sflag:s11], $0x1000  }
0x495: {  	s30 =	sld [smem:$0x7EC]  }
0x496: {  	[sflag:s11] =	ssyncset.done $0x0  }
0x497: {  	[sflag:s11] =	ssyncadd.s32 $0xFFFFF000  }
0x498: {  	[tilespmem:s3], [sflag:$0x2] =	stream.indirect.gather [hbm4b:s2+s5], $0x20, s30, s5, $0xb8;
	[tilespmem:$0x4900] =	vst v63  }
0x499: {  	_ =	swait.ge [sflag:s13], $0x1000  }
0x49a: {  	[sflag:s13] =	ssyncset.done $0x0  }
0x49b: {  	s31 =	rddreg [dreg:$0x14];
	[sflag:s13] =	ssyncadd.s32 $0xFFFFF000  }
0x49c: {  	[hbm4b:s31+s6] =	stream.strided.scatter [tilespmem:s10], [sflag:$0x6], $0x1000, s8, s6, $0x38;
	[tilespmem:$0x4900] =	vst v63  }
0x49d: {  	_ =	swait.ge [sflag:s15], $0x1000  }
0x49e: {  	s1 =	sld [smem:$0x7ED]  }
0x49f: {  	[sflag:s15] =	ssyncset.done $0x0  }
0x4a0: {  	[sflag:s15] =	ssyncadd.s32 $0xFFFFF000  }
0x4a1: {  	[tilespmem:s10], [sflag:$0x3] =	stream.indirect.gather [hbm4b:s2+s5], $0x20, s1, s5, $0xb8;
	[tilespmem:$0x4900] =	vst v63  }
0x4a2: {  	_ =	swait.ge [sflag:s7], $0x1000  }
0x4a3: {  	[sflag:s7] =	ssyncset.done $0x0  }
0x4a4: {  	s29 =	rddreg [dreg:$0x15];
	[sflag:s7] =	ssyncadd.s32 $0xFFFFF000  }
0x4a5: {  	[hbm4b:s29+s6] =	stream.strided.scatter [tilespmem:s4], [sflag:$0x4], $0x1000, s8, s6, $0x38;
	[tilespmem:$0x4900] =	vst v63  }
0x4a6: {  	_ =	swait.ge [sflag:s9], $0x1000  }
0x4a7: {  	s30 =	sld [smem:$0x7EE]  }
0x4a8: {  	[sflag:s9] =	ssyncset.done $0x0  }
0x4a9: {  	[sflag:s9] =	ssyncadd.s32 $0xFFFFF000  }
0x4aa: {  	[tilespmem:s4], [sflag:$0x1] =	stream.indirect.gather [hbm4b:s2+s5], $0x20, s30, s5, $0xb8;
	[tilespmem:$0x4900] =	vst v63  }
0x4ab: {  	_ =	swait.ge [sflag:s12], $0x1000  }
0x4ac: {  	[sflag:s12] =	ssyncset.done $0x0  }
0x4ad: {  	s31 =	rddreg [dreg:$0x16];
	[sflag:s12] =	ssyncadd.s32 $0xFFFFF000  }
0x4ae: {  	[hbm4b:s31+s6] =	stream.strided.scatter [tilespmem:s3], [sflag:$0x5], $0x1000, s8, s6, $0x38;
	[tilespmem:$0x4900] =	vst v63  }
0x4af: {  	_ =	swait.ge [sflag:s11], $0x1000  }
0x4b0: {  	s1 =	sld [smem:$0x7EF]  }
0x4b1: {  	[sflag:s11] =	ssyncset.done $0x0  }
0x4b2: {  	[sflag:s11] =	ssyncadd.s32 $0xFFFFF000  }
0x4b3: {  	[tilespmem:s3], [sflag:$0x2] =	stream.indirect.gather [hbm4b:s2+s5], $0x20, s1, s5, $0xb8;
	[tilespmem:$0x4900] =	vst v63  }
0x4b4: {  	_ =	swait.ge [sflag:s13], $0x1000  }
0x4b5: {  	[sflag:s13] =	ssyncset.done $0x0  }
0x4b6: {  	s29 =	rddreg [dreg:$0x17];
	[sflag:s13] =	ssyncadd.s32 $0xFFFFF000  }
0x4b7: {  	[hbm4b:s29+s6] =	stream.strided.scatter [tilespmem:s10], [sflag:$0x6], $0x1000, s8, s6, $0x38;
	[tilespmem:$0x4900] =	vst v63  }
0x4b8: {  	_ =	swait.ge [sflag:s15], $0x1000  }
0x4b9: {  	s30 =	sld [smem:$0x7F0]  }
0x4ba: {  	[sflag:s15] =	ssyncset.done $0x0  }
0x4bb: {  	[sflag:s15] =	ssyncadd.s32 $0xFFFFF000  }
0x4bc: {  	[tilespmem:s10], [sflag:$0x3] =	stream.indirect.gather [hbm4b:s2+s5], $0x20, s30, s5, $0xb8;
	[tilespmem:$0x4900] =	vst v63  }
0x4bd: {  	_ =	swait.ge [sflag:s7], $0x1000  }
0x4be: {  	[sflag:s7] =	ssyncset.done $0x0  }
0x4bf: {  	s31 =	rddreg [dreg:$0x18];
	[sflag:s7] =	ssyncadd.s32 $0xFFFFF000  }
0x4c0: {  	[hbm4b:s31+s6] =	stream.strided.scatter [tilespmem:s4], [sflag:$0x4], $0x1000, s8, s6, $0x38;
	[tilespmem:$0x4900] =	vst v63  }
0x4c1: {  	_ =	swait.ge [sflag:s9], $0x1000  }
0x4c2: {  	s1 =	sld [smem:$0x7F1]  }
0x4c3: {  	[sflag:s9] =	ssyncset.done $0x0  }
0x4c4: {  	[sflag:s9] =	ssyncadd.s32 $0xFFFFF000  }
0x4c5: {  	[tilespmem:s4], [sflag:$0x1] =	stream.indirect.gather [hbm4b:s2+s5], $0x20, s1, s5, $0xb8;
	[tilespmem:$0x4900] =	vst v63  }
0x4c6: {  	_ =	swait.ge [sflag:s12], $0x1000  }
0x4c7: {  	[sflag:s12] =	ssyncset.done $0x0  }
0x4c8: {  	s29 =	rddreg [dreg:$0x19];
	[sflag:s12] =	ssyncadd.s32 $0xFFFFF000  }
0x4c9: {  	[hbm4b:s29+s6] =	stream.strided.scatter [tilespmem:s3], [sflag:$0x5], $0x1000, s8, s6, $0x38;
	[tilespmem:$0x4900] =	vst v63  }
0x4ca: {  	_ =	swait.ge [sflag:s11], $0x1000  }
0x4cb: {  	s30 =	sld [smem:$0x7F2]  }
0x4cc: {  	[sflag:s11] =	ssyncset.done $0x0  }
0x4cd: {  	[sflag:s11] =	ssyncadd.s32 $0xFFFFF000  }
0x4ce: {  	[tilespmem:s3], [sflag:$0x2] =	stream.indirect.gather [hbm4b:s2+s5], $0x20, s30, s5, $0xb8;
	[tilespmem:$0x4900] =	vst v63  }
0x4cf: {  	_ =	swait.ge [sflag:s13], $0x1000  }
0x4d0: {  	[sflag:s13] =	ssyncset.done $0x0  }
0x4d1: {  	s31 =	rddreg [dreg:$0x1a];
	[sflag:s13] =	ssyncadd.s32 $0xFFFFF000  }
0x4d2: {  	[hbm4b:s31+s6] =	stream.strided.scatter [tilespmem:s10], [sflag:$0x6], $0x1000, s8, s6, $0x38;
	[tilespmem:$0x4900] =	vst v63  }
0x4d3: {  	_ =	swait.ge [sflag:s15], $0x1000  }
0x4d4: {  	s1 =	sld [smem:$0x7F3]  }
0x4d5: {  	[sflag:s15] =	ssyncset.done $0x0  }
0x4d6: {  	[sflag:s15] =	ssyncadd.s32 $0xFFFFF000  }
0x4d7: {  	[tilespmem:s10], [sflag:$0x3] =	stream.indirect.gather [hbm4b:s2+s5], $0x20, s1, s5, $0xb8;
	[tilespmem:$0x4900] =	vst v63  }
0x4d8: {  	_ =	swait.ge [sflag:s7], $0x1000  }
0x4d9: {  	[sflag:s7] =	ssyncset.done $0x0  }
0x4da: {  	s29 =	rddreg [dreg:$0x1b];
	[sflag:s7] =	ssyncadd.s32 $0xFFFFF000  }
0x4db: {  	[hbm4b:s29+s6] =	stream.strided.scatter [tilespmem:s4], [sflag:$0x4], $0x1000, s8, s6, $0x38;
	[tilespmem:$0x4900] =	vst v63  }
0x4dc: {  	_ =	swait.ge [sflag:s9], $0x1000  }
0x4dd: {  	s30 =	sld [smem:$0x7F4]  }
0x4de: {  	[sflag:s9] =	ssyncset.done $0x0  }
0x4df: {  	[sflag:s9] =	ssyncadd.s32 $0xFFFFF000  }
0x4e0: {  	[tilespmem:s4], [sflag:$0x1] =	stream.indirect.gather [hbm4b:s2+s5], $0x20, s30, s5, $0xb8;
	[tilespmem:$0x4900] =	vst v63  }
0x4e1: {  	_ =	swait.ge [sflag:s12], $0x1000  }
0x4e2: {  	[sflag:s12] =	ssyncset.done $0x0  }
0x4e3: {  	s31 =	rddreg [dreg:$0x1c];
	[sflag:s12] =	ssyncadd.s32 $0xFFFFF000  }
0x4e4: {  	[hbm4b:s31+s6] =	stream.strided.scatter [tilespmem:s3], [sflag:$0x5], $0x1000, s8, s6, $0x38;
	[tilespmem:$0x4900] =	vst v63  }
0x4e5: {  	_ =	swait.ge [sflag:s11], $0x1000  }
0x4e6: {  	s1 =	sld [smem:$0x7F5]  }
0x4e7: {  	[sflag:s11] =	ssyncset.done $0x0  }
0x4e8: {  	[sflag:s11] =	ssyncadd.s32 $0xFFFFF000  }
0x4e9: {  	[tilespmem:s3], [sflag:$0x2] =	stream.indirect.gather [hbm4b:s2+s5], $0x20, s1, s5, $0xb8;
	[tilespmem:$0x4900] =	vst v63  }
0x4ea: {  	_ =	swait.ge [sflag:s13], $0x1000  }
0x4eb: {  	[sflag:s13] =	ssyncset.done $0x0  }
0x4ec: {  	s29 =	rddreg [dreg:$0x1d];
	[sflag:s13] =	ssyncadd.s32 $0xFFFFF000  }
0x4ed: {  	[hbm4b:s29+s6] =	stream.strided.scatter [tilespmem:s10], [sflag:$0x6], $0x1000, s8, s6, $0x38;
	[tilespmem:$0x4900] =	vst v63  }
0x4ee: {  	_ =	swait.ge [sflag:s15], $0x1000  }
0x4ef: {  	s30 =	sld [smem:$0x7F6]  }
0x4f0: {  	[sflag:s15] =	ssyncset.done $0x0  }
0x4f1: {  	[sflag:s15] =	ssyncadd.s32 $0xFFFFF000  }
0x4f2: {  	[tilespmem:s10], [sflag:$0x3] =	stream.indirect.gather [hbm4b:s2+s5], $0x20, s30, s5, $0xb8;
	[tilespmem:$0x4900] =	vst v63  }
0x4f3: {  	_ =	swait.ge [sflag:s7], $0x1000  }
0x4f4: {  	[sflag:s7] =	ssyncset.done $0x0  }
0x4f5: {  	s31 =	rddreg [dreg:$0x1e];
	[sflag:s7] =	ssyncadd.s32 $0xFFFFF000  }
0x4f6: {  	[hbm4b:s31+s6] =	stream.strided.scatter [tilespmem:s4], [sflag:$0x4], $0x1000, s8, s6, $0x38;
	[tilespmem:$0x4900] =	vst v63  }
0x4f7: {  	_ =	swait.ge [sflag:s9], $0x1000  }
0x4f8: {  	s1 =	sld [smem:$0x7F7]  }
0x4f9: {  	[sflag:s9] =	ssyncset.done $0x0  }
0x4fa: {  	[sflag:s9] =	ssyncadd.s32 $0xFFFFF000  }
0x4fb: {  	[tilespmem:s4], [sflag:$0x1] =	stream.indirect.gather [hbm4b:s2+s5], $0x20, s1, s5, $0xb8;
	[tilespmem:$0x4900] =	vst v63  }
0x4fc: {  	_ =	swait.ge [sflag:s12], $0x1000  }
0x4fd: {  	[sflag:s12] =	ssyncset.done $0x0  }
0x4fe: {  	s29 =	rddreg [dreg:$0x1f];
	[sflag:s12] =	ssyncadd.s32 $0xFFFFF000  }
0x4ff: {  	[hbm4b:s29+s6] =	stream.strided.scatter [tilespmem:s3], [sflag:$0x5], $0x1000, s8, s6, $0x38;
	[tilespmem:$0x4900] =	vst v63  }
0x500: {  	_ =	swait.ge [sflag:s11], $0x1000  }
0x501: {  	s30 =	sld [smem:$0x7F8]  }
0x502: {  	[sflag:s11] =	ssyncset.done $0x0  }
0x503: {  	[sflag:s11] =	ssyncadd.s32 $0xFFFFF000  }
0x504: {  	[tilespmem:s3], [sflag:$0x2] =	stream.indirect.gather [hbm4b:s2+s5], $0x20, s30, s5, $0xb8;
	[tilespmem:$0x4900] =	vst v63  }
0x505: {  	_ =	swait.ge [sflag:s13], $0x1000  }
0x506: {  	s31 =	sld [smem:$0x7C6]  }
0x507: {  	[sflag:s13] =	ssyncset.done $0x0  }
0x508: {  	[sflag:s13] =	ssyncadd.s32 $0xFFFFF000  }
0x509: {  	[hbm4b:s31+s6] =	stream.strided.scatter [tilespmem:s10], [sflag:$0x6], $0x1000, s8, s6, $0x38;
	[tilespmem:$0x4900] =	vst v63  }
0x50a: {  	_ =	swait.ge [sflag:s15], $0x1000  }
0x50b: {  	[sflag:s15] =	ssyncset.done $0x0  }
0x50c: {  	[sflag:s15] =	ssyncadd.s32 $0xFFFFF000  }
0x50d: {  	[tilespmem:s10], [sflag:$0x3] =	stream.indirect.gather [hbm4b:s2+s5], $0x20, s28, s5, $0xb8;
	[tilespmem:$0x4900] =	vst v63  }
0x50e: {  	_ =	swait.ge [sflag:s7], $0x1000  }
0x50f: {  	s1 =	sld [smem:$0x7C7]  }
0x510: {  	[sflag:s7] =	ssyncset.done $0x0  }
0x511: {  	[sflag:s7] =	ssyncadd.s32 $0xFFFFF000  }
0x512: {  	[hbm4b:s1+s6] =	stream.strided.scatter [tilespmem:s4], [sflag:$0x4], $0x1000, s8, s6, $0x38;
	[tilespmem:$0x4900] =	vst v63  }
0x513: {  	_ =	swait.ge [sflag:s9], $0x1000  }
0x514: {  	s28 =	sld [smem:$0x7F9]  }
0x515: {  	[sflag:s9] =	ssyncset.done $0x0  }
0x516: {  	[sflag:s9] =	ssyncadd.s32 $0xFFFFF000  }
0x517: {  	[tilespmem:s4], [sflag:$0x1] =	stream.indirect.gather [hbm4b:s2+s5], $0x20, s28, s5, $0xb8;
	[tilespmem:$0x4900] =	vst v63  }
0x518: {  	_ =	swait.ge [sflag:s12], $0x1000  }
0x519: {  	s29 =	sld [smem:$0x7C8]  }
0x51a: {  	[sflag:s12] =	ssyncset.done $0x0  }
0x51b: {  	[sflag:s12] =	ssyncadd.s32 $0xFFFFF000  }
0x51c: {  	[hbm4b:s29+s6] =	stream.strided.scatter [tilespmem:s3], [sflag:$0x5], $0x1000, s8, s6, $0x38;
	[tilespmem:$0x4900] =	vst v63  }
0x51d: {  	_ =	swait.ge [sflag:s11], $0x1000  }
0x51e: {  	s30 =	sld [smem:$0x7FA]  }
0x51f: {  	[sflag:s11] =	ssyncset.done $0x0  }
0x520: {  	[sflag:s11] =	ssyncadd.s32 $0xFFFFF000  }
0x521: {  	[tilespmem:s3], [sflag:$0x2] =	stream.indirect.gather [hbm4b:s2+s5], $0x20, s30, s5, $0xb8;
	[tilespmem:$0x4900] =	vst v63  }
0x522: {  	_ =	swait.ge [sflag:s13], $0x1000  }
0x523: {  	s31 =	sld [smem:$0x7C9]  }
0x524: {  	[sflag:s13] =	ssyncset.done $0x0  }
0x525: {  	[sflag:s13] =	ssyncadd.s32 $0xFFFFF000  }
0x526: {  	[hbm4b:s31+s6] =	stream.strided.scatter [tilespmem:s10], [sflag:$0x6], $0x1000, s8, s6, $0x38;
	[tilespmem:$0x4900] =	vst v63  }
0x527: {  	_ =	swait.ge [sflag:s15], $0x1000  }
0x528: {  	s1 =	sld [smem:$0x7FB]  }
0x529: {  	[sflag:s15] =	ssyncset.done $0x0  }
0x52a: {  	[sflag:s15] =	ssyncadd.s32 $0xFFFFF000  }
0x52b: {  	[tilespmem:s10], [sflag:$0x3] =	stream.indirect.gather [hbm4b:s2+s5], $0x20, s1, s5, $0xb8;
	[tilespmem:$0x4900] =	vst v63  }
0x52c: {  	_ =	swait.ge [sflag:s7], $0x1000  }
0x52d: {  	s28 =	sld [smem:$0x7CA]  }
0x52e: {  	[sflag:s7] =	ssyncset.done $0x0  }
0x52f: {  	[sflag:s7] =	ssyncadd.s32 $0xFFFFF000  }
0x530: {  	[hbm4b:s28+s6] =	stream.strided.scatter [tilespmem:s4], [sflag:$0x4], $0x1000, s8, s6, $0x38;
	[tilespmem:$0x4900] =	vst v63  }
0x531: {  	_ =	swait.ge [sflag:s9], $0x1000  }
0x532: {  	s29 =	sld [smem:$0x7FC]  }
0x533: {  	[sflag:s9] =	ssyncset.done $0x0  }
0x534: {  	[sflag:s9] =	ssyncadd.s32 $0xFFFFF000  }
0x535: {  	[tilespmem:s4], [sflag:$0x1] =	stream.indirect.gather [hbm4b:s2+s5], $0x20, s29, s5, $0xb8;
	[tilespmem:$0x4900] =	vst v63  }
0x536: {  	_ =	swait.ge [sflag:s12], $0x1000  }
0x537: {  	s30 =	sld [smem:$0x7CB]  }
0x538: {  	[sflag:s12] =	ssyncset.done $0x0  }
0x539: {  	[sflag:s12] =	ssyncadd.s32 $0xFFFFF000  }
0x53a: {  	[hbm4b:s30+s6] =	stream.strided.scatter [tilespmem:s3], [sflag:$0x5], $0x1000, s8, s6, $0x38;
	[tilespmem:$0x4900] =	vst v63  }
0x53b: {  	_ =	swait.ge [sflag:s11], $0x1000  }
0x53c: {  	s31 =	sld [smem:$0x7FD]  }
0x53d: {  	[sflag:s11] =	ssyncset.done $0x0  }
0x53e: {  	[sflag:s11] =	ssyncadd.s32 $0xFFFFF000  }
0x53f: {  	[tilespmem:s3], [sflag:$0x2] =	stream.indirect.gather [hbm4b:s2+s5], $0x20, s31, s5, $0xb8;
	[tilespmem:$0x4900] =	vst v63  }
0x540: {  	_ =	swait.ge [sflag:s13], $0x1000  }
0x541: {  	s1 =	sld [smem:$0x7CC]  }
0x542: {  	[sflag:s13] =	ssyncset.done $0x0  }
0x543: {  	[sflag:s13] =	ssyncadd.s32 $0xFFFFF000  }
0x544: {  	[hbm4b:s1+s6] =	stream.strided.scatter [tilespmem:s10], [sflag:$0x6], $0x1000, s8, s6, $0x38;
	[tilespmem:$0x4900] =	vst v63  }
0x545: {  	_ =	swait.ge [sflag:s15], $0x1000  }
0x546: {  	[sflag:s15] =	ssyncset.done $0x0  }
0x547: {  	[sflag:s15] =	ssyncadd.s32 $0xFFFFF000  }
0x548: {  	[tilespmem:s10], [sflag:$0x3] =	stream.indirect.gather [hbm4b:s2+s5], $0x20, s26, s5, $0xb8;
	[tilespmem:$0x4900] =	vst v63  }
0x549: {  	_ =	swait.ge [sflag:s7], $0x1000  }
0x54a: {  	s28 =	sld [smem:$0x7CD]  }
0x54b: {  	[sflag:s7] =	ssyncset.done $0x0  }
0x54c: {  	[sflag:s7] =	ssyncadd.s32 $0xFFFFF000  }
0x54d: {  	[hbm4b:s28+s6] =	stream.strided.scatter [tilespmem:s4], [sflag:$0x4], $0x1000, s8, s6, $0x38;
	[tilespmem:$0x4900] =	vst v63  }
0x54e: {  	_ =	swait.ge [sflag:s9], $0x1000  }
0x54f: {  	[sflag:s9] =	ssyncset.done $0x0  }
0x550: {  	[sflag:s9] =	ssyncadd.s32 $0xFFFFF000  }
0x551: {  	[tilespmem:s4], [sflag:$0x1] =	stream.indirect.gather [hbm4b:s2+s5], $0x20, s25, s5, $0xb8;
	[tilespmem:$0x4900] =	vst v63  }
0x552: {  	_ =	swait.ge [sflag:s12], $0x1000  }
0x553: {  	s29 =	sld [smem:$0x7CE]  }
0x554: {  	[sflag:s12] =	ssyncset.done $0x0  }
0x555: {  	[sflag:s12] =	ssyncadd.s32 $0xFFFFF000  }
0x556: {  	[hbm4b:s29+s6] =	stream.strided.scatter [tilespmem:s3], [sflag:$0x5], $0x1000, s8, s6, $0x38;
	[tilespmem:$0x4900] =	vst v63  }
0x557: {  	_ =	swait.ge [sflag:s11], $0x1000  }
0x558: {  	[sflag:s11] =	ssyncset.done $0x0  }
0x559: {  	[sflag:s11] =	ssyncadd.s32 $0xFFFFF000  }
0x55a: {  	[tilespmem:s3], [sflag:$0x2] =	stream.indirect.gather [hbm4b:s2+s5], $0x20, s24, s5, $0xb8;
	[tilespmem:$0x4900] =	vst v63  }
0x55b: {  	_ =	swait.ge [sflag:s13], $0x1000  }
0x55c: {  	s30 =	sld [smem:$0x7CF]  }
0x55d: {  	[sflag:s13] =	ssyncset.done $0x0  }
0x55e: {  	[sflag:s13] =	ssyncadd.s32 $0xFFFFF000  }
0x55f: {  	[hbm4b:s30+s6] =	stream.strided.scatter [tilespmem:s10], [sflag:$0x6], $0x1000, s8, s6, $0x38;
	[tilespmem:$0x4900] =	vst v63  }
0x560: {  	_ =	swait.ge [sflag:s15], $0x1000  }
0x561: {  	[sflag:s15] =	ssyncset.done $0x0  }
0x562: {  	[sflag:s15] =	ssyncadd.s32 $0xFFFFF000  }
0x563: {  	[tilespmem:s10], [sflag:$0x3] =	stream.indirect.gather [hbm4b:s2+s5], $0x20, s23, s5, $0xb8;
	[tilespmem:$0x4900] =	vst v63  }
0x564: {  	_ =	swait.ge [sflag:s7], $0x1000  }
0x565: {  	s31 =	sld [smem:$0x7D0]  }
0x566: {  	[sflag:s7] =	ssyncset.done $0x0  }
0x567: {  	[sflag:s7] =	ssyncadd.s32 $0xFFFFF000  }
0x568: {  	[hbm4b:s31+s6] =	stream.strided.scatter [tilespmem:s4], [sflag:$0x4], $0x1000, s8, s6, $0x38;
	[tilespmem:$0x4900] =	vst v63  }
0x569: {  	_ =	swait.ge [sflag:s9], $0x1000  }
0x56a: {  	[sflag:s9] =	ssyncset.done $0x0  }
0x56b: {  	[sflag:s9] =	ssyncadd.s32 $0xFFFFF000  }
0x56c: {  	[tilespmem:s4], [sflag:$0x1] =	stream.indirect.gather [hbm4b:s2+s5], $0x20, s22, s5, $0xb8;
	[tilespmem:$0x4900] =	vst v63  }
0x56d: {  	_ =	swait.ge [sflag:s12], $0x1000  }
0x56e: {  	s1 =	sld [smem:$0x7D1]  }
0x56f: {  	[sflag:s12] =	ssyncset.done $0x0  }
0x570: {  	[sflag:s12] =	ssyncadd.s32 $0xFFFFF000  }
0x571: {  	[hbm4b:s1+s6] =	stream.strided.scatter [tilespmem:s3], [sflag:$0x5], $0x1000, s8, s6, $0x38;
	[tilespmem:$0x4900] =	vst v63  }
0x572: {  	_ =	swait.ge [sflag:s11], $0x1000  }
0x573: {  	[sflag:s11] =	ssyncset.done $0x0  }
0x574: {  	[sflag:s11] =	ssyncadd.s32 $0xFFFFF000  }
0x575: {  	[tilespmem:s3], [sflag:$0x2] =	stream.indirect.gather [hbm4b:s2+s5], $0x20, s21, s5, $0xb8;
	[tilespmem:$0x4900] =	vst v63  }
0x576: {  	_ =	swait.ge [sflag:s13], $0x1000  }
0x577: {  	s21 =	sld [smem:$0x7D2]  }
0x578: {  	[sflag:s13] =	ssyncset.done $0x0  }
0x579: {  	[sflag:s13] =	ssyncadd.s32 $0xFFFFF000  }
0x57a: {  	[hbm4b:s21+s6] =	stream.strided.scatter [tilespmem:s10], [sflag:$0x6], $0x1000, s8, s6, $0x38;
	[tilespmem:$0x4900] =	vst v63  }
0x57b: {  	_ =	swait.ge [sflag:s15], $0x1000  }
0x57c: {  	[sflag:s15] =	ssyncset.done $0x0  }
0x57d: {  	[sflag:s15] =	ssyncadd.s32 $0xFFFFF000  }
0x57e: {  	[tilespmem:s10], [sflag:$0x3] =	stream.indirect.gather [hbm4b:s2+s5], $0x20, s20, s5, $0xb8;
	[tilespmem:$0x4900] =	vst v63  }
0x57f: {  	_ =	swait.ge [sflag:s7], $0x1000  }
0x580: {  	s22 =	sld [smem:$0x7D3]  }
0x581: {  	[sflag:s7] =	ssyncset.done $0x0  }
0x582: {  	[sflag:s7] =	ssyncadd.s32 $0xFFFFF000  }
0x583: {  	[hbm4b:s22+s6] =	stream.strided.scatter [tilespmem:s4], [sflag:$0x4], $0x1000, s8, s6, $0x38;
	[tilespmem:$0x4900] =	vst v63  }
0x584: {  	_ =	swait.ge [sflag:s9], $0x1000  }
0x585: {  	[sflag:s9] =	ssyncset.done $0x0  }
0x586: {  	[sflag:s9] =	ssyncadd.s32 $0xFFFFF000  }
0x587: {  	[tilespmem:s4], [sflag:$0x1] =	stream.indirect.gather [hbm4b:s2+s5], $0x20, s19, s5, $0xb8;
	[tilespmem:$0x4900] =	vst v63  }
0x588: {  	_ =	swait.ge [sflag:s12], $0x1000  }
0x589: {  	s23 =	sld [smem:$0x7D4]  }
0x58a: {  	[sflag:s12] =	ssyncset.done $0x0  }
0x58b: {  	[sflag:s12] =	ssyncadd.s32 $0xFFFFF000  }
0x58c: {  	[hbm4b:s23+s6] =	stream.strided.scatter [tilespmem:s3], [sflag:$0x5], $0x1000, s8, s6, $0x38;
	[tilespmem:$0x4900] =	vst v63  }
0x58d: {  	_ =	swait.ge [sflag:s11], $0x1000  }
0x58e: {  	[sflag:s11] =	ssyncset.done $0x0  }
0x58f: {  	[sflag:s11] =	ssyncadd.s32 $0xFFFFF000  }
0x590: {  	[tilespmem:s3], [sflag:$0x2] =	stream.indirect.gather [hbm4b:s2+s5], $0x20, s18, s5, $0xb8;
	[tilespmem:$0x4900] =	vst v63  }
0x591: {  	_ =	swait.ge [sflag:s13], $0x1000  }
0x592: {  	s24 =	sld [smem:$0x7D5]  }
0x593: {  	[sflag:s13] =	ssyncset.done $0x0  }
0x594: {  	[sflag:s13] =	ssyncadd.s32 $0xFFFFF000  }
0x595: {  	[hbm4b:s24+s6] =	stream.strided.scatter [tilespmem:s10], [sflag:$0x6], $0x1000, s8, s6, $0x38;
	[tilespmem:$0x4900] =	vst v63  }
0x596: {  	_ =	swait.ge [sflag:s15], $0x1000  }
0x597: {  	[sflag:s15] =	ssyncset.done $0x0  }
0x598: {  	[sflag:s15] =	ssyncadd.s32 $0xFFFFF000  }
0x599: {  	[tilespmem:s10], [sflag:$0x3] =	stream.indirect.gather [hbm4b:s2+s5], $0x20, s17, s5, $0xb8;
	[tilespmem:$0x4900] =	vst v63  }
0x59a: {  	_ =	swait.ge [sflag:s7], $0x1000  }
0x59b: {  	s25 =	sld [smem:$0x7D6]  }
0x59c: {  	[sflag:s7] =	ssyncset.done $0x0  }
0x59d: {  	[sflag:s7] =	ssyncadd.s32 $0xFFFFF000  }
0x59e: {  	[hbm4b:s25+s6] =	stream.strided.scatter [tilespmem:s4], [sflag:$0x4], $0x1000, s8, s6, $0x38;
	[tilespmem:$0x4900] =	vst v63  }
0x59f: {  	_ =	swait.ge [sflag:s9], $0x1000  }
0x5a0: {  	[sflag:s9] =	ssyncset.done $0x0  }
0x5a1: {  	[sflag:s9] =	ssyncadd.s32 $0xFFFFF000  }
0x5a2: {  	[tilespmem:s4], [sflag:$0x1] =	stream.indirect.gather [hbm4b:s2+s5], $0x20, s16, s5, $0xb8;
	[tilespmem:$0x4900] =	vst v63  }
0x5a3: {  	_ =	swait.ge [sflag:s12], $0x1000  }
0x5a4: {  	s26 =	sld [smem:$0x7D7]  }
0x5a5: {  	[sflag:s12] =	ssyncset.done $0x0  }
0x5a6: {  	[sflag:s12] =	ssyncadd.s32 $0xFFFFF000  }
0x5a7: {  	[hbm4b:s26+s6] =	stream.strided.scatter [tilespmem:s3], [sflag:$0x5], $0x1000, s8, s6, $0x38;
	[tilespmem:$0x4900] =	vst v63  }
0x5a8: {  	_ =	swait.ge [sflag:s11], $0x1000  }
0x5a9: {  	[sflag:s11] =	ssyncset.done $0x0  }
0x5aa: {  	[sflag:s11] =	ssyncadd.s32 $0xFFFFF000  }
0x5ab: {  	[tilespmem:s3], [sflag:$0x2] =	stream.indirect.gather [hbm4b:s2+s5], $0x20, s14, s5, $0xb8;
	[tilespmem:$0x4900] =	vst v63  }
0x5ac: {  	_ =	swait.ge [sflag:s13], $0x1000  }
0x5ad: {  	s28 =	sld [smem:$0x7D8]  }
0x5ae: {  	[sflag:s13] =	ssyncset.done $0x0  }
0x5af: {  	[sflag:s13] =	ssyncadd.s32 $0xFFFFF000  }
0x5b0: {  	[hbm4b:s28+s6] =	stream.strided.scatter [tilespmem:s10], [sflag:$0x6], $0x1000, s8, s6, $0x38;
	[tilespmem:$0x4900] =	vst v63  }
0x5b1: {  	_ =	swait.ge [sflag:s7], $0x1000  }
0x5b2: {  	s29 =	sld [smem:$0x7D9]  }
0x5b3: {  	[sflag:s7] =	ssyncset.done $0x0  }
0x5b4: {  	[sflag:s7] =	ssyncadd.s32 $0xFFFFF000  }
0x5b5: {  	[hbm4b:s29+s6] =	stream.strided.scatter [tilespmem:s4], [sflag:$0x4], $0x1000, s8, s6, $0x38;
	[tilespmem:$0x4900] =	vst v63  }
0x5b6: {  	_ =	swait.ge [sflag:s12], $0x1000  }
0x5b7: {  	s30 =	sld [smem:$0x7DA]  }
0x5b8: {  	[sflag:s12] =	ssyncset.done $0x0  }
0x5b9: {  	[sflag:s12] =	ssyncadd.s32 $0xFFFFF000  }
0x5ba: {  	[hbm4b:s30+s6] =	stream.strided.scatter [tilespmem:s3], [sflag:$0x5], $0x1000, s8, s6, $0x38;
	[tilespmem:$0x4900] =	vst v63  }
0x5bb: {  	_ =	swait.ge [sflag:s9], $0x1000  }
0x5bc: {  	[sflag:s9] =	ssyncset.done $0x0  }
0x5bd: {  	[sflag:s9] =	ssyncadd.s32 $0xFFFFF000  }
0x5be: {  	_ =	swait.ge [sflag:s11], $0x1000  }
0x5bf: {  	[sflag:s11] =	ssyncset.done $0x0  }
0x5c0: {  	[sflag:s11] =	ssyncadd.s32 $0xFFFFF000  }
0x5c1: {  	_ =	sfence.sel $0x180000  }
0x5c2: {  	[bflag:$0x0] =	sbarrier.arrive $0xFFFF  }
0x5c3: {  	_ =	strace $0x90000047  }
0x5c4: {  	s31 =	stileid.u32;
	[bflag:$0x2] =	sbarrier.arrive $0xFFFF  }
0x5c5: {  	p0 =	sne.s32 s31, $0x0;
	s0 =	rddreg [dreg:$0x2]  }
0x5c6: {  	s0 =	sadd.s32 @!p0 $0x100000, s0  }
0x5c7: {  	[sflag:s0] =	ssyncadd.tile.s32 @!p0 $0x1;
	_ =	shalt  }
.Lfunc_end2:
_tile_overlayer_lowered:
.L_overlay_start_2:
0x5c8: {  	(tag) =	ssettag $0x2  }
0x5c9: {  	s0 =	rddreg [dreg:$0x0];
	s2 =	stileid.u32  }
0x5ca: {  	s1 =	rddreg [dreg:$0x1];
	p0 =	sne.s32 s2, $0x0  }
0x5cb: {  	s3 =	rddreg [dreg:$0x2];
	[bflag:$0x3] =	sbarrier.arrive $0xFFFF;
	s2 =	simm.s32 @!p0 $0x1C07  }
0x5cc: {  	[timem:s3], [sflag:s2] =	dma.local @!p0 [hbm:s0], s1  }
0x5cd: {  	s0 =	simm.s32 @!p0 $0x7  }
0x5ce: {  	_ =	swait.ge @!p0 [sflag:s0], s1  }
0x5cf: {  	s1 =	ssub.s32 @!p0 $0x0, s1;
	[sflag:s0] =	ssyncset.done @!p0 $0x0  }
0x5d0: {  	[sflag:s0] =	ssyncadd.s32 @!p0 s1  }
0x5d1: {  	[bflag:$0x3] =	sbarrier.arrive $0xFFFF  }
0x5d2: {  	_ =	shalt  }

</sc_bundles>
